<compile_context>
chip_gen: v7x
topology: tpu7x:2x2x1
jax: 0.10.2.dev20260603
libtpu: 0.0.44.dev20260713+nightly
codegen_flags: <defaults>
</compile_context>

<pallas_src>
import functools

import jax
import jax.numpy as jnp
from jax import lax
from jax.experimental import pallas as pl
from jax.experimental.pallas import tpu as pltpu
from jax.experimental.pallas import tpu_sc as plsc

N = 10000
D = 128
C = 128
H = 2
E = 320000
NP = 10240
TRASH = 10200
CH = 128
NTILE = 16
NSC = 2
ET = 20736
NCHUNK = ET // CH
EPAD = NTILE * ET


def _prep_body(xin_ref, w_ref, asr_ref, adr_ref, xlp_ref, asv_ref, adv_ref, m_ref):
    xin = xin_ref[...]
    for h in range(H):
        xl = jnp.dot(xin, w_ref[:, h * C:(h + 1) * C],
                     preferred_element_type=jnp.float32)
        a_s = jnp.sum(xl * asr_ref[h, :][None, :], axis=1)
        a_d = jnp.sum(xl * adr_ref[h, :][None, :], axis=1)
        xlp_ref[h] = jnp.concatenate(
            [xl, jnp.zeros((NP - N, C), jnp.float32)], axis=0)
        asv_ref[h] = jnp.concatenate([a_s, jnp.zeros((NP - N,), jnp.float32)])
        adv_ref[h] = jnp.concatenate([a_d, jnp.zeros((NP - N,), jnp.float32)])
        mm = jnp.max(a_s) + jnp.max(a_d)
        m_ref[h] = jnp.full((16,), jnp.maximum(mm, 0.2 * mm))


def _tc_prep(xin, w, a_src, a_dst):
    return pl.pallas_call(
        _prep_body,
        out_shape=(
            jax.ShapeDtypeStruct((H, NP, C), jnp.float32),
            jax.ShapeDtypeStruct((H, NP), jnp.float32),
            jax.ShapeDtypeStruct((H, NP), jnp.float32),
            jax.ShapeDtypeStruct((H, 16), jnp.float32),
        ),
    )(xin, w, a_src, a_dst)


def _merge_heads(acc_ref, den_ref):
    o = None
    for h in range(H):
        den = jnp.sum(den_ref[h], axis=0)[:N, None] + 1e-16
        oh = acc_ref[h, :N, :] / den
        o = oh if o is None else o + oh
    return o * (1.0 / H)


def _bn_relu(hv, g, b):
    mu = jnp.mean(hv, axis=0, keepdims=True)
    var = jnp.mean((hv - mu) ** 2, axis=0, keepdims=True)
    return jnp.maximum((hv - mu) / jnp.sqrt(var + 1e-5) * g[None, :] + b[None, :],
                       0.0)


def _finish_body(acc_ref, den_ref, res_ref, b_ref, g_ref, be_ref, out_ref):
    hv = _merge_heads(acc_ref, den_ref) + b_ref[...][None, :] + res_ref[...]
    out_ref[...] = _bn_relu(hv, g_ref[...], be_ref[...])


def _head_body(acc_ref, den_ref, res_ref, b_ref, g_ref, be_ref, wh_ref, bh_ref,
               out_ref):
    hv = _merge_heads(acc_ref, den_ref) + b_ref[...][None, :] + res_ref[...]
    hv = _bn_relu(hv, g_ref[...], be_ref[...])
    out_ref[...] = jnp.dot(hv, wh_ref[...],
                           preferred_element_type=jnp.float32)[:, 0] + bh_ref[0]


def _sc_edge_body(xlp_hbm, asv_hbm, adv_hbm, m_hbm, src_hbm, dst_hbm,
                  out_hbm, den_hbm,
                  asrc_t, adst_t, m_b, src_b, dst_b, a_b, rows, denom_t,
                  acc_s, sem):
    c = lax.axis_index("c")
    s = lax.axis_index("s")
    row_off = c * NP
    pltpu.sync_copy(asv_hbm.at[pl.ds(row_off, NP)], asrc_t)
    pltpu.sync_copy(adv_hbm.at[pl.ds(row_off, NP)], adst_t)
    pltpu.sync_copy(m_hbm.at[pl.ds(c * 16, 16)], m_b)

    def zden(i, carry):
        denom_t[pl.ds(i * 16, 16)] = jnp.zeros((16,), jnp.float32)
        return carry
    lax.fori_loop(0, NP // 16, zden, 0)

    def zrow(r, carry):
        for j in range(C // 16):
            rows[r, pl.ds(j * 16, 16)] = jnp.zeros((16,), jnp.float32)
        return carry
    lax.fori_loop(0, CH, zrow, 0)
    base = s * (NP // NTILE)
    for k in range(NP // NTILE // CH):
        pltpu.sync_copy(rows, acc_s.at[pl.ds(base + k * CH, CH)])
    plsc.subcore_barrier()

    m_vec = m_b[...]
    e0 = s * ET

    def chunk(g, carry):
        off = e0 + g * CH
        pltpu.sync_copy(src_hbm.at[pl.ds(off, CH)], src_b)
        pltpu.sync_copy(dst_hbm.at[pl.ds(off, CH)], dst_b)

        def avec(i, cc):
            sv = src_b[pl.ds(i * 16, 16)]
            dv = dst_b[pl.ds(i * 16, 16)]
            al = plsc.load_gather(asrc_t, [sv]) + plsc.load_gather(adst_t, [dv])
            al = jnp.maximum(al, 0.2 * al)
            ae = jnp.exp(al - m_vec)
            a_b[pl.ds(i * 16, 16)] = ae
            plsc.addupdate_scatter(denom_t, [dv], ae)
            src_b[pl.ds(i * 16, 16)] = sv + row_off
            return cc
        lax.fori_loop(0, CH // 16, avec, 0)

        pltpu.async_copy(xlp_hbm.at[src_b], rows, sem).wait()

        def srow(i, cc):
            av = a_b[pl.ds(i * 16, 16)]
            for l in range(16):
                svec = jnp.full((16,), av[l], jnp.float32)
                e = i * 16 + l
                for j in range(C // 16):
                    rows[e, pl.ds(j * 16, 16)] = rows[e, pl.ds(j * 16, 16)] * svec
            return cc
        lax.fori_loop(0, CH // 16, srow, 0)

        pltpu.sync_copy(rows, acc_s.at[dst_b], add=True)
        return carry
    lax.fori_loop(0, NCHUNK, chunk, 0)

    pltpu.sync_copy(denom_t, den_hbm.at[pl.ds((c * NTILE + s) * NP, NP)])
    plsc.subcore_barrier()
    for k in range(NP // NTILE // CH):
        r0 = base + k * CH
        pltpu.sync_copy(acc_s.at[pl.ds(r0, CH)], out_hbm.at[pl.ds(row_off + r0, CH)])


@functools.cache
def _sc_edge_kernel():
    mesh = plsc.VectorSubcoreMesh(core_axis_name="c", subcore_axis_name="s",
                                  num_cores=NSC, num_subcores=NTILE)
    return pl.kernel(
        _sc_edge_body,
        out_type=(
            jax.ShapeDtypeStruct((H * NP, C), jnp.float32),
            jax.ShapeDtypeStruct((H * NTILE * NP,), jnp.float32),
        ),
        mesh=mesh,
        compiler_params=pltpu.CompilerParams(needs_layout_passes=False,
                                             use_tc_tiling_on_sc=False),
        scratch_types=[
            pltpu.VMEM((NP,), jnp.float32),
            pltpu.VMEM((NP,), jnp.float32),
            pltpu.VMEM((16,), jnp.float32),
            pltpu.VMEM((CH,), jnp.int32),
            pltpu.VMEM((CH,), jnp.int32),
            pltpu.VMEM((CH,), jnp.float32),
            pltpu.VMEM((CH, C), jnp.float32),
            pltpu.VMEM((NP,), jnp.float32),
            pltpu.VMEM_SHARED((NP, C), jnp.float32),
            pltpu.SemaphoreType.DMA,
        ],
    )


def kernel(x, edge_index, W1, as1, ad1, b1, g1, be1, W2, as2, ad2, b2, g2, be2,
           Wh, bh):
    loops = jnp.arange(N, dtype=jnp.int32)
    npad = EPAD - E - N
    src = jnp.concatenate([edge_index[0], loops,
                           jnp.full((npad,), TRASH, jnp.int32)])
    dst = jnp.concatenate([edge_index[1], loops,
                           jnp.full((npad,), TRASH, jnp.int32)])

    def layer(xin, w, a_s, a_d):
        xlp, asv, adv, m = _tc_prep(xin, w, a_s, a_d)
        acc, den = _sc_edge_kernel()(
            xlp.reshape(H * NP, C), asv.reshape(H * NP),
            adv.reshape(H * NP), m.reshape(H * 16), src, dst)
        return acc.reshape(H, NP, C), den.reshape(H, NTILE, NP)

    acc1, den1 = layer(x, W1, as1, ad1)
    h1 = pl.pallas_call(
        _finish_body, out_shape=jax.ShapeDtypeStruct((N, C), jnp.float32),
    )(acc1, den1, x, b1, g1, be1)
    acc2, den2 = layer(h1, W2, as2, ad2)
    y = pl.pallas_call(
        _head_body, out_shape=jax.ShapeDtypeStruct((N,), jnp.float32),
    )(acc2, den2, h1, b2, g2, be2, Wh, bh)
    return y

# --- scband reference (transcript-rebuilt; emitter-appended) ---
"""Pipeline reference for scband-static-tgat-8229157339735 (READ-ONLY COPY).

The authoritative reference and input builder live on the scoring server;
editing this copy changes nothing except your own understanding.
"""

import jax, jax.numpy as jnp
import numpy as np

N = 10000
E = 320000
D = 128
H = 2
C = 128


def setup_inputs(seed: int = 0) -> dict:
    key = jax.random.key(seed)

    def nrm(i, shape, scale=0.1):
        return jax.random.normal(jax.random.fold_in(key, i), shape, dtype=jnp.float32) * scale

    x = jax.random.normal(jax.random.fold_in(key, 0), (N, D), dtype=jnp.float32)
    edge_index = jax.random.randint(jax.random.fold_in(key, 1), (2, E), 0, N, dtype=jnp.int32)
    return {
        'x': x,
        'edge_index': edge_index,
        'W1': nrm(2, (D, H * C)),
        'as1': nrm(3, (H, C)),
        'ad1': nrm(4, (H, C)),
        'b1': jnp.zeros((C,), dtype=jnp.float32),
        'g1': jnp.ones((C,), dtype=jnp.float32),
        'be1': jnp.zeros((C,), dtype=jnp.float32),
        'W2': nrm(5, (C, H * C)),
        'as2': nrm(6, (H, C)),
        'ad2': nrm(7, (H, C)),
        'b2': jnp.zeros((C,), dtype=jnp.float32),
        'g2': jnp.ones((C,), dtype=jnp.float32),
        'be2': jnp.zeros((C,), dtype=jnp.float32),
        'Wh': nrm(8, (C, 1)),
        'bh': jnp.zeros((1,), dtype=jnp.float32),
    }


def gat_layer(x, src, dst, W, a_src, a_dst, bias):
    # PyG GATConv with concat=False: per-head attention, mean over heads
    xl = (x @ W).reshape(-1, H, C)                      # [N, H, C]
    alpha_src = jnp.sum(xl * a_src[None], axis=-1)      # [N, H]
    alpha_dst = jnp.sum(xl * a_dst[None], axis=-1)      # [N, H]
    alpha = alpha_src[src] + alpha_dst[dst]             # [E', H] gather
    alpha = jax.nn.leaky_relu(alpha, negative_slope=0.2)
    amax = jax.ops.segment_max(alpha, dst, num_segments=N)   # softmax per dst
    alpha = jnp.exp(alpha - amax[dst])
    denom = jax.ops.segment_sum(alpha, dst, num_segments=N)
    alpha = alpha / (denom[dst] + 1e-16)
    msg = xl[src] * alpha[:, :, None]                   # [E', H, C]
    out = jax.ops.segment_sum(msg, dst, num_segments=N) # scatter-add
    return out.mean(axis=1) + bias                      # concat=False -> mean heads


def batch_norm(h, g, b):
    m = jnp.mean(h, axis=0)
    v = jnp.var(h, axis=0)
    return (h - m) / jnp.sqrt(v + 1e-5) * g + b


def forward(x, src, dst, W1, as1, ad1, b1, g1, be1, W2, as2, ad2, b2, g2, be2, Wh, bh):
    h = gat_layer(x, src, dst, W1, as1, ad1, b1)
    h = h + x                                   # residual (Identity: dims match)
    h = jax.nn.relu(batch_norm(h, g1, be1))
    h2 = gat_layer(h, src, dst, W2, as2, ad2, b2)
    h2 = h2 + h
    h2 = jax.nn.relu(batch_norm(h2, g2, be2))
    return (h2 @ Wh + bh)[:, 0]                 # head + squeeze(-1)


def reference(x, edge_index, W1, as1, ad1, b1, g1, be1, W2, as2, ad2, b2, g2, be2, Wh, bh):
    # GATConv default add_self_loops=True
    loops = jnp.arange(N, dtype=edge_index.dtype)
    src = jnp.concatenate([edge_index[0], loops])
    dst = jnp.concatenate([edge_index[1], loops])
    return forward(x, src, dst, W1, as1, ad1, b1, g1, be1, W2, as2, ad2, b2, g2, be2, Wh, bh)

if __name__ == "__main__":
    import jax
    _d = setup_inputs()
    print(jax.jit(kernel)(*tuple(_d.values())))

</pallas_src>

<mosaic_0001>
#map = affine_map<(d0, d1) -> (0, 0)>
#map1 = affine_map<(d0, d1) -> (0)>
module attributes {stable_mosaic.version = 14 : i64} {
  func.func @_sc_edge_body(%arg0: i32, %arg1: i32, %arg2: memref<20480x128xf32, #tpu.memory_space<hbm>>, %arg3: memref<20480xf32, #tpu.memory_space<hbm>>, %arg4: memref<20480xf32, #tpu.memory_space<hbm>>, %arg5: memref<32xf32, #tpu.memory_space<hbm>>, %arg6: memref<331776xi32, #tpu.memory_space<hbm>>, %arg7: memref<331776xi32, #tpu.memory_space<hbm>>, %arg8: memref<20480x128xf32, #tpu.memory_space<hbm>>, %arg9: memref<327680xf32, #tpu.memory_space<hbm>>, %arg10: memref<10240xf32, #tpu.memory_space<vmem>>, %arg11: memref<10240xf32, #tpu.memory_space<vmem>>, %arg12: memref<16xf32, #tpu.memory_space<vmem>>, %arg13: memref<128xi32, #tpu.memory_space<vmem>>, %arg14: memref<128xi32, #tpu.memory_space<vmem>>, %arg15: memref<128xf32, #tpu.memory_space<vmem>>, %arg16: memref<128x128xf32, #tpu.memory_space<vmem>>, %arg17: memref<10240xf32, #tpu.memory_space<vmem>>, %arg18: memref<10240x128xf32, #tpu.memory_space<vmem_shared>>, %arg19: memref<!tpu.dma_semaphore, #tpu.memory_space<semaphore_mem>>) attributes {dimension_semantics = [#tpu.dimension_semantics<core_parallel>, #tpu.dimension_semantics<subcore_parallel>], iteration_bounds = array<i64: 2, 16>, scalar_prefetch = 0 : i64, scratch_operands = 10 : i64, tpu.core_type = #tpu.core_type<sc_vector_subcore>, window_params = [{transform_indices = #map}, {transform_indices = #map1}, {transform_indices = #map1}, {transform_indices = #map1}, {transform_indices = #map1}, {transform_indices = #map1}, {transform_indices = #map}, {transform_indices = #map1}]} {
    %mul3A = arith.constant 10240 : i32
    %mul3A_0 = arith.muli %arg0, %mul3A : i32
    "tpu.region"() ({
      %run_scoped3A = tpu.sem_alloc : memref<!tpu.dma_semaphore, #tpu.memory_space<semaphore_mem>>
      %dma_start3A = tpu.memref_slice %arg3[%mul3A_0] : memref<20480xf32, #tpu.memory_space<hbm>> -> memref<10240xf32, #tpu.memory_space<hbm>>
      %dma_start3A_55 = tpu.memref_slice %arg3[%mul3A_0] : memref<20480xf32, #tpu.memory_space<hbm>> -> memref<10240xf32, #tpu.memory_space<hbm>>
      tpu.enqueue_dma source(%dma_start3A_55 : memref<10240xf32, #tpu.memory_space<hbm>>) target(%arg10 : memref<10240xf32, #tpu.memory_space<vmem>>) target_semaphore(%run_scoped3A : memref<!tpu.dma_semaphore, #tpu.memory_space<semaphore_mem>>)
      %dma_wait3A = tpu.memref_slice %arg3[%mul3A_0] : memref<20480xf32, #tpu.memory_space<hbm>> -> memref<10240xf32, #tpu.memory_space<hbm>>
      %dma_wait3A_56 = tpu.memref_slice %arg3[%mul3A_0] : memref<20480xf32, #tpu.memory_space<hbm>> -> memref<10240xf32, #tpu.memory_space<hbm>>
      tpu.wait_dma2 semaphore(%run_scoped3A : memref<!tpu.dma_semaphore, #tpu.memory_space<semaphore_mem>>) src(%dma_wait3A_56 : memref<10240xf32, #tpu.memory_space<hbm>>) dst(%arg10 : memref<10240xf32, #tpu.memory_space<vmem>>)
      tpu.yield
    }) : () -> ()
    "tpu.region"() ({
      %run_scoped3A = tpu.sem_alloc : memref<!tpu.dma_semaphore, #tpu.memory_space<semaphore_mem>>
      %dma_start3A = tpu.memref_slice %arg4[%mul3A_0] : memref<20480xf32, #tpu.memory_space<hbm>> -> memref<10240xf32, #tpu.memory_space<hbm>>
      %dma_start3A_55 = tpu.memref_slice %arg4[%mul3A_0] : memref<20480xf32, #tpu.memory_space<hbm>> -> memref<10240xf32, #tpu.memory_space<hbm>>
      tpu.enqueue_dma source(%dma_start3A_55 : memref<10240xf32, #tpu.memory_space<hbm>>) target(%arg11 : memref<10240xf32, #tpu.memory_space<vmem>>) target_semaphore(%run_scoped3A : memref<!tpu.dma_semaphore, #tpu.memory_space<semaphore_mem>>)
      %dma_wait3A = tpu.memref_slice %arg4[%mul3A_0] : memref<20480xf32, #tpu.memory_space<hbm>> -> memref<10240xf32, #tpu.memory_space<hbm>>
      %dma_wait3A_56 = tpu.memref_slice %arg4[%mul3A_0] : memref<20480xf32, #tpu.memory_space<hbm>> -> memref<10240xf32, #tpu.memory_space<hbm>>
      tpu.wait_dma2 semaphore(%run_scoped3A : memref<!tpu.dma_semaphore, #tpu.memory_space<semaphore_mem>>) src(%dma_wait3A_56 : memref<10240xf32, #tpu.memory_space<hbm>>) dst(%arg11 : memref<10240xf32, #tpu.memory_space<vmem>>)
      tpu.yield
    }) : () -> ()
    %mul3A_1 = arith.constant 16 : i32
    %mul3A_2 = arith.muli %arg0, %mul3A_1 : i32
    "tpu.region"() ({
      %run_scoped3A = tpu.sem_alloc : memref<!tpu.dma_semaphore, #tpu.memory_space<semaphore_mem>>
      %dma_start3A = tpu.memref_slice %arg5[%mul3A_2] : memref<32xf32, #tpu.memory_space<hbm>> -> memref<16xf32, #tpu.memory_space<hbm>>
      %dma_start3A_55 = tpu.memref_slice %arg5[%mul3A_2] : memref<32xf32, #tpu.memory_space<hbm>> -> memref<16xf32, #tpu.memory_space<hbm>>
      tpu.enqueue_dma source(%dma_start3A_55 : memref<16xf32, #tpu.memory_space<hbm>>) target(%arg12 : memref<16xf32, #tpu.memory_space<vmem>>) target_semaphore(%run_scoped3A : memref<!tpu.dma_semaphore, #tpu.memory_space<semaphore_mem>>)
      %dma_wait3A = tpu.memref_slice %arg5[%mul3A_2] : memref<32xf32, #tpu.memory_space<hbm>> -> memref<16xf32, #tpu.memory_space<hbm>>
      %dma_wait3A_56 = tpu.memref_slice %arg5[%mul3A_2] : memref<32xf32, #tpu.memory_space<hbm>> -> memref<16xf32, #tpu.memory_space<hbm>>
      tpu.wait_dma2 semaphore(%run_scoped3A : memref<!tpu.dma_semaphore, #tpu.memory_space<semaphore_mem>>) src(%dma_wait3A_56 : memref<16xf32, #tpu.memory_space<hbm>>) dst(%arg12 : memref<16xf32, #tpu.memory_space<vmem>>)
      tpu.yield
    }) : () -> ()
    %scan3A = arith.constant 0 : i32
    %scan3A_3 = arith.constant 0 : i32
    %scan3A_4 = arith.constant 640 : i32
    %scan3A_5 = arith.addi %scan3A_3, %scan3A_4 : i32
    %scan3A_6 = arith.constant 1 : i32
    scf.for %scan3A_55 = %scan3A_3 to %scan3A_5 step %scan3A_6  : i32 {
      %broadcast_in_dim3A = arith.constant 0.000000e+00 : f32
      %broadcast_in_dim3A_56 = vector.broadcast %broadcast_in_dim3A : f32 to vector<16xf32>
      %mul3A_57 = arith.constant 16 : i32
      %mul3A_58 = arith.muli %scan3A_55, %mul3A_57 : i32
      %swap3A = arith.index_cast %mul3A_58 : i32 to index
      %swap3A_59 = tpu.vector_load %arg17[%swap3A] {strides = array<i32>} : memref<10240xf32, #tpu.memory_space<vmem>>, vector<16xf32>,
      tpu.vector_store %arg17[%swap3A], %broadcast_in_dim3A_56 {strides = array<i32>} : memref<10240xf32, #tpu.memory_space<vmem>>, vector<16xf32>,
    }
    %scan3A_7 = arith.constant 640 : i32
    %scan3A_8 = arith.constant 0 : i32
    %scan3A_9 = arith.constant 0 : i32
    %scan3A_10 = arith.constant 128 : i32
    %scan3A_11 = arith.addi %scan3A_9, %scan3A_10 : i32
    %scan3A_12 = arith.constant 1 : i32
    scf.for %scan3A_55 = %scan3A_9 to %scan3A_11 step %scan3A_12  : i32 {
      %broadcast_in_dim3A = arith.constant 0.000000e+00 : f32
      %broadcast_in_dim3A_56 = vector.broadcast %broadcast_in_dim3A : f32 to vector<16xf32>
      %swap3A = arith.index_cast %scan3A_55 : i32 to index
      %swap3A_57 = arith.constant 0 : index
      %swap3A_58 = tpu.vector_load %arg16[%swap3A, %swap3A_57] {strides = array<i32>} : memref<128x128xf32, #tpu.memory_space<vmem>>, vector<16xf32>,
      tpu.vector_store %arg16[%swap3A, %swap3A_57], %broadcast_in_dim3A_56 {strides = array<i32>} : memref<128x128xf32, #tpu.memory_space<vmem>>, vector<16xf32>,
      %broadcast_in_dim3A_59 = arith.constant 0.000000e+00 : f32
      %broadcast_in_dim3A_60 = vector.broadcast %broadcast_in_dim3A_59 : f32 to vector<16xf32>
      %swap3A_61 = arith.index_cast %scan3A_55 : i32 to index
      %swap3A_62 = arith.constant 16 : index
      %swap3A_63 = tpu.vector_load %arg16[%swap3A_61, %swap3A_62] {strides = array<i32>} : memref<128x128xf32, #tpu.memory_space<vmem>>, vector<16xf32>,
      tpu.vector_store %arg16[%swap3A_61, %swap3A_62], %broadcast_in_dim3A_60 {strides = array<i32>} : memref<128x128xf32, #tpu.memory_space<vmem>>, vector<16xf32>,
      %broadcast_in_dim3A_64 = arith.constant 0.000000e+00 : f32
      %broadcast_in_dim3A_65 = vector.broadcast %broadcast_in_dim3A_64 : f32 to vector<16xf32>
      %swap3A_66 = arith.index_cast %scan3A_55 : i32 to index
      %swap3A_67 = arith.constant 32 : index
      %swap3A_68 = tpu.vector_load %arg16[%swap3A_66, %swap3A_67] {strides = array<i32>} : memref<128x128xf32, #tpu.memory_space<vmem>>, vector<16xf32>,
      tpu.vector_store %arg16[%swap3A_66, %swap3A_67], %broadcast_in_dim3A_65 {strides = array<i32>} : memref<128x128xf32, #tpu.memory_space<vmem>>, vector<16xf32>,
      %broadcast_in_dim3A_69 = arith.constant 0.000000e+00 : f32
      %broadcast_in_dim3A_70 = vector.broadcast %broadcast_in_dim3A_69 : f32 to vector<16xf32>
      %swap3A_71 = arith.index_cast %scan3A_55 : i32 to index
      %swap3A_72 = arith.constant 48 : index
      %swap3A_73 = tpu.vector_load %arg16[%swap3A_71, %swap3A_72] {strides = array<i32>} : memref<128x128xf32, #tpu.memory_space<vmem>>, vector<16xf32>,
      tpu.vector_store %arg16[%swap3A_71, %swap3A_72], %broadcast_in_dim3A_70 {strides = array<i32>} : memref<128x128xf32, #tpu.memory_space<vmem>>, vector<16xf32>,
      %broadcast_in_dim3A_74 = arith.constant 0.000000e+00 : f32
      %broadcast_in_dim3A_75 = vector.broadcast %broadcast_in_dim3A_74 : f32 to vector<16xf32>
      %swap3A_76 = arith.index_cast %scan3A_55 : i32 to index
      %swap3A_77 = arith.constant 64 : index
      %swap3A_78 = tpu.vector_load %arg16[%swap3A_76, %swap3A_77] {strides = array<i32>} : memref<128x128xf32, #tpu.memory_space<vmem>>, vector<16xf32>,
      tpu.vector_store %arg16[%swap3A_76, %swap3A_77], %broadcast_in_dim3A_75 {strides = array<i32>} : memref<128x128xf32, #tpu.memory_space<vmem>>, vector<16xf32>,
      %broadcast_in_dim3A_79 = arith.constant 0.000000e+00 : f32
      %broadcast_in_dim3A_80 = vector.broadcast %broadcast_in_dim3A_79 : f32 to vector<16xf32>
      %swap3A_81 = arith.index_cast %scan3A_55 : i32 to index
      %swap3A_82 = arith.constant 80 : index
      %swap3A_83 = tpu.vector_load %arg16[%swap3A_81, %swap3A_82] {strides = array<i32>} : memref<128x128xf32, #tpu.memory_space<vmem>>, vector<16xf32>,
      tpu.vector_store %arg16[%swap3A_81, %swap3A_82], %broadcast_in_dim3A_80 {strides = array<i32>} : memref<128x128xf32, #tpu.memory_space<vmem>>, vector<16xf32>,
      %broadcast_in_dim3A_84 = arith.constant 0.000000e+00 : f32
      %broadcast_in_dim3A_85 = vector.broadcast %broadcast_in_dim3A_84 : f32 to vector<16xf32>
      %swap3A_86 = arith.index_cast %scan3A_55 : i32 to index
      %swap3A_87 = arith.constant 96 : index
      %swap3A_88 = tpu.vector_load %arg16[%swap3A_86, %swap3A_87] {strides = array<i32>} : memref<128x128xf32, #tpu.memory_space<vmem>>, vector<16xf32>,
      tpu.vector_store %arg16[%swap3A_86, %swap3A_87], %broadcast_in_dim3A_85 {strides = array<i32>} : memref<128x128xf32, #tpu.memory_space<vmem>>, vector<16xf32>,
      %broadcast_in_dim3A_89 = arith.constant 0.000000e+00 : f32
      %broadcast_in_dim3A_90 = vector.broadcast %broadcast_in_dim3A_89 : f32 to vector<16xf32>
      %swap3A_91 = arith.index_cast %scan3A_55 : i32 to index
      %swap3A_92 = arith.constant 112 : index
      %swap3A_93 = tpu.vector_load %arg16[%swap3A_91, %swap3A_92] {strides = array<i32>} : memref<128x128xf32, #tpu.memory_space<vmem>>, vector<16xf32>,
      tpu.vector_store %arg16[%swap3A_91, %swap3A_92], %broadcast_in_dim3A_90 {strides = array<i32>} : memref<128x128xf32, #tpu.memory_space<vmem>>, vector<16xf32>,
    }
    %scan3A_13 = arith.constant 128 : i32
    %mul3A_14 = arith.constant 640 : i32
    %mul3A_15 = arith.muli %arg1, %mul3A_14 : i32
    %add3A = arith.constant 0 : i32
    %add3A_16 = arith.addi %mul3A_15, %add3A : i32
    "tpu.region"() ({
      %run_scoped3A = tpu.sem_alloc : memref<!tpu.dma_semaphore, #tpu.memory_space<semaphore_mem>>
      %dma_start3A = arith.constant 0 : i32
      %dma_start3A_55 = tpu.memref_slice %arg18[%add3A_16, %dma_start3A] : memref<10240x128xf32, #tpu.memory_space<vmem_shared>> -> memref<128x128xf32, #tpu.memory_space<vmem_shared>>
      %dma_start3A_56 = arith.constant 0 : i32
      %dma_start3A_57 = tpu.memref_slice %arg18[%add3A_16, %dma_start3A_56] : memref<10240x128xf32, #tpu.memory_space<vmem_shared>> -> memref<128x128xf32, #tpu.memory_space<vmem_shared>>
      tpu.enqueue_dma source(%arg16 : memref<128x128xf32, #tpu.memory_space<vmem>>) target(%dma_start3A_57 : memref<128x128xf32, #tpu.memory_space<vmem_shared>>) target_semaphore(%run_scoped3A : memref<!tpu.dma_semaphore, #tpu.memory_space<semaphore_mem>>)
      %dma_wait3A = arith.constant 0 : i32
      %dma_wait3A_58 = tpu.memref_slice %arg18[%add3A_16, %dma_wait3A] : memref<10240x128xf32, #tpu.memory_space<vmem_shared>> -> memref<128x128xf32, #tpu.memory_space<vmem_shared>>
      %dma_wait3A_59 = arith.constant 0 : i32
      %dma_wait3A_60 = tpu.memref_slice %arg18[%add3A_16, %dma_wait3A_59] : memref<10240x128xf32, #tpu.memory_space<vmem_shared>> -> memref<128x128xf32, #tpu.memory_space<vmem_shared>>
      tpu.wait_dma2 semaphore(%run_scoped3A : memref<!tpu.dma_semaphore, #tpu.memory_space<semaphore_mem>>) src(%arg16 : memref<128x128xf32, #tpu.memory_space<vmem>>) dst(%dma_wait3A_60 : memref<128x128xf32, #tpu.memory_space<vmem_shared>>)
      tpu.yield
    }) : () -> ()
    %add3A_17 = arith.constant 128 : i32
    %add3A_18 = arith.addi %mul3A_15, %add3A_17 : i32
    "tpu.region"() ({
      %run_scoped3A = tpu.sem_alloc : memref<!tpu.dma_semaphore, #tpu.memory_space<semaphore_mem>>
      %dma_start3A = arith.constant 0 : i32
      %dma_start3A_55 = tpu.memref_slice %arg18[%add3A_18, %dma_start3A] : memref<10240x128xf32, #tpu.memory_space<vmem_shared>> -> memref<128x128xf32, #tpu.memory_space<vmem_shared>>
      %dma_start3A_56 = arith.constant 0 : i32
      %dma_start3A_57 = tpu.memref_slice %arg18[%add3A_18, %dma_start3A_56] : memref<10240x128xf32, #tpu.memory_space<vmem_shared>> -> memref<128x128xf32, #tpu.memory_space<vmem_shared>>
      tpu.enqueue_dma source(%arg16 : memref<128x128xf32, #tpu.memory_space<vmem>>) target(%dma_start3A_57 : memref<128x128xf32, #tpu.memory_space<vmem_shared>>) target_semaphore(%run_scoped3A : memref<!tpu.dma_semaphore, #tpu.memory_space<semaphore_mem>>)
      %dma_wait3A = arith.constant 0 : i32
      %dma_wait3A_58 = tpu.memref_slice %arg18[%add3A_18, %dma_wait3A] : memref<10240x128xf32, #tpu.memory_space<vmem_shared>> -> memref<128x128xf32, #tpu.memory_space<vmem_shared>>
      %dma_wait3A_59 = arith.constant 0 : i32
      %dma_wait3A_60 = tpu.memref_slice %arg18[%add3A_18, %dma_wait3A_59] : memref<10240x128xf32, #tpu.memory_space<vmem_shared>> -> memref<128x128xf32, #tpu.memory_space<vmem_shared>>
      tpu.wait_dma2 semaphore(%run_scoped3A : memref<!tpu.dma_semaphore, #tpu.memory_space<semaphore_mem>>) src(%arg16 : memref<128x128xf32, #tpu.memory_space<vmem>>) dst(%dma_wait3A_60 : memref<128x128xf32, #tpu.memory_space<vmem_shared>>)
      tpu.yield
    }) : () -> ()
    %add3A_19 = arith.constant 256 : i32
    %add3A_20 = arith.addi %mul3A_15, %add3A_19 : i32
    "tpu.region"() ({
      %run_scoped3A = tpu.sem_alloc : memref<!tpu.dma_semaphore, #tpu.memory_space<semaphore_mem>>
      %dma_start3A = arith.constant 0 : i32
      %dma_start3A_55 = tpu.memref_slice %arg18[%add3A_20, %dma_start3A] : memref<10240x128xf32, #tpu.memory_space<vmem_shared>> -> memref<128x128xf32, #tpu.memory_space<vmem_shared>>
      %dma_start3A_56 = arith.constant 0 : i32
      %dma_start3A_57 = tpu.memref_slice %arg18[%add3A_20, %dma_start3A_56] : memref<10240x128xf32, #tpu.memory_space<vmem_shared>> -> memref<128x128xf32, #tpu.memory_space<vmem_shared>>
      tpu.enqueue_dma source(%arg16 : memref<128x128xf32, #tpu.memory_space<vmem>>) target(%dma_start3A_57 : memref<128x128xf32, #tpu.memory_space<vmem_shared>>) target_semaphore(%run_scoped3A : memref<!tpu.dma_semaphore, #tpu.memory_space<semaphore_mem>>)
      %dma_wait3A = arith.constant 0 : i32
      %dma_wait3A_58 = tpu.memref_slice %arg18[%add3A_20, %dma_wait3A] : memref<10240x128xf32, #tpu.memory_space<vmem_shared>> -> memref<128x128xf32, #tpu.memory_space<vmem_shared>>
      %dma_wait3A_59 = arith.constant 0 : i32
      %dma_wait3A_60 = tpu.memref_slice %arg18[%add3A_20, %dma_wait3A_59] : memref<10240x128xf32, #tpu.memory_space<vmem_shared>> -> memref<128x128xf32, #tpu.memory_space<vmem_shared>>
      tpu.wait_dma2 semaphore(%run_scoped3A : memref<!tpu.dma_semaphore, #tpu.memory_space<semaphore_mem>>) src(%arg16 : memref<128x128xf32, #tpu.memory_space<vmem>>) dst(%dma_wait3A_60 : memref<128x128xf32, #tpu.memory_space<vmem_shared>>)
      tpu.yield
    }) : () -> ()
    %add3A_21 = arith.constant 384 : i32
    %add3A_22 = arith.addi %mul3A_15, %add3A_21 : i32
    "tpu.region"() ({
      %run_scoped3A = tpu.sem_alloc : memref<!tpu.dma_semaphore, #tpu.memory_space<semaphore_mem>>
      %dma_start3A = arith.constant 0 : i32
      %dma_start3A_55 = tpu.memref_slice %arg18[%add3A_22, %dma_start3A] : memref<10240x128xf32, #tpu.memory_space<vmem_shared>> -> memref<128x128xf32, #tpu.memory_space<vmem_shared>>
      %dma_start3A_56 = arith.constant 0 : i32
      %dma_start3A_57 = tpu.memref_slice %arg18[%add3A_22, %dma_start3A_56] : memref<10240x128xf32, #tpu.memory_space<vmem_shared>> -> memref<128x128xf32, #tpu.memory_space<vmem_shared>>
      tpu.enqueue_dma source(%arg16 : memref<128x128xf32, #tpu.memory_space<vmem>>) target(%dma_start3A_57 : memref<128x128xf32, #tpu.memory_space<vmem_shared>>) target_semaphore(%run_scoped3A : memref<!tpu.dma_semaphore, #tpu.memory_space<semaphore_mem>>)
      %dma_wait3A = arith.constant 0 : i32
      %dma_wait3A_58 = tpu.memref_slice %arg18[%add3A_22, %dma_wait3A] : memref<10240x128xf32, #tpu.memory_space<vmem_shared>> -> memref<128x128xf32, #tpu.memory_space<vmem_shared>>
      %dma_wait3A_59 = arith.constant 0 : i32
      %dma_wait3A_60 = tpu.memref_slice %arg18[%add3A_22, %dma_wait3A_59] : memref<10240x128xf32, #tpu.memory_space<vmem_shared>> -> memref<128x128xf32, #tpu.memory_space<vmem_shared>>
      tpu.wait_dma2 semaphore(%run_scoped3A : memref<!tpu.dma_semaphore, #tpu.memory_space<semaphore_mem>>) src(%arg16 : memref<128x128xf32, #tpu.memory_space<vmem>>) dst(%dma_wait3A_60 : memref<128x128xf32, #tpu.memory_space<vmem_shared>>)
      tpu.yield
    }) : () -> ()
    %add3A_23 = arith.constant 512 : i32
    %add3A_24 = arith.addi %mul3A_15, %add3A_23 : i32
    "tpu.region"() ({
      %run_scoped3A = tpu.sem_alloc : memref<!tpu.dma_semaphore, #tpu.memory_space<semaphore_mem>>
      %dma_start3A = arith.constant 0 : i32
      %dma_start3A_55 = tpu.memref_slice %arg18[%add3A_24, %dma_start3A] : memref<10240x128xf32, #tpu.memory_space<vmem_shared>> -> memref<128x128xf32, #tpu.memory_space<vmem_shared>>
      %dma_start3A_56 = arith.constant 0 : i32
      %dma_start3A_57 = tpu.memref_slice %arg18[%add3A_24, %dma_start3A_56] : memref<10240x128xf32, #tpu.memory_space<vmem_shared>> -> memref<128x128xf32, #tpu.memory_space<vmem_shared>>
      tpu.enqueue_dma source(%arg16 : memref<128x128xf32, #tpu.memory_space<vmem>>) target(%dma_start3A_57 : memref<128x128xf32, #tpu.memory_space<vmem_shared>>) target_semaphore(%run_scoped3A : memref<!tpu.dma_semaphore, #tpu.memory_space<semaphore_mem>>)
      %dma_wait3A = arith.constant 0 : i32
      %dma_wait3A_58 = tpu.memref_slice %arg18[%add3A_24, %dma_wait3A] : memref<10240x128xf32, #tpu.memory_space<vmem_shared>> -> memref<128x128xf32, #tpu.memory_space<vmem_shared>>
      %dma_wait3A_59 = arith.constant 0 : i32
      %dma_wait3A_60 = tpu.memref_slice %arg18[%add3A_24, %dma_wait3A_59] : memref<10240x128xf32, #tpu.memory_space<vmem_shared>> -> memref<128x128xf32, #tpu.memory_space<vmem_shared>>
      tpu.wait_dma2 semaphore(%run_scoped3A : memref<!tpu.dma_semaphore, #tpu.memory_space<semaphore_mem>>) src(%arg16 : memref<128x128xf32, #tpu.memory_space<vmem>>) dst(%dma_wait3A_60 : memref<128x128xf32, #tpu.memory_space<vmem_shared>>)
      tpu.yield
    }) : () -> ()
    %barrier3A = arith.constant 0 : index
    tpu.barrier barrier_id(%barrier3A)
    %get3A = arith.constant 0 : index
    %get3A_25 = tpu.vector_load %arg12[%get3A] {strides = array<i32>} : memref<16xf32, #tpu.memory_space<vmem>>, vector<16xf32>,
    %mul3A_26 = arith.constant 20736 : i32
    %mul3A_27 = arith.muli %arg1, %mul3A_26 : i32
    %scan3A_28 = arith.constant 0 : i32
    %scan3A_29 = arith.constant 0 : i32
    %scan3A_30 = arith.constant 162 : i32
    %scan3A_31 = arith.addi %scan3A_29, %scan3A_30 : i32
    %scan3A_32 = arith.constant 1 : i32
    scf.for %scan3A_55 = %scan3A_29 to %scan3A_31 step %scan3A_32  : i32 {
      %mul3A_56 = arith.constant 128 : i32
      %mul3A_57 = arith.muli %scan3A_55, %mul3A_56 : i32
      %add3A_58 = arith.addi %mul3A_27, %mul3A_57 : i32
      "tpu.region"() ({
        %run_scoped3A = tpu.sem_alloc : memref<!tpu.dma_semaphore, #tpu.memory_space<semaphore_mem>>
        %dma_start3A_75 = tpu.memref_slice %arg6[%add3A_58] : memref<331776xi32, #tpu.memory_space<hbm>> -> memref<128xi32, #tpu.memory_space<hbm>>
        %dma_start3A_76 = tpu.memref_slice %arg6[%add3A_58] : memref<331776xi32, #tpu.memory_space<hbm>> -> memref<128xi32, #tpu.memory_space<hbm>>
        tpu.enqueue_dma source(%dma_start3A_76 : memref<128xi32, #tpu.memory_space<hbm>>) target(%arg13 : memref<128xi32, #tpu.memory_space<vmem>>) target_semaphore(%run_scoped3A : memref<!tpu.dma_semaphore, #tpu.memory_space<semaphore_mem>>)
        %dma_wait3A_77 = tpu.memref_slice %arg6[%add3A_58] : memref<331776xi32, #tpu.memory_space<hbm>> -> memref<128xi32, #tpu.memory_space<hbm>>
        %dma_wait3A_78 = tpu.memref_slice %arg6[%add3A_58] : memref<331776xi32, #tpu.memory_space<hbm>> -> memref<128xi32, #tpu.memory_space<hbm>>
        tpu.wait_dma2 semaphore(%run_scoped3A : memref<!tpu.dma_semaphore, #tpu.memory_space<semaphore_mem>>) src(%dma_wait3A_78 : memref<128xi32, #tpu.memory_space<hbm>>) dst(%arg13 : memref<128xi32, #tpu.memory_space<vmem>>)
        tpu.yield
      }) : () -> ()
      "tpu.region"() ({
        %run_scoped3A = tpu.sem_alloc : memref<!tpu.dma_semaphore, #tpu.memory_space<semaphore_mem>>
        %dma_start3A_75 = tpu.memref_slice %arg7[%add3A_58] : memref<331776xi32, #tpu.memory_space<hbm>> -> memref<128xi32, #tpu.memory_space<hbm>>
        %dma_start3A_76 = tpu.memref_slice %arg7[%add3A_58] : memref<331776xi32, #tpu.memory_space<hbm>> -> memref<128xi32, #tpu.memory_space<hbm>>
        tpu.enqueue_dma source(%dma_start3A_76 : memref<128xi32, #tpu.memory_space<hbm>>) target(%arg14 : memref<128xi32, #tpu.memory_space<vmem>>) target_semaphore(%run_scoped3A : memref<!tpu.dma_semaphore, #tpu.memory_space<semaphore_mem>>)
        %dma_wait3A_77 = tpu.memref_slice %arg7[%add3A_58] : memref<331776xi32, #tpu.memory_space<hbm>> -> memref<128xi32, #tpu.memory_space<hbm>>
        %dma_wait3A_78 = tpu.memref_slice %arg7[%add3A_58] : memref<331776xi32, #tpu.memory_space<hbm>> -> memref<128xi32, #tpu.memory_space<hbm>>
        tpu.wait_dma2 semaphore(%run_scoped3A : memref<!tpu.dma_semaphore, #tpu.memory_space<semaphore_mem>>) src(%dma_wait3A_78 : memref<128xi32, #tpu.memory_space<hbm>>) dst(%arg14 : memref<128xi32, #tpu.memory_space<vmem>>)
        tpu.yield
      }) : () -> ()
      %scan3A_59 = arith.constant 0 : i32
      %scan3A_60 = arith.constant 0 : i32
      %scan3A_61 = arith.constant 8 : i32
      %scan3A_62 = arith.addi %scan3A_60, %scan3A_61 : i32
      %scan3A_63 = arith.constant 1 : i32
      scf.for %scan3A_75 = %scan3A_60 to %scan3A_62 step %scan3A_63  : i32 {
        %mul3A_76 = arith.constant 16 : i32
        %mul3A_77 = arith.muli %scan3A_75, %mul3A_76 : i32
        %get3A_78 = arith.index_cast %mul3A_77 : i32 to index
        %get3A_79 = tpu.vector_load %arg13[%get3A_78] {strides = array<i32>} : memref<128xi32, #tpu.memory_space<vmem>>, vector<16xi32>,
        %mul3A_80 = arith.constant 16 : i32
        %mul3A_81 = arith.muli %scan3A_75, %mul3A_80 : i32
        %get3A_82 = arith.index_cast %mul3A_81 : i32 to index
        %get3A_83 = tpu.vector_load %arg14[%get3A_82] {strides = array<i32>} : memref<128xi32, #tpu.memory_space<vmem>>, vector<16xi32>,
        %gather3A = tpu.vector_load_idx %arg10[%get3A_79] : memref<10240xf32, #tpu.memory_space<vmem>>[vector<16xi32>], vector<16xf32>,
        %gather3A_84 = tpu.vector_load_idx %arg11[%get3A_83] : memref<10240xf32, #tpu.memory_space<vmem>>[vector<16xi32>], vector<16xf32>,
        %add3A_85 = arith.addf %gather3A, %gather3A_84 : vector<16xf32>
        %mul3A_86 = arith.constant 2.000000e-01 : f32
        %mul3A_87 = vector.broadcast %mul3A_86 : f32 to vector<16xf32>
        %mul3A_88 = arith.mulf %mul3A_87, %add3A_85 : vector<16xf32>
        %max3A = arith.maximumf %add3A_85, %mul3A_88 : vector<16xf32>
        %sub3A = arith.subf %max3A, %get3A_25 : vector<16xf32>
        %exp3A = math.exp %sub3A : vector<16xf32>
        %mul3A_89 = arith.constant 16 : i32
        %mul3A_90 = arith.muli %scan3A_75, %mul3A_89 : i32
        %swap3A = arith.index_cast %mul3A_90 : i32 to index
        %swap3A_91 = tpu.vector_load %arg15[%swap3A] {strides = array<i32>} : memref<128xf32, #tpu.memory_space<vmem>>, vector<16xf32>,
        tpu.vector_store %arg15[%swap3A], %exp3A {strides = array<i32>} : memref<128xf32, #tpu.memory_space<vmem>>, vector<16xf32>,
        tpu.vector_store_idx %arg17[%get3A_83], %exp3A {add = true} : memref<10240xf32, #tpu.memory_space<vmem>>[vector<16xi32>], vector<16xf32>,
        %add3A_92 = vector.broadcast %mul3A_0 : i32 to vector<16xi32>
        %add3A_93 = arith.addi %get3A_79, %add3A_92 : vector<16xi32>
        %mul3A_94 = arith.constant 16 : i32
        %mul3A_95 = arith.muli %scan3A_75, %mul3A_94 : i32
        %swap3A_96 = arith.index_cast %mul3A_95 : i32 to index
        %swap3A_97 = tpu.vector_load %arg13[%swap3A_96] {strides = array<i32>} : memref<128xi32, #tpu.memory_space<vmem>>, vector<16xi32>,
        tpu.vector_store %arg13[%swap3A_96], %add3A_93 {strides = array<i32>} : memref<128xi32, #tpu.memory_space<vmem>>, vector<16xi32>,
      }
      %scan3A_64 = arith.constant 8 : i32
      %dma_start3A = arith.constant 0 : i32
      %dma_start3A_65 = arith.constant 0 : i32
      %dma_start3A_66 = tpu.memref_slice %arg2[%dma_start3A, %dma_start3A_65] : memref<20480x128xf32, #tpu.memory_space<hbm>> -> memref<20480x128xf32, #tpu.memory_space<hbm>>
      tpu.enqueue_indirect_dma source(%dma_start3A_66 : memref<20480x128xf32, #tpu.memory_space<hbm>>) target(%arg16 : memref<128x128xf32, #tpu.memory_space<vmem>>) offsets(%arg13 : memref<128xi32, #tpu.memory_space<vmem>>) semaphore(%arg19 : memref<!tpu.dma_semaphore, #tpu.memory_space<semaphore_mem>>)
      %dma_wait3A = arith.constant 0 : i32
      %dma_wait3A_67 = arith.constant 0 : i32
      %dma_wait3A_68 = tpu.memref_slice %arg2[%dma_wait3A, %dma_wait3A_67] : memref<20480x128xf32, #tpu.memory_space<hbm>> -> memref<20480x128xf32, #tpu.memory_space<hbm>>
      tpu.wait_indirect_dma semaphore(%arg19 : memref<!tpu.dma_semaphore, #tpu.memory_space<semaphore_mem>>) src(%dma_wait3A_68 : memref<20480x128xf32, #tpu.memory_space<hbm>>) dst(%arg16 : memref<128x128xf32, #tpu.memory_space<vmem>>)
      %scan3A_69 = arith.constant 0 : i32
      %scan3A_70 = arith.constant 0 : i32
      %scan3A_71 = arith.constant 8 : i32
      %scan3A_72 = arith.addi %scan3A_70, %scan3A_71 : i32
      %scan3A_73 = arith.constant 1 : i32
      scf.for %scan3A_75 = %scan3A_70 to %scan3A_72 step %scan3A_73  : i32 {
        %mul3A_76 = arith.constant 16 : i32
        %mul3A_77 = arith.muli %scan3A_75, %mul3A_76 : i32
        %get3A_78 = arith.index_cast %mul3A_77 : i32 to index
        %get3A_79 = tpu.vector_load %arg15[%get3A_78] {strides = array<i32>} : memref<128xf32, #tpu.memory_space<vmem>>, vector<16xf32>,
        %slice3A = vector.extract_strided_slice %get3A_79 {offsets = [0], sizes = [1], strides = [1]} : vector<16xf32> to vector<1xf32>
        %squeeze3A = vector.extract %slice3A[0] : f32 from vector<1xf32>
        %broadcast_in_dim3A = vector.broadcast %squeeze3A : f32 to vector<16xf32>
        %mul3A_80 = arith.constant 16 : i32
        %mul3A_81 = arith.muli %scan3A_75, %mul3A_80 : i32
        %add3A_82 = arith.constant 0 : i32
        %add3A_83 = arith.addi %mul3A_81, %add3A_82 : i32
        %get3A_84 = arith.index_cast %add3A_83 : i32 to index
        %get3A_85 = arith.constant 0 : index
        %get3A_86 = tpu.vector_load %arg16[%get3A_84, %get3A_85] {strides = array<i32>} : memref<128x128xf32, #tpu.memory_space<vmem>>, vector<16xf32>,
        %mul3A_87 = arith.mulf %get3A_86, %broadcast_in_dim3A : vector<16xf32>
        %swap3A = arith.index_cast %add3A_83 : i32 to index
        %swap3A_88 = arith.constant 0 : index
        %swap3A_89 = tpu.vector_load %arg16[%swap3A, %swap3A_88] {strides = array<i32>} : memref<128x128xf32, #tpu.memory_space<vmem>>, vector<16xf32>,
        tpu.vector_store %arg16[%swap3A, %swap3A_88], %mul3A_87 {strides = array<i32>} : memref<128x128xf32, #tpu.memory_space<vmem>>, vector<16xf32>,
        %get3A_90 = arith.index_cast %add3A_83 : i32 to index
        %get3A_91 = arith.constant 16 : index
        %get3A_92 = tpu.vector_load %arg16[%get3A_90, %get3A_91] {strides = array<i32>} : memref<128x128xf32, #tpu.memory_space<vmem>>, vector<16xf32>,
        %mul3A_93 = arith.mulf %get3A_92, %broadcast_in_dim3A : vector<16xf32>
        %swap3A_94 = arith.index_cast %add3A_83 : i32 to index
        %swap3A_95 = arith.constant 16 : index
        %swap3A_96 = tpu.vector_load %arg16[%swap3A_94, %swap3A_95] {strides = array<i32>} : memref<128x128xf32, #tpu.memory_space<vmem>>, vector<16xf32>,
        tpu.vector_store %arg16[%swap3A_94, %swap3A_95], %mul3A_93 {strides = array<i32>} : memref<128x128xf32, #tpu.memory_space<vmem>>, vector<16xf32>,
        %get3A_97 = arith.index_cast %add3A_83 : i32 to index
        %get3A_98 = arith.constant 32 : index
        %get3A_99 = tpu.vector_load %arg16[%get3A_97, %get3A_98] {strides = array<i32>} : memref<128x128xf32, #tpu.memory_space<vmem>>, vector<16xf32>,
        %mul3A_100 = arith.mulf %get3A_99, %broadcast_in_dim3A : vector<16xf32>
        %swap3A_101 = arith.index_cast %add3A_83 : i32 to index
        %swap3A_102 = arith.constant 32 : index
        %swap3A_103 = tpu.vector_load %arg16[%swap3A_101, %swap3A_102] {strides = array<i32>} : memref<128x128xf32, #tpu.memory_space<vmem>>, vector<16xf32>,
        tpu.vector_store %arg16[%swap3A_101, %swap3A_102], %mul3A_100 {strides = array<i32>} : memref<128x128xf32, #tpu.memory_space<vmem>>, vector<16xf32>,
        %get3A_104 = arith.index_cast %add3A_83 : i32 to index
        %get3A_105 = arith.constant 48 : index
        %get3A_106 = tpu.vector_load %arg16[%get3A_104, %get3A_105] {strides = array<i32>} : memref<128x128xf32, #tpu.memory_space<vmem>>, vector<16xf32>,
        %mul3A_107 = arith.mulf %get3A_106, %broadcast_in_dim3A : vector<16xf32>
        %swap3A_108 = arith.index_cast %add3A_83 : i32 to index
        %swap3A_109 = arith.constant 48 : index
        %swap3A_110 = tpu.vector_load %arg16[%swap3A_108, %swap3A_109] {strides = array<i32>} : memref<128x128xf32, #tpu.memory_space<vmem>>, vector<16xf32>,
        tpu.vector_store %arg16[%swap3A_108, %swap3A_109], %mul3A_107 {strides = array<i32>} : memref<128x128xf32, #tpu.memory_space<vmem>>, vector<16xf32>,
        %get3A_111 = arith.index_cast %add3A_83 : i32 to index
        %get3A_112 = arith.constant 64 : index
        %get3A_113 = tpu.vector_load %arg16[%get3A_111, %get3A_112] {strides = array<i32>} : memref<128x128xf32, #tpu.memory_space<vmem>>, vector<16xf32>,
        %mul3A_114 = arith.mulf %get3A_113, %broadcast_in_dim3A : vector<16xf32>
        %swap3A_115 = arith.index_cast %add3A_83 : i32 to index
        %swap3A_116 = arith.constant 64 : index
        %swap3A_117 = tpu.vector_load %arg16[%swap3A_115, %swap3A_116] {strides = array<i32>} : memref<128x128xf32, #tpu.memory_space<vmem>>, vector<16xf32>,
        tpu.vector_store %arg16[%swap3A_115, %swap3A_116], %mul3A_114 {strides = array<i32>} : memref<128x128xf32, #tpu.memory_space<vmem>>, vector<16xf32>,
        %get3A_118 = arith.index_cast %add3A_83 : i32 to index
        %get3A_119 = arith.constant 80 : index
        %get3A_120 = tpu.vector_load %arg16[%get3A_118, %get3A_119] {strides = array<i32>} : memref<128x128xf32, #tpu.memory_space<vmem>>, vector<16xf32>,
        %mul3A_121 = arith.mulf %get3A_120, %broadcast_in_dim3A : vector<16xf32>
        %swap3A_122 = arith.index_cast %add3A_83 : i32 to index
        %swap3A_123 = arith.constant 80 : index
        %swap3A_124 = tpu.vector_load %arg16[%swap3A_122, %swap3A_123] {strides = array<i32>} : memref<128x128xf32, #tpu.memory_space<vmem>>, vector<16xf32>,
        tpu.vector_store %arg16[%swap3A_122, %swap3A_123], %mul3A_121 {strides = array<i32>} : memref<128x128xf32, #tpu.memory_space<vmem>>, vector<16xf32>,
        %get3A_125 = arith.index_cast %add3A_83 : i32 to index
        %get3A_126 = arith.constant 96 : index
        %get3A_127 = tpu.vector_load %arg16[%get3A_125, %get3A_126] {strides = array<i32>} : memref<128x128xf32, #tpu.memory_space<vmem>>, vector<16xf32>,
        %mul3A_128 = arith.mulf %get3A_127, %broadcast_in_dim3A : vector<16xf32>
        %swap3A_129 = arith.index_cast %add3A_83 : i32 to index
        %swap3A_130 = arith.constant 96 : index
        %swap3A_131 = tpu.vector_load %arg16[%swap3A_129, %swap3A_130] {strides = array<i32>} : memref<128x128xf32, #tpu.memory_space<vmem>>, vector<16xf32>,
        tpu.vector_store %arg16[%swap3A_129, %swap3A_130], %mul3A_128 {strides = array<i32>} : memref<128x128xf32, #tpu.memory_space<vmem>>, vector<16xf32>,
        %get3A_132 = arith.index_cast %add3A_83 : i32 to index
        %get3A_133 = arith.constant 112 : index
        %get3A_134 = tpu.vector_load %arg16[%get3A_132, %get3A_133] {strides = array<i32>} : memref<128x128xf32, #tpu.memory_space<vmem>>, vector<16xf32>,
        %mul3A_135 = arith.mulf %get3A_134, %broadcast_in_dim3A : vector<16xf32>
        %swap3A_136 = arith.index_cast %add3A_83 : i32 to index
        %swap3A_137 = arith.constant 112 : index
        %swap3A_138 = tpu.vector_load %arg16[%swap3A_136, %swap3A_137] {strides = array<i32>} : memref<128x128xf32, #tpu.memory_space<vmem>>, vector<16xf32>,
        tpu.vector_store %arg16[%swap3A_136, %swap3A_137], %mul3A_135 {strides = array<i32>} : memref<128x128xf32, #tpu.memory_space<vmem>>, vector<16xf32>,
        %slice3A_139 = vector.extract_strided_slice %get3A_79 {offsets = [1], sizes = [1], strides = [1]} : vector<16xf32> to vector<1xf32>
        %squeeze3A_140 = vector.extract %slice3A_139[0] : f32 from vector<1xf32>
        %broadcast_in_dim3A_141 = vector.broadcast %squeeze3A_140 : f32 to vector<16xf32>
        %mul3A_142 = arith.constant 16 : i32
        %mul3A_143 = arith.muli %scan3A_75, %mul3A_142 : i32
        %add3A_144 = arith.constant 1 : i32
        %add3A_145 = arith.addi %mul3A_143, %add3A_144 : i32
        %get3A_146 = arith.index_cast %add3A_145 : i32 to index
        %get3A_147 = arith.constant 0 : index
        %get3A_148 = tpu.vector_load %arg16[%get3A_146, %get3A_147] {strides = array<i32>} : memref<128x128xf32, #tpu.memory_space<vmem>>, vector<16xf32>,
        %mul3A_149 = arith.mulf %get3A_148, %broadcast_in_dim3A_141 : vector<16xf32>
        %swap3A_150 = arith.index_cast %add3A_145 : i32 to index
        %swap3A_151 = arith.constant 0 : index
        %swap3A_152 = tpu.vector_load %arg16[%swap3A_150, %swap3A_151] {strides = array<i32>} : memref<128x128xf32, #tpu.memory_space<vmem>>, vector<16xf32>,
        tpu.vector_store %arg16[%swap3A_150, %swap3A_151], %mul3A_149 {strides = array<i32>} : memref<128x128xf32, #tpu.memory_space<vmem>>, vector<16xf32>,
        %get3A_153 = arith.index_cast %add3A_145 : i32 to index
        %get3A_154 = arith.constant 16 : index
        %get3A_155 = tpu.vector_load %arg16[%get3A_153, %get3A_154] {strides = array<i32>} : memref<128x128xf32, #tpu.memory_space<vmem>>, vector<16xf32>,
        %mul3A_156 = arith.mulf %get3A_155, %broadcast_in_dim3A_141 : vector<16xf32>
        %swap3A_157 = arith.index_cast %add3A_145 : i32 to index
        %swap3A_158 = arith.constant 16 : index
        %swap3A_159 = tpu.vector_load %arg16[%swap3A_157, %swap3A_158] {strides = array<i32>} : memref<128x128xf32, #tpu.memory_space<vmem>>, vector<16xf32>,
        tpu.vector_store %arg16[%swap3A_157, %swap3A_158], %mul3A_156 {strides = array<i32>} : memref<128x128xf32, #tpu.memory_space<vmem>>, vector<16xf32>,
        %get3A_160 = arith.index_cast %add3A_145 : i32 to index
        %get3A_161 = arith.constant 32 : index
        %get3A_162 = tpu.vector_load %arg16[%get3A_160, %get3A_161] {strides = array<i32>} : memref<128x128xf32, #tpu.memory_space<vmem>>, vector<16xf32>,
        %mul3A_163 = arith.mulf %get3A_162, %broadcast_in_dim3A_141 : vector<16xf32>
        %swap3A_164 = arith.index_cast %add3A_145 : i32 to index
        %swap3A_165 = arith.constant 32 : index
        %swap3A_166 = tpu.vector_load %arg16[%swap3A_164, %swap3A_165] {strides = array<i32>} : memref<128x128xf32, #tpu.memory_space<vmem>>, vector<16xf32>,
        tpu.vector_store %arg16[%swap3A_164, %swap3A_165], %mul3A_163 {strides = array<i32>} : memref<128x128xf32, #tpu.memory_space<vmem>>, vector<16xf32>,
        %get3A_167 = arith.index_cast %add3A_145 : i32 to index
        %get3A_168 = arith.constant 48 : index
        %get3A_169 = tpu.vector_load %arg16[%get3A_167, %get3A_168] {strides = array<i32>} : memref<128x128xf32, #tpu.memory_space<vmem>>, vector<16xf32>,
        %mul3A_170 = arith.mulf %get3A_169, %broadcast_in_dim3A_141 : vector<16xf32>
        %swap3A_171 = arith.index_cast %add3A_145 : i32 to index
        %swap3A_172 = arith.constant 48 : index
        %swap3A_173 = tpu.vector_load %arg16[%swap3A_171, %swap3A_172] {strides = array<i32>} : memref<128x128xf32, #tpu.memory_space<vmem>>, vector<16xf32>,
        tpu.vector_store %arg16[%swap3A_171, %swap3A_172], %mul3A_170 {strides = array<i32>} : memref<128x128xf32, #tpu.memory_space<vmem>>, vector<16xf32>,
        %get3A_174 = arith.index_cast %add3A_145 : i32 to index
        %get3A_175 = arith.constant 64 : index
        %get3A_176 = tpu.vector_load %arg16[%get3A_174, %get3A_175] {strides = array<i32>} : memref<128x128xf32, #tpu.memory_space<vmem>>, vector<16xf32>,
        %mul3A_177 = arith.mulf %get3A_176, %broadcast_in_dim3A_141 : vector<16xf32>
        %swap3A_178 = arith.index_cast %add3A_145 : i32 to index
        %swap3A_179 = arith.constant 64 : index
        %swap3A_180 = tpu.vector_load %arg16[%swap3A_178, %swap3A_179] {strides = array<i32>} : memref<128x128xf32, #tpu.memory_space<vmem>>, vector<16xf32>,
        tpu.vector_store %arg16[%swap3A_178, %swap3A_179], %mul3A_177 {strides = array<i32>} : memref<128x128xf32, #tpu.memory_space<vmem>>, vector<16xf32>,
        %get3A_181 = arith.index_cast %add3A_145 : i32 to index
        %get3A_182 = arith.constant 80 : index
        %get3A_183 = tpu.vector_load %arg16[%get3A_181, %get3A_182] {strides = array<i32>} : memref<128x128xf32, #tpu.memory_space<vmem>>, vector<16xf32>,
        %mul3A_184 = arith.mulf %get3A_183, %broadcast_in_dim3A_141 : vector<16xf32>
        %swap3A_185 = arith.index_cast %add3A_145 : i32 to index
        %swap3A_186 = arith.constant 80 : index
        %swap3A_187 = tpu.vector_load %arg16[%swap3A_185, %swap3A_186] {strides = array<i32>} : memref<128x128xf32, #tpu.memory_space<vmem>>, vector<16xf32>,
        tpu.vector_store %arg16[%swap3A_185, %swap3A_186], %mul3A_184 {strides = array<i32>} : memref<128x128xf32, #tpu.memory_space<vmem>>, vector<16xf32>,
        %get3A_188 = arith.index_cast %add3A_145 : i32 to index
        %get3A_189 = arith.constant 96 : index
        %get3A_190 = tpu.vector_load %arg16[%get3A_188, %get3A_189] {strides = array<i32>} : memref<128x128xf32, #tpu.memory_space<vmem>>, vector<16xf32>,
        %mul3A_191 = arith.mulf %get3A_190, %broadcast_in_dim3A_141 : vector<16xf32>
        %swap3A_192 = arith.index_cast %add3A_145 : i32 to index
        %swap3A_193 = arith.constant 96 : index
        %swap3A_194 = tpu.vector_load %arg16[%swap3A_192, %swap3A_193] {strides = array<i32>} : memref<128x128xf32, #tpu.memory_space<vmem>>, vector<16xf32>,
        tpu.vector_store %arg16[%swap3A_192, %swap3A_193], %mul3A_191 {strides = array<i32>} : memref<128x128xf32, #tpu.memory_space<vmem>>, vector<16xf32>,
        %get3A_195 = arith.index_cast %add3A_145 : i32 to index
        %get3A_196 = arith.constant 112 : index
        %get3A_197 = tpu.vector_load %arg16[%get3A_195, %get3A_196] {strides = array<i32>} : memref<128x128xf32, #tpu.memory_space<vmem>>, vector<16xf32>,
        %mul3A_198 = arith.mulf %get3A_197, %broadcast_in_dim3A_141 : vector<16xf32>
        %swap3A_199 = arith.index_cast %add3A_145 : i32 to index
        %swap3A_200 = arith.constant 112 : index
        %swap3A_201 = tpu.vector_load %arg16[%swap3A_199, %swap3A_200] {strides = array<i32>} : memref<128x128xf32, #tpu.memory_space<vmem>>, vector<16xf32>,
        tpu.vector_store %arg16[%swap3A_199, %swap3A_200], %mul3A_198 {strides = array<i32>} : memref<128x128xf32, #tpu.memory_space<vmem>>, vector<16xf32>,
        %slice3A_202 = vector.extract_strided_slice %get3A_79 {offsets = [2], sizes = [1], strides = [1]} : vector<16xf32> to vector<1xf32>
        %squeeze3A_203 = vector.extract %slice3A_202[0] : f32 from vector<1xf32>
        %broadcast_in_dim3A_204 = vector.broadcast %squeeze3A_203 : f32 to vector<16xf32>
        %mul3A_205 = arith.constant 16 : i32
        %mul3A_206 = arith.muli %scan3A_75, %mul3A_205 : i32
        %add3A_207 = arith.constant 2 : i32
        %add3A_208 = arith.addi %mul3A_206, %add3A_207 : i32
        %get3A_209 = arith.index_cast %add3A_208 : i32 to index
        %get3A_210 = arith.constant 0 : index
        %get3A_211 = tpu.vector_load %arg16[%get3A_209, %get3A_210] {strides = array<i32>} : memref<128x128xf32, #tpu.memory_space<vmem>>, vector<16xf32>,
        %mul3A_212 = arith.mulf %get3A_211, %broadcast_in_dim3A_204 : vector<16xf32>
        %swap3A_213 = arith.index_cast %add3A_208 : i32 to index
        %swap3A_214 = arith.constant 0 : index
        %swap3A_215 = tpu.vector_load %arg16[%swap3A_213, %swap3A_214] {strides = array<i32>} : memref<128x128xf32, #tpu.memory_space<vmem>>, vector<16xf32>,
        tpu.vector_store %arg16[%swap3A_213, %swap3A_214], %mul3A_212 {strides = array<i32>} : memref<128x128xf32, #tpu.memory_space<vmem>>, vector<16xf32>,
        %get3A_216 = arith.index_cast %add3A_208 : i32 to index
        %get3A_217 = arith.constant 16 : index
        %get3A_218 = tpu.vector_load %arg16[%get3A_216, %get3A_217] {strides = array<i32>} : memref<128x128xf32, #tpu.memory_space<vmem>>, vector<16xf32>,
        %mul3A_219 = arith.mulf %get3A_218, %broadcast_in_dim3A_204 : vector<16xf32>
        %swap3A_220 = arith.index_cast %add3A_208 : i32 to index
        %swap3A_221 = arith.constant 16 : index
        %swap3A_222 = tpu.vector_load %arg16[%swap3A_220, %swap3A_221] {strides = array<i32>} : memref<128x128xf32, #tpu.memory_space<vmem>>, vector<16xf32>,
        tpu.vector_store %arg16[%swap3A_220, %swap3A_221], %mul3A_219 {strides = array<i32>} : memref<128x128xf32, #tpu.memory_space<vmem>>, vector<16xf32>,
        %get3A_223 = arith.index_cast %add3A_208 : i32 to index
        %get3A_224 = arith.constant 32 : index
        %get3A_225 = tpu.vector_load %arg16[%get3A_223, %get3A_224] {strides = array<i32>} : memref<128x128xf32, #tpu.memory_space<vmem>>, vector<16xf32>,
        %mul3A_226 = arith.mulf %get3A_225, %broadcast_in_dim3A_204 : vector<16xf32>
        %swap3A_227 = arith.index_cast %add3A_208 : i32 to index
        %swap3A_228 = arith.constant 32 : index
        %swap3A_229 = tpu.vector_load %arg16[%swap3A_227, %swap3A_228] {strides = array<i32>} : memref<128x128xf32, #tpu.memory_space<vmem>>, vector<16xf32>,
        tpu.vector_store %arg16[%swap3A_227, %swap3A_228], %mul3A_226 {strides = array<i32>} : memref<128x128xf32, #tpu.memory_space<vmem>>, vector<16xf32>,
        %get3A_230 = arith.index_cast %add3A_208 : i32 to index
        %get3A_231 = arith.constant 48 : index
        %get3A_232 = tpu.vector_load %arg16[%get3A_230, %get3A_231] {strides = array<i32>} : memref<128x128xf32, #tpu.memory_space<vmem>>, vector<16xf32>,
        %mul3A_233 = arith.mulf %get3A_232, %broadcast_in_dim3A_204 : vector<16xf32>
        %swap3A_234 = arith.index_cast %add3A_208 : i32 to index
        %swap3A_235 = arith.constant 48 : index
        %swap3A_236 = tpu.vector_load %arg16[%swap3A_234, %swap3A_235] {strides = array<i32>} : memref<128x128xf32, #tpu.memory_space<vmem>>, vector<16xf32>,
        tpu.vector_store %arg16[%swap3A_234, %swap3A_235], %mul3A_233 {strides = array<i32>} : memref<128x128xf32, #tpu.memory_space<vmem>>, vector<16xf32>,
        %get3A_237 = arith.index_cast %add3A_208 : i32 to index
        %get3A_238 = arith.constant 64 : index
        %get3A_239 = tpu.vector_load %arg16[%get3A_237, %get3A_238] {strides = array<i32>} : memref<128x128xf32, #tpu.memory_space<vmem>>, vector<16xf32>,
        %mul3A_240 = arith.mulf %get3A_239, %broadcast_in_dim3A_204 : vector<16xf32>
        %swap3A_241 = arith.index_cast %add3A_208 : i32 to index
        %swap3A_242 = arith.constant 64 : index
        %swap3A_243 = tpu.vector_load %arg16[%swap3A_241, %swap3A_242] {strides = array<i32>} : memref<128x128xf32, #tpu.memory_space<vmem>>, vector<16xf32>,
        tpu.vector_store %arg16[%swap3A_241, %swap3A_242], %mul3A_240 {strides = array<i32>} : memref<128x128xf32, #tpu.memory_space<vmem>>, vector<16xf32>,
        %get3A_244 = arith.index_cast %add3A_208 : i32 to index
        %get3A_245 = arith.constant 80 : index
        %get3A_246 = tpu.vector_load %arg16[%get3A_244, %get3A_245] {strides = array<i32>} : memref<128x128xf32, #tpu.memory_space<vmem>>, vector<16xf32>,
        %mul3A_247 = arith.mulf %get3A_246, %broadcast_in_dim3A_204 : vector<16xf32>
        %swap3A_248 = arith.index_cast %add3A_208 : i32 to index
        %swap3A_249 = arith.constant 80 : index
        %swap3A_250 = tpu.vector_load %arg16[%swap3A_248, %swap3A_249] {strides = array<i32>} : memref<128x128xf32, #tpu.memory_space<vmem>>, vector<16xf32>,
        tpu.vector_store %arg16[%swap3A_248, %swap3A_249], %mul3A_247 {strides = array<i32>} : memref<128x128xf32, #tpu.memory_space<vmem>>, vector<16xf32>,
        %get3A_251 = arith.index_cast %add3A_208 : i32 to index
        %get3A_252 = arith.constant 96 : index
        %get3A_253 = tpu.vector_load %arg16[%get3A_251, %get3A_252] {strides = array<i32>} : memref<128x128xf32, #tpu.memory_space<vmem>>, vector<16xf32>,
        %mul3A_254 = arith.mulf %get3A_253, %broadcast_in_dim3A_204 : vector<16xf32>
        %swap3A_255 = arith.index_cast %add3A_208 : i32 to index
        %swap3A_256 = arith.constant 96 : index
        %swap3A_257 = tpu.vector_load %arg16[%swap3A_255, %swap3A_256] {strides = array<i32>} : memref<128x128xf32, #tpu.memory_space<vmem>>, vector<16xf32>,
        tpu.vector_store %arg16[%swap3A_255, %swap3A_256], %mul3A_254 {strides = array<i32>} : memref<128x128xf32, #tpu.memory_space<vmem>>, vector<16xf32>,
        %get3A_258 = arith.index_cast %add3A_208 : i32 to index
        %get3A_259 = arith.constant 112 : index
        %get3A_260 = tpu.vector_load %arg16[%get3A_258, %get3A_259] {strides = array<i32>} : memref<128x128xf32, #tpu.memory_space<vmem>>, vector<16xf32>,
        %mul3A_261 = arith.mulf %get3A_260, %broadcast_in_dim3A_204 : vector<16xf32>
        %swap3A_262 = arith.index_cast %add3A_208 : i32 to index
        %swap3A_263 = arith.constant 112 : index
        %swap3A_264 = tpu.vector_load %arg16[%swap3A_262, %swap3A_263] {strides = array<i32>} : memref<128x128xf32, #tpu.memory_space<vmem>>, vector<16xf32>,
        tpu.vector_store %arg16[%swap3A_262, %swap3A_263], %mul3A_261 {strides = array<i32>} : memref<128x128xf32, #tpu.memory_space<vmem>>, vector<16xf32>,
        %slice3A_265 = vector.extract_strided_slice %get3A_79 {offsets = [3], sizes = [1], strides = [1]} : vector<16xf32> to vector<1xf32>
        %squeeze3A_266 = vector.extract %slice3A_265[0] : f32 from vector<1xf32>
        %broadcast_in_dim3A_267 = vector.broadcast %squeeze3A_266 : f32 to vector<16xf32>
        %mul3A_268 = arith.constant 16 : i32
        %mul3A_269 = arith.muli %scan3A_75, %mul3A_268 : i32
        %add3A_270 = arith.constant 3 : i32
        %add3A_271 = arith.addi %mul3A_269, %add3A_270 : i32
        %get3A_272 = arith.index_cast %add3A_271 : i32 to index
        %get3A_273 = arith.constant 0 : index
        %get3A_274 = tpu.vector_load %arg16[%get3A_272, %get3A_273] {strides = array<i32>} : memref<128x128xf32, #tpu.memory_space<vmem>>, vector<16xf32>,
        %mul3A_275 = arith.mulf %get3A_274, %broadcast_in_dim3A_267 : vector<16xf32>
        %swap3A_276 = arith.index_cast %add3A_271 : i32 to index
        %swap3A_277 = arith.constant 0 : index
        %swap3A_278 = tpu.vector_load %arg16[%swap3A_276, %swap3A_277] {strides = array<i32>} : memref<128x128xf32, #tpu.memory_space<vmem>>, vector<16xf32>,
        tpu.vector_store %arg16[%swap3A_276, %swap3A_277], %mul3A_275 {strides = array<i32>} : memref<128x128xf32, #tpu.memory_space<vmem>>, vector<16xf32>,
        %get3A_279 = arith.index_cast %add3A_271 : i32 to index
        %get3A_280 = arith.constant 16 : index
        %get3A_281 = tpu.vector_load %arg16[%get3A_279, %get3A_280] {strides = array<i32>} : memref<128x128xf32, #tpu.memory_space<vmem>>, vector<16xf32>,
        %mul3A_282 = arith.mulf %get3A_281, %broadcast_in_dim3A_267 : vector<16xf32>
        %swap3A_283 = arith.index_cast %add3A_271 : i32 to index
        %swap3A_284 = arith.constant 16 : index
        %swap3A_285 = tpu.vector_load %arg16[%swap3A_283, %swap3A_284] {strides = array<i32>} : memref<128x128xf32, #tpu.memory_space<vmem>>, vector<16xf32>,
        tpu.vector_store %arg16[%swap3A_283, %swap3A_284], %mul3A_282 {strides = array<i32>} : memref<128x128xf32, #tpu.memory_space<vmem>>, vector<16xf32>,
        %get3A_286 = arith.index_cast %add3A_271 : i32 to index
        %get3A_287 = arith.constant 32 : index
        %get3A_288 = tpu.vector_load %arg16[%get3A_286, %get3A_287] {strides = array<i32>} : memref<128x128xf32, #tpu.memory_space<vmem>>, vector<16xf32>,
        %mul3A_289 = arith.mulf %get3A_288, %broadcast_in_dim3A_267 : vector<16xf32>
        %swap3A_290 = arith.index_cast %add3A_271 : i32 to index
        %swap3A_291 = arith.constant 32 : index
        %swap3A_292 = tpu.vector_load %arg16[%swap3A_290, %swap3A_291] {strides = array<i32>} : memref<128x128xf32, #tpu.memory_space<vmem>>, vector<16xf32>,
        tpu.vector_store %arg16[%swap3A_290, %swap3A_291], %mul3A_289 {strides = array<i32>} : memref<128x128xf32, #tpu.memory_space<vmem>>, vector<16xf32>,
        %get3A_293 = arith.index_cast %add3A_271 : i32 to index
        %get3A_294 = arith.constant 48 : index
        %get3A_295 = tpu.vector_load %arg16[%get3A_293, %get3A_294] {strides = array<i32>} : memref<128x128xf32, #tpu.memory_space<vmem>>, vector<16xf32>,
        %mul3A_296 = arith.mulf %get3A_295, %broadcast_in_dim3A_267 : vector<16xf32>
        %swap3A_297 = arith.index_cast %add3A_271 : i32 to index
        %swap3A_298 = arith.constant 48 : index
        %swap3A_299 = tpu.vector_load %arg16[%swap3A_297, %swap3A_298] {strides = array<i32>} : memref<128x128xf32, #tpu.memory_space<vmem>>, vector<16xf32>,
        tpu.vector_store %arg16[%swap3A_297, %swap3A_298], %mul3A_296 {strides = array<i32>} : memref<128x128xf32, #tpu.memory_space<vmem>>, vector<16xf32>,
        %get3A_300 = arith.index_cast %add3A_271 : i32 to index
        %get3A_301 = arith.constant 64 : index
        %get3A_302 = tpu.vector_load %arg16[%get3A_300, %get3A_301] {strides = array<i32>} : memref<128x128xf32, #tpu.memory_space<vmem>>, vector<16xf32>,
        %mul3A_303 = arith.mulf %get3A_302, %broadcast_in_dim3A_267 : vector<16xf32>
        %swap3A_304 = arith.index_cast %add3A_271 : i32 to index
        %swap3A_305 = arith.constant 64 : index
        %swap3A_306 = tpu.vector_load %arg16[%swap3A_304, %swap3A_305] {strides = array<i32>} : memref<128x128xf32, #tpu.memory_space<vmem>>, vector<16xf32>,
        tpu.vector_store %arg16[%swap3A_304, %swap3A_305], %mul3A_303 {strides = array<i32>} : memref<128x128xf32, #tpu.memory_space<vmem>>, vector<16xf32>,
        %get3A_307 = arith.index_cast %add3A_271 : i32 to index
        %get3A_308 = arith.constant 80 : index
        %get3A_309 = tpu.vector_load %arg16[%get3A_307, %get3A_308] {strides = array<i32>} : memref<128x128xf32, #tpu.memory_space<vmem>>, vector<16xf32>,
        %mul3A_310 = arith.mulf %get3A_309, %broadcast_in_dim3A_267 : vector<16xf32>
        %swap3A_311 = arith.index_cast %add3A_271 : i32 to index
        %swap3A_312 = arith.constant 80 : index
        %swap3A_313 = tpu.vector_load %arg16[%swap3A_311, %swap3A_312] {strides = array<i32>} : memref<128x128xf32, #tpu.memory_space<vmem>>, vector<16xf32>,
        tpu.vector_store %arg16[%swap3A_311, %swap3A_312], %mul3A_310 {strides = array<i32>} : memref<128x128xf32, #tpu.memory_space<vmem>>, vector<16xf32>,
        %get3A_314 = arith.index_cast %add3A_271 : i32 to index
        %get3A_315 = arith.constant 96 : index
        %get3A_316 = tpu.vector_load %arg16[%get3A_314, %get3A_315] {strides = array<i32>} : memref<128x128xf32, #tpu.memory_space<vmem>>, vector<16xf32>,
        %mul3A_317 = arith.mulf %get3A_316, %broadcast_in_dim3A_267 : vector<16xf32>
        %swap3A_318 = arith.index_cast %add3A_271 : i32 to index
        %swap3A_319 = arith.constant 96 : index
        %swap3A_320 = tpu.vector_load %arg16[%swap3A_318, %swap3A_319] {strides = array<i32>} : memref<128x128xf32, #tpu.memory_space<vmem>>, vector<16xf32>,
        tpu.vector_store %arg16[%swap3A_318, %swap3A_319], %mul3A_317 {strides = array<i32>} : memref<128x128xf32, #tpu.memory_space<vmem>>, vector<16xf32>,
        %get3A_321 = arith.index_cast %add3A_271 : i32 to index
        %get3A_322 = arith.constant 112 : index
        %get3A_323 = tpu.vector_load %arg16[%get3A_321, %get3A_322] {strides = array<i32>} : memref<128x128xf32, #tpu.memory_space<vmem>>, vector<16xf32>,
        %mul3A_324 = arith.mulf %get3A_323, %broadcast_in_dim3A_267 : vector<16xf32>
        %swap3A_325 = arith.index_cast %add3A_271 : i32 to index
        %swap3A_326 = arith.constant 112 : index
        %swap3A_327 = tpu.vector_load %arg16[%swap3A_325, %swap3A_326] {strides = array<i32>} : memref<128x128xf32, #tpu.memory_space<vmem>>, vector<16xf32>,
        tpu.vector_store %arg16[%swap3A_325, %swap3A_326], %mul3A_324 {strides = array<i32>} : memref<128x128xf32, #tpu.memory_space<vmem>>, vector<16xf32>,
        %slice3A_328 = vector.extract_strided_slice %get3A_79 {offsets = [4], sizes = [1], strides = [1]} : vector<16xf32> to vector<1xf32>
        %squeeze3A_329 = vector.extract %slice3A_328[0] : f32 from vector<1xf32>
        %broadcast_in_dim3A_330 = vector.broadcast %squeeze3A_329 : f32 to vector<16xf32>
        %mul3A_331 = arith.constant 16 : i32
        %mul3A_332 = arith.muli %scan3A_75, %mul3A_331 : i32
        %add3A_333 = arith.constant 4 : i32
        %add3A_334 = arith.addi %mul3A_332, %add3A_333 : i32
        %get3A_335 = arith.index_cast %add3A_334 : i32 to index
        %get3A_336 = arith.constant 0 : index
        %get3A_337 = tpu.vector_load %arg16[%get3A_335, %get3A_336] {strides = array<i32>} : memref<128x128xf32, #tpu.memory_space<vmem>>, vector<16xf32>,
        %mul3A_338 = arith.mulf %get3A_337, %broadcast_in_dim3A_330 : vector<16xf32>
        %swap3A_339 = arith.index_cast %add3A_334 : i32 to index
        %swap3A_340 = arith.constant 0 : index
        %swap3A_341 = tpu.vector_load %arg16[%swap3A_339, %swap3A_340] {strides = array<i32>} : memref<128x128xf32, #tpu.memory_space<vmem>>, vector<16xf32>,
        tpu.vector_store %arg16[%swap3A_339, %swap3A_340], %mul3A_338 {strides = array<i32>} : memref<128x128xf32, #tpu.memory_space<vmem>>, vector<16xf32>,
        %get3A_342 = arith.index_cast %add3A_334 : i32 to index
        %get3A_343 = arith.constant 16 : index
        %get3A_344 = tpu.vector_load %arg16[%get3A_342, %get3A_343] {strides = array<i32>} : memref<128x128xf32, #tpu.memory_space<vmem>>, vector<16xf32>,
        %mul3A_345 = arith.mulf %get3A_344, %broadcast_in_dim3A_330 : vector<16xf32>
        %swap3A_346 = arith.index_cast %add3A_334 : i32 to index
        %swap3A_347 = arith.constant 16 : index
        %swap3A_348 = tpu.vector_load %arg16[%swap3A_346, %swap3A_347] {strides = array<i32>} : memref<128x128xf32, #tpu.memory_space<vmem>>, vector<16xf32>,
        tpu.vector_store %arg16[%swap3A_346, %swap3A_347], %mul3A_345 {strides = array<i32>} : memref<128x128xf32, #tpu.memory_space<vmem>>, vector<16xf32>,
        %get3A_349 = arith.index_cast %add3A_334 : i32 to index
        %get3A_350 = arith.constant 32 : index
        %get3A_351 = tpu.vector_load %arg16[%get3A_349, %get3A_350] {strides = array<i32>} : memref<128x128xf32, #tpu.memory_space<vmem>>, vector<16xf32>,
        %mul3A_352 = arith.mulf %get3A_351, %broadcast_in_dim3A_330 : vector<16xf32>
        %swap3A_353 = arith.index_cast %add3A_334 : i32 to index
        %swap3A_354 = arith.constant 32 : index
        %swap3A_355 = tpu.vector_load %arg16[%swap3A_353, %swap3A_354] {strides = array<i32>} : memref<128x128xf32, #tpu.memory_space<vmem>>, vector<16xf32>,
        tpu.vector_store %arg16[%swap3A_353, %swap3A_354], %mul3A_352 {strides = array<i32>} : memref<128x128xf32, #tpu.memory_space<vmem>>, vector<16xf32>,
        %get3A_356 = arith.index_cast %add3A_334 : i32 to index
        %get3A_357 = arith.constant 48 : index
        %get3A_358 = tpu.vector_load %arg16[%get3A_356, %get3A_357] {strides = array<i32>} : memref<128x128xf32, #tpu.memory_space<vmem>>, vector<16xf32>,
        %mul3A_359 = arith.mulf %get3A_358, %broadcast_in_dim3A_330 : vector<16xf32>
        %swap3A_360 = arith.index_cast %add3A_334 : i32 to index
        %swap3A_361 = arith.constant 48 : index
        %swap3A_362 = tpu.vector_load %arg16[%swap3A_360, %swap3A_361] {strides = array<i32>} : memref<128x128xf32, #tpu.memory_space<vmem>>, vector<16xf32>,
        tpu.vector_store %arg16[%swap3A_360, %swap3A_361], %mul3A_359 {strides = array<i32>} : memref<128x128xf32, #tpu.memory_space<vmem>>, vector<16xf32>,
        %get3A_363 = arith.index_cast %add3A_334 : i32 to index
        %get3A_364 = arith.constant 64 : index
        %get3A_365 = tpu.vector_load %arg16[%get3A_363, %get3A_364] {strides = array<i32>} : memref<128x128xf32, #tpu.memory_space<vmem>>, vector<16xf32>,
        %mul3A_366 = arith.mulf %get3A_365, %broadcast_in_dim3A_330 : vector<16xf32>
        %swap3A_367 = arith.index_cast %add3A_334 : i32 to index
        %swap3A_368 = arith.constant 64 : index
        %swap3A_369 = tpu.vector_load %arg16[%swap3A_367, %swap3A_368] {strides = array<i32>} : memref<128x128xf32, #tpu.memory_space<vmem>>, vector<16xf32>,
        tpu.vector_store %arg16[%swap3A_367, %swap3A_368], %mul3A_366 {strides = array<i32>} : memref<128x128xf32, #tpu.memory_space<vmem>>, vector<16xf32>,
        %get3A_370 = arith.index_cast %add3A_334 : i32 to index
        %get3A_371 = arith.constant 80 : index
        %get3A_372 = tpu.vector_load %arg16[%get3A_370, %get3A_371] {strides = array<i32>} : memref<128x128xf32, #tpu.memory_space<vmem>>, vector<16xf32>,
        %mul3A_373 = arith.mulf %get3A_372, %broadcast_in_dim3A_330 : vector<16xf32>
        %swap3A_374 = arith.index_cast %add3A_334 : i32 to index
        %swap3A_375 = arith.constant 80 : index
        %swap3A_376 = tpu.vector_load %arg16[%swap3A_374, %swap3A_375] {strides = array<i32>} : memref<128x128xf32, #tpu.memory_space<vmem>>, vector<16xf32>,
        tpu.vector_store %arg16[%swap3A_374, %swap3A_375], %mul3A_373 {strides = array<i32>} : memref<128x128xf32, #tpu.memory_space<vmem>>, vector<16xf32>,
        %get3A_377 = arith.index_cast %add3A_334 : i32 to index
        %get3A_378 = arith.constant 96 : index
        %get3A_379 = tpu.vector_load %arg16[%get3A_377, %get3A_378] {strides = array<i32>} : memref<128x128xf32, #tpu.memory_space<vmem>>, vector<16xf32>,
        %mul3A_380 = arith.mulf %get3A_379, %broadcast_in_dim3A_330 : vector<16xf32>
        %swap3A_381 = arith.index_cast %add3A_334 : i32 to index
        %swap3A_382 = arith.constant 96 : index
        %swap3A_383 = tpu.vector_load %arg16[%swap3A_381, %swap3A_382] {strides = array<i32>} : memref<128x128xf32, #tpu.memory_space<vmem>>, vector<16xf32>,
        tpu.vector_store %arg16[%swap3A_381, %swap3A_382], %mul3A_380 {strides = array<i32>} : memref<128x128xf32, #tpu.memory_space<vmem>>, vector<16xf32>,
        %get3A_384 = arith.index_cast %add3A_334 : i32 to index
        %get3A_385 = arith.constant 112 : index
        %get3A_386 = tpu.vector_load %arg16[%get3A_384, %get3A_385] {strides = array<i32>} : memref<128x128xf32, #tpu.memory_space<vmem>>, vector<16xf32>,
        %mul3A_387 = arith.mulf %get3A_386, %broadcast_in_dim3A_330 : vector<16xf32>
        %swap3A_388 = arith.index_cast %add3A_334 : i32 to index
        %swap3A_389 = arith.constant 112 : index
        %swap3A_390 = tpu.vector_load %arg16[%swap3A_388, %swap3A_389] {strides = array<i32>} : memref<128x128xf32, #tpu.memory_space<vmem>>, vector<16xf32>,
        tpu.vector_store %arg16[%swap3A_388, %swap3A_389], %mul3A_387 {strides = array<i32>} : memref<128x128xf32, #tpu.memory_space<vmem>>, vector<16xf32>,
        %slice3A_391 = vector.extract_strided_slice %get3A_79 {offsets = [5], sizes = [1], strides = [1]} : vector<16xf32> to vector<1xf32>
        %squeeze3A_392 = vector.extract %slice3A_391[0] : f32 from vector<1xf32>
        %broadcast_in_dim3A_393 = vector.broadcast %squeeze3A_392 : f32 to vector<16xf32>
        %mul3A_394 = arith.constant 16 : i32
        %mul3A_395 = arith.muli %scan3A_75, %mul3A_394 : i32
        %add3A_396 = arith.constant 5 : i32
        %add3A_397 = arith.addi %mul3A_395, %add3A_396 : i32
        %get3A_398 = arith.index_cast %add3A_397 : i32 to index
        %get3A_399 = arith.constant 0 : index
        %get3A_400 = tpu.vector_load %arg16[%get3A_398, %get3A_399] {strides = array<i32>} : memref<128x128xf32, #tpu.memory_space<vmem>>, vector<16xf32>,
        %mul3A_401 = arith.mulf %get3A_400, %broadcast_in_dim3A_393 : vector<16xf32>
        %swap3A_402 = arith.index_cast %add3A_397 : i32 to index
        %swap3A_403 = arith.constant 0 : index
        %swap3A_404 = tpu.vector_load %arg16[%swap3A_402, %swap3A_403] {strides = array<i32>} : memref<128x128xf32, #tpu.memory_space<vmem>>, vector<16xf32>,
        tpu.vector_store %arg16[%swap3A_402, %swap3A_403], %mul3A_401 {strides = array<i32>} : memref<128x128xf32, #tpu.memory_space<vmem>>, vector<16xf32>,
        %get3A_405 = arith.index_cast %add3A_397 : i32 to index
        %get3A_406 = arith.constant 16 : index
        %get3A_407 = tpu.vector_load %arg16[%get3A_405, %get3A_406] {strides = array<i32>} : memref<128x128xf32, #tpu.memory_space<vmem>>, vector<16xf32>,
        %mul3A_408 = arith.mulf %get3A_407, %broadcast_in_dim3A_393 : vector<16xf32>
        %swap3A_409 = arith.index_cast %add3A_397 : i32 to index
        %swap3A_410 = arith.constant 16 : index
        %swap3A_411 = tpu.vector_load %arg16[%swap3A_409, %swap3A_410] {strides = array<i32>} : memref<128x128xf32, #tpu.memory_space<vmem>>, vector<16xf32>,
        tpu.vector_store %arg16[%swap3A_409, %swap3A_410], %mul3A_408 {strides = array<i32>} : memref<128x128xf32, #tpu.memory_space<vmem>>, vector<16xf32>,
        %get3A_412 = arith.index_cast %add3A_397 : i32 to index
        %get3A_413 = arith.constant 32 : index
        %get3A_414 = tpu.vector_load %arg16[%get3A_412, %get3A_413] {strides = array<i32>} : memref<128x128xf32, #tpu.memory_space<vmem>>, vector<16xf32>,
        %mul3A_415 = arith.mulf %get3A_414, %broadcast_in_dim3A_393 : vector<16xf32>
        %swap3A_416 = arith.index_cast %add3A_397 : i32 to index
        %swap3A_417 = arith.constant 32 : index
        %swap3A_418 = tpu.vector_load %arg16[%swap3A_416, %swap3A_417] {strides = array<i32>} : memref<128x128xf32, #tpu.memory_space<vmem>>, vector<16xf32>,
        tpu.vector_store %arg16[%swap3A_416, %swap3A_417], %mul3A_415 {strides = array<i32>} : memref<128x128xf32, #tpu.memory_space<vmem>>, vector<16xf32>,
        %get3A_419 = arith.index_cast %add3A_397 : i32 to index
        %get3A_420 = arith.constant 48 : index
        %get3A_421 = tpu.vector_load %arg16[%get3A_419, %get3A_420] {strides = array<i32>} : memref<128x128xf32, #tpu.memory_space<vmem>>, vector<16xf32>,
        %mul3A_422 = arith.mulf %get3A_421, %broadcast_in_dim3A_393 : vector<16xf32>
        %swap3A_423 = arith.index_cast %add3A_397 : i32 to index
        %swap3A_424 = arith.constant 48 : index
        %swap3A_425 = tpu.vector_load %arg16[%swap3A_423, %swap3A_424] {strides = array<i32>} : memref<128x128xf32, #tpu.memory_space<vmem>>, vector<16xf32>,
        tpu.vector_store %arg16[%swap3A_423, %swap3A_424], %mul3A_422 {strides = array<i32>} : memref<128x128xf32, #tpu.memory_space<vmem>>, vector<16xf32>,
        %get3A_426 = arith.index_cast %add3A_397 : i32 to index
        %get3A_427 = arith.constant 64 : index
        %get3A_428 = tpu.vector_load %arg16[%get3A_426, %get3A_427] {strides = array<i32>} : memref<128x128xf32, #tpu.memory_space<vmem>>, vector<16xf32>,
        %mul3A_429 = arith.mulf %get3A_428, %broadcast_in_dim3A_393 : vector<16xf32>
        %swap3A_430 = arith.index_cast %add3A_397 : i32 to index
        %swap3A_431 = arith.constant 64 : index
        %swap3A_432 = tpu.vector_load %arg16[%swap3A_430, %swap3A_431] {strides = array<i32>} : memref<128x128xf32, #tpu.memory_space<vmem>>, vector<16xf32>,
        tpu.vector_store %arg16[%swap3A_430, %swap3A_431], %mul3A_429 {strides = array<i32>} : memref<128x128xf32, #tpu.memory_space<vmem>>, vector<16xf32>,
        %get3A_433 = arith.index_cast %add3A_397 : i32 to index
        %get3A_434 = arith.constant 80 : index
        %get3A_435 = tpu.vector_load %arg16[%get3A_433, %get3A_434] {strides = array<i32>} : memref<128x128xf32, #tpu.memory_space<vmem>>, vector<16xf32>,
        %mul3A_436 = arith.mulf %get3A_435, %broadcast_in_dim3A_393 : vector<16xf32>
        %swap3A_437 = arith.index_cast %add3A_397 : i32 to index
        %swap3A_438 = arith.constant 80 : index
        %swap3A_439 = tpu.vector_load %arg16[%swap3A_437, %swap3A_438] {strides = array<i32>} : memref<128x128xf32, #tpu.memory_space<vmem>>, vector<16xf32>,
        tpu.vector_store %arg16[%swap3A_437, %swap3A_438], %mul3A_436 {strides = array<i32>} : memref<128x128xf32, #tpu.memory_space<vmem>>, vector<16xf32>,
        %get3A_440 = arith.index_cast %add3A_397 : i32 to index
        %get3A_441 = arith.constant 96 : index
        %get3A_442 = tpu.vector_load %arg16[%get3A_440, %get3A_441] {strides = array<i32>} : memref<128x128xf32, #tpu.memory_space<vmem>>, vector<16xf32>,
        %mul3A_443 = arith.mulf %get3A_442, %broadcast_in_dim3A_393 : vector<16xf32>
        %swap3A_444 = arith.index_cast %add3A_397 : i32 to index
        %swap3A_445 = arith.constant 96 : index
        %swap3A_446 = tpu.vector_load %arg16[%swap3A_444, %swap3A_445] {strides = array<i32>} : memref<128x128xf32, #tpu.memory_space<vmem>>, vector<16xf32>,
        tpu.vector_store %arg16[%swap3A_444, %swap3A_445], %mul3A_443 {strides = array<i32>} : memref<128x128xf32, #tpu.memory_space<vmem>>, vector<16xf32>,
        %get3A_447 = arith.index_cast %add3A_397 : i32 to index
        %get3A_448 = arith.constant 112 : index
        %get3A_449 = tpu.vector_load %arg16[%get3A_447, %get3A_448] {strides = array<i32>} : memref<128x128xf32, #tpu.memory_space<vmem>>, vector<16xf32>,
        %mul3A_450 = arith.mulf %get3A_449, %broadcast_in_dim3A_393 : vector<16xf32>
        %swap3A_451 = arith.index_cast %add3A_397 : i32 to index
        %swap3A_452 = arith.constant 112 : index
        %swap3A_453 = tpu.vector_load %arg16[%swap3A_451, %swap3A_452] {strides = array<i32>} : memref<128x128xf32, #tpu.memory_space<vmem>>, vector<16xf32>,
        tpu.vector_store %arg16[%swap3A_451, %swap3A_452], %mul3A_450 {strides = array<i32>} : memref<128x128xf32, #tpu.memory_space<vmem>>, vector<16xf32>,
        %slice3A_454 = vector.extract_strided_slice %get3A_79 {offsets = [6], sizes = [1], strides = [1]} : vector<16xf32> to vector<1xf32>
        %squeeze3A_455 = vector.extract %slice3A_454[0] : f32 from vector<1xf32>
        %broadcast_in_dim3A_456 = vector.broadcast %squeeze3A_455 : f32 to vector<16xf32>
        %mul3A_457 = arith.constant 16 : i32
        %mul3A_458 = arith.muli %scan3A_75, %mul3A_457 : i32
        %add3A_459 = arith.constant 6 : i32
        %add3A_460 = arith.addi %mul3A_458, %add3A_459 : i32
        %get3A_461 = arith.index_cast %add3A_460 : i32 to index
        %get3A_462 = arith.constant 0 : index
        %get3A_463 = tpu.vector_load %arg16[%get3A_461, %get3A_462] {strides = array<i32>} : memref<128x128xf32, #tpu.memory_space<vmem>>, vector<16xf32>,
        %mul3A_464 = arith.mulf %get3A_463, %broadcast_in_dim3A_456 : vector<16xf32>
        %swap3A_465 = arith.index_cast %add3A_460 : i32 to index
        %swap3A_466 = arith.constant 0 : index
        %swap3A_467 = tpu.vector_load %arg16[%swap3A_465, %swap3A_466] {strides = array<i32>} : memref<128x128xf32, #tpu.memory_space<vmem>>, vector<16xf32>,
        tpu.vector_store %arg16[%swap3A_465, %swap3A_466], %mul3A_464 {strides = array<i32>} : memref<128x128xf32, #tpu.memory_space<vmem>>, vector<16xf32>,
        %get3A_468 = arith.index_cast %add3A_460 : i32 to index
        %get3A_469 = arith.constant 16 : index
        %get3A_470 = tpu.vector_load %arg16[%get3A_468, %get3A_469] {strides = array<i32>} : memref<128x128xf32, #tpu.memory_space<vmem>>, vector<16xf32>,
        %mul3A_471 = arith.mulf %get3A_470, %broadcast_in_dim3A_456 : vector<16xf32>
        %swap3A_472 = arith.index_cast %add3A_460 : i32 to index
        %swap3A_473 = arith.constant 16 : index
        %swap3A_474 = tpu.vector_load %arg16[%swap3A_472, %swap3A_473] {strides = array<i32>} : memref<128x128xf32, #tpu.memory_space<vmem>>, vector<16xf32>,
        tpu.vector_store %arg16[%swap3A_472, %swap3A_473], %mul3A_471 {strides = array<i32>} : memref<128x128xf32, #tpu.memory_space<vmem>>, vector<16xf32>,
        %get3A_475 = arith.index_cast %add3A_460 : i32 to index
        %get3A_476 = arith.constant 32 : index
        %get3A_477 = tpu.vector_load %arg16[%get3A_475, %get3A_476] {strides = array<i32>} : memref<128x128xf32, #tpu.memory_space<vmem>>, vector<16xf32>,
        %mul3A_478 = arith.mulf %get3A_477, %broadcast_in_dim3A_456 : vector<16xf32>
        %swap3A_479 = arith.index_cast %add3A_460 : i32 to index
        %swap3A_480 = arith.constant 32 : index
        %swap3A_481 = tpu.vector_load %arg16[%swap3A_479, %swap3A_480] {strides = array<i32>} : memref<128x128xf32, #tpu.memory_space<vmem>>, vector<16xf32>,
        tpu.vector_store %arg16[%swap3A_479, %swap3A_480], %mul3A_478 {strides = array<i32>} : memref<128x128xf32, #tpu.memory_space<vmem>>, vector<16xf32>,
        %get3A_482 = arith.index_cast %add3A_460 : i32 to index
        %get3A_483 = arith.constant 48 : index
        %get3A_484 = tpu.vector_load %arg16[%get3A_482, %get3A_483] {strides = array<i32>} : memref<128x128xf32, #tpu.memory_space<vmem>>, vector<16xf32>,
        %mul3A_485 = arith.mulf %get3A_484, %broadcast_in_dim3A_456 : vector<16xf32>
        %swap3A_486 = arith.index_cast %add3A_460 : i32 to index
        %swap3A_487 = arith.constant 48 : index
        %swap3A_488 = tpu.vector_load %arg16[%swap3A_486, %swap3A_487] {strides = array<i32>} : memref<128x128xf32, #tpu.memory_space<vmem>>, vector<16xf32>,
        tpu.vector_store %arg16[%swap3A_486, %swap3A_487], %mul3A_485 {strides = array<i32>} : memref<128x128xf32, #tpu.memory_space<vmem>>, vector<16xf32>,
        %get3A_489 = arith.index_cast %add3A_460 : i32 to index
        %get3A_490 = arith.constant 64 : index
        %get3A_491 = tpu.vector_load %arg16[%get3A_489, %get3A_490] {strides = array<i32>} : memref<128x128xf32, #tpu.memory_space<vmem>>, vector<16xf32>,
        %mul3A_492 = arith.mulf %get3A_491, %broadcast_in_dim3A_456 : vector<16xf32>
        %swap3A_493 = arith.index_cast %add3A_460 : i32 to index
        %swap3A_494 = arith.constant 64 : index
        %swap3A_495 = tpu.vector_load %arg16[%swap3A_493, %swap3A_494] {strides = array<i32>} : memref<128x128xf32, #tpu.memory_space<vmem>>, vector<16xf32>,
        tpu.vector_store %arg16[%swap3A_493, %swap3A_494], %mul3A_492 {strides = array<i32>} : memref<128x128xf32, #tpu.memory_space<vmem>>, vector<16xf32>,
        %get3A_496 = arith.index_cast %add3A_460 : i32 to index
        %get3A_497 = arith.constant 80 : index
        %get3A_498 = tpu.vector_load %arg16[%get3A_496, %get3A_497] {strides = array<i32>} : memref<128x128xf32, #tpu.memory_space<vmem>>, vector<16xf32>,
        %mul3A_499 = arith.mulf %get3A_498, %broadcast_in_dim3A_456 : vector<16xf32>
        %swap3A_500 = arith.index_cast %add3A_460 : i32 to index
        %swap3A_501 = arith.constant 80 : index
        %swap3A_502 = tpu.vector_load %arg16[%swap3A_500, %swap3A_501] {strides = array<i32>} : memref<128x128xf32, #tpu.memory_space<vmem>>, vector<16xf32>,
        tpu.vector_store %arg16[%swap3A_500, %swap3A_501], %mul3A_499 {strides = array<i32>} : memref<128x128xf32, #tpu.memory_space<vmem>>, vector<16xf32>,
        %get3A_503 = arith.index_cast %add3A_460 : i32 to index
        %get3A_504 = arith.constant 96 : index
        %get3A_505 = tpu.vector_load %arg16[%get3A_503, %get3A_504] {strides = array<i32>} : memref<128x128xf32, #tpu.memory_space<vmem>>, vector<16xf32>,
        %mul3A_506 = arith.mulf %get3A_505, %broadcast_in_dim3A_456 : vector<16xf32>
        %swap3A_507 = arith.index_cast %add3A_460 : i32 to index
        %swap3A_508 = arith.constant 96 : index
        %swap3A_509 = tpu.vector_load %arg16[%swap3A_507, %swap3A_508] {strides = array<i32>} : memref<128x128xf32, #tpu.memory_space<vmem>>, vector<16xf32>,
        tpu.vector_store %arg16[%swap3A_507, %swap3A_508], %mul3A_506 {strides = array<i32>} : memref<128x128xf32, #tpu.memory_space<vmem>>, vector<16xf32>,
        %get3A_510 = arith.index_cast %add3A_460 : i32 to index
        %get3A_511 = arith.constant 112 : index
        %get3A_512 = tpu.vector_load %arg16[%get3A_510, %get3A_511] {strides = array<i32>} : memref<128x128xf32, #tpu.memory_space<vmem>>, vector<16xf32>,
        %mul3A_513 = arith.mulf %get3A_512, %broadcast_in_dim3A_456 : vector<16xf32>
        %swap3A_514 = arith.index_cast %add3A_460 : i32 to index
        %swap3A_515 = arith.constant 112 : index
        %swap3A_516 = tpu.vector_load %arg16[%swap3A_514, %swap3A_515] {strides = array<i32>} : memref<128x128xf32, #tpu.memory_space<vmem>>, vector<16xf32>,
        tpu.vector_store %arg16[%swap3A_514, %swap3A_515], %mul3A_513 {strides = array<i32>} : memref<128x128xf32, #tpu.memory_space<vmem>>, vector<16xf32>,
        %slice3A_517 = vector.extract_strided_slice %get3A_79 {offsets = [7], sizes = [1], strides = [1]} : vector<16xf32> to vector<1xf32>
        %squeeze3A_518 = vector.extract %slice3A_517[0] : f32 from vector<1xf32>
        %broadcast_in_dim3A_519 = vector.broadcast %squeeze3A_518 : f32 to vector<16xf32>
        %mul3A_520 = arith.constant 16 : i32
        %mul3A_521 = arith.muli %scan3A_75, %mul3A_520 : i32
        %add3A_522 = arith.constant 7 : i32
        %add3A_523 = arith.addi %mul3A_521, %add3A_522 : i32
        %get3A_524 = arith.index_cast %add3A_523 : i32 to index
        %get3A_525 = arith.constant 0 : index
        %get3A_526 = tpu.vector_load %arg16[%get3A_524, %get3A_525] {strides = array<i32>} : memref<128x128xf32, #tpu.memory_space<vmem>>, vector<16xf32>,
        %mul3A_527 = arith.mulf %get3A_526, %broadcast_in_dim3A_519 : vector<16xf32>
        %swap3A_528 = arith.index_cast %add3A_523 : i32 to index
        %swap3A_529 = arith.constant 0 : index
        %swap3A_530 = tpu.vector_load %arg16[%swap3A_528, %swap3A_529] {strides = array<i32>} : memref<128x128xf32, #tpu.memory_space<vmem>>, vector<16xf32>,
        tpu.vector_store %arg16[%swap3A_528, %swap3A_529], %mul3A_527 {strides = array<i32>} : memref<128x128xf32, #tpu.memory_space<vmem>>, vector<16xf32>,
        %get3A_531 = arith.index_cast %add3A_523 : i32 to index
        %get3A_532 = arith.constant 16 : index
        %get3A_533 = tpu.vector_load %arg16[%get3A_531, %get3A_532] {strides = array<i32>} : memref<128x128xf32, #tpu.memory_space<vmem>>, vector<16xf32>,
        %mul3A_534 = arith.mulf %get3A_533, %broadcast_in_dim3A_519 : vector<16xf32>
        %swap3A_535 = arith.index_cast %add3A_523 : i32 to index
        %swap3A_536 = arith.constant 16 : index
        %swap3A_537 = tpu.vector_load %arg16[%swap3A_535, %swap3A_536] {strides = array<i32>} : memref<128x128xf32, #tpu.memory_space<vmem>>, vector<16xf32>,
        tpu.vector_store %arg16[%swap3A_535, %swap3A_536], %mul3A_534 {strides = array<i32>} : memref<128x128xf32, #tpu.memory_space<vmem>>, vector<16xf32>,
        %get3A_538 = arith.index_cast %add3A_523 : i32 to index
        %get3A_539 = arith.constant 32 : index
        %get3A_540 = tpu.vector_load %arg16[%get3A_538, %get3A_539] {strides = array<i32>} : memref<128x128xf32, #tpu.memory_space<vmem>>, vector<16xf32>,
        %mul3A_541 = arith.mulf %get3A_540, %broadcast_in_dim3A_519 : vector<16xf32>
        %swap3A_542 = arith.index_cast %add3A_523 : i32 to index
        %swap3A_543 = arith.constant 32 : index
        %swap3A_544 = tpu.vector_load %arg16[%swap3A_542, %swap3A_543] {strides = array<i32>} : memref<128x128xf32, #tpu.memory_space<vmem>>, vector<16xf32>,
        tpu.vector_store %arg16[%swap3A_542, %swap3A_543], %mul3A_541 {strides = array<i32>} : memref<128x128xf32, #tpu.memory_space<vmem>>, vector<16xf32>,
        %get3A_545 = arith.index_cast %add3A_523 : i32 to index
        %get3A_546 = arith.constant 48 : index
        %get3A_547 = tpu.vector_load %arg16[%get3A_545, %get3A_546] {strides = array<i32>} : memref<128x128xf32, #tpu.memory_space<vmem>>, vector<16xf32>,
        %mul3A_548 = arith.mulf %get3A_547, %broadcast_in_dim3A_519 : vector<16xf32>
        %swap3A_549 = arith.index_cast %add3A_523 : i32 to index
        %swap3A_550 = arith.constant 48 : index
        %swap3A_551 = tpu.vector_load %arg16[%swap3A_549, %swap3A_550] {strides = array<i32>} : memref<128x128xf32, #tpu.memory_space<vmem>>, vector<16xf32>,
        tpu.vector_store %arg16[%swap3A_549, %swap3A_550], %mul3A_548 {strides = array<i32>} : memref<128x128xf32, #tpu.memory_space<vmem>>, vector<16xf32>,
        %get3A_552 = arith.index_cast %add3A_523 : i32 to index
        %get3A_553 = arith.constant 64 : index
        %get3A_554 = tpu.vector_load %arg16[%get3A_552, %get3A_553] {strides = array<i32>} : memref<128x128xf32, #tpu.memory_space<vmem>>, vector<16xf32>,
        %mul3A_555 = arith.mulf %get3A_554, %broadcast_in_dim3A_519 : vector<16xf32>
        %swap3A_556 = arith.index_cast %add3A_523 : i32 to index
        %swap3A_557 = arith.constant 64 : index
        %swap3A_558 = tpu.vector_load %arg16[%swap3A_556, %swap3A_557] {strides = array<i32>} : memref<128x128xf32, #tpu.memory_space<vmem>>, vector<16xf32>,
        tpu.vector_store %arg16[%swap3A_556, %swap3A_557], %mul3A_555 {strides = array<i32>} : memref<128x128xf32, #tpu.memory_space<vmem>>, vector<16xf32>,
        %get3A_559 = arith.index_cast %add3A_523 : i32 to index
        %get3A_560 = arith.constant 80 : index
        %get3A_561 = tpu.vector_load %arg16[%get3A_559, %get3A_560] {strides = array<i32>} : memref<128x128xf32, #tpu.memory_space<vmem>>, vector<16xf32>,
        %mul3A_562 = arith.mulf %get3A_561, %broadcast_in_dim3A_519 : vector<16xf32>
        %swap3A_563 = arith.index_cast %add3A_523 : i32 to index
        %swap3A_564 = arith.constant 80 : index
        %swap3A_565 = tpu.vector_load %arg16[%swap3A_563, %swap3A_564] {strides = array<i32>} : memref<128x128xf32, #tpu.memory_space<vmem>>, vector<16xf32>,
        tpu.vector_store %arg16[%swap3A_563, %swap3A_564], %mul3A_562 {strides = array<i32>} : memref<128x128xf32, #tpu.memory_space<vmem>>, vector<16xf32>,
        %get3A_566 = arith.index_cast %add3A_523 : i32 to index
        %get3A_567 = arith.constant 96 : index
        %get3A_568 = tpu.vector_load %arg16[%get3A_566, %get3A_567] {strides = array<i32>} : memref<128x128xf32, #tpu.memory_space<vmem>>, vector<16xf32>,
        %mul3A_569 = arith.mulf %get3A_568, %broadcast_in_dim3A_519 : vector<16xf32>
        %swap3A_570 = arith.index_cast %add3A_523 : i32 to index
        %swap3A_571 = arith.constant 96 : index
        %swap3A_572 = tpu.vector_load %arg16[%swap3A_570, %swap3A_571] {strides = array<i32>} : memref<128x128xf32, #tpu.memory_space<vmem>>, vector<16xf32>,
        tpu.vector_store %arg16[%swap3A_570, %swap3A_571], %mul3A_569 {strides = array<i32>} : memref<128x128xf32, #tpu.memory_space<vmem>>, vector<16xf32>,
        %get3A_573 = arith.index_cast %add3A_523 : i32 to index
        %get3A_574 = arith.constant 112 : index
        %get3A_575 = tpu.vector_load %arg16[%get3A_573, %get3A_574] {strides = array<i32>} : memref<128x128xf32, #tpu.memory_space<vmem>>, vector<16xf32>,
        %mul3A_576 = arith.mulf %get3A_575, %broadcast_in_dim3A_519 : vector<16xf32>
        %swap3A_577 = arith.index_cast %add3A_523 : i32 to index
        %swap3A_578 = arith.constant 112 : index
        %swap3A_579 = tpu.vector_load %arg16[%swap3A_577, %swap3A_578] {strides = array<i32>} : memref<128x128xf32, #tpu.memory_space<vmem>>, vector<16xf32>,
        tpu.vector_store %arg16[%swap3A_577, %swap3A_578], %mul3A_576 {strides = array<i32>} : memref<128x128xf32, #tpu.memory_space<vmem>>, vector<16xf32>,
        %slice3A_580 = vector.extract_strided_slice %get3A_79 {offsets = [8], sizes = [1], strides = [1]} : vector<16xf32> to vector<1xf32>
        %squeeze3A_581 = vector.extract %slice3A_580[0] : f32 from vector<1xf32>
        %broadcast_in_dim3A_582 = vector.broadcast %squeeze3A_581 : f32 to vector<16xf32>
        %mul3A_583 = arith.constant 16 : i32
        %mul3A_584 = arith.muli %scan3A_75, %mul3A_583 : i32
        %add3A_585 = arith.constant 8 : i32
        %add3A_586 = arith.addi %mul3A_584, %add3A_585 : i32
        %get3A_587 = arith.index_cast %add3A_586 : i32 to index
        %get3A_588 = arith.constant 0 : index
        %get3A_589 = tpu.vector_load %arg16[%get3A_587, %get3A_588] {strides = array<i32>} : memref<128x128xf32, #tpu.memory_space<vmem>>, vector<16xf32>,
        %mul3A_590 = arith.mulf %get3A_589, %broadcast_in_dim3A_582 : vector<16xf32>
        %swap3A_591 = arith.index_cast %add3A_586 : i32 to index
        %swap3A_592 = arith.constant 0 : index
        %swap3A_593 = tpu.vector_load %arg16[%swap3A_591, %swap3A_592] {strides = array<i32>} : memref<128x128xf32, #tpu.memory_space<vmem>>, vector<16xf32>,
        tpu.vector_store %arg16[%swap3A_591, %swap3A_592], %mul3A_590 {strides = array<i32>} : memref<128x128xf32, #tpu.memory_space<vmem>>, vector<16xf32>,
        %get3A_594 = arith.index_cast %add3A_586 : i32 to index
        %get3A_595 = arith.constant 16 : index
        %get3A_596 = tpu.vector_load %arg16[%get3A_594, %get3A_595] {strides = array<i32>} : memref<128x128xf32, #tpu.memory_space<vmem>>, vector<16xf32>,
        %mul3A_597 = arith.mulf %get3A_596, %broadcast_in_dim3A_582 : vector<16xf32>
        %swap3A_598 = arith.index_cast %add3A_586 : i32 to index
        %swap3A_599 = arith.constant 16 : index
        %swap3A_600 = tpu.vector_load %arg16[%swap3A_598, %swap3A_599] {strides = array<i32>} : memref<128x128xf32, #tpu.memory_space<vmem>>, vector<16xf32>,
        tpu.vector_store %arg16[%swap3A_598, %swap3A_599], %mul3A_597 {strides = array<i32>} : memref<128x128xf32, #tpu.memory_space<vmem>>, vector<16xf32>,
        %get3A_601 = arith.index_cast %add3A_586 : i32 to index
        %get3A_602 = arith.constant 32 : index
        %get3A_603 = tpu.vector_load %arg16[%get3A_601, %get3A_602] {strides = array<i32>} : memref<128x128xf32, #tpu.memory_space<vmem>>, vector<16xf32>,
        %mul3A_604 = arith.mulf %get3A_603, %broadcast_in_dim3A_582 : vector<16xf32>
        %swap3A_605 = arith.index_cast %add3A_586 : i32 to index
        %swap3A_606 = arith.constant 32 : index
        %swap3A_607 = tpu.vector_load %arg16[%swap3A_605, %swap3A_606] {strides = array<i32>} : memref<128x128xf32, #tpu.memory_space<vmem>>, vector<16xf32>,
        tpu.vector_store %arg16[%swap3A_605, %swap3A_606], %mul3A_604 {strides = array<i32>} : memref<128x128xf32, #tpu.memory_space<vmem>>, vector<16xf32>,
        %get3A_608 = arith.index_cast %add3A_586 : i32 to index
        %get3A_609 = arith.constant 48 : index
        %get3A_610 = tpu.vector_load %arg16[%get3A_608, %get3A_609] {strides = array<i32>} : memref<128x128xf32, #tpu.memory_space<vmem>>, vector<16xf32>,
        %mul3A_611 = arith.mulf %get3A_610, %broadcast_in_dim3A_582 : vector<16xf32>
        %swap3A_612 = arith.index_cast %add3A_586 : i32 to index
        %swap3A_613 = arith.constant 48 : index
        %swap3A_614 = tpu.vector_load %arg16[%swap3A_612, %swap3A_613] {strides = array<i32>} : memref<128x128xf32, #tpu.memory_space<vmem>>, vector<16xf32>,
        tpu.vector_store %arg16[%swap3A_612, %swap3A_613], %mul3A_611 {strides = array<i32>} : memref<128x128xf32, #tpu.memory_space<vmem>>, vector<16xf32>,
        %get3A_615 = arith.index_cast %add3A_586 : i32 to index
        %get3A_616 = arith.constant 64 : index
        %get3A_617 = tpu.vector_load %arg16[%get3A_615, %get3A_616] {strides = array<i32>} : memref<128x128xf32, #tpu.memory_space<vmem>>, vector<16xf32>,
        %mul3A_618 = arith.mulf %get3A_617, %broadcast_in_dim3A_582 : vector<16xf32>
        %swap3A_619 = arith.index_cast %add3A_586 : i32 to index
        %swap3A_620 = arith.constant 64 : index
        %swap3A_621 = tpu.vector_load %arg16[%swap3A_619, %swap3A_620] {strides = array<i32>} : memref<128x128xf32, #tpu.memory_space<vmem>>, vector<16xf32>,
        tpu.vector_store %arg16[%swap3A_619, %swap3A_620], %mul3A_618 {strides = array<i32>} : memref<128x128xf32, #tpu.memory_space<vmem>>, vector<16xf32>,
        %get3A_622 = arith.index_cast %add3A_586 : i32 to index
        %get3A_623 = arith.constant 80 : index
        %get3A_624 = tpu.vector_load %arg16[%get3A_622, %get3A_623] {strides = array<i32>} : memref<128x128xf32, #tpu.memory_space<vmem>>, vector<16xf32>,
        %mul3A_625 = arith.mulf %get3A_624, %broadcast_in_dim3A_582 : vector<16xf32>
        %swap3A_626 = arith.index_cast %add3A_586 : i32 to index
        %swap3A_627 = arith.constant 80 : index
        %swap3A_628 = tpu.vector_load %arg16[%swap3A_626, %swap3A_627] {strides = array<i32>} : memref<128x128xf32, #tpu.memory_space<vmem>>, vector<16xf32>,
        tpu.vector_store %arg16[%swap3A_626, %swap3A_627], %mul3A_625 {strides = array<i32>} : memref<128x128xf32, #tpu.memory_space<vmem>>, vector<16xf32>,
        %get3A_629 = arith.index_cast %add3A_586 : i32 to index
        %get3A_630 = arith.constant 96 : index
        %get3A_631 = tpu.vector_load %arg16[%get3A_629, %get3A_630] {strides = array<i32>} : memref<128x128xf32, #tpu.memory_space<vmem>>, vector<16xf32>,
        %mul3A_632 = arith.mulf %get3A_631, %broadcast_in_dim3A_582 : vector<16xf32>
        %swap3A_633 = arith.index_cast %add3A_586 : i32 to index
        %swap3A_634 = arith.constant 96 : index
        %swap3A_635 = tpu.vector_load %arg16[%swap3A_633, %swap3A_634] {strides = array<i32>} : memref<128x128xf32, #tpu.memory_space<vmem>>, vector<16xf32>,
        tpu.vector_store %arg16[%swap3A_633, %swap3A_634], %mul3A_632 {strides = array<i32>} : memref<128x128xf32, #tpu.memory_space<vmem>>, vector<16xf32>,
        %get3A_636 = arith.index_cast %add3A_586 : i32 to index
        %get3A_637 = arith.constant 112 : index
        %get3A_638 = tpu.vector_load %arg16[%get3A_636, %get3A_637] {strides = array<i32>} : memref<128x128xf32, #tpu.memory_space<vmem>>, vector<16xf32>,
        %mul3A_639 = arith.mulf %get3A_638, %broadcast_in_dim3A_582 : vector<16xf32>
        %swap3A_640 = arith.index_cast %add3A_586 : i32 to index
        %swap3A_641 = arith.constant 112 : index
        %swap3A_642 = tpu.vector_load %arg16[%swap3A_640, %swap3A_641] {strides = array<i32>} : memref<128x128xf32, #tpu.memory_space<vmem>>, vector<16xf32>,
        tpu.vector_store %arg16[%swap3A_640, %swap3A_641], %mul3A_639 {strides = array<i32>} : memref<128x128xf32, #tpu.memory_space<vmem>>, vector<16xf32>,
        %slice3A_643 = vector.extract_strided_slice %get3A_79 {offsets = [9], sizes = [1], strides = [1]} : vector<16xf32> to vector<1xf32>
        %squeeze3A_644 = vector.extract %slice3A_643[0] : f32 from vector<1xf32>
        %broadcast_in_dim3A_645 = vector.broadcast %squeeze3A_644 : f32 to vector<16xf32>
        %mul3A_646 = arith.constant 16 : i32
        %mul3A_647 = arith.muli %scan3A_75, %mul3A_646 : i32
        %add3A_648 = arith.constant 9 : i32
        %add3A_649 = arith.addi %mul3A_647, %add3A_648 : i32
        %get3A_650 = arith.index_cast %add3A_649 : i32 to index
        %get3A_651 = arith.constant 0 : index
        %get3A_652 = tpu.vector_load %arg16[%get3A_650, %get3A_651] {strides = array<i32>} : memref<128x128xf32, #tpu.memory_space<vmem>>, vector<16xf32>,
        %mul3A_653 = arith.mulf %get3A_652, %broadcast_in_dim3A_645 : vector<16xf32>
        %swap3A_654 = arith.index_cast %add3A_649 : i32 to index
        %swap3A_655 = arith.constant 0 : index
        %swap3A_656 = tpu.vector_load %arg16[%swap3A_654, %swap3A_655] {strides = array<i32>} : memref<128x128xf32, #tpu.memory_space<vmem>>, vector<16xf32>,
        tpu.vector_store %arg16[%swap3A_654, %swap3A_655], %mul3A_653 {strides = array<i32>} : memref<128x128xf32, #tpu.memory_space<vmem>>, vector<16xf32>,
        %get3A_657 = arith.index_cast %add3A_649 : i32 to index
        %get3A_658 = arith.constant 16 : index
        %get3A_659 = tpu.vector_load %arg16[%get3A_657, %get3A_658] {strides = array<i32>} : memref<128x128xf32, #tpu.memory_space<vmem>>, vector<16xf32>,
        %mul3A_660 = arith.mulf %get3A_659, %broadcast_in_dim3A_645 : vector<16xf32>
        %swap3A_661 = arith.index_cast %add3A_649 : i32 to index
        %swap3A_662 = arith.constant 16 : index
        %swap3A_663 = tpu.vector_load %arg16[%swap3A_661, %swap3A_662] {strides = array<i32>} : memref<128x128xf32, #tpu.memory_space<vmem>>, vector<16xf32>,
        tpu.vector_store %arg16[%swap3A_661, %swap3A_662], %mul3A_660 {strides = array<i32>} : memref<128x128xf32, #tpu.memory_space<vmem>>, vector<16xf32>,
        %get3A_664 = arith.index_cast %add3A_649 : i32 to index
        %get3A_665 = arith.constant 32 : index
        %get3A_666 = tpu.vector_load %arg16[%get3A_664, %get3A_665] {strides = array<i32>} : memref<128x128xf32, #tpu.memory_space<vmem>>, vector<16xf32>,
        %mul3A_667 = arith.mulf %get3A_666, %broadcast_in_dim3A_645 : vector<16xf32>
        %swap3A_668 = arith.index_cast %add3A_649 : i32 to index
        %swap3A_669 = arith.constant 32 : index
        %swap3A_670 = tpu.vector_load %arg16[%swap3A_668, %swap3A_669] {strides = array<i32>} : memref<128x128xf32, #tpu.memory_space<vmem>>, vector<16xf32>,
        tpu.vector_store %arg16[%swap3A_668, %swap3A_669], %mul3A_667 {strides = array<i32>} : memref<128x128xf32, #tpu.memory_space<vmem>>, vector<16xf32>,
        %get3A_671 = arith.index_cast %add3A_649 : i32 to index
        %get3A_672 = arith.constant 48 : index
        %get3A_673 = tpu.vector_load %arg16[%get3A_671, %get3A_672] {strides = array<i32>} : memref<128x128xf32, #tpu.memory_space<vmem>>, vector<16xf32>,
        %mul3A_674 = arith.mulf %get3A_673, %broadcast_in_dim3A_645 : vector<16xf32>
        %swap3A_675 = arith.index_cast %add3A_649 : i32 to index
        %swap3A_676 = arith.constant 48 : index
        %swap3A_677 = tpu.vector_load %arg16[%swap3A_675, %swap3A_676] {strides = array<i32>} : memref<128x128xf32, #tpu.memory_space<vmem>>, vector<16xf32>,
        tpu.vector_store %arg16[%swap3A_675, %swap3A_676], %mul3A_674 {strides = array<i32>} : memref<128x128xf32, #tpu.memory_space<vmem>>, vector<16xf32>,
        %get3A_678 = arith.index_cast %add3A_649 : i32 to index
        %get3A_679 = arith.constant 64 : index
        %get3A_680 = tpu.vector_load %arg16[%get3A_678, %get3A_679] {strides = array<i32>} : memref<128x128xf32, #tpu.memory_space<vmem>>, vector<16xf32>,
        %mul3A_681 = arith.mulf %get3A_680, %broadcast_in_dim3A_645 : vector<16xf32>
        %swap3A_682 = arith.index_cast %add3A_649 : i32 to index
        %swap3A_683 = arith.constant 64 : index
        %swap3A_684 = tpu.vector_load %arg16[%swap3A_682, %swap3A_683] {strides = array<i32>} : memref<128x128xf32, #tpu.memory_space<vmem>>, vector<16xf32>,
        tpu.vector_store %arg16[%swap3A_682, %swap3A_683], %mul3A_681 {strides = array<i32>} : memref<128x128xf32, #tpu.memory_space<vmem>>, vector<16xf32>,
        %get3A_685 = arith.index_cast %add3A_649 : i32 to index
        %get3A_686 = arith.constant 80 : index
        %get3A_687 = tpu.vector_load %arg16[%get3A_685, %get3A_686] {strides = array<i32>} : memref<128x128xf32, #tpu.memory_space<vmem>>, vector<16xf32>,
        %mul3A_688 = arith.mulf %get3A_687, %broadcast_in_dim3A_645 : vector<16xf32>
        %swap3A_689 = arith.index_cast %add3A_649 : i32 to index
        %swap3A_690 = arith.constant 80 : index
        %swap3A_691 = tpu.vector_load %arg16[%swap3A_689, %swap3A_690] {strides = array<i32>} : memref<128x128xf32, #tpu.memory_space<vmem>>, vector<16xf32>,
        tpu.vector_store %arg16[%swap3A_689, %swap3A_690], %mul3A_688 {strides = array<i32>} : memref<128x128xf32, #tpu.memory_space<vmem>>, vector<16xf32>,
        %get3A_692 = arith.index_cast %add3A_649 : i32 to index
        %get3A_693 = arith.constant 96 : index
        %get3A_694 = tpu.vector_load %arg16[%get3A_692, %get3A_693] {strides = array<i32>} : memref<128x128xf32, #tpu.memory_space<vmem>>, vector<16xf32>,
        %mul3A_695 = arith.mulf %get3A_694, %broadcast_in_dim3A_645 : vector<16xf32>
        %swap3A_696 = arith.index_cast %add3A_649 : i32 to index
        %swap3A_697 = arith.constant 96 : index
        %swap3A_698 = tpu.vector_load %arg16[%swap3A_696, %swap3A_697] {strides = array<i32>} : memref<128x128xf32, #tpu.memory_space<vmem>>, vector<16xf32>,
        tpu.vector_store %arg16[%swap3A_696, %swap3A_697], %mul3A_695 {strides = array<i32>} : memref<128x128xf32, #tpu.memory_space<vmem>>, vector<16xf32>,
        %get3A_699 = arith.index_cast %add3A_649 : i32 to index
        %get3A_700 = arith.constant 112 : index
        %get3A_701 = tpu.vector_load %arg16[%get3A_699, %get3A_700] {strides = array<i32>} : memref<128x128xf32, #tpu.memory_space<vmem>>, vector<16xf32>,
        %mul3A_702 = arith.mulf %get3A_701, %broadcast_in_dim3A_645 : vector<16xf32>
        %swap3A_703 = arith.index_cast %add3A_649 : i32 to index
        %swap3A_704 = arith.constant 112 : index
        %swap3A_705 = tpu.vector_load %arg16[%swap3A_703, %swap3A_704] {strides = array<i32>} : memref<128x128xf32, #tpu.memory_space<vmem>>, vector<16xf32>,
        tpu.vector_store %arg16[%swap3A_703, %swap3A_704], %mul3A_702 {strides = array<i32>} : memref<128x128xf32, #tpu.memory_space<vmem>>, vector<16xf32>,
        %slice3A_706 = vector.extract_strided_slice %get3A_79 {offsets = [10], sizes = [1], strides = [1]} : vector<16xf32> to vector<1xf32>
        %squeeze3A_707 = vector.extract %slice3A_706[0] : f32 from vector<1xf32>
        %broadcast_in_dim3A_708 = vector.broadcast %squeeze3A_707 : f32 to vector<16xf32>
        %mul3A_709 = arith.constant 16 : i32
        %mul3A_710 = arith.muli %scan3A_75, %mul3A_709 : i32
        %add3A_711 = arith.constant 10 : i32
        %add3A_712 = arith.addi %mul3A_710, %add3A_711 : i32
        %get3A_713 = arith.index_cast %add3A_712 : i32 to index
        %get3A_714 = arith.constant 0 : index
        %get3A_715 = tpu.vector_load %arg16[%get3A_713, %get3A_714] {strides = array<i32>} : memref<128x128xf32, #tpu.memory_space<vmem>>, vector<16xf32>,
        %mul3A_716 = arith.mulf %get3A_715, %broadcast_in_dim3A_708 : vector<16xf32>
        %swap3A_717 = arith.index_cast %add3A_712 : i32 to index
        %swap3A_718 = arith.constant 0 : index
        %swap3A_719 = tpu.vector_load %arg16[%swap3A_717, %swap3A_718] {strides = array<i32>} : memref<128x128xf32, #tpu.memory_space<vmem>>, vector<16xf32>,
        tpu.vector_store %arg16[%swap3A_717, %swap3A_718], %mul3A_716 {strides = array<i32>} : memref<128x128xf32, #tpu.memory_space<vmem>>, vector<16xf32>,
        %get3A_720 = arith.index_cast %add3A_712 : i32 to index
        %get3A_721 = arith.constant 16 : index
        %get3A_722 = tpu.vector_load %arg16[%get3A_720, %get3A_721] {strides = array<i32>} : memref<128x128xf32, #tpu.memory_space<vmem>>, vector<16xf32>,
        %mul3A_723 = arith.mulf %get3A_722, %broadcast_in_dim3A_708 : vector<16xf32>
        %swap3A_724 = arith.index_cast %add3A_712 : i32 to index
        %swap3A_725 = arith.constant 16 : index
        %swap3A_726 = tpu.vector_load %arg16[%swap3A_724, %swap3A_725] {strides = array<i32>} : memref<128x128xf32, #tpu.memory_space<vmem>>, vector<16xf32>,
        tpu.vector_store %arg16[%swap3A_724, %swap3A_725], %mul3A_723 {strides = array<i32>} : memref<128x128xf32, #tpu.memory_space<vmem>>, vector<16xf32>,
        %get3A_727 = arith.index_cast %add3A_712 : i32 to index
        %get3A_728 = arith.constant 32 : index
        %get3A_729 = tpu.vector_load %arg16[%get3A_727, %get3A_728] {strides = array<i32>} : memref<128x128xf32, #tpu.memory_space<vmem>>, vector<16xf32>,
        %mul3A_730 = arith.mulf %get3A_729, %broadcast_in_dim3A_708 : vector<16xf32>
        %swap3A_731 = arith.index_cast %add3A_712 : i32 to index
        %swap3A_732 = arith.constant 32 : index
        %swap3A_733 = tpu.vector_load %arg16[%swap3A_731, %swap3A_732] {strides = array<i32>} : memref<128x128xf32, #tpu.memory_space<vmem>>, vector<16xf32>,
        tpu.vector_store %arg16[%swap3A_731, %swap3A_732], %mul3A_730 {strides = array<i32>} : memref<128x128xf32, #tpu.memory_space<vmem>>, vector<16xf32>,
        %get3A_734 = arith.index_cast %add3A_712 : i32 to index
        %get3A_735 = arith.constant 48 : index
        %get3A_736 = tpu.vector_load %arg16[%get3A_734, %get3A_735] {strides = array<i32>} : memref<128x128xf32, #tpu.memory_space<vmem>>, vector<16xf32>,
        %mul3A_737 = arith.mulf %get3A_736, %broadcast_in_dim3A_708 : vector<16xf32>
        %swap3A_738 = arith.index_cast %add3A_712 : i32 to index
        %swap3A_739 = arith.constant 48 : index
        %swap3A_740 = tpu.vector_load %arg16[%swap3A_738, %swap3A_739] {strides = array<i32>} : memref<128x128xf32, #tpu.memory_space<vmem>>, vector<16xf32>,
        tpu.vector_store %arg16[%swap3A_738, %swap3A_739], %mul3A_737 {strides = array<i32>} : memref<128x128xf32, #tpu.memory_space<vmem>>, vector<16xf32>,
        %get3A_741 = arith.index_cast %add3A_712 : i32 to index
        %get3A_742 = arith.constant 64 : index
        %get3A_743 = tpu.vector_load %arg16[%get3A_741, %get3A_742] {strides = array<i32>} : memref<128x128xf32, #tpu.memory_space<vmem>>, vector<16xf32>,
        %mul3A_744 = arith.mulf %get3A_743, %broadcast_in_dim3A_708 : vector<16xf32>
        %swap3A_745 = arith.index_cast %add3A_712 : i32 to index
        %swap3A_746 = arith.constant 64 : index
        %swap3A_747 = tpu.vector_load %arg16[%swap3A_745, %swap3A_746] {strides = array<i32>} : memref<128x128xf32, #tpu.memory_space<vmem>>, vector<16xf32>,
        tpu.vector_store %arg16[%swap3A_745, %swap3A_746], %mul3A_744 {strides = array<i32>} : memref<128x128xf32, #tpu.memory_space<vmem>>, vector<16xf32>,
        %get3A_748 = arith.index_cast %add3A_712 : i32 to index
        %get3A_749 = arith.constant 80 : index
        %get3A_750 = tpu.vector_load %arg16[%get3A_748, %get3A_749] {strides = array<i32>} : memref<128x128xf32, #tpu.memory_space<vmem>>, vector<16xf32>,
        %mul3A_751 = arith.mulf %get3A_750, %broadcast_in_dim3A_708 : vector<16xf32>
        %swap3A_752 = arith.index_cast %add3A_712 : i32 to index
        %swap3A_753 = arith.constant 80 : index
        %swap3A_754 = tpu.vector_load %arg16[%swap3A_752, %swap3A_753] {strides = array<i32>} : memref<128x128xf32, #tpu.memory_space<vmem>>, vector<16xf32>,
        tpu.vector_store %arg16[%swap3A_752, %swap3A_753], %mul3A_751 {strides = array<i32>} : memref<128x128xf32, #tpu.memory_space<vmem>>, vector<16xf32>,
        %get3A_755 = arith.index_cast %add3A_712 : i32 to index
        %get3A_756 = arith.constant 96 : index
        %get3A_757 = tpu.vector_load %arg16[%get3A_755, %get3A_756] {strides = array<i32>} : memref<128x128xf32, #tpu.memory_space<vmem>>, vector<16xf32>,
        %mul3A_758 = arith.mulf %get3A_757, %broadcast_in_dim3A_708 : vector<16xf32>
        %swap3A_759 = arith.index_cast %add3A_712 : i32 to index
        %swap3A_760 = arith.constant 96 : index
        %swap3A_761 = tpu.vector_load %arg16[%swap3A_759, %swap3A_760] {strides = array<i32>} : memref<128x128xf32, #tpu.memory_space<vmem>>, vector<16xf32>,
        tpu.vector_store %arg16[%swap3A_759, %swap3A_760], %mul3A_758 {strides = array<i32>} : memref<128x128xf32, #tpu.memory_space<vmem>>, vector<16xf32>,
        %get3A_762 = arith.index_cast %add3A_712 : i32 to index
        %get3A_763 = arith.constant 112 : index
        %get3A_764 = tpu.vector_load %arg16[%get3A_762, %get3A_763] {strides = array<i32>} : memref<128x128xf32, #tpu.memory_space<vmem>>, vector<16xf32>,
        %mul3A_765 = arith.mulf %get3A_764, %broadcast_in_dim3A_708 : vector<16xf32>
        %swap3A_766 = arith.index_cast %add3A_712 : i32 to index
        %swap3A_767 = arith.constant 112 : index
        %swap3A_768 = tpu.vector_load %arg16[%swap3A_766, %swap3A_767] {strides = array<i32>} : memref<128x128xf32, #tpu.memory_space<vmem>>, vector<16xf32>,
        tpu.vector_store %arg16[%swap3A_766, %swap3A_767], %mul3A_765 {strides = array<i32>} : memref<128x128xf32, #tpu.memory_space<vmem>>, vector<16xf32>,
        %slice3A_769 = vector.extract_strided_slice %get3A_79 {offsets = [11], sizes = [1], strides = [1]} : vector<16xf32> to vector<1xf32>
        %squeeze3A_770 = vector.extract %slice3A_769[0] : f32 from vector<1xf32>
        %broadcast_in_dim3A_771 = vector.broadcast %squeeze3A_770 : f32 to vector<16xf32>
        %mul3A_772 = arith.constant 16 : i32
        %mul3A_773 = arith.muli %scan3A_75, %mul3A_772 : i32
        %add3A_774 = arith.constant 11 : i32
        %add3A_775 = arith.addi %mul3A_773, %add3A_774 : i32
        %get3A_776 = arith.index_cast %add3A_775 : i32 to index
        %get3A_777 = arith.constant 0 : index
        %get3A_778 = tpu.vector_load %arg16[%get3A_776, %get3A_777] {strides = array<i32>} : memref<128x128xf32, #tpu.memory_space<vmem>>, vector<16xf32>,
        %mul3A_779 = arith.mulf %get3A_778, %broadcast_in_dim3A_771 : vector<16xf32>
        %swap3A_780 = arith.index_cast %add3A_775 : i32 to index
        %swap3A_781 = arith.constant 0 : index
        %swap3A_782 = tpu.vector_load %arg16[%swap3A_780, %swap3A_781] {strides = array<i32>} : memref<128x128xf32, #tpu.memory_space<vmem>>, vector<16xf32>,
        tpu.vector_store %arg16[%swap3A_780, %swap3A_781], %mul3A_779 {strides = array<i32>} : memref<128x128xf32, #tpu.memory_space<vmem>>, vector<16xf32>,
        %get3A_783 = arith.index_cast %add3A_775 : i32 to index
        %get3A_784 = arith.constant 16 : index
        %get3A_785 = tpu.vector_load %arg16[%get3A_783, %get3A_784] {strides = array<i32>} : memref<128x128xf32, #tpu.memory_space<vmem>>, vector<16xf32>,
        %mul3A_786 = arith.mulf %get3A_785, %broadcast_in_dim3A_771 : vector<16xf32>
        %swap3A_787 = arith.index_cast %add3A_775 : i32 to index
        %swap3A_788 = arith.constant 16 : index
        %swap3A_789 = tpu.vector_load %arg16[%swap3A_787, %swap3A_788] {strides = array<i32>} : memref<128x128xf32, #tpu.memory_space<vmem>>, vector<16xf32>,
        tpu.vector_store %arg16[%swap3A_787, %swap3A_788], %mul3A_786 {strides = array<i32>} : memref<128x128xf32, #tpu.memory_space<vmem>>, vector<16xf32>,
        %get3A_790 = arith.index_cast %add3A_775 : i32 to index
        %get3A_791 = arith.constant 32 : index
        %get3A_792 = tpu.vector_load %arg16[%get3A_790, %get3A_791] {strides = array<i32>} : memref<128x128xf32, #tpu.memory_space<vmem>>, vector<16xf32>,
        %mul3A_793 = arith.mulf %get3A_792, %broadcast_in_dim3A_771 : vector<16xf32>
        %swap3A_794 = arith.index_cast %add3A_775 : i32 to index
        %swap3A_795 = arith.constant 32 : index
        %swap3A_796 = tpu.vector_load %arg16[%swap3A_794, %swap3A_795] {strides = array<i32>} : memref<128x128xf32, #tpu.memory_space<vmem>>, vector<16xf32>,
        tpu.vector_store %arg16[%swap3A_794, %swap3A_795], %mul3A_793 {strides = array<i32>} : memref<128x128xf32, #tpu.memory_space<vmem>>, vector<16xf32>,
        %get3A_797 = arith.index_cast %add3A_775 : i32 to index
        %get3A_798 = arith.constant 48 : index
        %get3A_799 = tpu.vector_load %arg16[%get3A_797, %get3A_798] {strides = array<i32>} : memref<128x128xf32, #tpu.memory_space<vmem>>, vector<16xf32>,
        %mul3A_800 = arith.mulf %get3A_799, %broadcast_in_dim3A_771 : vector<16xf32>
        %swap3A_801 = arith.index_cast %add3A_775 : i32 to index
        %swap3A_802 = arith.constant 48 : index
        %swap3A_803 = tpu.vector_load %arg16[%swap3A_801, %swap3A_802] {strides = array<i32>} : memref<128x128xf32, #tpu.memory_space<vmem>>, vector<16xf32>,
        tpu.vector_store %arg16[%swap3A_801, %swap3A_802], %mul3A_800 {strides = array<i32>} : memref<128x128xf32, #tpu.memory_space<vmem>>, vector<16xf32>,
        %get3A_804 = arith.index_cast %add3A_775 : i32 to index
        %get3A_805 = arith.constant 64 : index
        %get3A_806 = tpu.vector_load %arg16[%get3A_804, %get3A_805] {strides = array<i32>} : memref<128x128xf32, #tpu.memory_space<vmem>>, vector<16xf32>,
        %mul3A_807 = arith.mulf %get3A_806, %broadcast_in_dim3A_771 : vector<16xf32>
        %swap3A_808 = arith.index_cast %add3A_775 : i32 to index
        %swap3A_809 = arith.constant 64 : index
        %swap3A_810 = tpu.vector_load %arg16[%swap3A_808, %swap3A_809] {strides = array<i32>} : memref<128x128xf32, #tpu.memory_space<vmem>>, vector<16xf32>,
        tpu.vector_store %arg16[%swap3A_808, %swap3A_809], %mul3A_807 {strides = array<i32>} : memref<128x128xf32, #tpu.memory_space<vmem>>, vector<16xf32>,
        %get3A_811 = arith.index_cast %add3A_775 : i32 to index
        %get3A_812 = arith.constant 80 : index
        %get3A_813 = tpu.vector_load %arg16[%get3A_811, %get3A_812] {strides = array<i32>} : memref<128x128xf32, #tpu.memory_space<vmem>>, vector<16xf32>,
        %mul3A_814 = arith.mulf %get3A_813, %broadcast_in_dim3A_771 : vector<16xf32>
        %swap3A_815 = arith.index_cast %add3A_775 : i32 to index
        %swap3A_816 = arith.constant 80 : index
        %swap3A_817 = tpu.vector_load %arg16[%swap3A_815, %swap3A_816] {strides = array<i32>} : memref<128x128xf32, #tpu.memory_space<vmem>>, vector<16xf32>,
        tpu.vector_store %arg16[%swap3A_815, %swap3A_816], %mul3A_814 {strides = array<i32>} : memref<128x128xf32, #tpu.memory_space<vmem>>, vector<16xf32>,
        %get3A_818 = arith.index_cast %add3A_775 : i32 to index
        %get3A_819 = arith.constant 96 : index
        %get3A_820 = tpu.vector_load %arg16[%get3A_818, %get3A_819] {strides = array<i32>} : memref<128x128xf32, #tpu.memory_space<vmem>>, vector<16xf32>,
        %mul3A_821 = arith.mulf %get3A_820, %broadcast_in_dim3A_771 : vector<16xf32>
        %swap3A_822 = arith.index_cast %add3A_775 : i32 to index
        %swap3A_823 = arith.constant 96 : index
        %swap3A_824 = tpu.vector_load %arg16[%swap3A_822, %swap3A_823] {strides = array<i32>} : memref<128x128xf32, #tpu.memory_space<vmem>>, vector<16xf32>,
        tpu.vector_store %arg16[%swap3A_822, %swap3A_823], %mul3A_821 {strides = array<i32>} : memref<128x128xf32, #tpu.memory_space<vmem>>, vector<16xf32>,
        %get3A_825 = arith.index_cast %add3A_775 : i32 to index
        %get3A_826 = arith.constant 112 : index
        %get3A_827 = tpu.vector_load %arg16[%get3A_825, %get3A_826] {strides = array<i32>} : memref<128x128xf32, #tpu.memory_space<vmem>>, vector<16xf32>,
        %mul3A_828 = arith.mulf %get3A_827, %broadcast_in_dim3A_771 : vector<16xf32>
        %swap3A_829 = arith.index_cast %add3A_775 : i32 to index
        %swap3A_830 = arith.constant 112 : index
        %swap3A_831 = tpu.vector_load %arg16[%swap3A_829, %swap3A_830] {strides = array<i32>} : memref<128x128xf32, #tpu.memory_space<vmem>>, vector<16xf32>,
        tpu.vector_store %arg16[%swap3A_829, %swap3A_830], %mul3A_828 {strides = array<i32>} : memref<128x128xf32, #tpu.memory_space<vmem>>, vector<16xf32>,
        %slice3A_832 = vector.extract_strided_slice %get3A_79 {offsets = [12], sizes = [1], strides = [1]} : vector<16xf32> to vector<1xf32>
        %squeeze3A_833 = vector.extract %slice3A_832[0] : f32 from vector<1xf32>
        %broadcast_in_dim3A_834 = vector.broadcast %squeeze3A_833 : f32 to vector<16xf32>
        %mul3A_835 = arith.constant 16 : i32
        %mul3A_836 = arith.muli %scan3A_75, %mul3A_835 : i32
        %add3A_837 = arith.constant 12 : i32
        %add3A_838 = arith.addi %mul3A_836, %add3A_837 : i32
        %get3A_839 = arith.index_cast %add3A_838 : i32 to index
        %get3A_840 = arith.constant 0 : index
        %get3A_841 = tpu.vector_load %arg16[%get3A_839, %get3A_840] {strides = array<i32>} : memref<128x128xf32, #tpu.memory_space<vmem>>, vector<16xf32>,
        %mul3A_842 = arith.mulf %get3A_841, %broadcast_in_dim3A_834 : vector<16xf32>
        %swap3A_843 = arith.index_cast %add3A_838 : i32 to index
        %swap3A_844 = arith.constant 0 : index
        %swap3A_845 = tpu.vector_load %arg16[%swap3A_843, %swap3A_844] {strides = array<i32>} : memref<128x128xf32, #tpu.memory_space<vmem>>, vector<16xf32>,
        tpu.vector_store %arg16[%swap3A_843, %swap3A_844], %mul3A_842 {strides = array<i32>} : memref<128x128xf32, #tpu.memory_space<vmem>>, vector<16xf32>,
        %get3A_846 = arith.index_cast %add3A_838 : i32 to index
        %get3A_847 = arith.constant 16 : index
        %get3A_848 = tpu.vector_load %arg16[%get3A_846, %get3A_847] {strides = array<i32>} : memref<128x128xf32, #tpu.memory_space<vmem>>, vector<16xf32>,
        %mul3A_849 = arith.mulf %get3A_848, %broadcast_in_dim3A_834 : vector<16xf32>
        %swap3A_850 = arith.index_cast %add3A_838 : i32 to index
        %swap3A_851 = arith.constant 16 : index
        %swap3A_852 = tpu.vector_load %arg16[%swap3A_850, %swap3A_851] {strides = array<i32>} : memref<128x128xf32, #tpu.memory_space<vmem>>, vector<16xf32>,
        tpu.vector_store %arg16[%swap3A_850, %swap3A_851], %mul3A_849 {strides = array<i32>} : memref<128x128xf32, #tpu.memory_space<vmem>>, vector<16xf32>,
        %get3A_853 = arith.index_cast %add3A_838 : i32 to index
        %get3A_854 = arith.constant 32 : index
        %get3A_855 = tpu.vector_load %arg16[%get3A_853, %get3A_854] {strides = array<i32>} : memref<128x128xf32, #tpu.memory_space<vmem>>, vector<16xf32>,
        %mul3A_856 = arith.mulf %get3A_855, %broadcast_in_dim3A_834 : vector<16xf32>
        %swap3A_857 = arith.index_cast %add3A_838 : i32 to index
        %swap3A_858 = arith.constant 32 : index
        %swap3A_859 = tpu.vector_load %arg16[%swap3A_857, %swap3A_858] {strides = array<i32>} : memref<128x128xf32, #tpu.memory_space<vmem>>, vector<16xf32>,
        tpu.vector_store %arg16[%swap3A_857, %swap3A_858], %mul3A_856 {strides = array<i32>} : memref<128x128xf32, #tpu.memory_space<vmem>>, vector<16xf32>,
        %get3A_860 = arith.index_cast %add3A_838 : i32 to index
        %get3A_861 = arith.constant 48 : index
        %get3A_862 = tpu.vector_load %arg16[%get3A_860, %get3A_861] {strides = array<i32>} : memref<128x128xf32, #tpu.memory_space<vmem>>, vector<16xf32>,
        %mul3A_863 = arith.mulf %get3A_862, %broadcast_in_dim3A_834 : vector<16xf32>
        %swap3A_864 = arith.index_cast %add3A_838 : i32 to index
        %swap3A_865 = arith.constant 48 : index
        %swap3A_866 = tpu.vector_load %arg16[%swap3A_864, %swap3A_865] {strides = array<i32>} : memref<128x128xf32, #tpu.memory_space<vmem>>, vector<16xf32>,
        tpu.vector_store %arg16[%swap3A_864, %swap3A_865], %mul3A_863 {strides = array<i32>} : memref<128x128xf32, #tpu.memory_space<vmem>>, vector<16xf32>,
        %get3A_867 = arith.index_cast %add3A_838 : i32 to index
        %get3A_868 = arith.constant 64 : index
        %get3A_869 = tpu.vector_load %arg16[%get3A_867, %get3A_868] {strides = array<i32>} : memref<128x128xf32, #tpu.memory_space<vmem>>, vector<16xf32>,
        %mul3A_870 = arith.mulf %get3A_869, %broadcast_in_dim3A_834 : vector<16xf32>
        %swap3A_871 = arith.index_cast %add3A_838 : i32 to index
        %swap3A_872 = arith.constant 64 : index
        %swap3A_873 = tpu.vector_load %arg16[%swap3A_871, %swap3A_872] {strides = array<i32>} : memref<128x128xf32, #tpu.memory_space<vmem>>, vector<16xf32>,
        tpu.vector_store %arg16[%swap3A_871, %swap3A_872], %mul3A_870 {strides = array<i32>} : memref<128x128xf32, #tpu.memory_space<vmem>>, vector<16xf32>,
        %get3A_874 = arith.index_cast %add3A_838 : i32 to index
        %get3A_875 = arith.constant 80 : index
        %get3A_876 = tpu.vector_load %arg16[%get3A_874, %get3A_875] {strides = array<i32>} : memref<128x128xf32, #tpu.memory_space<vmem>>, vector<16xf32>,
        %mul3A_877 = arith.mulf %get3A_876, %broadcast_in_dim3A_834 : vector<16xf32>
        %swap3A_878 = arith.index_cast %add3A_838 : i32 to index
        %swap3A_879 = arith.constant 80 : index
        %swap3A_880 = tpu.vector_load %arg16[%swap3A_878, %swap3A_879] {strides = array<i32>} : memref<128x128xf32, #tpu.memory_space<vmem>>, vector<16xf32>,
        tpu.vector_store %arg16[%swap3A_878, %swap3A_879], %mul3A_877 {strides = array<i32>} : memref<128x128xf32, #tpu.memory_space<vmem>>, vector<16xf32>,
        %get3A_881 = arith.index_cast %add3A_838 : i32 to index
        %get3A_882 = arith.constant 96 : index
        %get3A_883 = tpu.vector_load %arg16[%get3A_881, %get3A_882] {strides = array<i32>} : memref<128x128xf32, #tpu.memory_space<vmem>>, vector<16xf32>,
        %mul3A_884 = arith.mulf %get3A_883, %broadcast_in_dim3A_834 : vector<16xf32>
        %swap3A_885 = arith.index_cast %add3A_838 : i32 to index
        %swap3A_886 = arith.constant 96 : index
        %swap3A_887 = tpu.vector_load %arg16[%swap3A_885, %swap3A_886] {strides = array<i32>} : memref<128x128xf32, #tpu.memory_space<vmem>>, vector<16xf32>,
        tpu.vector_store %arg16[%swap3A_885, %swap3A_886], %mul3A_884 {strides = array<i32>} : memref<128x128xf32, #tpu.memory_space<vmem>>, vector<16xf32>,
        %get3A_888 = arith.index_cast %add3A_838 : i32 to index
        %get3A_889 = arith.constant 112 : index
        %get3A_890 = tpu.vector_load %arg16[%get3A_888, %get3A_889] {strides = array<i32>} : memref<128x128xf32, #tpu.memory_space<vmem>>, vector<16xf32>,
        %mul3A_891 = arith.mulf %get3A_890, %broadcast_in_dim3A_834 : vector<16xf32>
        %swap3A_892 = arith.index_cast %add3A_838 : i32 to index
        %swap3A_893 = arith.constant 112 : index
        %swap3A_894 = tpu.vector_load %arg16[%swap3A_892, %swap3A_893] {strides = array<i32>} : memref<128x128xf32, #tpu.memory_space<vmem>>, vector<16xf32>,
        tpu.vector_store %arg16[%swap3A_892, %swap3A_893], %mul3A_891 {strides = array<i32>} : memref<128x128xf32, #tpu.memory_space<vmem>>, vector<16xf32>,
        %slice3A_895 = vector.extract_strided_slice %get3A_79 {offsets = [13], sizes = [1], strides = [1]} : vector<16xf32> to vector<1xf32>
        %squeeze3A_896 = vector.extract %slice3A_895[0] : f32 from vector<1xf32>
        %broadcast_in_dim3A_897 = vector.broadcast %squeeze3A_896 : f32 to vector<16xf32>
        %mul3A_898 = arith.constant 16 : i32
        %mul3A_899 = arith.muli %scan3A_75, %mul3A_898 : i32
        %add3A_900 = arith.constant 13 : i32
        %add3A_901 = arith.addi %mul3A_899, %add3A_900 : i32
        %get3A_902 = arith.index_cast %add3A_901 : i32 to index
        %get3A_903 = arith.constant 0 : index
        %get3A_904 = tpu.vector_load %arg16[%get3A_902, %get3A_903] {strides = array<i32>} : memref<128x128xf32, #tpu.memory_space<vmem>>, vector<16xf32>,
        %mul3A_905 = arith.mulf %get3A_904, %broadcast_in_dim3A_897 : vector<16xf32>
        %swap3A_906 = arith.index_cast %add3A_901 : i32 to index
        %swap3A_907 = arith.constant 0 : index
        %swap3A_908 = tpu.vector_load %arg16[%swap3A_906, %swap3A_907] {strides = array<i32>} : memref<128x128xf32, #tpu.memory_space<vmem>>, vector<16xf32>,
        tpu.vector_store %arg16[%swap3A_906, %swap3A_907], %mul3A_905 {strides = array<i32>} : memref<128x128xf32, #tpu.memory_space<vmem>>, vector<16xf32>,
        %get3A_909 = arith.index_cast %add3A_901 : i32 to index
        %get3A_910 = arith.constant 16 : index
        %get3A_911 = tpu.vector_load %arg16[%get3A_909, %get3A_910] {strides = array<i32>} : memref<128x128xf32, #tpu.memory_space<vmem>>, vector<16xf32>,
        %mul3A_912 = arith.mulf %get3A_911, %broadcast_in_dim3A_897 : vector<16xf32>
        %swap3A_913 = arith.index_cast %add3A_901 : i32 to index
        %swap3A_914 = arith.constant 16 : index
        %swap3A_915 = tpu.vector_load %arg16[%swap3A_913, %swap3A_914] {strides = array<i32>} : memref<128x128xf32, #tpu.memory_space<vmem>>, vector<16xf32>,
        tpu.vector_store %arg16[%swap3A_913, %swap3A_914], %mul3A_912 {strides = array<i32>} : memref<128x128xf32, #tpu.memory_space<vmem>>, vector<16xf32>,
        %get3A_916 = arith.index_cast %add3A_901 : i32 to index
        %get3A_917 = arith.constant 32 : index
        %get3A_918 = tpu.vector_load %arg16[%get3A_916, %get3A_917] {strides = array<i32>} : memref<128x128xf32, #tpu.memory_space<vmem>>, vector<16xf32>,
        %mul3A_919 = arith.mulf %get3A_918, %broadcast_in_dim3A_897 : vector<16xf32>
        %swap3A_920 = arith.index_cast %add3A_901 : i32 to index
        %swap3A_921 = arith.constant 32 : index
        %swap3A_922 = tpu.vector_load %arg16[%swap3A_920, %swap3A_921] {strides = array<i32>} : memref<128x128xf32, #tpu.memory_space<vmem>>, vector<16xf32>,
        tpu.vector_store %arg16[%swap3A_920, %swap3A_921], %mul3A_919 {strides = array<i32>} : memref<128x128xf32, #tpu.memory_space<vmem>>, vector<16xf32>,
        %get3A_923 = arith.index_cast %add3A_901 : i32 to index
        %get3A_924 = arith.constant 48 : index
        %get3A_925 = tpu.vector_load %arg16[%get3A_923, %get3A_924] {strides = array<i32>} : memref<128x128xf32, #tpu.memory_space<vmem>>, vector<16xf32>,
        %mul3A_926 = arith.mulf %get3A_925, %broadcast_in_dim3A_897 : vector<16xf32>
        %swap3A_927 = arith.index_cast %add3A_901 : i32 to index
        %swap3A_928 = arith.constant 48 : index
        %swap3A_929 = tpu.vector_load %arg16[%swap3A_927, %swap3A_928] {strides = array<i32>} : memref<128x128xf32, #tpu.memory_space<vmem>>, vector<16xf32>,
        tpu.vector_store %arg16[%swap3A_927, %swap3A_928], %mul3A_926 {strides = array<i32>} : memref<128x128xf32, #tpu.memory_space<vmem>>, vector<16xf32>,
        %get3A_930 = arith.index_cast %add3A_901 : i32 to index
        %get3A_931 = arith.constant 64 : index
        %get3A_932 = tpu.vector_load %arg16[%get3A_930, %get3A_931] {strides = array<i32>} : memref<128x128xf32, #tpu.memory_space<vmem>>, vector<16xf32>,
        %mul3A_933 = arith.mulf %get3A_932, %broadcast_in_dim3A_897 : vector<16xf32>
        %swap3A_934 = arith.index_cast %add3A_901 : i32 to index
        %swap3A_935 = arith.constant 64 : index
        %swap3A_936 = tpu.vector_load %arg16[%swap3A_934, %swap3A_935] {strides = array<i32>} : memref<128x128xf32, #tpu.memory_space<vmem>>, vector<16xf32>,
        tpu.vector_store %arg16[%swap3A_934, %swap3A_935], %mul3A_933 {strides = array<i32>} : memref<128x128xf32, #tpu.memory_space<vmem>>, vector<16xf32>,
        %get3A_937 = arith.index_cast %add3A_901 : i32 to index
        %get3A_938 = arith.constant 80 : index
        %get3A_939 = tpu.vector_load %arg16[%get3A_937, %get3A_938] {strides = array<i32>} : memref<128x128xf32, #tpu.memory_space<vmem>>, vector<16xf32>,
        %mul3A_940 = arith.mulf %get3A_939, %broadcast_in_dim3A_897 : vector<16xf32>
        %swap3A_941 = arith.index_cast %add3A_901 : i32 to index
        %swap3A_942 = arith.constant 80 : index
        %swap3A_943 = tpu.vector_load %arg16[%swap3A_941, %swap3A_942] {strides = array<i32>} : memref<128x128xf32, #tpu.memory_space<vmem>>, vector<16xf32>,
        tpu.vector_store %arg16[%swap3A_941, %swap3A_942], %mul3A_940 {strides = array<i32>} : memref<128x128xf32, #tpu.memory_space<vmem>>, vector<16xf32>,
        %get3A_944 = arith.index_cast %add3A_901 : i32 to index
        %get3A_945 = arith.constant 96 : index
        %get3A_946 = tpu.vector_load %arg16[%get3A_944, %get3A_945] {strides = array<i32>} : memref<128x128xf32, #tpu.memory_space<vmem>>, vector<16xf32>,
        %mul3A_947 = arith.mulf %get3A_946, %broadcast_in_dim3A_897 : vector<16xf32>
        %swap3A_948 = arith.index_cast %add3A_901 : i32 to index
        %swap3A_949 = arith.constant 96 : index
        %swap3A_950 = tpu.vector_load %arg16[%swap3A_948, %swap3A_949] {strides = array<i32>} : memref<128x128xf32, #tpu.memory_space<vmem>>, vector<16xf32>,
        tpu.vector_store %arg16[%swap3A_948, %swap3A_949], %mul3A_947 {strides = array<i32>} : memref<128x128xf32, #tpu.memory_space<vmem>>, vector<16xf32>,
        %get3A_951 = arith.index_cast %add3A_901 : i32 to index
        %get3A_952 = arith.constant 112 : index
        %get3A_953 = tpu.vector_load %arg16[%get3A_951, %get3A_952] {strides = array<i32>} : memref<128x128xf32, #tpu.memory_space<vmem>>, vector<16xf32>,
        %mul3A_954 = arith.mulf %get3A_953, %broadcast_in_dim3A_897 : vector<16xf32>
        %swap3A_955 = arith.index_cast %add3A_901 : i32 to index
        %swap3A_956 = arith.constant 112 : index
        %swap3A_957 = tpu.vector_load %arg16[%swap3A_955, %swap3A_956] {strides = array<i32>} : memref<128x128xf32, #tpu.memory_space<vmem>>, vector<16xf32>,
        tpu.vector_store %arg16[%swap3A_955, %swap3A_956], %mul3A_954 {strides = array<i32>} : memref<128x128xf32, #tpu.memory_space<vmem>>, vector<16xf32>,
        %slice3A_958 = vector.extract_strided_slice %get3A_79 {offsets = [14], sizes = [1], strides = [1]} : vector<16xf32> to vector<1xf32>
        %squeeze3A_959 = vector.extract %slice3A_958[0] : f32 from vector<1xf32>
        %broadcast_in_dim3A_960 = vector.broadcast %squeeze3A_959 : f32 to vector<16xf32>
        %mul3A_961 = arith.constant 16 : i32
        %mul3A_962 = arith.muli %scan3A_75, %mul3A_961 : i32
        %add3A_963 = arith.constant 14 : i32
        %add3A_964 = arith.addi %mul3A_962, %add3A_963 : i32
        %get3A_965 = arith.index_cast %add3A_964 : i32 to index
        %get3A_966 = arith.constant 0 : index
        %get3A_967 = tpu.vector_load %arg16[%get3A_965, %get3A_966] {strides = array<i32>} : memref<128x128xf32, #tpu.memory_space<vmem>>, vector<16xf32>,
        %mul3A_968 = arith.mulf %get3A_967, %broadcast_in_dim3A_960 : vector<16xf32>
        %swap3A_969 = arith.index_cast %add3A_964 : i32 to index
        %swap3A_970 = arith.constant 0 : index
        %swap3A_971 = tpu.vector_load %arg16[%swap3A_969, %swap3A_970] {strides = array<i32>} : memref<128x128xf32, #tpu.memory_space<vmem>>, vector<16xf32>,
        tpu.vector_store %arg16[%swap3A_969, %swap3A_970], %mul3A_968 {strides = array<i32>} : memref<128x128xf32, #tpu.memory_space<vmem>>, vector<16xf32>,
        %get3A_972 = arith.index_cast %add3A_964 : i32 to index
        %get3A_973 = arith.constant 16 : index
        %get3A_974 = tpu.vector_load %arg16[%get3A_972, %get3A_973] {strides = array<i32>} : memref<128x128xf32, #tpu.memory_space<vmem>>, vector<16xf32>,
        %mul3A_975 = arith.mulf %get3A_974, %broadcast_in_dim3A_960 : vector<16xf32>
        %swap3A_976 = arith.index_cast %add3A_964 : i32 to index
        %swap3A_977 = arith.constant 16 : index
        %swap3A_978 = tpu.vector_load %arg16[%swap3A_976, %swap3A_977] {strides = array<i32>} : memref<128x128xf32, #tpu.memory_space<vmem>>, vector<16xf32>,
        tpu.vector_store %arg16[%swap3A_976, %swap3A_977], %mul3A_975 {strides = array<i32>} : memref<128x128xf32, #tpu.memory_space<vmem>>, vector<16xf32>,
        %get3A_979 = arith.index_cast %add3A_964 : i32 to index
        %get3A_980 = arith.constant 32 : index
        %get3A_981 = tpu.vector_load %arg16[%get3A_979, %get3A_980] {strides = array<i32>} : memref<128x128xf32, #tpu.memory_space<vmem>>, vector<16xf32>,
        %mul3A_982 = arith.mulf %get3A_981, %broadcast_in_dim3A_960 : vector<16xf32>
        %swap3A_983 = arith.index_cast %add3A_964 : i32 to index
        %swap3A_984 = arith.constant 32 : index
        %swap3A_985 = tpu.vector_load %arg16[%swap3A_983, %swap3A_984] {strides = array<i32>} : memref<128x128xf32, #tpu.memory_space<vmem>>, vector<16xf32>,
        tpu.vector_store %arg16[%swap3A_983, %swap3A_984], %mul3A_982 {strides = array<i32>} : memref<128x128xf32, #tpu.memory_space<vmem>>, vector<16xf32>,
        %get3A_986 = arith.index_cast %add3A_964 : i32 to index
        %get3A_987 = arith.constant 48 : index
        %get3A_988 = tpu.vector_load %arg16[%get3A_986, %get3A_987] {strides = array<i32>} : memref<128x128xf32, #tpu.memory_space<vmem>>, vector<16xf32>,
        %mul3A_989 = arith.mulf %get3A_988, %broadcast_in_dim3A_960 : vector<16xf32>
        %swap3A_990 = arith.index_cast %add3A_964 : i32 to index
        %swap3A_991 = arith.constant 48 : index
        %swap3A_992 = tpu.vector_load %arg16[%swap3A_990, %swap3A_991] {strides = array<i32>} : memref<128x128xf32, #tpu.memory_space<vmem>>, vector<16xf32>,
        tpu.vector_store %arg16[%swap3A_990, %swap3A_991], %mul3A_989 {strides = array<i32>} : memref<128x128xf32, #tpu.memory_space<vmem>>, vector<16xf32>,
        %get3A_993 = arith.index_cast %add3A_964 : i32 to index
        %get3A_994 = arith.constant 64 : index
        %get3A_995 = tpu.vector_load %arg16[%get3A_993, %get3A_994] {strides = array<i32>} : memref<128x128xf32, #tpu.memory_space<vmem>>, vector<16xf32>,
        %mul3A_996 = arith.mulf %get3A_995, %broadcast_in_dim3A_960 : vector<16xf32>
        %swap3A_997 = arith.index_cast %add3A_964 : i32 to index
        %swap3A_998 = arith.constant 64 : index
        %swap3A_999 = tpu.vector_load %arg16[%swap3A_997, %swap3A_998] {strides = array<i32>} : memref<128x128xf32, #tpu.memory_space<vmem>>, vector<16xf32>,
        tpu.vector_store %arg16[%swap3A_997, %swap3A_998], %mul3A_996 {strides = array<i32>} : memref<128x128xf32, #tpu.memory_space<vmem>>, vector<16xf32>,
        %get3A_1000 = arith.index_cast %add3A_964 : i32 to index
        %get3A_1001 = arith.constant 80 : index
        %get3A_1002 = tpu.vector_load %arg16[%get3A_1000, %get3A_1001] {strides = array<i32>} : memref<128x128xf32, #tpu.memory_space<vmem>>, vector<16xf32>,
        %mul3A_1003 = arith.mulf %get3A_1002, %broadcast_in_dim3A_960 : vector<16xf32>
        %swap3A_1004 = arith.index_cast %add3A_964 : i32 to index
        %swap3A_1005 = arith.constant 80 : index
        %swap3A_1006 = tpu.vector_load %arg16[%swap3A_1004, %swap3A_1005] {strides = array<i32>} : memref<128x128xf32, #tpu.memory_space<vmem>>, vector<16xf32>,
        tpu.vector_store %arg16[%swap3A_1004, %swap3A_1005], %mul3A_1003 {strides = array<i32>} : memref<128x128xf32, #tpu.memory_space<vmem>>, vector<16xf32>,
        %get3A_1007 = arith.index_cast %add3A_964 : i32 to index
        %get3A_1008 = arith.constant 96 : index
        %get3A_1009 = tpu.vector_load %arg16[%get3A_1007, %get3A_1008] {strides = array<i32>} : memref<128x128xf32, #tpu.memory_space<vmem>>, vector<16xf32>,
        %mul3A_1010 = arith.mulf %get3A_1009, %broadcast_in_dim3A_960 : vector<16xf32>
        %swap3A_1011 = arith.index_cast %add3A_964 : i32 to index
        %swap3A_1012 = arith.constant 96 : index
        %swap3A_1013 = tpu.vector_load %arg16[%swap3A_1011, %swap3A_1012] {strides = array<i32>} : memref<128x128xf32, #tpu.memory_space<vmem>>, vector<16xf32>,
        tpu.vector_store %arg16[%swap3A_1011, %swap3A_1012], %mul3A_1010 {strides = array<i32>} : memref<128x128xf32, #tpu.memory_space<vmem>>, vector<16xf32>,
        %get3A_1014 = arith.index_cast %add3A_964 : i32 to index
        %get3A_1015 = arith.constant 112 : index
        %get3A_1016 = tpu.vector_load %arg16[%get3A_1014, %get3A_1015] {strides = array<i32>} : memref<128x128xf32, #tpu.memory_space<vmem>>, vector<16xf32>,
        %mul3A_1017 = arith.mulf %get3A_1016, %broadcast_in_dim3A_960 : vector<16xf32>
        %swap3A_1018 = arith.index_cast %add3A_964 : i32 to index
        %swap3A_1019 = arith.constant 112 : index
        %swap3A_1020 = tpu.vector_load %arg16[%swap3A_1018, %swap3A_1019] {strides = array<i32>} : memref<128x128xf32, #tpu.memory_space<vmem>>, vector<16xf32>,
        tpu.vector_store %arg16[%swap3A_1018, %swap3A_1019], %mul3A_1017 {strides = array<i32>} : memref<128x128xf32, #tpu.memory_space<vmem>>, vector<16xf32>,
        %slice3A_1021 = vector.extract_strided_slice %get3A_79 {offsets = [15], sizes = [1], strides = [1]} : vector<16xf32> to vector<1xf32>
        %squeeze3A_1022 = vector.extract %slice3A_1021[0] : f32 from vector<1xf32>
        %broadcast_in_dim3A_1023 = vector.broadcast %squeeze3A_1022 : f32 to vector<16xf32>
        %mul3A_1024 = arith.constant 16 : i32
        %mul3A_1025 = arith.muli %scan3A_75, %mul3A_1024 : i32
        %add3A_1026 = arith.constant 15 : i32
        %add3A_1027 = arith.addi %mul3A_1025, %add3A_1026 : i32
        %get3A_1028 = arith.index_cast %add3A_1027 : i32 to index
        %get3A_1029 = arith.constant 0 : index
        %get3A_1030 = tpu.vector_load %arg16[%get3A_1028, %get3A_1029] {strides = array<i32>} : memref<128x128xf32, #tpu.memory_space<vmem>>, vector<16xf32>,
        %mul3A_1031 = arith.mulf %get3A_1030, %broadcast_in_dim3A_1023 : vector<16xf32>
        %swap3A_1032 = arith.index_cast %add3A_1027 : i32 to index
        %swap3A_1033 = arith.constant 0 : index
        %swap3A_1034 = tpu.vector_load %arg16[%swap3A_1032, %swap3A_1033] {strides = array<i32>} : memref<128x128xf32, #tpu.memory_space<vmem>>, vector<16xf32>,
        tpu.vector_store %arg16[%swap3A_1032, %swap3A_1033], %mul3A_1031 {strides = array<i32>} : memref<128x128xf32, #tpu.memory_space<vmem>>, vector<16xf32>,
        %get3A_1035 = arith.index_cast %add3A_1027 : i32 to index
        %get3A_1036 = arith.constant 16 : index
        %get3A_1037 = tpu.vector_load %arg16[%get3A_1035, %get3A_1036] {strides = array<i32>} : memref<128x128xf32, #tpu.memory_space<vmem>>, vector<16xf32>,
        %mul3A_1038 = arith.mulf %get3A_1037, %broadcast_in_dim3A_1023 : vector<16xf32>
        %swap3A_1039 = arith.index_cast %add3A_1027 : i32 to index
        %swap3A_1040 = arith.constant 16 : index
        %swap3A_1041 = tpu.vector_load %arg16[%swap3A_1039, %swap3A_1040] {strides = array<i32>} : memref<128x128xf32, #tpu.memory_space<vmem>>, vector<16xf32>,
        tpu.vector_store %arg16[%swap3A_1039, %swap3A_1040], %mul3A_1038 {strides = array<i32>} : memref<128x128xf32, #tpu.memory_space<vmem>>, vector<16xf32>,
        %get3A_1042 = arith.index_cast %add3A_1027 : i32 to index
        %get3A_1043 = arith.constant 32 : index
        %get3A_1044 = tpu.vector_load %arg16[%get3A_1042, %get3A_1043] {strides = array<i32>} : memref<128x128xf32, #tpu.memory_space<vmem>>, vector<16xf32>,
        %mul3A_1045 = arith.mulf %get3A_1044, %broadcast_in_dim3A_1023 : vector<16xf32>
        %swap3A_1046 = arith.index_cast %add3A_1027 : i32 to index
        %swap3A_1047 = arith.constant 32 : index
        %swap3A_1048 = tpu.vector_load %arg16[%swap3A_1046, %swap3A_1047] {strides = array<i32>} : memref<128x128xf32, #tpu.memory_space<vmem>>, vector<16xf32>,
        tpu.vector_store %arg16[%swap3A_1046, %swap3A_1047], %mul3A_1045 {strides = array<i32>} : memref<128x128xf32, #tpu.memory_space<vmem>>, vector<16xf32>,
        %get3A_1049 = arith.index_cast %add3A_1027 : i32 to index
        %get3A_1050 = arith.constant 48 : index
        %get3A_1051 = tpu.vector_load %arg16[%get3A_1049, %get3A_1050] {strides = array<i32>} : memref<128x128xf32, #tpu.memory_space<vmem>>, vector<16xf32>,
        %mul3A_1052 = arith.mulf %get3A_1051, %broadcast_in_dim3A_1023 : vector<16xf32>
        %swap3A_1053 = arith.index_cast %add3A_1027 : i32 to index
        %swap3A_1054 = arith.constant 48 : index
        %swap3A_1055 = tpu.vector_load %arg16[%swap3A_1053, %swap3A_1054] {strides = array<i32>} : memref<128x128xf32, #tpu.memory_space<vmem>>, vector<16xf32>,
        tpu.vector_store %arg16[%swap3A_1053, %swap3A_1054], %mul3A_1052 {strides = array<i32>} : memref<128x128xf32, #tpu.memory_space<vmem>>, vector<16xf32>,
        %get3A_1056 = arith.index_cast %add3A_1027 : i32 to index
        %get3A_1057 = arith.constant 64 : index
        %get3A_1058 = tpu.vector_load %arg16[%get3A_1056, %get3A_1057] {strides = array<i32>} : memref<128x128xf32, #tpu.memory_space<vmem>>, vector<16xf32>,
        %mul3A_1059 = arith.mulf %get3A_1058, %broadcast_in_dim3A_1023 : vector<16xf32>
        %swap3A_1060 = arith.index_cast %add3A_1027 : i32 to index
        %swap3A_1061 = arith.constant 64 : index
        %swap3A_1062 = tpu.vector_load %arg16[%swap3A_1060, %swap3A_1061] {strides = array<i32>} : memref<128x128xf32, #tpu.memory_space<vmem>>, vector<16xf32>,
        tpu.vector_store %arg16[%swap3A_1060, %swap3A_1061], %mul3A_1059 {strides = array<i32>} : memref<128x128xf32, #tpu.memory_space<vmem>>, vector<16xf32>,
        %get3A_1063 = arith.index_cast %add3A_1027 : i32 to index
        %get3A_1064 = arith.constant 80 : index
        %get3A_1065 = tpu.vector_load %arg16[%get3A_1063, %get3A_1064] {strides = array<i32>} : memref<128x128xf32, #tpu.memory_space<vmem>>, vector<16xf32>,
        %mul3A_1066 = arith.mulf %get3A_1065, %broadcast_in_dim3A_1023 : vector<16xf32>
        %swap3A_1067 = arith.index_cast %add3A_1027 : i32 to index
        %swap3A_1068 = arith.constant 80 : index
        %swap3A_1069 = tpu.vector_load %arg16[%swap3A_1067, %swap3A_1068] {strides = array<i32>} : memref<128x128xf32, #tpu.memory_space<vmem>>, vector<16xf32>,
        tpu.vector_store %arg16[%swap3A_1067, %swap3A_1068], %mul3A_1066 {strides = array<i32>} : memref<128x128xf32, #tpu.memory_space<vmem>>, vector<16xf32>,
        %get3A_1070 = arith.index_cast %add3A_1027 : i32 to index
        %get3A_1071 = arith.constant 96 : index
        %get3A_1072 = tpu.vector_load %arg16[%get3A_1070, %get3A_1071] {strides = array<i32>} : memref<128x128xf32, #tpu.memory_space<vmem>>, vector<16xf32>,
        %mul3A_1073 = arith.mulf %get3A_1072, %broadcast_in_dim3A_1023 : vector<16xf32>
        %swap3A_1074 = arith.index_cast %add3A_1027 : i32 to index
        %swap3A_1075 = arith.constant 96 : index
        %swap3A_1076 = tpu.vector_load %arg16[%swap3A_1074, %swap3A_1075] {strides = array<i32>} : memref<128x128xf32, #tpu.memory_space<vmem>>, vector<16xf32>,
        tpu.vector_store %arg16[%swap3A_1074, %swap3A_1075], %mul3A_1073 {strides = array<i32>} : memref<128x128xf32, #tpu.memory_space<vmem>>, vector<16xf32>,
        %get3A_1077 = arith.index_cast %add3A_1027 : i32 to index
        %get3A_1078 = arith.constant 112 : index
        %get3A_1079 = tpu.vector_load %arg16[%get3A_1077, %get3A_1078] {strides = array<i32>} : memref<128x128xf32, #tpu.memory_space<vmem>>, vector<16xf32>,
        %mul3A_1080 = arith.mulf %get3A_1079, %broadcast_in_dim3A_1023 : vector<16xf32>
        %swap3A_1081 = arith.index_cast %add3A_1027 : i32 to index
        %swap3A_1082 = arith.constant 112 : index
        %swap3A_1083 = tpu.vector_load %arg16[%swap3A_1081, %swap3A_1082] {strides = array<i32>} : memref<128x128xf32, #tpu.memory_space<vmem>>, vector<16xf32>,
        tpu.vector_store %arg16[%swap3A_1081, %swap3A_1082], %mul3A_1080 {strides = array<i32>} : memref<128x128xf32, #tpu.memory_space<vmem>>, vector<16xf32>,
      }
      %scan3A_74 = arith.constant 8 : i32
      "tpu.region"() ({
        %run_scoped3A = tpu.sem_alloc : memref<!tpu.dma_semaphore, #tpu.memory_space<semaphore_mem>>
        %dma_start3A_75 = arith.constant 0 : i32
        %dma_start3A_76 = arith.constant 0 : i32
        %dma_start3A_77 = tpu.memref_slice %arg18[%dma_start3A_75, %dma_start3A_76] : memref<10240x128xf32, #tpu.memory_space<vmem_shared>> -> memref<10240x128xf32, #tpu.memory_space<vmem_shared>>
        tpu.enqueue_indirect_dma source(%arg16 : memref<128x128xf32, #tpu.memory_space<vmem>>) target(%dma_start3A_77 : memref<10240x128xf32, #tpu.memory_space<vmem_shared>>) offsets(%arg14 : memref<128xi32, #tpu.memory_space<vmem>>) semaphore(%run_scoped3A : memref<!tpu.dma_semaphore, #tpu.memory_space<semaphore_mem>>) {add = true}
        %dma_wait3A_78 = arith.constant 0 : i32
        %dma_wait3A_79 = arith.constant 0 : i32
        %dma_wait3A_80 = tpu.memref_slice %arg18[%dma_wait3A_78, %dma_wait3A_79] : memref<10240x128xf32, #tpu.memory_space<vmem_shared>> -> memref<10240x128xf32, #tpu.memory_space<vmem_shared>>
        tpu.wait_indirect_dma semaphore(%run_scoped3A : memref<!tpu.dma_semaphore, #tpu.memory_space<semaphore_mem>>) src(%arg16 : memref<128x128xf32, #tpu.memory_space<vmem>>) dst(%dma_wait3A_80 : memref<10240x128xf32, #tpu.memory_space<vmem_shared>>)
        tpu.yield
      }) : () -> ()
    }
    %scan3A_33 = arith.constant 162 : i32
    %mul3A_34 = arith.constant 16 : i32
    %mul3A_35 = arith.muli %arg0, %mul3A_34 : i32
    %add3A_36 = arith.addi %mul3A_35, %arg1 : i32
    %mul3A_37 = arith.constant 10240 : i32
    %mul3A_38 = arith.muli %add3A_36, %mul3A_37 : i32
    "tpu.region"() ({
      %run_scoped3A = tpu.sem_alloc : memref<!tpu.dma_semaphore, #tpu.memory_space<semaphore_mem>>
      %dma_start3A = tpu.memref_slice %arg9[%mul3A_38] : memref<327680xf32, #tpu.memory_space<hbm>> -> memref<10240xf32, #tpu.memory_space<hbm>>
      %dma_start3A_55 = tpu.memref_slice %arg9[%mul3A_38] : memref<327680xf32, #tpu.memory_space<hbm>> -> memref<10240xf32, #tpu.memory_space<hbm>>
      tpu.enqueue_dma source(%arg17 : memref<10240xf32, #tpu.memory_space<vmem>>) target(%dma_start3A_55 : memref<10240xf32, #tpu.memory_space<hbm>>) target_semaphore(%run_scoped3A : memref<!tpu.dma_semaphore, #tpu.memory_space<semaphore_mem>>)
      %dma_wait3A = tpu.memref_slice %arg9[%mul3A_38] : memref<327680xf32, #tpu.memory_space<hbm>> -> memref<10240xf32, #tpu.memory_space<hbm>>
      %dma_wait3A_56 = tpu.memref_slice %arg9[%mul3A_38] : memref<327680xf32, #tpu.memory_space<hbm>> -> memref<10240xf32, #tpu.memory_space<hbm>>
      tpu.wait_dma2 semaphore(%run_scoped3A : memref<!tpu.dma_semaphore, #tpu.memory_space<semaphore_mem>>) src(%arg17 : memref<10240xf32, #tpu.memory_space<vmem>>) dst(%dma_wait3A_56 : memref<10240xf32, #tpu.memory_space<hbm>>)
      tpu.yield
    }) : () -> ()
    %barrier3A_39 = arith.constant 0 : index
    tpu.barrier barrier_id(%barrier3A_39)
    %add3A_40 = arith.constant 0 : i32
    %add3A_41 = arith.addi %mul3A_15, %add3A_40 : i32
    %add3A_42 = arith.addi %mul3A_0, %add3A_41 : i32
    "tpu.region"() ({
      %run_scoped3A = tpu.sem_alloc : memref<!tpu.dma_semaphore, #tpu.memory_space<semaphore_mem>>
      %dma_start3A = arith.constant 0 : i32
      %dma_start3A_55 = tpu.memref_slice %arg8[%add3A_42, %dma_start3A] : memref<20480x128xf32, #tpu.memory_space<hbm>> -> memref<128x128xf32, #tpu.memory_space<hbm>>
      %dma_start3A_56 = arith.constant 0 : i32
      %dma_start3A_57 = tpu.memref_slice %arg18[%add3A_41, %dma_start3A_56] : memref<10240x128xf32, #tpu.memory_space<vmem_shared>> -> memref<128x128xf32, #tpu.memory_space<vmem_shared>>
      tpu.enqueue_dma source(%dma_start3A_57 : memref<128x128xf32, #tpu.memory_space<vmem_shared>>) target(%dma_start3A_55 : memref<128x128xf32, #tpu.memory_space<hbm>>) target_semaphore(%run_scoped3A : memref<!tpu.dma_semaphore, #tpu.memory_space<semaphore_mem>>)
      %dma_wait3A = arith.constant 0 : i32
      %dma_wait3A_58 = tpu.memref_slice %arg8[%add3A_42, %dma_wait3A] : memref<20480x128xf32, #tpu.memory_space<hbm>> -> memref<128x128xf32, #tpu.memory_space<hbm>>
      %dma_wait3A_59 = arith.constant 0 : i32
      %dma_wait3A_60 = tpu.memref_slice %arg18[%add3A_41, %dma_wait3A_59] : memref<10240x128xf32, #tpu.memory_space<vmem_shared>> -> memref<128x128xf32, #tpu.memory_space<vmem_shared>>
      tpu.wait_dma2 semaphore(%run_scoped3A : memref<!tpu.dma_semaphore, #tpu.memory_space<semaphore_mem>>) src(%dma_wait3A_60 : memref<128x128xf32, #tpu.memory_space<vmem_shared>>) dst(%dma_wait3A_58 : memref<128x128xf32, #tpu.memory_space<hbm>>)
      tpu.yield
    }) : () -> ()
    %add3A_43 = arith.constant 128 : i32
    %add3A_44 = arith.addi %mul3A_15, %add3A_43 : i32
    %add3A_45 = arith.addi %mul3A_0, %add3A_44 : i32
    "tpu.region"() ({
      %run_scoped3A = tpu.sem_alloc : memref<!tpu.dma_semaphore, #tpu.memory_space<semaphore_mem>>
      %dma_start3A = arith.constant 0 : i32
      %dma_start3A_55 = tpu.memref_slice %arg8[%add3A_45, %dma_start3A] : memref<20480x128xf32, #tpu.memory_space<hbm>> -> memref<128x128xf32, #tpu.memory_space<hbm>>
      %dma_start3A_56 = arith.constant 0 : i32
      %dma_start3A_57 = tpu.memref_slice %arg18[%add3A_44, %dma_start3A_56] : memref<10240x128xf32, #tpu.memory_space<vmem_shared>> -> memref<128x128xf32, #tpu.memory_space<vmem_shared>>
      tpu.enqueue_dma source(%dma_start3A_57 : memref<128x128xf32, #tpu.memory_space<vmem_shared>>) target(%dma_start3A_55 : memref<128x128xf32, #tpu.memory_space<hbm>>) target_semaphore(%run_scoped3A : memref<!tpu.dma_semaphore, #tpu.memory_space<semaphore_mem>>)
      %dma_wait3A = arith.constant 0 : i32
      %dma_wait3A_58 = tpu.memref_slice %arg8[%add3A_45, %dma_wait3A] : memref<20480x128xf32, #tpu.memory_space<hbm>> -> memref<128x128xf32, #tpu.memory_space<hbm>>
      %dma_wait3A_59 = arith.constant 0 : i32
      %dma_wait3A_60 = tpu.memref_slice %arg18[%add3A_44, %dma_wait3A_59] : memref<10240x128xf32, #tpu.memory_space<vmem_shared>> -> memref<128x128xf32, #tpu.memory_space<vmem_shared>>
      tpu.wait_dma2 semaphore(%run_scoped3A : memref<!tpu.dma_semaphore, #tpu.memory_space<semaphore_mem>>) src(%dma_wait3A_60 : memref<128x128xf32, #tpu.memory_space<vmem_shared>>) dst(%dma_wait3A_58 : memref<128x128xf32, #tpu.memory_space<hbm>>)
      tpu.yield
    }) : () -> ()
    %add3A_46 = arith.constant 256 : i32
    %add3A_47 = arith.addi %mul3A_15, %add3A_46 : i32
    %add3A_48 = arith.addi %mul3A_0, %add3A_47 : i32
    "tpu.region"() ({
      %run_scoped3A = tpu.sem_alloc : memref<!tpu.dma_semaphore, #tpu.memory_space<semaphore_mem>>
      %dma_start3A = arith.constant 0 : i32
      %dma_start3A_55 = tpu.memref_slice %arg8[%add3A_48, %dma_start3A] : memref<20480x128xf32, #tpu.memory_space<hbm>> -> memref<128x128xf32, #tpu.memory_space<hbm>>
      %dma_start3A_56 = arith.constant 0 : i32
      %dma_start3A_57 = tpu.memref_slice %arg18[%add3A_47, %dma_start3A_56] : memref<10240x128xf32, #tpu.memory_space<vmem_shared>> -> memref<128x128xf32, #tpu.memory_space<vmem_shared>>
      tpu.enqueue_dma source(%dma_start3A_57 : memref<128x128xf32, #tpu.memory_space<vmem_shared>>) target(%dma_start3A_55 : memref<128x128xf32, #tpu.memory_space<hbm>>) target_semaphore(%run_scoped3A : memref<!tpu.dma_semaphore, #tpu.memory_space<semaphore_mem>>)
      %dma_wait3A = arith.constant 0 : i32
      %dma_wait3A_58 = tpu.memref_slice %arg8[%add3A_48, %dma_wait3A] : memref<20480x128xf32, #tpu.memory_space<hbm>> -> memref<128x128xf32, #tpu.memory_space<hbm>>
      %dma_wait3A_59 = arith.constant 0 : i32
      %dma_wait3A_60 = tpu.memref_slice %arg18[%add3A_47, %dma_wait3A_59] : memref<10240x128xf32, #tpu.memory_space<vmem_shared>> -> memref<128x128xf32, #tpu.memory_space<vmem_shared>>
      tpu.wait_dma2 semaphore(%run_scoped3A : memref<!tpu.dma_semaphore, #tpu.memory_space<semaphore_mem>>) src(%dma_wait3A_60 : memref<128x128xf32, #tpu.memory_space<vmem_shared>>) dst(%dma_wait3A_58 : memref<128x128xf32, #tpu.memory_space<hbm>>)
      tpu.yield
    }) : () -> ()
    %add3A_49 = arith.constant 384 : i32
    %add3A_50 = arith.addi %mul3A_15, %add3A_49 : i32
    %add3A_51 = arith.addi %mul3A_0, %add3A_50 : i32
    "tpu.region"() ({
      %run_scoped3A = tpu.sem_alloc : memref<!tpu.dma_semaphore, #tpu.memory_space<semaphore_mem>>
      %dma_start3A = arith.constant 0 : i32
      %dma_start3A_55 = tpu.memref_slice %arg8[%add3A_51, %dma_start3A] : memref<20480x128xf32, #tpu.memory_space<hbm>> -> memref<128x128xf32, #tpu.memory_space<hbm>>
      %dma_start3A_56 = arith.constant 0 : i32
      %dma_start3A_57 = tpu.memref_slice %arg18[%add3A_50, %dma_start3A_56] : memref<10240x128xf32, #tpu.memory_space<vmem_shared>> -> memref<128x128xf32, #tpu.memory_space<vmem_shared>>
      tpu.enqueue_dma source(%dma_start3A_57 : memref<128x128xf32, #tpu.memory_space<vmem_shared>>) target(%dma_start3A_55 : memref<128x128xf32, #tpu.memory_space<hbm>>) target_semaphore(%run_scoped3A : memref<!tpu.dma_semaphore, #tpu.memory_space<semaphore_mem>>)
      %dma_wait3A = arith.constant 0 : i32
      %dma_wait3A_58 = tpu.memref_slice %arg8[%add3A_51, %dma_wait3A] : memref<20480x128xf32, #tpu.memory_space<hbm>> -> memref<128x128xf32, #tpu.memory_space<hbm>>
      %dma_wait3A_59 = arith.constant 0 : i32
      %dma_wait3A_60 = tpu.memref_slice %arg18[%add3A_50, %dma_wait3A_59] : memref<10240x128xf32, #tpu.memory_space<vmem_shared>> -> memref<128x128xf32, #tpu.memory_space<vmem_shared>>
      tpu.wait_dma2 semaphore(%run_scoped3A : memref<!tpu.dma_semaphore, #tpu.memory_space<semaphore_mem>>) src(%dma_wait3A_60 : memref<128x128xf32, #tpu.memory_space<vmem_shared>>) dst(%dma_wait3A_58 : memref<128x128xf32, #tpu.memory_space<hbm>>)
      tpu.yield
    }) : () -> ()
    %add3A_52 = arith.constant 512 : i32
    %add3A_53 = arith.addi %mul3A_15, %add3A_52 : i32
    %add3A_54 = arith.addi %mul3A_0, %add3A_53 : i32
    "tpu.region"() ({
      %run_scoped3A = tpu.sem_alloc : memref<!tpu.dma_semaphore, #tpu.memory_space<semaphore_mem>>
      %dma_start3A = arith.constant 0 : i32
      %dma_start3A_55 = tpu.memref_slice %arg8[%add3A_54, %dma_start3A] : memref<20480x128xf32, #tpu.memory_space<hbm>> -> memref<128x128xf32, #tpu.memory_space<hbm>>
      %dma_start3A_56 = arith.constant 0 : i32
      %dma_start3A_57 = tpu.memref_slice %arg18[%add3A_53, %dma_start3A_56] : memref<10240x128xf32, #tpu.memory_space<vmem_shared>> -> memref<128x128xf32, #tpu.memory_space<vmem_shared>>
      tpu.enqueue_dma source(%dma_start3A_57 : memref<128x128xf32, #tpu.memory_space<vmem_shared>>) target(%dma_start3A_55 : memref<128x128xf32, #tpu.memory_space<hbm>>) target_semaphore(%run_scoped3A : memref<!tpu.dma_semaphore, #tpu.memory_space<semaphore_mem>>)
      %dma_wait3A = arith.constant 0 : i32
      %dma_wait3A_58 = tpu.memref_slice %arg8[%add3A_54, %dma_wait3A] : memref<20480x128xf32, #tpu.memory_space<hbm>> -> memref<128x128xf32, #tpu.memory_space<hbm>>
      %dma_wait3A_59 = arith.constant 0 : i32
      %dma_wait3A_60 = tpu.memref_slice %arg18[%add3A_53, %dma_wait3A_59] : memref<10240x128xf32, #tpu.memory_space<vmem_shared>> -> memref<128x128xf32, #tpu.memory_space<vmem_shared>>
      tpu.wait_dma2 semaphore(%run_scoped3A : memref<!tpu.dma_semaphore, #tpu.memory_space<semaphore_mem>>) src(%dma_wait3A_60 : memref<128x128xf32, #tpu.memory_space<vmem_shared>>) dst(%dma_wait3A_58 : memref<128x128xf32, #tpu.memory_space<hbm>>)
      tpu.yield
    }) : () -> ()
    return
  }
}

#map = affine_map<(d0, d1) -> (0, 0)>
#map1 = affine_map<(d0, d1) -> (0)>
module attributes {stable_mosaic.version = 14 : i64} {
  func.func @_sc_edge_body(%arg0: i32, %arg1: i32, %arg2: memref<20480x128xf32, #tpu.memory_space<hbm>>, %arg3: memref<20480xf32, #tpu.memory_space<hbm>>, %arg4: memref<20480xf32, #tpu.memory_space<hbm>>, %arg5: memref<32xf32, #tpu.memory_space<hbm>>, %arg6: memref<331776xi32, #tpu.memory_space<hbm>>, %arg7: memref<331776xi32, #tpu.memory_space<hbm>>, %arg8: memref<20480x128xf32, #tpu.memory_space<hbm>>, %arg9: memref<327680xf32, #tpu.memory_space<hbm>>, %arg10: memref<10240xf32, #tpu.memory_space<vmem>>, %arg11: memref<10240xf32, #tpu.memory_space<vmem>>, %arg12: memref<16xf32, #tpu.memory_space<vmem>>, %arg13: memref<128xi32, #tpu.memory_space<vmem>>, %arg14: memref<128xi32, #tpu.memory_space<vmem>>, %arg15: memref<128xf32, #tpu.memory_space<vmem>>, %arg16: memref<128x128xf32, #tpu.memory_space<vmem>>, %arg17: memref<10240xf32, #tpu.memory_space<vmem>>, %arg18: memref<10240x128xf32, #tpu.memory_space<vmem_shared>>, %arg19: memref<!tpu.dma_semaphore, #tpu.memory_space<semaphore_mem>>) attributes {dimension_semantics = [#tpu.dimension_semantics<core_parallel>, #tpu.dimension_semantics<subcore_parallel>], iteration_bounds = array<i64: 2, 16>, scalar_prefetch = 0 : i64, scratch_operands = 10 : i64, tpu.core_type = #tpu.core_type<sc_vector_subcore>, window_params = [{transform_indices = #map}, {transform_indices = #map1}, {transform_indices = #map1}, {transform_indices = #map1}, {transform_indices = #map1}, {transform_indices = #map1}, {transform_indices = #map}, {transform_indices = #map1}]} {
    %mul3A = arith.constant 10240 : i32
    %mul3A_0 = arith.muli %arg0, %mul3A : i32
    "tpu.region"() ({
      %run_scoped3A = tpu.sem_alloc : memref<!tpu.dma_semaphore, #tpu.memory_space<semaphore_mem>>
      %dma_start3A = tpu.memref_slice %arg3[%mul3A_0] : memref<20480xf32, #tpu.memory_space<hbm>> -> memref<10240xf32, #tpu.memory_space<hbm>>
      %dma_start3A_55 = tpu.memref_slice %arg3[%mul3A_0] : memref<20480xf32, #tpu.memory_space<hbm>> -> memref<10240xf32, #tpu.memory_space<hbm>>
      tpu.enqueue_dma source(%dma_start3A_55 : memref<10240xf32, #tpu.memory_space<hbm>>) target(%arg10 : memref<10240xf32, #tpu.memory_space<vmem>>) target_semaphore(%run_scoped3A : memref<!tpu.dma_semaphore, #tpu.memory_space<semaphore_mem>>)
      %dma_wait3A = tpu.memref_slice %arg3[%mul3A_0] : memref<20480xf32, #tpu.memory_space<hbm>> -> memref<10240xf32, #tpu.memory_space<hbm>>
      %dma_wait3A_56 = tpu.memref_slice %arg3[%mul3A_0] : memref<20480xf32, #tpu.memory_space<hbm>> -> memref<10240xf32, #tpu.memory_space<hbm>>
      tpu.wait_dma2 semaphore(%run_scoped3A : memref<!tpu.dma_semaphore, #tpu.memory_space<semaphore_mem>>) src(%dma_wait3A_56 : memref<10240xf32, #tpu.memory_space<hbm>>) dst(%arg10 : memref<10240xf32, #tpu.memory_space<vmem>>)
      tpu.yield
    }) : () -> ()
    "tpu.region"() ({
      %run_scoped3A = tpu.sem_alloc : memref<!tpu.dma_semaphore, #tpu.memory_space<semaphore_mem>>
      %dma_start3A = tpu.memref_slice %arg4[%mul3A_0] : memref<20480xf32, #tpu.memory_space<hbm>> -> memref<10240xf32, #tpu.memory_space<hbm>>
      %dma_start3A_55 = tpu.memref_slice %arg4[%mul3A_0] : memref<20480xf32, #tpu.memory_space<hbm>> -> memref<10240xf32, #tpu.memory_space<hbm>>
      tpu.enqueue_dma source(%dma_start3A_55 : memref<10240xf32, #tpu.memory_space<hbm>>) target(%arg11 : memref<10240xf32, #tpu.memory_space<vmem>>) target_semaphore(%run_scoped3A : memref<!tpu.dma_semaphore, #tpu.memory_space<semaphore_mem>>)
      %dma_wait3A = tpu.memref_slice %arg4[%mul3A_0] : memref<20480xf32, #tpu.memory_space<hbm>> -> memref<10240xf32, #tpu.memory_space<hbm>>
      %dma_wait3A_56 = tpu.memref_slice %arg4[%mul3A_0] : memref<20480xf32, #tpu.memory_space<hbm>> -> memref<10240xf32, #tpu.memory_space<hbm>>
      tpu.wait_dma2 semaphore(%run_scoped3A : memref<!tpu.dma_semaphore, #tpu.memory_space<semaphore_mem>>) src(%dma_wait3A_56 : memref<10240xf32, #tpu.memory_space<hbm>>) dst(%arg11 : memref<10240xf32, #tpu.memory_space<vmem>>)
      tpu.yield
    }) : () -> ()
    %mul3A_1 = arith.constant 16 : i32
    %mul3A_2 = arith.muli %arg0, %mul3A_1 : i32
    "tpu.region"() ({
      %run_scoped3A = tpu.sem_alloc : memref<!tpu.dma_semaphore, #tpu.memory_space<semaphore_mem>>
      %dma_start3A = tpu.memref_slice %arg5[%mul3A_2] : memref<32xf32, #tpu.memory_space<hbm>> -> memref<16xf32, #tpu.memory_space<hbm>>
      %dma_start3A_55 = tpu.memref_slice %arg5[%mul3A_2] : memref<32xf32, #tpu.memory_space<hbm>> -> memref<16xf32, #tpu.memory_space<hbm>>
      tpu.enqueue_dma source(%dma_start3A_55 : memref<16xf32, #tpu.memory_space<hbm>>) target(%arg12 : memref<16xf32, #tpu.memory_space<vmem>>) target_semaphore(%run_scoped3A : memref<!tpu.dma_semaphore, #tpu.memory_space<semaphore_mem>>)
      %dma_wait3A = tpu.memref_slice %arg5[%mul3A_2] : memref<32xf32, #tpu.memory_space<hbm>> -> memref<16xf32, #tpu.memory_space<hbm>>
      %dma_wait3A_56 = tpu.memref_slice %arg5[%mul3A_2] : memref<32xf32, #tpu.memory_space<hbm>> -> memref<16xf32, #tpu.memory_space<hbm>>
      tpu.wait_dma2 semaphore(%run_scoped3A : memref<!tpu.dma_semaphore, #tpu.memory_space<semaphore_mem>>) src(%dma_wait3A_56 : memref<16xf32, #tpu.memory_space<hbm>>) dst(%arg12 : memref<16xf32, #tpu.memory_space<vmem>>)
      tpu.yield
    }) : () -> ()
    %scan3A = arith.constant 0 : i32
    %scan3A_3 = arith.constant 0 : i32
    %scan3A_4 = arith.constant 640 : i32
    %scan3A_5 = arith.addi %scan3A_3, %scan3A_4 : i32
    %scan3A_6 = arith.constant 1 : i32
    scf.for %scan3A_55 = %scan3A_3 to %scan3A_5 step %scan3A_6  : i32 {
      %broadcast_in_dim3A = arith.constant 0.000000e+00 : f32
      %broadcast_in_dim3A_56 = vector.broadcast %broadcast_in_dim3A : f32 to vector<16xf32>
      %mul3A_57 = arith.constant 16 : i32
      %mul3A_58 = arith.muli %scan3A_55, %mul3A_57 : i32
      %swap3A = arith.index_cast %mul3A_58 : i32 to index
      %swap3A_59 = tpu.vector_load %arg17[%swap3A] {strides = array<i32>} : memref<10240xf32, #tpu.memory_space<vmem>>, vector<16xf32>,
      tpu.vector_store %arg17[%swap3A], %broadcast_in_dim3A_56 {strides = array<i32>} : memref<10240xf32, #tpu.memory_space<vmem>>, vector<16xf32>,
    }
    %scan3A_7 = arith.constant 640 : i32
    %scan3A_8 = arith.constant 0 : i32
    %scan3A_9 = arith.constant 0 : i32
    %scan3A_10 = arith.constant 128 : i32
    %scan3A_11 = arith.addi %scan3A_9, %scan3A_10 : i32
    %scan3A_12 = arith.constant 1 : i32
    scf.for %scan3A_55 = %scan3A_9 to %scan3A_11 step %scan3A_12  : i32 {
      %broadcast_in_dim3A = arith.constant 0.000000e+00 : f32
      %broadcast_in_dim3A_56 = vector.broadcast %broadcast_in_dim3A : f32 to vector<16xf32>
      %swap3A = arith.index_cast %scan3A_55 : i32 to index
      %swap3A_57 = arith.constant 0 : index
      %swap3A_58 = tpu.vector_load %arg16[%swap3A, %swap3A_57] {strides = array<i32>} : memref<128x128xf32, #tpu.memory_space<vmem>>, vector<16xf32>,
      tpu.vector_store %arg16[%swap3A, %swap3A_57], %broadcast_in_dim3A_56 {strides = array<i32>} : memref<128x128xf32, #tpu.memory_space<vmem>>, vector<16xf32>,
      %broadcast_in_dim3A_59 = arith.constant 0.000000e+00 : f32
      %broadcast_in_dim3A_60 = vector.broadcast %broadcast_in_dim3A_59 : f32 to vector<16xf32>
      %swap3A_61 = arith.index_cast %scan3A_55 : i32 to index
      %swap3A_62 = arith.constant 16 : index
      %swap3A_63 = tpu.vector_load %arg16[%swap3A_61, %swap3A_62] {strides = array<i32>} : memref<128x128xf32, #tpu.memory_space<vmem>>, vector<16xf32>,
      tpu.vector_store %arg16[%swap3A_61, %swap3A_62], %broadcast_in_dim3A_60 {strides = array<i32>} : memref<128x128xf32, #tpu.memory_space<vmem>>, vector<16xf32>,
      %broadcast_in_dim3A_64 = arith.constant 0.000000e+00 : f32
      %broadcast_in_dim3A_65 = vector.broadcast %broadcast_in_dim3A_64 : f32 to vector<16xf32>
      %swap3A_66 = arith.index_cast %scan3A_55 : i32 to index
      %swap3A_67 = arith.constant 32 : index
      %swap3A_68 = tpu.vector_load %arg16[%swap3A_66, %swap3A_67] {strides = array<i32>} : memref<128x128xf32, #tpu.memory_space<vmem>>, vector<16xf32>,
      tpu.vector_store %arg16[%swap3A_66, %swap3A_67], %broadcast_in_dim3A_65 {strides = array<i32>} : memref<128x128xf32, #tpu.memory_space<vmem>>, vector<16xf32>,
      %broadcast_in_dim3A_69 = arith.constant 0.000000e+00 : f32
      %broadcast_in_dim3A_70 = vector.broadcast %broadcast_in_dim3A_69 : f32 to vector<16xf32>
      %swap3A_71 = arith.index_cast %scan3A_55 : i32 to index
      %swap3A_72 = arith.constant 48 : index
      %swap3A_73 = tpu.vector_load %arg16[%swap3A_71, %swap3A_72] {strides = array<i32>} : memref<128x128xf32, #tpu.memory_space<vmem>>, vector<16xf32>,
      tpu.vector_store %arg16[%swap3A_71, %swap3A_72], %broadcast_in_dim3A_70 {strides = array<i32>} : memref<128x128xf32, #tpu.memory_space<vmem>>, vector<16xf32>,
      %broadcast_in_dim3A_74 = arith.constant 0.000000e+00 : f32
      %broadcast_in_dim3A_75 = vector.broadcast %broadcast_in_dim3A_74 : f32 to vector<16xf32>
      %swap3A_76 = arith.index_cast %scan3A_55 : i32 to index
      %swap3A_77 = arith.constant 64 : index
      %swap3A_78 = tpu.vector_load %arg16[%swap3A_76, %swap3A_77] {strides = array<i32>} : memref<128x128xf32, #tpu.memory_space<vmem>>, vector<16xf32>,
      tpu.vector_store %arg16[%swap3A_76, %swap3A_77], %broadcast_in_dim3A_75 {strides = array<i32>} : memref<128x128xf32, #tpu.memory_space<vmem>>, vector<16xf32>,
      %broadcast_in_dim3A_79 = arith.constant 0.000000e+00 : f32
      %broadcast_in_dim3A_80 = vector.broadcast %broadcast_in_dim3A_79 : f32 to vector<16xf32>
      %swap3A_81 = arith.index_cast %scan3A_55 : i32 to index
      %swap3A_82 = arith.constant 80 : index
      %swap3A_83 = tpu.vector_load %arg16[%swap3A_81, %swap3A_82] {strides = array<i32>} : memref<128x128xf32, #tpu.memory_space<vmem>>, vector<16xf32>,
      tpu.vector_store %arg16[%swap3A_81, %swap3A_82], %broadcast_in_dim3A_80 {strides = array<i32>} : memref<128x128xf32, #tpu.memory_space<vmem>>, vector<16xf32>,
      %broadcast_in_dim3A_84 = arith.constant 0.000000e+00 : f32
      %broadcast_in_dim3A_85 = vector.broadcast %broadcast_in_dim3A_84 : f32 to vector<16xf32>
      %swap3A_86 = arith.index_cast %scan3A_55 : i32 to index
      %swap3A_87 = arith.constant 96 : index
      %swap3A_88 = tpu.vector_load %arg16[%swap3A_86, %swap3A_87] {strides = array<i32>} : memref<128x128xf32, #tpu.memory_space<vmem>>, vector<16xf32>,
      tpu.vector_store %arg16[%swap3A_86, %swap3A_87], %broadcast_in_dim3A_85 {strides = array<i32>} : memref<128x128xf32, #tpu.memory_space<vmem>>, vector<16xf32>,
      %broadcast_in_dim3A_89 = arith.constant 0.000000e+00 : f32
      %broadcast_in_dim3A_90 = vector.broadcast %broadcast_in_dim3A_89 : f32 to vector<16xf32>
      %swap3A_91 = arith.index_cast %scan3A_55 : i32 to index
      %swap3A_92 = arith.constant 112 : index
      %swap3A_93 = tpu.vector_load %arg16[%swap3A_91, %swap3A_92] {strides = array<i32>} : memref<128x128xf32, #tpu.memory_space<vmem>>, vector<16xf32>,
      tpu.vector_store %arg16[%swap3A_91, %swap3A_92], %broadcast_in_dim3A_90 {strides = array<i32>} : memref<128x128xf32, #tpu.memory_space<vmem>>, vector<16xf32>,
    }
    %scan3A_13 = arith.constant 128 : i32
    %mul3A_14 = arith.constant 640 : i32
    %mul3A_15 = arith.muli %arg1, %mul3A_14 : i32
    %add3A = arith.constant 0 : i32
    %add3A_16 = arith.addi %mul3A_15, %add3A : i32
    "tpu.region"() ({
      %run_scoped3A = tpu.sem_alloc : memref<!tpu.dma_semaphore, #tpu.memory_space<semaphore_mem>>
      %dma_start3A = arith.constant 0 : i32
      %dma_start3A_55 = tpu.memref_slice %arg18[%add3A_16, %dma_start3A] : memref<10240x128xf32, #tpu.memory_space<vmem_shared>> -> memref<128x128xf32, #tpu.memory_space<vmem_shared>>
      %dma_start3A_56 = arith.constant 0 : i32
      %dma_start3A_57 = tpu.memref_slice %arg18[%add3A_16, %dma_start3A_56] : memref<10240x128xf32, #tpu.memory_space<vmem_shared>> -> memref<128x128xf32, #tpu.memory_space<vmem_shared>>
      tpu.enqueue_dma source(%arg16 : memref<128x128xf32, #tpu.memory_space<vmem>>) target(%dma_start3A_57 : memref<128x128xf32, #tpu.memory_space<vmem_shared>>) target_semaphore(%run_scoped3A : memref<!tpu.dma_semaphore, #tpu.memory_space<semaphore_mem>>)
      %dma_wait3A = arith.constant 0 : i32
      %dma_wait3A_58 = tpu.memref_slice %arg18[%add3A_16, %dma_wait3A] : memref<10240x128xf32, #tpu.memory_space<vmem_shared>> -> memref<128x128xf32, #tpu.memory_space<vmem_shared>>
      %dma_wait3A_59 = arith.constant 0 : i32
      %dma_wait3A_60 = tpu.memref_slice %arg18[%add3A_16, %dma_wait3A_59] : memref<10240x128xf32, #tpu.memory_space<vmem_shared>> -> memref<128x128xf32, #tpu.memory_space<vmem_shared>>
      tpu.wait_dma2 semaphore(%run_scoped3A : memref<!tpu.dma_semaphore, #tpu.memory_space<semaphore_mem>>) src(%arg16 : memref<128x128xf32, #tpu.memory_space<vmem>>) dst(%dma_wait3A_60 : memref<128x128xf32, #tpu.memory_space<vmem_shared>>)
      tpu.yield
    }) : () -> ()
    %add3A_17 = arith.constant 128 : i32
    %add3A_18 = arith.addi %mul3A_15, %add3A_17 : i32
    "tpu.region"() ({
      %run_scoped3A = tpu.sem_alloc : memref<!tpu.dma_semaphore, #tpu.memory_space<semaphore_mem>>
      %dma_start3A = arith.constant 0 : i32
      %dma_start3A_55 = tpu.memref_slice %arg18[%add3A_18, %dma_start3A] : memref<10240x128xf32, #tpu.memory_space<vmem_shared>> -> memref<128x128xf32, #tpu.memory_space<vmem_shared>>
      %dma_start3A_56 = arith.constant 0 : i32
      %dma_start3A_57 = tpu.memref_slice %arg18[%add3A_18, %dma_start3A_56] : memref<10240x128xf32, #tpu.memory_space<vmem_shared>> -> memref<128x128xf32, #tpu.memory_space<vmem_shared>>
      tpu.enqueue_dma source(%arg16 : memref<128x128xf32, #tpu.memory_space<vmem>>) target(%dma_start3A_57 : memref<128x128xf32, #tpu.memory_space<vmem_shared>>) target_semaphore(%run_scoped3A : memref<!tpu.dma_semaphore, #tpu.memory_space<semaphore_mem>>)
      %dma_wait3A = arith.constant 0 : i32
      %dma_wait3A_58 = tpu.memref_slice %arg18[%add3A_18, %dma_wait3A] : memref<10240x128xf32, #tpu.memory_space<vmem_shared>> -> memref<128x128xf32, #tpu.memory_space<vmem_shared>>
      %dma_wait3A_59 = arith.constant 0 : i32
      %dma_wait3A_60 = tpu.memref_slice %arg18[%add3A_18, %dma_wait3A_59] : memref<10240x128xf32, #tpu.memory_space<vmem_shared>> -> memref<128x128xf32, #tpu.memory_space<vmem_shared>>
      tpu.wait_dma2 semaphore(%run_scoped3A : memref<!tpu.dma_semaphore, #tpu.memory_space<semaphore_mem>>) src(%arg16 : memref<128x128xf32, #tpu.memory_space<vmem>>) dst(%dma_wait3A_60 : memref<128x128xf32, #tpu.memory_space<vmem_shared>>)
      tpu.yield
    }) : () -> ()
    %add3A_19 = arith.constant 256 : i32
    %add3A_20 = arith.addi %mul3A_15, %add3A_19 : i32
    "tpu.region"() ({
      %run_scoped3A = tpu.sem_alloc : memref<!tpu.dma_semaphore, #tpu.memory_space<semaphore_mem>>
      %dma_start3A = arith.constant 0 : i32
      %dma_start3A_55 = tpu.memref_slice %arg18[%add3A_20, %dma_start3A] : memref<10240x128xf32, #tpu.memory_space<vmem_shared>> -> memref<128x128xf32, #tpu.memory_space<vmem_shared>>
      %dma_start3A_56 = arith.constant 0 : i32
      %dma_start3A_57 = tpu.memref_slice %arg18[%add3A_20, %dma_start3A_56] : memref<10240x128xf32, #tpu.memory_space<vmem_shared>> -> memref<128x128xf32, #tpu.memory_space<vmem_shared>>
      tpu.enqueue_dma source(%arg16 : memref<128x128xf32, #tpu.memory_space<vmem>>) target(%dma_start3A_57 : memref<128x128xf32, #tpu.memory_space<vmem_shared>>) target_semaphore(%run_scoped3A : memref<!tpu.dma_semaphore, #tpu.memory_space<semaphore_mem>>)
      %dma_wait3A = arith.constant 0 : i32
      %dma_wait3A_58 = tpu.memref_slice %arg18[%add3A_20, %dma_wait3A] : memref<10240x128xf32, #tpu.memory_space<vmem_shared>> -> memref<128x128xf32, #tpu.memory_space<vmem_shared>>
      %dma_wait3A_59 = arith.constant 0 : i32
      %dma_wait3A_60 = tpu.memref_slice %arg18[%add3A_20, %dma_wait3A_59] : memref<10240x128xf32, #tpu.memory_space<vmem_shared>> -> memref<128x128xf32, #tpu.memory_space<vmem_shared>>
      tpu.wait_dma2 semaphore(%run_scoped3A : memref<!tpu.dma_semaphore, #tpu.memory_space<semaphore_mem>>) src(%arg16 : memref<128x128xf32, #tpu.memory_space<vmem>>) dst(%dma_wait3A_60 : memref<128x128xf32, #tpu.memory_space<vmem_shared>>)
      tpu.yield
    }) : () -> ()
    %add3A_21 = arith.constant 384 : i32
    %add3A_22 = arith.addi %mul3A_15, %add3A_21 : i32
    "tpu.region"() ({
      %run_scoped3A = tpu.sem_alloc : memref<!tpu.dma_semaphore, #tpu.memory_space<semaphore_mem>>
      %dma_start3A = arith.constant 0 : i32
      %dma_start3A_55 = tpu.memref_slice %arg18[%add3A_22, %dma_start3A] : memref<10240x128xf32, #tpu.memory_space<vmem_shared>> -> memref<128x128xf32, #tpu.memory_space<vmem_shared>>
      %dma_start3A_56 = arith.constant 0 : i32
      %dma_start3A_57 = tpu.memref_slice %arg18[%add3A_22, %dma_start3A_56] : memref<10240x128xf32, #tpu.memory_space<vmem_shared>> -> memref<128x128xf32, #tpu.memory_space<vmem_shared>>
      tpu.enqueue_dma source(%arg16 : memref<128x128xf32, #tpu.memory_space<vmem>>) target(%dma_start3A_57 : memref<128x128xf32, #tpu.memory_space<vmem_shared>>) target_semaphore(%run_scoped3A : memref<!tpu.dma_semaphore, #tpu.memory_space<semaphore_mem>>)
      %dma_wait3A = arith.constant 0 : i32
      %dma_wait3A_58 = tpu.memref_slice %arg18[%add3A_22, %dma_wait3A] : memref<10240x128xf32, #tpu.memory_space<vmem_shared>> -> memref<128x128xf32, #tpu.memory_space<vmem_shared>>
      %dma_wait3A_59 = arith.constant 0 : i32
      %dma_wait3A_60 = tpu.memref_slice %arg18[%add3A_22, %dma_wait3A_59] : memref<10240x128xf32, #tpu.memory_space<vmem_shared>> -> memref<128x128xf32, #tpu.memory_space<vmem_shared>>
      tpu.wait_dma2 semaphore(%run_scoped3A : memref<!tpu.dma_semaphore, #tpu.memory_space<semaphore_mem>>) src(%arg16 : memref<128x128xf32, #tpu.memory_space<vmem>>) dst(%dma_wait3A_60 : memref<128x128xf32, #tpu.memory_space<vmem_shared>>)
      tpu.yield
    }) : () -> ()
    %add3A_23 = arith.constant 512 : i32
    %add3A_24 = arith.addi %mul3A_15, %add3A_23 : i32
    "tpu.region"() ({
      %run_scoped3A = tpu.sem_alloc : memref<!tpu.dma_semaphore, #tpu.memory_space<semaphore_mem>>
      %dma_start3A = arith.constant 0 : i32
      %dma_start3A_55 = tpu.memref_slice %arg18[%add3A_24, %dma_start3A] : memref<10240x128xf32, #tpu.memory_space<vmem_shared>> -> memref<128x128xf32, #tpu.memory_space<vmem_shared>>
      %dma_start3A_56 = arith.constant 0 : i32
      %dma_start3A_57 = tpu.memref_slice %arg18[%add3A_24, %dma_start3A_56] : memref<10240x128xf32, #tpu.memory_space<vmem_shared>> -> memref<128x128xf32, #tpu.memory_space<vmem_shared>>
      tpu.enqueue_dma source(%arg16 : memref<128x128xf32, #tpu.memory_space<vmem>>) target(%dma_start3A_57 : memref<128x128xf32, #tpu.memory_space<vmem_shared>>) target_semaphore(%run_scoped3A : memref<!tpu.dma_semaphore, #tpu.memory_space<semaphore_mem>>)
      %dma_wait3A = arith.constant 0 : i32
      %dma_wait3A_58 = tpu.memref_slice %arg18[%add3A_24, %dma_wait3A] : memref<10240x128xf32, #tpu.memory_space<vmem_shared>> -> memref<128x128xf32, #tpu.memory_space<vmem_shared>>
      %dma_wait3A_59 = arith.constant 0 : i32
      %dma_wait3A_60 = tpu.memref_slice %arg18[%add3A_24, %dma_wait3A_59] : memref<10240x128xf32, #tpu.memory_space<vmem_shared>> -> memref<128x128xf32, #tpu.memory_space<vmem_shared>>
      tpu.wait_dma2 semaphore(%run_scoped3A : memref<!tpu.dma_semaphore, #tpu.memory_space<semaphore_mem>>) src(%arg16 : memref<128x128xf32, #tpu.memory_space<vmem>>) dst(%dma_wait3A_60 : memref<128x128xf32, #tpu.memory_space<vmem_shared>>)
      tpu.yield
    }) : () -> ()
    %barrier3A = arith.constant 0 : index
    tpu.barrier barrier_id(%barrier3A)
    %get3A = arith.constant 0 : index
    %get3A_25 = tpu.vector_load %arg12[%get3A] {strides = array<i32>} : memref<16xf32, #tpu.memory_space<vmem>>, vector<16xf32>,
    %mul3A_26 = arith.constant 20736 : i32
    %mul3A_27 = arith.muli %arg1, %mul3A_26 : i32
    %scan3A_28 = arith.constant 0 : i32
    %scan3A_29 = arith.constant 0 : i32
    %scan3A_30 = arith.constant 162 : i32
    %scan3A_31 = arith.addi %scan3A_29, %scan3A_30 : i32
    %scan3A_32 = arith.constant 1 : i32
    scf.for %scan3A_55 = %scan3A_29 to %scan3A_31 step %scan3A_32  : i32 {
      %mul3A_56 = arith.constant 128 : i32
      %mul3A_57 = arith.muli %scan3A_55, %mul3A_56 : i32
      %add3A_58 = arith.addi %mul3A_27, %mul3A_57 : i32
      "tpu.region"() ({
        %run_scoped3A = tpu.sem_alloc : memref<!tpu.dma_semaphore, #tpu.memory_space<semaphore_mem>>
        %dma_start3A_75 = tpu.memref_slice %arg6[%add3A_58] : memref<331776xi32, #tpu.memory_space<hbm>> -> memref<128xi32, #tpu.memory_space<hbm>>
        %dma_start3A_76 = tpu.memref_slice %arg6[%add3A_58] : memref<331776xi32, #tpu.memory_space<hbm>> -> memref<128xi32, #tpu.memory_space<hbm>>
        tpu.enqueue_dma source(%dma_start3A_76 : memref<128xi32, #tpu.memory_space<hbm>>) target(%arg13 : memref<128xi32, #tpu.memory_space<vmem>>) target_semaphore(%run_scoped3A : memref<!tpu.dma_semaphore, #tpu.memory_space<semaphore_mem>>)
        %dma_wait3A_77 = tpu.memref_slice %arg6[%add3A_58] : memref<331776xi32, #tpu.memory_space<hbm>> -> memref<128xi32, #tpu.memory_space<hbm>>
        %dma_wait3A_78 = tpu.memref_slice %arg6[%add3A_58] : memref<331776xi32, #tpu.memory_space<hbm>> -> memref<128xi32, #tpu.memory_space<hbm>>
        tpu.wait_dma2 semaphore(%run_scoped3A : memref<!tpu.dma_semaphore, #tpu.memory_space<semaphore_mem>>) src(%dma_wait3A_78 : memref<128xi32, #tpu.memory_space<hbm>>) dst(%arg13 : memref<128xi32, #tpu.memory_space<vmem>>)
        tpu.yield
      }) : () -> ()
      "tpu.region"() ({
        %run_scoped3A = tpu.sem_alloc : memref<!tpu.dma_semaphore, #tpu.memory_space<semaphore_mem>>
        %dma_start3A_75 = tpu.memref_slice %arg7[%add3A_58] : memref<331776xi32, #tpu.memory_space<hbm>> -> memref<128xi32, #tpu.memory_space<hbm>>
        %dma_start3A_76 = tpu.memref_slice %arg7[%add3A_58] : memref<331776xi32, #tpu.memory_space<hbm>> -> memref<128xi32, #tpu.memory_space<hbm>>
        tpu.enqueue_dma source(%dma_start3A_76 : memref<128xi32, #tpu.memory_space<hbm>>) target(%arg14 : memref<128xi32, #tpu.memory_space<vmem>>) target_semaphore(%run_scoped3A : memref<!tpu.dma_semaphore, #tpu.memory_space<semaphore_mem>>)
        %dma_wait3A_77 = tpu.memref_slice %arg7[%add3A_58] : memref<331776xi32, #tpu.memory_space<hbm>> -> memref<128xi32, #tpu.memory_space<hbm>>
        %dma_wait3A_78 = tpu.memref_slice %arg7[%add3A_58] : memref<331776xi32, #tpu.memory_space<hbm>> -> memref<128xi32, #tpu.memory_space<hbm>>
        tpu.wait_dma2 semaphore(%run_scoped3A : memref<!tpu.dma_semaphore, #tpu.memory_space<semaphore_mem>>) src(%dma_wait3A_78 : memref<128xi32, #tpu.memory_space<hbm>>) dst(%arg14 : memref<128xi32, #tpu.memory_space<vmem>>)
        tpu.yield
      }) : () -> ()
      %scan3A_59 = arith.constant 0 : i32
      %scan3A_60 = arith.constant 0 : i32
      %scan3A_61 = arith.constant 8 : i32
      %scan3A_62 = arith.addi %scan3A_60, %scan3A_61 : i32
      %scan3A_63 = arith.constant 1 : i32
      scf.for %scan3A_75 = %scan3A_60 to %scan3A_62 step %scan3A_63  : i32 {
        %mul3A_76 = arith.constant 16 : i32
        %mul3A_77 = arith.muli %scan3A_75, %mul3A_76 : i32
        %get3A_78 = arith.index_cast %mul3A_77 : i32 to index
        %get3A_79 = tpu.vector_load %arg13[%get3A_78] {strides = array<i32>} : memref<128xi32, #tpu.memory_space<vmem>>, vector<16xi32>,
        %mul3A_80 = arith.constant 16 : i32
        %mul3A_81 = arith.muli %scan3A_75, %mul3A_80 : i32
        %get3A_82 = arith.index_cast %mul3A_81 : i32 to index
        %get3A_83 = tpu.vector_load %arg14[%get3A_82] {strides = array<i32>} : memref<128xi32, #tpu.memory_space<vmem>>, vector<16xi32>,
        %gather3A = tpu.vector_load_idx %arg10[%get3A_79] : memref<10240xf32, #tpu.memory_space<vmem>>[vector<16xi32>], vector<16xf32>,
        %gather3A_84 = tpu.vector_load_idx %arg11[%get3A_83] : memref<10240xf32, #tpu.memory_space<vmem>>[vector<16xi32>], vector<16xf32>,
        %add3A_85 = arith.addf %gather3A, %gather3A_84 : vector<16xf32>
        %mul3A_86 = arith.constant 2.000000e-01 : f32
        %mul3A_87 = vector.broadcast %mul3A_86 : f32 to vector<16xf32>
        %mul3A_88 = arith.mulf %mul3A_87, %add3A_85 : vector<16xf32>
        %max3A = arith.maximumf %add3A_85, %mul3A_88 : vector<16xf32>
        %sub3A = arith.subf %max3A, %get3A_25 : vector<16xf32>
        %exp3A = math.exp %sub3A : vector<16xf32>
        %mul3A_89 = arith.constant 16 : i32
        %mul3A_90 = arith.muli %scan3A_75, %mul3A_89 : i32
        %swap3A = arith.index_cast %mul3A_90 : i32 to index
        %swap3A_91 = tpu.vector_load %arg15[%swap3A] {strides = array<i32>} : memref<128xf32, #tpu.memory_space<vmem>>, vector<16xf32>,
        tpu.vector_store %arg15[%swap3A], %exp3A {strides = array<i32>} : memref<128xf32, #tpu.memory_space<vmem>>, vector<16xf32>,
        tpu.vector_store_idx %arg17[%get3A_83], %exp3A {add = true} : memref<10240xf32, #tpu.memory_space<vmem>>[vector<16xi32>], vector<16xf32>,
        %add3A_92 = vector.broadcast %mul3A_0 : i32 to vector<16xi32>
        %add3A_93 = arith.addi %get3A_79, %add3A_92 : vector<16xi32>
        %mul3A_94 = arith.constant 16 : i32
        %mul3A_95 = arith.muli %scan3A_75, %mul3A_94 : i32
        %swap3A_96 = arith.index_cast %mul3A_95 : i32 to index
        %swap3A_97 = tpu.vector_load %arg13[%swap3A_96] {strides = array<i32>} : memref<128xi32, #tpu.memory_space<vmem>>, vector<16xi32>,
        tpu.vector_store %arg13[%swap3A_96], %add3A_93 {strides = array<i32>} : memref<128xi32, #tpu.memory_space<vmem>>, vector<16xi32>,
      }
      %scan3A_64 = arith.constant 8 : i32
      %dma_start3A = arith.constant 0 : i32
      %dma_start3A_65 = arith.constant 0 : i32
      %dma_start3A_66 = tpu.memref_slice %arg2[%dma_start3A, %dma_start3A_65] : memref<20480x128xf32, #tpu.memory_space<hbm>> -> memref<20480x128xf32, #tpu.memory_space<hbm>>
      tpu.enqueue_indirect_dma source(%dma_start3A_66 : memref<20480x128xf32, #tpu.memory_space<hbm>>) target(%arg16 : memref<128x128xf32, #tpu.memory_space<vmem>>) offsets(%arg13 : memref<128xi32, #tpu.memory_space<vmem>>) semaphore(%arg19 : memref<!tpu.dma_semaphore, #tpu.memory_space<semaphore_mem>>)
      %dma_wait3A = arith.constant 0 : i32
      %dma_wait3A_67 = arith.constant 0 : i32
      %dma_wait3A_68 = tpu.memref_slice %arg2[%dma_wait3A, %dma_wait3A_67] : memref<20480x128xf32, #tpu.memory_space<hbm>> -> memref<20480x128xf32, #tpu.memory_space<hbm>>
      tpu.wait_indirect_dma semaphore(%arg19 : memref<!tpu.dma_semaphore, #tpu.memory_space<semaphore_mem>>) src(%dma_wait3A_68 : memref<20480x128xf32, #tpu.memory_space<hbm>>) dst(%arg16 : memref<128x128xf32, #tpu.memory_space<vmem>>)
      %scan3A_69 = arith.constant 0 : i32
      %scan3A_70 = arith.constant 0 : i32
      %scan3A_71 = arith.constant 8 : i32
      %scan3A_72 = arith.addi %scan3A_70, %scan3A_71 : i32
      %scan3A_73 = arith.constant 1 : i32
      scf.for %scan3A_75 = %scan3A_70 to %scan3A_72 step %scan3A_73  : i32 {
        %mul3A_76 = arith.constant 16 : i32
        %mul3A_77 = arith.muli %scan3A_75, %mul3A_76 : i32
        %get3A_78 = arith.index_cast %mul3A_77 : i32 to index
        %get3A_79 = tpu.vector_load %arg15[%get3A_78] {strides = array<i32>} : memref<128xf32, #tpu.memory_space<vmem>>, vector<16xf32>,
        %slice3A = vector.extract_strided_slice %get3A_79 {offsets = [0], sizes = [1], strides = [1]} : vector<16xf32> to vector<1xf32>
        %squeeze3A = vector.extract %slice3A[0] : f32 from vector<1xf32>
        %broadcast_in_dim3A = vector.broadcast %squeeze3A : f32 to vector<16xf32>
        %mul3A_80 = arith.constant 16 : i32
        %mul3A_81 = arith.muli %scan3A_75, %mul3A_80 : i32
        %add3A_82 = arith.constant 0 : i32
        %add3A_83 = arith.addi %mul3A_81, %add3A_82 : i32
        %get3A_84 = arith.index_cast %add3A_83 : i32 to index
        %get3A_85 = arith.constant 0 : index
        %get3A_86 = tpu.vector_load %arg16[%get3A_84, %get3A_85] {strides = array<i32>} : memref<128x128xf32, #tpu.memory_space<vmem>>, vector<16xf32>,
        %mul3A_87 = arith.mulf %get3A_86, %broadcast_in_dim3A : vector<16xf32>
        %swap3A = arith.index_cast %add3A_83 : i32 to index
        %swap3A_88 = arith.constant 0 : index
        %swap3A_89 = tpu.vector_load %arg16[%swap3A, %swap3A_88] {strides = array<i32>} : memref<128x128xf32, #tpu.memory_space<vmem>>, vector<16xf32>,
        tpu.vector_store %arg16[%swap3A, %swap3A_88], %mul3A_87 {strides = array<i32>} : memref<128x128xf32, #tpu.memory_space<vmem>>, vector<16xf32>,
        %get3A_90 = arith.index_cast %add3A_83 : i32 to index
        %get3A_91 = arith.constant 16 : index
        %get3A_92 = tpu.vector_load %arg16[%get3A_90, %get3A_91] {strides = array<i32>} : memref<128x128xf32, #tpu.memory_space<vmem>>, vector<16xf32>,
        %mul3A_93 = arith.mulf %get3A_92, %broadcast_in_dim3A : vector<16xf32>
        %swap3A_94 = arith.index_cast %add3A_83 : i32 to index
        %swap3A_95 = arith.constant 16 : index
        %swap3A_96 = tpu.vector_load %arg16[%swap3A_94, %swap3A_95] {strides = array<i32>} : memref<128x128xf32, #tpu.memory_space<vmem>>, vector<16xf32>,
        tpu.vector_store %arg16[%swap3A_94, %swap3A_95], %mul3A_93 {strides = array<i32>} : memref<128x128xf32, #tpu.memory_space<vmem>>, vector<16xf32>,
        %get3A_97 = arith.index_cast %add3A_83 : i32 to index
        %get3A_98 = arith.constant 32 : index
        %get3A_99 = tpu.vector_load %arg16[%get3A_97, %get3A_98] {strides = array<i32>} : memref<128x128xf32, #tpu.memory_space<vmem>>, vector<16xf32>,
        %mul3A_100 = arith.mulf %get3A_99, %broadcast_in_dim3A : vector<16xf32>
        %swap3A_101 = arith.index_cast %add3A_83 : i32 to index
        %swap3A_102 = arith.constant 32 : index
        %swap3A_103 = tpu.vector_load %arg16[%swap3A_101, %swap3A_102] {strides = array<i32>} : memref<128x128xf32, #tpu.memory_space<vmem>>, vector<16xf32>,
        tpu.vector_store %arg16[%swap3A_101, %swap3A_102], %mul3A_100 {strides = array<i32>} : memref<128x128xf32, #tpu.memory_space<vmem>>, vector<16xf32>,
        %get3A_104 = arith.index_cast %add3A_83 : i32 to index
        %get3A_105 = arith.constant 48 : index
        %get3A_106 = tpu.vector_load %arg16[%get3A_104, %get3A_105] {strides = array<i32>} : memref<128x128xf32, #tpu.memory_space<vmem>>, vector<16xf32>,
        %mul3A_107 = arith.mulf %get3A_106, %broadcast_in_dim3A : vector<16xf32>
        %swap3A_108 = arith.index_cast %add3A_83 : i32 to index
        %swap3A_109 = arith.constant 48 : index
        %swap3A_110 = tpu.vector_load %arg16[%swap3A_108, %swap3A_109] {strides = array<i32>} : memref<128x128xf32, #tpu.memory_space<vmem>>, vector<16xf32>,
        tpu.vector_store %arg16[%swap3A_108, %swap3A_109], %mul3A_107 {strides = array<i32>} : memref<128x128xf32, #tpu.memory_space<vmem>>, vector<16xf32>,
        %get3A_111 = arith.index_cast %add3A_83 : i32 to index
        %get3A_112 = arith.constant 64 : index
        %get3A_113 = tpu.vector_load %arg16[%get3A_111, %get3A_112] {strides = array<i32>} : memref<128x128xf32, #tpu.memory_space<vmem>>, vector<16xf32>,
        %mul3A_114 = arith.mulf %get3A_113, %broadcast_in_dim3A : vector<16xf32>
        %swap3A_115 = arith.index_cast %add3A_83 : i32 to index
        %swap3A_116 = arith.constant 64 : index
        %swap3A_117 = tpu.vector_load %arg16[%swap3A_115, %swap3A_116] {strides = array<i32>} : memref<128x128xf32, #tpu.memory_space<vmem>>, vector<16xf32>,
        tpu.vector_store %arg16[%swap3A_115, %swap3A_116], %mul3A_114 {strides = array<i32>} : memref<128x128xf32, #tpu.memory_space<vmem>>, vector<16xf32>,
        %get3A_118 = arith.index_cast %add3A_83 : i32 to index
        %get3A_119 = arith.constant 80 : index
        %get3A_120 = tpu.vector_load %arg16[%get3A_118, %get3A_119] {strides = array<i32>} : memref<128x128xf32, #tpu.memory_space<vmem>>, vector<16xf32>,
        %mul3A_121 = arith.mulf %get3A_120, %broadcast_in_dim3A : vector<16xf32>
        %swap3A_122 = arith.index_cast %add3A_83 : i32 to index
        %swap3A_123 = arith.constant 80 : index
        %swap3A_124 = tpu.vector_load %arg16[%swap3A_122, %swap3A_123] {strides = array<i32>} : memref<128x128xf32, #tpu.memory_space<vmem>>, vector<16xf32>,
        tpu.vector_store %arg16[%swap3A_122, %swap3A_123], %mul3A_121 {strides = array<i32>} : memref<128x128xf32, #tpu.memory_space<vmem>>, vector<16xf32>,
        %get3A_125 = arith.index_cast %add3A_83 : i32 to index
        %get3A_126 = arith.constant 96 : index
        %get3A_127 = tpu.vector_load %arg16[%get3A_125, %get3A_126] {strides = array<i32>} : memref<128x128xf32, #tpu.memory_space<vmem>>, vector<16xf32>,
        %mul3A_128 = arith.mulf %get3A_127, %broadcast_in_dim3A : vector<16xf32>
        %swap3A_129 = arith.index_cast %add3A_83 : i32 to index
        %swap3A_130 = arith.constant 96 : index
        %swap3A_131 = tpu.vector_load %arg16[%swap3A_129, %swap3A_130] {strides = array<i32>} : memref<128x128xf32, #tpu.memory_space<vmem>>, vector<16xf32>,
        tpu.vector_store %arg16[%swap3A_129, %swap3A_130], %mul3A_128 {strides = array<i32>} : memref<128x128xf32, #tpu.memory_space<vmem>>, vector<16xf32>,
        %get3A_132 = arith.index_cast %add3A_83 : i32 to index
        %get3A_133 = arith.constant 112 : index
        %get3A_134 = tpu.vector_load %arg16[%get3A_132, %get3A_133] {strides = array<i32>} : memref<128x128xf32, #tpu.memory_space<vmem>>, vector<16xf32>,
        %mul3A_135 = arith.mulf %get3A_134, %broadcast_in_dim3A : vector<16xf32>
        %swap3A_136 = arith.index_cast %add3A_83 : i32 to index
        %swap3A_137 = arith.constant 112 : index
        %swap3A_138 = tpu.vector_load %arg16[%swap3A_136, %swap3A_137] {strides = array<i32>} : memref<128x128xf32, #tpu.memory_space<vmem>>, vector<16xf32>,
        tpu.vector_store %arg16[%swap3A_136, %swap3A_137], %mul3A_135 {strides = array<i32>} : memref<128x128xf32, #tpu.memory_space<vmem>>, vector<16xf32>,
        %slice3A_139 = vector.extract_strided_slice %get3A_79 {offsets = [1], sizes = [1], strides = [1]} : vector<16xf32> to vector<1xf32>
        %squeeze3A_140 = vector.extract %slice3A_139[0] : f32 from vector<1xf32>
        %broadcast_in_dim3A_141 = vector.broadcast %squeeze3A_140 : f32 to vector<16xf32>
        %mul3A_142 = arith.constant 16 : i32
        %mul3A_143 = arith.muli %scan3A_75, %mul3A_142 : i32
        %add3A_144 = arith.constant 1 : i32
        %add3A_145 = arith.addi %mul3A_143, %add3A_144 : i32
        %get3A_146 = arith.index_cast %add3A_145 : i32 to index
        %get3A_147 = arith.constant 0 : index
        %get3A_148 = tpu.vector_load %arg16[%get3A_146, %get3A_147] {strides = array<i32>} : memref<128x128xf32, #tpu.memory_space<vmem>>, vector<16xf32>,
        %mul3A_149 = arith.mulf %get3A_148, %broadcast_in_dim3A_141 : vector<16xf32>
        %swap3A_150 = arith.index_cast %add3A_145 : i32 to index
        %swap3A_151 = arith.constant 0 : index
        %swap3A_152 = tpu.vector_load %arg16[%swap3A_150, %swap3A_151] {strides = array<i32>} : memref<128x128xf32, #tpu.memory_space<vmem>>, vector<16xf32>,
        tpu.vector_store %arg16[%swap3A_150, %swap3A_151], %mul3A_149 {strides = array<i32>} : memref<128x128xf32, #tpu.memory_space<vmem>>, vector<16xf32>,
        %get3A_153 = arith.index_cast %add3A_145 : i32 to index
        %get3A_154 = arith.constant 16 : index
        %get3A_155 = tpu.vector_load %arg16[%get3A_153, %get3A_154] {strides = array<i32>} : memref<128x128xf32, #tpu.memory_space<vmem>>, vector<16xf32>,
        %mul3A_156 = arith.mulf %get3A_155, %broadcast_in_dim3A_141 : vector<16xf32>
        %swap3A_157 = arith.index_cast %add3A_145 : i32 to index
        %swap3A_158 = arith.constant 16 : index
        %swap3A_159 = tpu.vector_load %arg16[%swap3A_157, %swap3A_158] {strides = array<i32>} : memref<128x128xf32, #tpu.memory_space<vmem>>, vector<16xf32>,
        tpu.vector_store %arg16[%swap3A_157, %swap3A_158], %mul3A_156 {strides = array<i32>} : memref<128x128xf32, #tpu.memory_space<vmem>>, vector<16xf32>,
        %get3A_160 = arith.index_cast %add3A_145 : i32 to index
        %get3A_161 = arith.constant 32 : index
        %get3A_162 = tpu.vector_load %arg16[%get3A_160, %get3A_161] {strides = array<i32>} : memref<128x128xf32, #tpu.memory_space<vmem>>, vector<16xf32>,
        %mul3A_163 = arith.mulf %get3A_162, %broadcast_in_dim3A_141 : vector<16xf32>
        %swap3A_164 = arith.index_cast %add3A_145 : i32 to index
        %swap3A_165 = arith.constant 32 : index
        %swap3A_166 = tpu.vector_load %arg16[%swap3A_164, %swap3A_165] {strides = array<i32>} : memref<128x128xf32, #tpu.memory_space<vmem>>, vector<16xf32>,
        tpu.vector_store %arg16[%swap3A_164, %swap3A_165], %mul3A_163 {strides = array<i32>} : memref<128x128xf32, #tpu.memory_space<vmem>>, vector<16xf32>,
        %get3A_167 = arith.index_cast %add3A_145 : i32 to index
        %get3A_168 = arith.constant 48 : index
        %get3A_169 = tpu.vector_load %arg16[%get3A_167, %get3A_168] {strides = array<i32>} : memref<128x128xf32, #tpu.memory_space<vmem>>, vector<16xf32>,
        %mul3A_170 = arith.mulf %get3A_169, %broadcast_in_dim3A_141 : vector<16xf32>
        %swap3A_171 = arith.index_cast %add3A_145 : i32 to index
        %swap3A_172 = arith.constant 48 : index
        %swap3A_173 = tpu.vector_load %arg16[%swap3A_171, %swap3A_172] {strides = array<i32>} : memref<128x128xf32, #tpu.memory_space<vmem>>, vector<16xf32>,
        tpu.vector_store %arg16[%swap3A_171, %swap3A_172], %mul3A_170 {strides = array<i32>} : memref<128x128xf32, #tpu.memory_space<vmem>>, vector<16xf32>,
        %get3A_174 = arith.index_cast %add3A_145 : i32 to index
        %get3A_175 = arith.constant 64 : index
        %get3A_176 = tpu.vector_load %arg16[%get3A_174, %get3A_175] {strides = array<i32>} : memref<128x128xf32, #tpu.memory_space<vmem>>, vector<16xf32>,
        %mul3A_177 = arith.mulf %get3A_176, %broadcast_in_dim3A_141 : vector<16xf32>
        %swap3A_178 = arith.index_cast %add3A_145 : i32 to index
        %swap3A_179 = arith.constant 64 : index
        %swap3A_180 = tpu.vector_load %arg16[%swap3A_178, %swap3A_179] {strides = array<i32>} : memref<128x128xf32, #tpu.memory_space<vmem>>, vector<16xf32>,
        tpu.vector_store %arg16[%swap3A_178, %swap3A_179], %mul3A_177 {strides = array<i32>} : memref<128x128xf32, #tpu.memory_space<vmem>>, vector<16xf32>,
        %get3A_181 = arith.index_cast %add3A_145 : i32 to index
        %get3A_182 = arith.constant 80 : index
        %get3A_183 = tpu.vector_load %arg16[%get3A_181, %get3A_182] {strides = array<i32>} : memref<128x128xf32, #tpu.memory_space<vmem>>, vector<16xf32>,
        %mul3A_184 = arith.mulf %get3A_183, %broadcast_in_dim3A_141 : vector<16xf32>
        %swap3A_185 = arith.index_cast %add3A_145 : i32 to index
        %swap3A_186 = arith.constant 80 : index
        %swap3A_187 = tpu.vector_load %arg16[%swap3A_185, %swap3A_186] {strides = array<i32>} : memref<128x128xf32, #tpu.memory_space<vmem>>, vector<16xf32>,
        tpu.vector_store %arg16[%swap3A_185, %swap3A_186], %mul3A_184 {strides = array<i32>} : memref<128x128xf32, #tpu.memory_space<vmem>>, vector<16xf32>,
        %get3A_188 = arith.index_cast %add3A_145 : i32 to index
        %get3A_189 = arith.constant 96 : index
        %get3A_190 = tpu.vector_load %arg16[%get3A_188, %get3A_189] {strides = array<i32>} : memref<128x128xf32, #tpu.memory_space<vmem>>, vector<16xf32>,
        %mul3A_191 = arith.mulf %get3A_190, %broadcast_in_dim3A_141 : vector<16xf32>
        %swap3A_192 = arith.index_cast %add3A_145 : i32 to index
        %swap3A_193 = arith.constant 96 : index
        %swap3A_194 = tpu.vector_load %arg16[%swap3A_192, %swap3A_193] {strides = array<i32>} : memref<128x128xf32, #tpu.memory_space<vmem>>, vector<16xf32>,
        tpu.vector_store %arg16[%swap3A_192, %swap3A_193], %mul3A_191 {strides = array<i32>} : memref<128x128xf32, #tpu.memory_space<vmem>>, vector<16xf32>,
        %get3A_195 = arith.index_cast %add3A_145 : i32 to index
        %get3A_196 = arith.constant 112 : index
        %get3A_197 = tpu.vector_load %arg16[%get3A_195, %get3A_196] {strides = array<i32>} : memref<128x128xf32, #tpu.memory_space<vmem>>, vector<16xf32>,
        %mul3A_198 = arith.mulf %get3A_197, %broadcast_in_dim3A_141 : vector<16xf32>
        %swap3A_199 = arith.index_cast %add3A_145 : i32 to index
        %swap3A_200 = arith.constant 112 : index
        %swap3A_201 = tpu.vector_load %arg16[%swap3A_199, %swap3A_200] {strides = array<i32>} : memref<128x128xf32, #tpu.memory_space<vmem>>, vector<16xf32>,
        tpu.vector_store %arg16[%swap3A_199, %swap3A_200], %mul3A_198 {strides = array<i32>} : memref<128x128xf32, #tpu.memory_space<vmem>>, vector<16xf32>,
        %slice3A_202 = vector.extract_strided_slice %get3A_79 {offsets = [2], sizes = [1], strides = [1]} : vector<16xf32> to vector<1xf32>
        %squeeze3A_203 = vector.extract %slice3A_202[0] : f32 from vector<1xf32>
        %broadcast_in_dim3A_204 = vector.broadcast %squeeze3A_203 : f32 to vector<16xf32>
        %mul3A_205 = arith.constant 16 : i32
        %mul3A_206 = arith.muli %scan3A_75, %mul3A_205 : i32
        %add3A_207 = arith.constant 2 : i32
        %add3A_208 = arith.addi %mul3A_206, %add3A_207 : i32
        %get3A_209 = arith.index_cast %add3A_208 : i32 to index
        %get3A_210 = arith.constant 0 : index
        %get3A_211 = tpu.vector_load %arg16[%get3A_209, %get3A_210] {strides = array<i32>} : memref<128x128xf32, #tpu.memory_space<vmem>>, vector<16xf32>,
        %mul3A_212 = arith.mulf %get3A_211, %broadcast_in_dim3A_204 : vector<16xf32>
        %swap3A_213 = arith.index_cast %add3A_208 : i32 to index
        %swap3A_214 = arith.constant 0 : index
        %swap3A_215 = tpu.vector_load %arg16[%swap3A_213, %swap3A_214] {strides = array<i32>} : memref<128x128xf32, #tpu.memory_space<vmem>>, vector<16xf32>,
        tpu.vector_store %arg16[%swap3A_213, %swap3A_214], %mul3A_212 {strides = array<i32>} : memref<128x128xf32, #tpu.memory_space<vmem>>, vector<16xf32>,
        %get3A_216 = arith.index_cast %add3A_208 : i32 to index
        %get3A_217 = arith.constant 16 : index
        %get3A_218 = tpu.vector_load %arg16[%get3A_216, %get3A_217] {strides = array<i32>} : memref<128x128xf32, #tpu.memory_space<vmem>>, vector<16xf32>,
        %mul3A_219 = arith.mulf %get3A_218, %broadcast_in_dim3A_204 : vector<16xf32>
        %swap3A_220 = arith.index_cast %add3A_208 : i32 to index
        %swap3A_221 = arith.constant 16 : index
        %swap3A_222 = tpu.vector_load %arg16[%swap3A_220, %swap3A_221] {strides = array<i32>} : memref<128x128xf32, #tpu.memory_space<vmem>>, vector<16xf32>,
        tpu.vector_store %arg16[%swap3A_220, %swap3A_221], %mul3A_219 {strides = array<i32>} : memref<128x128xf32, #tpu.memory_space<vmem>>, vector<16xf32>,
        %get3A_223 = arith.index_cast %add3A_208 : i32 to index
        %get3A_224 = arith.constant 32 : index
        %get3A_225 = tpu.vector_load %arg16[%get3A_223, %get3A_224] {strides = array<i32>} : memref<128x128xf32, #tpu.memory_space<vmem>>, vector<16xf32>,
        %mul3A_226 = arith.mulf %get3A_225, %broadcast_in_dim3A_204 : vector<16xf32>
        %swap3A_227 = arith.index_cast %add3A_208 : i32 to index
        %swap3A_228 = arith.constant 32 : index
        %swap3A_229 = tpu.vector_load %arg16[%swap3A_227, %swap3A_228] {strides = array<i32>} : memref<128x128xf32, #tpu.memory_space<vmem>>, vector<16xf32>,
        tpu.vector_store %arg16[%swap3A_227, %swap3A_228], %mul3A_226 {strides = array<i32>} : memref<128x128xf32, #tpu.memory_space<vmem>>, vector<16xf32>,
        %get3A_230 = arith.index_cast %add3A_208 : i32 to index
        %get3A_231 = arith.constant 48 : index
        %get3A_232 = tpu.vector_load %arg16[%get3A_230, %get3A_231] {strides = array<i32>} : memref<128x128xf32, #tpu.memory_space<vmem>>, vector<16xf32>,
        %mul3A_233 = arith.mulf %get3A_232, %broadcast_in_dim3A_204 : vector<16xf32>
        %swap3A_234 = arith.index_cast %add3A_208 : i32 to index
        %swap3A_235 = arith.constant 48 : index
        %swap3A_236 = tpu.vector_load %arg16[%swap3A_234, %swap3A_235] {strides = array<i32>} : memref<128x128xf32, #tpu.memory_space<vmem>>, vector<16xf32>,
        tpu.vector_store %arg16[%swap3A_234, %swap3A_235], %mul3A_233 {strides = array<i32>} : memref<128x128xf32, #tpu.memory_space<vmem>>, vector<16xf32>,
        %get3A_237 = arith.index_cast %add3A_208 : i32 to index
        %get3A_238 = arith.constant 64 : index
        %get3A_239 = tpu.vector_load %arg16[%get3A_237, %get3A_238] {strides = array<i32>} : memref<128x128xf32, #tpu.memory_space<vmem>>, vector<16xf32>,
        %mul3A_240 = arith.mulf %get3A_239, %broadcast_in_dim3A_204 : vector<16xf32>
        %swap3A_241 = arith.index_cast %add3A_208 : i32 to index
        %swap3A_242 = arith.constant 64 : index
        %swap3A_243 = tpu.vector_load %arg16[%swap3A_241, %swap3A_242] {strides = array<i32>} : memref<128x128xf32, #tpu.memory_space<vmem>>, vector<16xf32>,
        tpu.vector_store %arg16[%swap3A_241, %swap3A_242], %mul3A_240 {strides = array<i32>} : memref<128x128xf32, #tpu.memory_space<vmem>>, vector<16xf32>,
        %get3A_244 = arith.index_cast %add3A_208 : i32 to index
        %get3A_245 = arith.constant 80 : index
        %get3A_246 = tpu.vector_load %arg16[%get3A_244, %get3A_245] {strides = array<i32>} : memref<128x128xf32, #tpu.memory_space<vmem>>, vector<16xf32>,
        %mul3A_247 = arith.mulf %get3A_246, %broadcast_in_dim3A_204 : vector<16xf32>
        %swap3A_248 = arith.index_cast %add3A_208 : i32 to index
        %swap3A_249 = arith.constant 80 : index
        %swap3A_250 = tpu.vector_load %arg16[%swap3A_248, %swap3A_249] {strides = array<i32>} : memref<128x128xf32, #tpu.memory_space<vmem>>, vector<16xf32>,
        tpu.vector_store %arg16[%swap3A_248, %swap3A_249], %mul3A_247 {strides = array<i32>} : memref<128x128xf32, #tpu.memory_space<vmem>>, vector<16xf32>,
        %get3A_251 = arith.index_cast %add3A_208 : i32 to index
        %get3A_252 = arith.constant 96 : index
        %get3A_253 = tpu.vector_load %arg16[%get3A_251, %get3A_252] {strides = array<i32>} : memref<128x128xf32, #tpu.memory_space<vmem>>, vector<16xf32>,
        %mul3A_254 = arith.mulf %get3A_253, %broadcast_in_dim3A_204 : vector<16xf32>
        %swap3A_255 = arith.index_cast %add3A_208 : i32 to index
        %swap3A_256 = arith.constant 96 : index
        %swap3A_257 = tpu.vector_load %arg16[%swap3A_255, %swap3A_256] {strides = array<i32>} : memref<128x128xf32, #tpu.memory_space<vmem>>, vector<16xf32>,
        tpu.vector_store %arg16[%swap3A_255, %swap3A_256], %mul3A_254 {strides = array<i32>} : memref<128x128xf32, #tpu.memory_space<vmem>>, vector<16xf32>,
        %get3A_258 = arith.index_cast %add3A_208 : i32 to index
        %get3A_259 = arith.constant 112 : index
        %get3A_260 = tpu.vector_load %arg16[%get3A_258, %get3A_259] {strides = array<i32>} : memref<128x128xf32, #tpu.memory_space<vmem>>, vector<16xf32>,
        %mul3A_261 = arith.mulf %get3A_260, %broadcast_in_dim3A_204 : vector<16xf32>
        %swap3A_262 = arith.index_cast %add3A_208 : i32 to index
        %swap3A_263 = arith.constant 112 : index
        %swap3A_264 = tpu.vector_load %arg16[%swap3A_262, %swap3A_263] {strides = array<i32>} : memref<128x128xf32, #tpu.memory_space<vmem>>, vector<16xf32>,
        tpu.vector_store %arg16[%swap3A_262, %swap3A_263], %mul3A_261 {strides = array<i32>} : memref<128x128xf32, #tpu.memory_space<vmem>>, vector<16xf32>,
        %slice3A_265 = vector.extract_strided_slice %get3A_79 {offsets = [3], sizes = [1], strides = [1]} : vector<16xf32> to vector<1xf32>
        %squeeze3A_266 = vector.extract %slice3A_265[0] : f32 from vector<1xf32>
        %broadcast_in_dim3A_267 = vector.broadcast %squeeze3A_266 : f32 to vector<16xf32>
        %mul3A_268 = arith.constant 16 : i32
        %mul3A_269 = arith.muli %scan3A_75, %mul3A_268 : i32
        %add3A_270 = arith.constant 3 : i32
        %add3A_271 = arith.addi %mul3A_269, %add3A_270 : i32
        %get3A_272 = arith.index_cast %add3A_271 : i32 to index
        %get3A_273 = arith.constant 0 : index
        %get3A_274 = tpu.vector_load %arg16[%get3A_272, %get3A_273] {strides = array<i32>} : memref<128x128xf32, #tpu.memory_space<vmem>>, vector<16xf32>,
        %mul3A_275 = arith.mulf %get3A_274, %broadcast_in_dim3A_267 : vector<16xf32>
        %swap3A_276 = arith.index_cast %add3A_271 : i32 to index
        %swap3A_277 = arith.constant 0 : index
        %swap3A_278 = tpu.vector_load %arg16[%swap3A_276, %swap3A_277] {strides = array<i32>} : memref<128x128xf32, #tpu.memory_space<vmem>>, vector<16xf32>,
        tpu.vector_store %arg16[%swap3A_276, %swap3A_277], %mul3A_275 {strides = array<i32>} : memref<128x128xf32, #tpu.memory_space<vmem>>, vector<16xf32>,
        %get3A_279 = arith.index_cast %add3A_271 : i32 to index
        %get3A_280 = arith.constant 16 : index
        %get3A_281 = tpu.vector_load %arg16[%get3A_279, %get3A_280] {strides = array<i32>} : memref<128x128xf32, #tpu.memory_space<vmem>>, vector<16xf32>,
        %mul3A_282 = arith.mulf %get3A_281, %broadcast_in_dim3A_267 : vector<16xf32>
        %swap3A_283 = arith.index_cast %add3A_271 : i32 to index
        %swap3A_284 = arith.constant 16 : index
        %swap3A_285 = tpu.vector_load %arg16[%swap3A_283, %swap3A_284] {strides = array<i32>} : memref<128x128xf32, #tpu.memory_space<vmem>>, vector<16xf32>,
        tpu.vector_store %arg16[%swap3A_283, %swap3A_284], %mul3A_282 {strides = array<i32>} : memref<128x128xf32, #tpu.memory_space<vmem>>, vector<16xf32>,
        %get3A_286 = arith.index_cast %add3A_271 : i32 to index
        %get3A_287 = arith.constant 32 : index
        %get3A_288 = tpu.vector_load %arg16[%get3A_286, %get3A_287] {strides = array<i32>} : memref<128x128xf32, #tpu.memory_space<vmem>>, vector<16xf32>,
        %mul3A_289 = arith.mulf %get3A_288, %broadcast_in_dim3A_267 : vector<16xf32>
        %swap3A_290 = arith.index_cast %add3A_271 : i32 to index
        %swap3A_291 = arith.constant 32 : index
        %swap3A_292 = tpu.vector_load %arg16[%swap3A_290, %swap3A_291] {strides = array<i32>} : memref<128x128xf32, #tpu.memory_space<vmem>>, vector<16xf32>,
        tpu.vector_store %arg16[%swap3A_290, %swap3A_291], %mul3A_289 {strides = array<i32>} : memref<128x128xf32, #tpu.memory_space<vmem>>, vector<16xf32>,
        %get3A_293 = arith.index_cast %add3A_271 : i32 to index
        %get3A_294 = arith.constant 48 : index
        %get3A_295 = tpu.vector_load %arg16[%get3A_293, %get3A_294] {strides = array<i32>} : memref<128x128xf32, #tpu.memory_space<vmem>>, vector<16xf32>,
        %mul3A_296 = arith.mulf %get3A_295, %broadcast_in_dim3A_267 : vector<16xf32>
        %swap3A_297 = arith.index_cast %add3A_271 : i32 to index
        %swap3A_298 = arith.constant 48 : index
        %swap3A_299 = tpu.vector_load %arg16[%swap3A_297, %swap3A_298] {strides = array<i32>} : memref<128x128xf32, #tpu.memory_space<vmem>>, vector<16xf32>,
        tpu.vector_store %arg16[%swap3A_297, %swap3A_298], %mul3A_296 {strides = array<i32>} : memref<128x128xf32, #tpu.memory_space<vmem>>, vector<16xf32>,
        %get3A_300 = arith.index_cast %add3A_271 : i32 to index
        %get3A_301 = arith.constant 64 : index
        %get3A_302 = tpu.vector_load %arg16[%get3A_300, %get3A_301] {strides = array<i32>} : memref<128x128xf32, #tpu.memory_space<vmem>>, vector<16xf32>,
        %mul3A_303 = arith.mulf %get3A_302, %broadcast_in_dim3A_267 : vector<16xf32>
        %swap3A_304 = arith.index_cast %add3A_271 : i32 to index
        %swap3A_305 = arith.constant 64 : index
        %swap3A_306 = tpu.vector_load %arg16[%swap3A_304, %swap3A_305] {strides = array<i32>} : memref<128x128xf32, #tpu.memory_space<vmem>>, vector<16xf32>,
        tpu.vector_store %arg16[%swap3A_304, %swap3A_305], %mul3A_303 {strides = array<i32>} : memref<128x128xf32, #tpu.memory_space<vmem>>, vector<16xf32>,
        %get3A_307 = arith.index_cast %add3A_271 : i32 to index
        %get3A_308 = arith.constant 80 : index
        %get3A_309 = tpu.vector_load %arg16[%get3A_307, %get3A_308] {strides = array<i32>} : memref<128x128xf32, #tpu.memory_space<vmem>>, vector<16xf32>,
        %mul3A_310 = arith.mulf %get3A_309, %broadcast_in_dim3A_267 : vector<16xf32>
        %swap3A_311 = arith.index_cast %add3A_271 : i32 to index
        %swap3A_312 = arith.constant 80 : index
        %swap3A_313 = tpu.vector_load %arg16[%swap3A_311, %swap3A_312] {strides = array<i32>} : memref<128x128xf32, #tpu.memory_space<vmem>>, vector<16xf32>,
        tpu.vector_store %arg16[%swap3A_311, %swap3A_312], %mul3A_310 {strides = array<i32>} : memref<128x128xf32, #tpu.memory_space<vmem>>, vector<16xf32>,
        %get3A_314 = arith.index_cast %add3A_271 : i32 to index
        %get3A_315 = arith.constant 96 : index
        %get3A_316 = tpu.vector_load %arg16[%get3A_314, %get3A_315] {strides = array<i32>} : memref<128x128xf32, #tpu.memory_space<vmem>>, vector<16xf32>,
        %mul3A_317 = arith.mulf %get3A_316, %broadcast_in_dim3A_267 : vector<16xf32>
        %swap3A_318 = arith.index_cast %add3A_271 : i32 to index
        %swap3A_319 = arith.constant 96 : index
        %swap3A_320 = tpu.vector_load %arg16[%swap3A_318, %swap3A_319] {strides = array<i32>} : memref<128x128xf32, #tpu.memory_space<vmem>>, vector<16xf32>,
        tpu.vector_store %arg16[%swap3A_318, %swap3A_319], %mul3A_317 {strides = array<i32>} : memref<128x128xf32, #tpu.memory_space<vmem>>, vector<16xf32>,
        %get3A_321 = arith.index_cast %add3A_271 : i32 to index
        %get3A_322 = arith.constant 112 : index
        %get3A_323 = tpu.vector_load %arg16[%get3A_321, %get3A_322] {strides = array<i32>} : memref<128x128xf32, #tpu.memory_space<vmem>>, vector<16xf32>,
        %mul3A_324 = arith.mulf %get3A_323, %broadcast_in_dim3A_267 : vector<16xf32>
        %swap3A_325 = arith.index_cast %add3A_271 : i32 to index
        %swap3A_326 = arith.constant 112 : index
        %swap3A_327 = tpu.vector_load %arg16[%swap3A_325, %swap3A_326] {strides = array<i32>} : memref<128x128xf32, #tpu.memory_space<vmem>>, vector<16xf32>,
        tpu.vector_store %arg16[%swap3A_325, %swap3A_326], %mul3A_324 {strides = array<i32>} : memref<128x128xf32, #tpu.memory_space<vmem>>, vector<16xf32>,
        %slice3A_328 = vector.extract_strided_slice %get3A_79 {offsets = [4], sizes = [1], strides = [1]} : vector<16xf32> to vector<1xf32>
        %squeeze3A_329 = vector.extract %slice3A_328[0] : f32 from vector<1xf32>
        %broadcast_in_dim3A_330 = vector.broadcast %squeeze3A_329 : f32 to vector<16xf32>
        %mul3A_331 = arith.constant 16 : i32
        %mul3A_332 = arith.muli %scan3A_75, %mul3A_331 : i32
        %add3A_333 = arith.constant 4 : i32
        %add3A_334 = arith.addi %mul3A_332, %add3A_333 : i32
        %get3A_335 = arith.index_cast %add3A_334 : i32 to index
        %get3A_336 = arith.constant 0 : index
        %get3A_337 = tpu.vector_load %arg16[%get3A_335, %get3A_336] {strides = array<i32>} : memref<128x128xf32, #tpu.memory_space<vmem>>, vector<16xf32>,
        %mul3A_338 = arith.mulf %get3A_337, %broadcast_in_dim3A_330 : vector<16xf32>
        %swap3A_339 = arith.index_cast %add3A_334 : i32 to index
        %swap3A_340 = arith.constant 0 : index
        %swap3A_341 = tpu.vector_load %arg16[%swap3A_339, %swap3A_340] {strides = array<i32>} : memref<128x128xf32, #tpu.memory_space<vmem>>, vector<16xf32>,
        tpu.vector_store %arg16[%swap3A_339, %swap3A_340], %mul3A_338 {strides = array<i32>} : memref<128x128xf32, #tpu.memory_space<vmem>>, vector<16xf32>,
        %get3A_342 = arith.index_cast %add3A_334 : i32 to index
        %get3A_343 = arith.constant 16 : index
        %get3A_344 = tpu.vector_load %arg16[%get3A_342, %get3A_343] {strides = array<i32>} : memref<128x128xf32, #tpu.memory_space<vmem>>, vector<16xf32>,
        %mul3A_345 = arith.mulf %get3A_344, %broadcast_in_dim3A_330 : vector<16xf32>
        %swap3A_346 = arith.index_cast %add3A_334 : i32 to index
        %swap3A_347 = arith.constant 16 : index
        %swap3A_348 = tpu.vector_load %arg16[%swap3A_346, %swap3A_347] {strides = array<i32>} : memref<128x128xf32, #tpu.memory_space<vmem>>, vector<16xf32>,
        tpu.vector_store %arg16[%swap3A_346, %swap3A_347], %mul3A_345 {strides = array<i32>} : memref<128x128xf32, #tpu.memory_space<vmem>>, vector<16xf32>,
        %get3A_349 = arith.index_cast %add3A_334 : i32 to index
        %get3A_350 = arith.constant 32 : index
        %get3A_351 = tpu.vector_load %arg16[%get3A_349, %get3A_350] {strides = array<i32>} : memref<128x128xf32, #tpu.memory_space<vmem>>, vector<16xf32>,
        %mul3A_352 = arith.mulf %get3A_351, %broadcast_in_dim3A_330 : vector<16xf32>
        %swap3A_353 = arith.index_cast %add3A_334 : i32 to index
        %swap3A_354 = arith.constant 32 : index
        %swap3A_355 = tpu.vector_load %arg16[%swap3A_353, %swap3A_354] {strides = array<i32>} : memref<128x128xf32, #tpu.memory_space<vmem>>, vector<16xf32>,
        tpu.vector_store %arg16[%swap3A_353, %swap3A_354], %mul3A_352 {strides = array<i32>} : memref<128x128xf32, #tpu.memory_space<vmem>>, vector<16xf32>,
        %get3A_356 = arith.index_cast %add3A_334 : i32 to index
        %get3A_357 = arith.constant 48 : index
        %get3A_358 = tpu.vector_load %arg16[%get3A_356, %get3A_357] {strides = array<i32>} : memref<128x128xf32, #tpu.memory_space<vmem>>, vector<16xf32>,
        %mul3A_359 = arith.mulf %get3A_358, %broadcast_in_dim3A_330 : vector<16xf32>
        %swap3A_360 = arith.index_cast %add3A_334 : i32 to index
        %swap3A_361 = arith.constant 48 : index
        %swap3A_362 = tpu.vector_load %arg16[%swap3A_360, %swap3A_361] {strides = array<i32>} : memref<128x128xf32, #tpu.memory_space<vmem>>, vector<16xf32>,
        tpu.vector_store %arg16[%swap3A_360, %swap3A_361], %mul3A_359 {strides = array<i32>} : memref<128x128xf32, #tpu.memory_space<vmem>>, vector<16xf32>,
        %get3A_363 = arith.index_cast %add3A_334 : i32 to index
        %get3A_364 = arith.constant 64 : index
        %get3A_365 = tpu.vector_load %arg16[%get3A_363, %get3A_364] {strides = array<i32>} : memref<128x128xf32, #tpu.memory_space<vmem>>, vector<16xf32>,
        %mul3A_366 = arith.mulf %get3A_365, %broadcast_in_dim3A_330 : vector<16xf32>
        %swap3A_367 = arith.index_cast %add3A_334 : i32 to index
        %swap3A_368 = arith.constant 64 : index
        %swap3A_369 = tpu.vector_load %arg16[%swap3A_367, %swap3A_368] {strides = array<i32>} : memref<128x128xf32, #tpu.memory_space<vmem>>, vector<16xf32>,
        tpu.vector_store %arg16[%swap3A_367, %swap3A_368], %mul3A_366 {strides = array<i32>} : memref<128x128xf32, #tpu.memory_space<vmem>>, vector<16xf32>,
        %get3A_370 = arith.index_cast %add3A_334 : i32 to index
        %get3A_371 = arith.constant 80 : index
        %get3A_372 = tpu.vector_load %arg16[%get3A_370, %get3A_371] {strides = array<i32>} : memref<128x128xf32, #tpu.memory_space<vmem>>, vector<16xf32>,
        %mul3A_373 = arith.mulf %get3A_372, %broadcast_in_dim3A_330 : vector<16xf32>
        %swap3A_374 = arith.index_cast %add3A_334 : i32 to index
        %swap3A_375 = arith.constant 80 : index
        %swap3A_376 = tpu.vector_load %arg16[%swap3A_374, %swap3A_375] {strides = array<i32>} : memref<128x128xf32, #tpu.memory_space<vmem>>, vector<16xf32>,
        tpu.vector_store %arg16[%swap3A_374, %swap3A_375], %mul3A_373 {strides = array<i32>} : memref<128x128xf32, #tpu.memory_space<vmem>>, vector<16xf32>,
        %get3A_377 = arith.index_cast %add3A_334 : i32 to index
        %get3A_378 = arith.constant 96 : index
        %get3A_379 = tpu.vector_load %arg16[%get3A_377, %get3A_378] {strides = array<i32>} : memref<128x128xf32, #tpu.memory_space<vmem>>, vector<16xf32>,
        %mul3A_380 = arith.mulf %get3A_379, %broadcast_in_dim3A_330 : vector<16xf32>
        %swap3A_381 = arith.index_cast %add3A_334 : i32 to index
        %swap3A_382 = arith.constant 96 : index
        %swap3A_383 = tpu.vector_load %arg16[%swap3A_381, %swap3A_382] {strides = array<i32>} : memref<128x128xf32, #tpu.memory_space<vmem>>, vector<16xf32>,
        tpu.vector_store %arg16[%swap3A_381, %swap3A_382], %mul3A_380 {strides = array<i32>} : memref<128x128xf32, #tpu.memory_space<vmem>>, vector<16xf32>,
        %get3A_384 = arith.index_cast %add3A_334 : i32 to index
        %get3A_385 = arith.constant 112 : index
        %get3A_386 = tpu.vector_load %arg16[%get3A_384, %get3A_385] {strides = array<i32>} : memref<128x128xf32, #tpu.memory_space<vmem>>, vector<16xf32>,
        %mul3A_387 = arith.mulf %get3A_386, %broadcast_in_dim3A_330 : vector<16xf32>
        %swap3A_388 = arith.index_cast %add3A_334 : i32 to index
        %swap3A_389 = arith.constant 112 : index
        %swap3A_390 = tpu.vector_load %arg16[%swap3A_388, %swap3A_389] {strides = array<i32>} : memref<128x128xf32, #tpu.memory_space<vmem>>, vector<16xf32>,
        tpu.vector_store %arg16[%swap3A_388, %swap3A_389], %mul3A_387 {strides = array<i32>} : memref<128x128xf32, #tpu.memory_space<vmem>>, vector<16xf32>,
        %slice3A_391 = vector.extract_strided_slice %get3A_79 {offsets = [5], sizes = [1], strides = [1]} : vector<16xf32> to vector<1xf32>
        %squeeze3A_392 = vector.extract %slice3A_391[0] : f32 from vector<1xf32>
        %broadcast_in_dim3A_393 = vector.broadcast %squeeze3A_392 : f32 to vector<16xf32>
        %mul3A_394 = arith.constant 16 : i32
        %mul3A_395 = arith.muli %scan3A_75, %mul3A_394 : i32
        %add3A_396 = arith.constant 5 : i32
        %add3A_397 = arith.addi %mul3A_395, %add3A_396 : i32
        %get3A_398 = arith.index_cast %add3A_397 : i32 to index
        %get3A_399 = arith.constant 0 : index
        %get3A_400 = tpu.vector_load %arg16[%get3A_398, %get3A_399] {strides = array<i32>} : memref<128x128xf32, #tpu.memory_space<vmem>>, vector<16xf32>,
        %mul3A_401 = arith.mulf %get3A_400, %broadcast_in_dim3A_393 : vector<16xf32>
        %swap3A_402 = arith.index_cast %add3A_397 : i32 to index
        %swap3A_403 = arith.constant 0 : index
        %swap3A_404 = tpu.vector_load %arg16[%swap3A_402, %swap3A_403] {strides = array<i32>} : memref<128x128xf32, #tpu.memory_space<vmem>>, vector<16xf32>,
        tpu.vector_store %arg16[%swap3A_402, %swap3A_403], %mul3A_401 {strides = array<i32>} : memref<128x128xf32, #tpu.memory_space<vmem>>, vector<16xf32>,
        %get3A_405 = arith.index_cast %add3A_397 : i32 to index
        %get3A_406 = arith.constant 16 : index
        %get3A_407 = tpu.vector_load %arg16[%get3A_405, %get3A_406] {strides = array<i32>} : memref<128x128xf32, #tpu.memory_space<vmem>>, vector<16xf32>,
        %mul3A_408 = arith.mulf %get3A_407, %broadcast_in_dim3A_393 : vector<16xf32>
        %swap3A_409 = arith.index_cast %add3A_397 : i32 to index
        %swap3A_410 = arith.constant 16 : index
        %swap3A_411 = tpu.vector_load %arg16[%swap3A_409, %swap3A_410] {strides = array<i32>} : memref<128x128xf32, #tpu.memory_space<vmem>>, vector<16xf32>,
        tpu.vector_store %arg16[%swap3A_409, %swap3A_410], %mul3A_408 {strides = array<i32>} : memref<128x128xf32, #tpu.memory_space<vmem>>, vector<16xf32>,
        %get3A_412 = arith.index_cast %add3A_397 : i32 to index
        %get3A_413 = arith.constant 32 : index
        %get3A_414 = tpu.vector_load %arg16[%get3A_412, %get3A_413] {strides = array<i32>} : memref<128x128xf32, #tpu.memory_space<vmem>>, vector<16xf32>,
        %mul3A_415 = arith.mulf %get3A_414, %broadcast_in_dim3A_393 : vector<16xf32>
        %swap3A_416 = arith.index_cast %add3A_397 : i32 to index
        %swap3A_417 = arith.constant 32 : index
        %swap3A_418 = tpu.vector_load %arg16[%swap3A_416, %swap3A_417] {strides = array<i32>} : memref<128x128xf32, #tpu.memory_space<vmem>>, vector<16xf32>,
        tpu.vector_store %arg16[%swap3A_416, %swap3A_417], %mul3A_415 {strides = array<i32>} : memref<128x128xf32, #tpu.memory_space<vmem>>, vector<16xf32>,
        %get3A_419 = arith.index_cast %add3A_397 : i32 to index
        %get3A_420 = arith.constant 48 : index
        %get3A_421 = tpu.vector_load %arg16[%get3A_419, %get3A_420] {strides = array<i32>} : memref<128x128xf32, #tpu.memory_space<vmem>>, vector<16xf32>,
        %mul3A_422 = arith.mulf %get3A_421, %broadcast_in_dim3A_393 : vector<16xf32>
        %swap3A_423 = arith.index_cast %add3A_397 : i32 to index
        %swap3A_424 = arith.constant 48 : index
        %swap3A_425 = tpu.vector_load %arg16[%swap3A_423, %swap3A_424] {strides = array<i32>} : memref<128x128xf32, #tpu.memory_space<vmem>>, vector<16xf32>,
        tpu.vector_store %arg16[%swap3A_423, %swap3A_424], %mul3A_422 {strides = array<i32>} : memref<128x128xf32, #tpu.memory_space<vmem>>, vector<16xf32>,
        %get3A_426 = arith.index_cast %add3A_397 : i32 to index
        %get3A_427 = arith.constant 64 : index
        %get3A_428 = tpu.vector_load %arg16[%get3A_426, %get3A_427] {strides = array<i32>} : memref<128x128xf32, #tpu.memory_space<vmem>>, vector<16xf32>,
        %mul3A_429 = arith.mulf %get3A_428, %broadcast_in_dim3A_393 : vector<16xf32>
        %swap3A_430 = arith.index_cast %add3A_397 : i32 to index
        %swap3A_431 = arith.constant 64 : index
        %swap3A_432 = tpu.vector_load %arg16[%swap3A_430, %swap3A_431] {strides = array<i32>} : memref<128x128xf32, #tpu.memory_space<vmem>>, vector<16xf32>,
        tpu.vector_store %arg16[%swap3A_430, %swap3A_431], %mul3A_429 {strides = array<i32>} : memref<128x128xf32, #tpu.memory_space<vmem>>, vector<16xf32>,
        %get3A_433 = arith.index_cast %add3A_397 : i32 to index
        %get3A_434 = arith.constant 80 : index
        %get3A_435 = tpu.vector_load %arg16[%get3A_433, %get3A_434] {strides = array<i32>} : memref<128x128xf32, #tpu.memory_space<vmem>>, vector<16xf32>,
        %mul3A_436 = arith.mulf %get3A_435, %broadcast_in_dim3A_393 : vector<16xf32>
        %swap3A_437 = arith.index_cast %add3A_397 : i32 to index
        %swap3A_438 = arith.constant 80 : index
        %swap3A_439 = tpu.vector_load %arg16[%swap3A_437, %swap3A_438] {strides = array<i32>} : memref<128x128xf32, #tpu.memory_space<vmem>>, vector<16xf32>,
        tpu.vector_store %arg16[%swap3A_437, %swap3A_438], %mul3A_436 {strides = array<i32>} : memref<128x128xf32, #tpu.memory_space<vmem>>, vector<16xf32>,
        %get3A_440 = arith.index_cast %add3A_397 : i32 to index
        %get3A_441 = arith.constant 96 : index
        %get3A_442 = tpu.vector_load %arg16[%get3A_440, %get3A_441] {strides = array<i32>} : memref<128x128xf32, #tpu.memory_space<vmem>>, vector<16xf32>,
        %mul3A_443 = arith.mulf %get3A_442, %broadcast_in_dim3A_393 : vector<16xf32>
        %swap3A_444 = arith.index_cast %add3A_397 : i32 to index
        %swap3A_445 = arith.constant 96 : index
        %swap3A_446 = tpu.vector_load %arg16[%swap3A_444, %swap3A_445] {strides = array<i32>} : memref<128x128xf32, #tpu.memory_space<vmem>>, vector<16xf32>,
        tpu.vector_store %arg16[%swap3A_444, %swap3A_445], %mul3A_443 {strides = array<i32>} : memref<128x128xf32, #tpu.memory_space<vmem>>, vector<16xf32>,
        %get3A_447 = arith.index_cast %add3A_397 : i32 to index
        %get3A_448 = arith.constant 112 : index
        %get3A_449 = tpu.vector_load %arg16[%get3A_447, %get3A_448] {strides = array<i32>} : memref<128x128xf32, #tpu.memory_space<vmem>>, vector<16xf32>,
        %mul3A_450 = arith.mulf %get3A_449, %broadcast_in_dim3A_393 : vector<16xf32>
        %swap3A_451 = arith.index_cast %add3A_397 : i32 to index
        %swap3A_452 = arith.constant 112 : index
        %swap3A_453 = tpu.vector_load %arg16[%swap3A_451, %swap3A_452] {strides = array<i32>} : memref<128x128xf32, #tpu.memory_space<vmem>>, vector<16xf32>,
        tpu.vector_store %arg16[%swap3A_451, %swap3A_452], %mul3A_450 {strides = array<i32>} : memref<128x128xf32, #tpu.memory_space<vmem>>, vector<16xf32>,
        %slice3A_454 = vector.extract_strided_slice %get3A_79 {offsets = [6], sizes = [1], strides = [1]} : vector<16xf32> to vector<1xf32>
        %squeeze3A_455 = vector.extract %slice3A_454[0] : f32 from vector<1xf32>
        %broadcast_in_dim3A_456 = vector.broadcast %squeeze3A_455 : f32 to vector<16xf32>
        %mul3A_457 = arith.constant 16 : i32
        %mul3A_458 = arith.muli %scan3A_75, %mul3A_457 : i32
        %add3A_459 = arith.constant 6 : i32
        %add3A_460 = arith.addi %mul3A_458, %add3A_459 : i32
        %get3A_461 = arith.index_cast %add3A_460 : i32 to index
        %get3A_462 = arith.constant 0 : index
        %get3A_463 = tpu.vector_load %arg16[%get3A_461, %get3A_462] {strides = array<i32>} : memref<128x128xf32, #tpu.memory_space<vmem>>, vector<16xf32>,
        %mul3A_464 = arith.mulf %get3A_463, %broadcast_in_dim3A_456 : vector<16xf32>
        %swap3A_465 = arith.index_cast %add3A_460 : i32 to index
        %swap3A_466 = arith.constant 0 : index
        %swap3A_467 = tpu.vector_load %arg16[%swap3A_465, %swap3A_466] {strides = array<i32>} : memref<128x128xf32, #tpu.memory_space<vmem>>, vector<16xf32>,
        tpu.vector_store %arg16[%swap3A_465, %swap3A_466], %mul3A_464 {strides = array<i32>} : memref<128x128xf32, #tpu.memory_space<vmem>>, vector<16xf32>,
        %get3A_468 = arith.index_cast %add3A_460 : i32 to index
        %get3A_469 = arith.constant 16 : index
        %get3A_470 = tpu.vector_load %arg16[%get3A_468, %get3A_469] {strides = array<i32>} : memref<128x128xf32, #tpu.memory_space<vmem>>, vector<16xf32>,
        %mul3A_471 = arith.mulf %get3A_470, %broadcast_in_dim3A_456 : vector<16xf32>
        %swap3A_472 = arith.index_cast %add3A_460 : i32 to index
        %swap3A_473 = arith.constant 16 : index
        %swap3A_474 = tpu.vector_load %arg16[%swap3A_472, %swap3A_473] {strides = array<i32>} : memref<128x128xf32, #tpu.memory_space<vmem>>, vector<16xf32>,
        tpu.vector_store %arg16[%swap3A_472, %swap3A_473], %mul3A_471 {strides = array<i32>} : memref<128x128xf32, #tpu.memory_space<vmem>>, vector<16xf32>,
        %get3A_475 = arith.index_cast %add3A_460 : i32 to index
        %get3A_476 = arith.constant 32 : index
        %get3A_477 = tpu.vector_load %arg16[%get3A_475, %get3A_476] {strides = array<i32>} : memref<128x128xf32, #tpu.memory_space<vmem>>, vector<16xf32>,
        %mul3A_478 = arith.mulf %get3A_477, %broadcast_in_dim3A_456 : vector<16xf32>
        %swap3A_479 = arith.index_cast %add3A_460 : i32 to index
        %swap3A_480 = arith.constant 32 : index
        %swap3A_481 = tpu.vector_load %arg16[%swap3A_479, %swap3A_480] {strides = array<i32>} : memref<128x128xf32, #tpu.memory_space<vmem>>, vector<16xf32>,
        tpu.vector_store %arg16[%swap3A_479, %swap3A_480], %mul3A_478 {strides = array<i32>} : memref<128x128xf32, #tpu.memory_space<vmem>>, vector<16xf32>,
        %get3A_482 = arith.index_cast %add3A_460 : i32 to index
        %get3A_483 = arith.constant 48 : index
        %get3A_484 = tpu.vector_load %arg16[%get3A_482, %get3A_483] {strides = array<i32>} : memref<128x128xf32, #tpu.memory_space<vmem>>, vector<16xf32>,
        %mul3A_485 = arith.mulf %get3A_484, %broadcast_in_dim3A_456 : vector<16xf32>
        %swap3A_486 = arith.index_cast %add3A_460 : i32 to index
        %swap3A_487 = arith.constant 48 : index
        %swap3A_488 = tpu.vector_load %arg16[%swap3A_486, %swap3A_487] {strides = array<i32>} : memref<128x128xf32, #tpu.memory_space<vmem>>, vector<16xf32>,
        tpu.vector_store %arg16[%swap3A_486, %swap3A_487], %mul3A_485 {strides = array<i32>} : memref<128x128xf32, #tpu.memory_space<vmem>>, vector<16xf32>,
        %get3A_489 = arith.index_cast %add3A_460 : i32 to index
        %get3A_490 = arith.constant 64 : index
        %get3A_491 = tpu.vector_load %arg16[%get3A_489, %get3A_490] {strides = array<i32>} : memref<128x128xf32, #tpu.memory_space<vmem>>, vector<16xf32>,
        %mul3A_492 = arith.mulf %get3A_491, %broadcast_in_dim3A_456 : vector<16xf32>
        %swap3A_493 = arith.index_cast %add3A_460 : i32 to index
        %swap3A_494 = arith.constant 64 : index
        %swap3A_495 = tpu.vector_load %arg16[%swap3A_493, %swap3A_494] {strides = array<i32>} : memref<128x128xf32, #tpu.memory_space<vmem>>, vector<16xf32>,
        tpu.vector_store %arg16[%swap3A_493, %swap3A_494], %mul3A_492 {strides = array<i32>} : memref<128x128xf32, #tpu.memory_space<vmem>>, vector<16xf32>,
        %get3A_496 = arith.index_cast %add3A_460 : i32 to index
        %get3A_497 = arith.constant 80 : index
        %get3A_498 = tpu.vector_load %arg16[%get3A_496, %get3A_497] {strides = array<i32>} : memref<128x128xf32, #tpu.memory_space<vmem>>, vector<16xf32>,
        %mul3A_499 = arith.mulf %get3A_498, %broadcast_in_dim3A_456 : vector<16xf32>
        %swap3A_500 = arith.index_cast %add3A_460 : i32 to index
        %swap3A_501 = arith.constant 80 : index
        %swap3A_502 = tpu.vector_load %arg16[%swap3A_500, %swap3A_501] {strides = array<i32>} : memref<128x128xf32, #tpu.memory_space<vmem>>, vector<16xf32>,
        tpu.vector_store %arg16[%swap3A_500, %swap3A_501], %mul3A_499 {strides = array<i32>} : memref<128x128xf32, #tpu.memory_space<vmem>>, vector<16xf32>,
        %get3A_503 = arith.index_cast %add3A_460 : i32 to index
        %get3A_504 = arith.constant 96 : index
        %get3A_505 = tpu.vector_load %arg16[%get3A_503, %get3A_504] {strides = array<i32>} : memref<128x128xf32, #tpu.memory_space<vmem>>, vector<16xf32>,
        %mul3A_506 = arith.mulf %get3A_505, %broadcast_in_dim3A_456 : vector<16xf32>
        %swap3A_507 = arith.index_cast %add3A_460 : i32 to index
        %swap3A_508 = arith.constant 96 : index
        %swap3A_509 = tpu.vector_load %arg16[%swap3A_507, %swap3A_508] {strides = array<i32>} : memref<128x128xf32, #tpu.memory_space<vmem>>, vector<16xf32>,
        tpu.vector_store %arg16[%swap3A_507, %swap3A_508], %mul3A_506 {strides = array<i32>} : memref<128x128xf32, #tpu.memory_space<vmem>>, vector<16xf32>,
        %get3A_510 = arith.index_cast %add3A_460 : i32 to index
        %get3A_511 = arith.constant 112 : index
        %get3A_512 = tpu.vector_load %arg16[%get3A_510, %get3A_511] {strides = array<i32>} : memref<128x128xf32, #tpu.memory_space<vmem>>, vector<16xf32>,
        %mul3A_513 = arith.mulf %get3A_512, %broadcast_in_dim3A_456 : vector<16xf32>
        %swap3A_514 = arith.index_cast %add3A_460 : i32 to index
        %swap3A_515 = arith.constant 112 : index
        %swap3A_516 = tpu.vector_load %arg16[%swap3A_514, %swap3A_515] {strides = array<i32>} : memref<128x128xf32, #tpu.memory_space<vmem>>, vector<16xf32>,
        tpu.vector_store %arg16[%swap3A_514, %swap3A_515], %mul3A_513 {strides = array<i32>} : memref<128x128xf32, #tpu.memory_space<vmem>>, vector<16xf32>,
        %slice3A_517 = vector.extract_strided_slice %get3A_79 {offsets = [7], sizes = [1], strides = [1]} : vector<16xf32> to vector<1xf32>
        %squeeze3A_518 = vector.extract %slice3A_517[0] : f32 from vector<1xf32>
        %broadcast_in_dim3A_519 = vector.broadcast %squeeze3A_518 : f32 to vector<16xf32>
        %mul3A_520 = arith.constant 16 : i32
        %mul3A_521 = arith.muli %scan3A_75, %mul3A_520 : i32
        %add3A_522 = arith.constant 7 : i32
        %add3A_523 = arith.addi %mul3A_521, %add3A_522 : i32
        %get3A_524 = arith.index_cast %add3A_523 : i32 to index
        %get3A_525 = arith.constant 0 : index
        %get3A_526 = tpu.vector_load %arg16[%get3A_524, %get3A_525] {strides = array<i32>} : memref<128x128xf32, #tpu.memory_space<vmem>>, vector<16xf32>,
        %mul3A_527 = arith.mulf %get3A_526, %broadcast_in_dim3A_519 : vector<16xf32>
        %swap3A_528 = arith.index_cast %add3A_523 : i32 to index
        %swap3A_529 = arith.constant 0 : index
        %swap3A_530 = tpu.vector_load %arg16[%swap3A_528, %swap3A_529] {strides = array<i32>} : memref<128x128xf32, #tpu.memory_space<vmem>>, vector<16xf32>,
        tpu.vector_store %arg16[%swap3A_528, %swap3A_529], %mul3A_527 {strides = array<i32>} : memref<128x128xf32, #tpu.memory_space<vmem>>, vector<16xf32>,
        %get3A_531 = arith.index_cast %add3A_523 : i32 to index
        %get3A_532 = arith.constant 16 : index
        %get3A_533 = tpu.vector_load %arg16[%get3A_531, %get3A_532] {strides = array<i32>} : memref<128x128xf32, #tpu.memory_space<vmem>>, vector<16xf32>,
        %mul3A_534 = arith.mulf %get3A_533, %broadcast_in_dim3A_519 : vector<16xf32>
        %swap3A_535 = arith.index_cast %add3A_523 : i32 to index
        %swap3A_536 = arith.constant 16 : index
        %swap3A_537 = tpu.vector_load %arg16[%swap3A_535, %swap3A_536] {strides = array<i32>} : memref<128x128xf32, #tpu.memory_space<vmem>>, vector<16xf32>,
        tpu.vector_store %arg16[%swap3A_535, %swap3A_536], %mul3A_534 {strides = array<i32>} : memref<128x128xf32, #tpu.memory_space<vmem>>, vector<16xf32>,
        %get3A_538 = arith.index_cast %add3A_523 : i32 to index
        %get3A_539 = arith.constant 32 : index
        %get3A_540 = tpu.vector_load %arg16[%get3A_538, %get3A_539] {strides = array<i32>} : memref<128x128xf32, #tpu.memory_space<vmem>>, vector<16xf32>,
        %mul3A_541 = arith.mulf %get3A_540, %broadcast_in_dim3A_519 : vector<16xf32>
        %swap3A_542 = arith.index_cast %add3A_523 : i32 to index
        %swap3A_543 = arith.constant 32 : index
        %swap3A_544 = tpu.vector_load %arg16[%swap3A_542, %swap3A_543] {strides = array<i32>} : memref<128x128xf32, #tpu.memory_space<vmem>>, vector<16xf32>,
        tpu.vector_store %arg16[%swap3A_542, %swap3A_543], %mul3A_541 {strides = array<i32>} : memref<128x128xf32, #tpu.memory_space<vmem>>, vector<16xf32>,
        %get3A_545 = arith.index_cast %add3A_523 : i32 to index
        %get3A_546 = arith.constant 48 : index
        %get3A_547 = tpu.vector_load %arg16[%get3A_545, %get3A_546] {strides = array<i32>} : memref<128x128xf32, #tpu.memory_space<vmem>>, vector<16xf32>,
        %mul3A_548 = arith.mulf %get3A_547, %broadcast_in_dim3A_519 : vector<16xf32>
        %swap3A_549 = arith.index_cast %add3A_523 : i32 to index
        %swap3A_550 = arith.constant 48 : index
        %swap3A_551 = tpu.vector_load %arg16[%swap3A_549, %swap3A_550] {strides = array<i32>} : memref<128x128xf32, #tpu.memory_space<vmem>>, vector<16xf32>,
        tpu.vector_store %arg16[%swap3A_549, %swap3A_550], %mul3A_548 {strides = array<i32>} : memref<128x128xf32, #tpu.memory_space<vmem>>, vector<16xf32>,
        %get3A_552 = arith.index_cast %add3A_523 : i32 to index
        %get3A_553 = arith.constant 64 : index
        %get3A_554 = tpu.vector_load %arg16[%get3A_552, %get3A_553] {strides = array<i32>} : memref<128x128xf32, #tpu.memory_space<vmem>>, vector<16xf32>,
        %mul3A_555 = arith.mulf %get3A_554, %broadcast_in_dim3A_519 : vector<16xf32>
        %swap3A_556 = arith.index_cast %add3A_523 : i32 to index
        %swap3A_557 = arith.constant 64 : index
        %swap3A_558 = tpu.vector_load %arg16[%swap3A_556, %swap3A_557] {strides = array<i32>} : memref<128x128xf32, #tpu.memory_space<vmem>>, vector<16xf32>,
        tpu.vector_store %arg16[%swap3A_556, %swap3A_557], %mul3A_555 {strides = array<i32>} : memref<128x128xf32, #tpu.memory_space<vmem>>, vector<16xf32>,
        %get3A_559 = arith.index_cast %add3A_523 : i32 to index
        %get3A_560 = arith.constant 80 : index
        %get3A_561 = tpu.vector_load %arg16[%get3A_559, %get3A_560] {strides = array<i32>} : memref<128x128xf32, #tpu.memory_space<vmem>>, vector<16xf32>,
        %mul3A_562 = arith.mulf %get3A_561, %broadcast_in_dim3A_519 : vector<16xf32>
        %swap3A_563 = arith.index_cast %add3A_523 : i32 to index
        %swap3A_564 = arith.constant 80 : index
        %swap3A_565 = tpu.vector_load %arg16[%swap3A_563, %swap3A_564] {strides = array<i32>} : memref<128x128xf32, #tpu.memory_space<vmem>>, vector<16xf32>,
        tpu.vector_store %arg16[%swap3A_563, %swap3A_564], %mul3A_562 {strides = array<i32>} : memref<128x128xf32, #tpu.memory_space<vmem>>, vector<16xf32>,
        %get3A_566 = arith.index_cast %add3A_523 : i32 to index
        %get3A_567 = arith.constant 96 : index
        %get3A_568 = tpu.vector_load %arg16[%get3A_566, %get3A_567] {strides = array<i32>} : memref<128x128xf32, #tpu.memory_space<vmem>>, vector<16xf32>,
        %mul3A_569 = arith.mulf %get3A_568, %broadcast_in_dim3A_519 : vector<16xf32>
        %swap3A_570 = arith.index_cast %add3A_523 : i32 to index
        %swap3A_571 = arith.constant 96 : index
        %swap3A_572 = tpu.vector_load %arg16[%swap3A_570, %swap3A_571] {strides = array<i32>} : memref<128x128xf32, #tpu.memory_space<vmem>>, vector<16xf32>,
        tpu.vector_store %arg16[%swap3A_570, %swap3A_571], %mul3A_569 {strides = array<i32>} : memref<128x128xf32, #tpu.memory_space<vmem>>, vector<16xf32>,
        %get3A_573 = arith.index_cast %add3A_523 : i32 to index
        %get3A_574 = arith.constant 112 : index
        %get3A_575 = tpu.vector_load %arg16[%get3A_573, %get3A_574] {strides = array<i32>} : memref<128x128xf32, #tpu.memory_space<vmem>>, vector<16xf32>,
        %mul3A_576 = arith.mulf %get3A_575, %broadcast_in_dim3A_519 : vector<16xf32>
        %swap3A_577 = arith.index_cast %add3A_523 : i32 to index
        %swap3A_578 = arith.constant 112 : index
        %swap3A_579 = tpu.vector_load %arg16[%swap3A_577, %swap3A_578] {strides = array<i32>} : memref<128x128xf32, #tpu.memory_space<vmem>>, vector<16xf32>,
        tpu.vector_store %arg16[%swap3A_577, %swap3A_578], %mul3A_576 {strides = array<i32>} : memref<128x128xf32, #tpu.memory_space<vmem>>, vector<16xf32>,
        %slice3A_580 = vector.extract_strided_slice %get3A_79 {offsets = [8], sizes = [1], strides = [1]} : vector<16xf32> to vector<1xf32>
        %squeeze3A_581 = vector.extract %slice3A_580[0] : f32 from vector<1xf32>
        %broadcast_in_dim3A_582 = vector.broadcast %squeeze3A_581 : f32 to vector<16xf32>
        %mul3A_583 = arith.constant 16 : i32
        %mul3A_584 = arith.muli %scan3A_75, %mul3A_583 : i32
        %add3A_585 = arith.constant 8 : i32
        %add3A_586 = arith.addi %mul3A_584, %add3A_585 : i32
        %get3A_587 = arith.index_cast %add3A_586 : i32 to index
        %get3A_588 = arith.constant 0 : index
        %get3A_589 = tpu.vector_load %arg16[%get3A_587, %get3A_588] {strides = array<i32>} : memref<128x128xf32, #tpu.memory_space<vmem>>, vector<16xf32>,
        %mul3A_590 = arith.mulf %get3A_589, %broadcast_in_dim3A_582 : vector<16xf32>
        %swap3A_591 = arith.index_cast %add3A_586 : i32 to index
        %swap3A_592 = arith.constant 0 : index
        %swap3A_593 = tpu.vector_load %arg16[%swap3A_591, %swap3A_592] {strides = array<i32>} : memref<128x128xf32, #tpu.memory_space<vmem>>, vector<16xf32>,
        tpu.vector_store %arg16[%swap3A_591, %swap3A_592], %mul3A_590 {strides = array<i32>} : memref<128x128xf32, #tpu.memory_space<vmem>>, vector<16xf32>,
        %get3A_594 = arith.index_cast %add3A_586 : i32 to index
        %get3A_595 = arith.constant 16 : index
        %get3A_596 = tpu.vector_load %arg16[%get3A_594, %get3A_595] {strides = array<i32>} : memref<128x128xf32, #tpu.memory_space<vmem>>, vector<16xf32>,
        %mul3A_597 = arith.mulf %get3A_596, %broadcast_in_dim3A_582 : vector<16xf32>
        %swap3A_598 = arith.index_cast %add3A_586 : i32 to index
        %swap3A_599 = arith.constant 16 : index
        %swap3A_600 = tpu.vector_load %arg16[%swap3A_598, %swap3A_599] {strides = array<i32>} : memref<128x128xf32, #tpu.memory_space<vmem>>, vector<16xf32>,
        tpu.vector_store %arg16[%swap3A_598, %swap3A_599], %mul3A_597 {strides = array<i32>} : memref<128x128xf32, #tpu.memory_space<vmem>>, vector<16xf32>,
        %get3A_601 = arith.index_cast %add3A_586 : i32 to index
        %get3A_602 = arith.constant 32 : index
        %get3A_603 = tpu.vector_load %arg16[%get3A_601, %get3A_602] {strides = array<i32>} : memref<128x128xf32, #tpu.memory_space<vmem>>, vector<16xf32>,
        %mul3A_604 = arith.mulf %get3A_603, %broadcast_in_dim3A_582 : vector<16xf32>
        %swap3A_605 = arith.index_cast %add3A_586 : i32 to index
        %swap3A_606 = arith.constant 32 : index
        %swap3A_607 = tpu.vector_load %arg16[%swap3A_605, %swap3A_606] {strides = array<i32>} : memref<128x128xf32, #tpu.memory_space<vmem>>, vector<16xf32>,
        tpu.vector_store %arg16[%swap3A_605, %swap3A_606], %mul3A_604 {strides = array<i32>} : memref<128x128xf32, #tpu.memory_space<vmem>>, vector<16xf32>,
        %get3A_608 = arith.index_cast %add3A_586 : i32 to index
        %get3A_609 = arith.constant 48 : index
        %get3A_610 = tpu.vector_load %arg16[%get3A_608, %get3A_609] {strides = array<i32>} : memref<128x128xf32, #tpu.memory_space<vmem>>, vector<16xf32>,
        %mul3A_611 = arith.mulf %get3A_610, %broadcast_in_dim3A_582 : vector<16xf32>
        %swap3A_612 = arith.index_cast %add3A_586 : i32 to index
        %swap3A_613 = arith.constant 48 : index
        %swap3A_614 = tpu.vector_load %arg16[%swap3A_612, %swap3A_613] {strides = array<i32>} : memref<128x128xf32, #tpu.memory_space<vmem>>, vector<16xf32>,
        tpu.vector_store %arg16[%swap3A_612, %swap3A_613], %mul3A_611 {strides = array<i32>} : memref<128x128xf32, #tpu.memory_space<vmem>>, vector<16xf32>,
        %get3A_615 = arith.index_cast %add3A_586 : i32 to index
        %get3A_616 = arith.constant 64 : index
        %get3A_617 = tpu.vector_load %arg16[%get3A_615, %get3A_616] {strides = array<i32>} : memref<128x128xf32, #tpu.memory_space<vmem>>, vector<16xf32>,
        %mul3A_618 = arith.mulf %get3A_617, %broadcast_in_dim3A_582 : vector<16xf32>
        %swap3A_619 = arith.index_cast %add3A_586 : i32 to index
        %swap3A_620 = arith.constant 64 : index
        %swap3A_621 = tpu.vector_load %arg16[%swap3A_619, %swap3A_620] {strides = array<i32>} : memref<128x128xf32, #tpu.memory_space<vmem>>, vector<16xf32>,
        tpu.vector_store %arg16[%swap3A_619, %swap3A_620], %mul3A_618 {strides = array<i32>} : memref<128x128xf32, #tpu.memory_space<vmem>>, vector<16xf32>,
        %get3A_622 = arith.index_cast %add3A_586 : i32 to index
        %get3A_623 = arith.constant 80 : index
        %get3A_624 = tpu.vector_load %arg16[%get3A_622, %get3A_623] {strides = array<i32>} : memref<128x128xf32, #tpu.memory_space<vmem>>, vector<16xf32>,
        %mul3A_625 = arith.mulf %get3A_624, %broadcast_in_dim3A_582 : vector<16xf32>
        %swap3A_626 = arith.index_cast %add3A_586 : i32 to index
        %swap3A_627 = arith.constant 80 : index
        %swap3A_628 = tpu.vector_load %arg16[%swap3A_626, %swap3A_627] {strides = array<i32>} : memref<128x128xf32, #tpu.memory_space<vmem>>, vector<16xf32>,
        tpu.vector_store %arg16[%swap3A_626, %swap3A_627], %mul3A_625 {strides = array<i32>} : memref<128x128xf32, #tpu.memory_space<vmem>>, vector<16xf32>,
        %get3A_629 = arith.index_cast %add3A_586 : i32 to index
        %get3A_630 = arith.constant 96 : index
        %get3A_631 = tpu.vector_load %arg16[%get3A_629, %get3A_630] {strides = array<i32>} : memref<128x128xf32, #tpu.memory_space<vmem>>, vector<16xf32>,
        %mul3A_632 = arith.mulf %get3A_631, %broadcast_in_dim3A_582 : vector<16xf32>
        %swap3A_633 = arith.index_cast %add3A_586 : i32 to index
        %swap3A_634 = arith.constant 96 : index
        %swap3A_635 = tpu.vector_load %arg16[%swap3A_633, %swap3A_634] {strides = array<i32>} : memref<128x128xf32, #tpu.memory_space<vmem>>, vector<16xf32>,
        tpu.vector_store %arg16[%swap3A_633, %swap3A_634], %mul3A_632 {strides = array<i32>} : memref<128x128xf32, #tpu.memory_space<vmem>>, vector<16xf32>,
        %get3A_636 = arith.index_cast %add3A_586 : i32 to index
        %get3A_637 = arith.constant 112 : index
        %get3A_638 = tpu.vector_load %arg16[%get3A_636, %get3A_637] {strides = array<i32>} : memref<128x128xf32, #tpu.memory_space<vmem>>, vector<16xf32>,
        %mul3A_639 = arith.mulf %get3A_638, %broadcast_in_dim3A_582 : vector<16xf32>
        %swap3A_640 = arith.index_cast %add3A_586 : i32 to index
        %swap3A_641 = arith.constant 112 : index
        %swap3A_642 = tpu.vector_load %arg16[%swap3A_640, %swap3A_641] {strides = array<i32>} : memref<128x128xf32, #tpu.memory_space<vmem>>, vector<16xf32>,
        tpu.vector_store %arg16[%swap3A_640, %swap3A_641], %mul3A_639 {strides = array<i32>} : memref<128x128xf32, #tpu.memory_space<vmem>>, vector<16xf32>,
        %slice3A_643 = vector.extract_strided_slice %get3A_79 {offsets = [9], sizes = [1], strides = [1]} : vector<16xf32> to vector<1xf32>
        %squeeze3A_644 = vector.extract %slice3A_643[0] : f32 from vector<1xf32>
        %broadcast_in_dim3A_645 = vector.broadcast %squeeze3A_644 : f32 to vector<16xf32>
        %mul3A_646 = arith.constant 16 : i32
        %mul3A_647 = arith.muli %scan3A_75, %mul3A_646 : i32
        %add3A_648 = arith.constant 9 : i32
        %add3A_649 = arith.addi %mul3A_647, %add3A_648 : i32
        %get3A_650 = arith.index_cast %add3A_649 : i32 to index
        %get3A_651 = arith.constant 0 : index
        %get3A_652 = tpu.vector_load %arg16[%get3A_650, %get3A_651] {strides = array<i32>} : memref<128x128xf32, #tpu.memory_space<vmem>>, vector<16xf32>,
        %mul3A_653 = arith.mulf %get3A_652, %broadcast_in_dim3A_645 : vector<16xf32>
        %swap3A_654 = arith.index_cast %add3A_649 : i32 to index
        %swap3A_655 = arith.constant 0 : index
        %swap3A_656 = tpu.vector_load %arg16[%swap3A_654, %swap3A_655] {strides = array<i32>} : memref<128x128xf32, #tpu.memory_space<vmem>>, vector<16xf32>,
        tpu.vector_store %arg16[%swap3A_654, %swap3A_655], %mul3A_653 {strides = array<i32>} : memref<128x128xf32, #tpu.memory_space<vmem>>, vector<16xf32>,
        %get3A_657 = arith.index_cast %add3A_649 : i32 to index
        %get3A_658 = arith.constant 16 : index
        %get3A_659 = tpu.vector_load %arg16[%get3A_657, %get3A_658] {strides = array<i32>} : memref<128x128xf32, #tpu.memory_space<vmem>>, vector<16xf32>,
        %mul3A_660 = arith.mulf %get3A_659, %broadcast_in_dim3A_645 : vector<16xf32>
        %swap3A_661 = arith.index_cast %add3A_649 : i32 to index
        %swap3A_662 = arith.constant 16 : index
        %swap3A_663 = tpu.vector_load %arg16[%swap3A_661, %swap3A_662] {strides = array<i32>} : memref<128x128xf32, #tpu.memory_space<vmem>>, vector<16xf32>,
        tpu.vector_store %arg16[%swap3A_661, %swap3A_662], %mul3A_660 {strides = array<i32>} : memref<128x128xf32, #tpu.memory_space<vmem>>, vector<16xf32>,
        %get3A_664 = arith.index_cast %add3A_649 : i32 to index
        %get3A_665 = arith.constant 32 : index
        %get3A_666 = tpu.vector_load %arg16[%get3A_664, %get3A_665] {strides = array<i32>} : memref<128x128xf32, #tpu.memory_space<vmem>>, vector<16xf32>,
        %mul3A_667 = arith.mulf %get3A_666, %broadcast_in_dim3A_645 : vector<16xf32>
        %swap3A_668 = arith.index_cast %add3A_649 : i32 to index
        %swap3A_669 = arith.constant 32 : index
        %swap3A_670 = tpu.vector_load %arg16[%swap3A_668, %swap3A_669] {strides = array<i32>} : memref<128x128xf32, #tpu.memory_space<vmem>>, vector<16xf32>,
        tpu.vector_store %arg16[%swap3A_668, %swap3A_669], %mul3A_667 {strides = array<i32>} : memref<128x128xf32, #tpu.memory_space<vmem>>, vector<16xf32>,
        %get3A_671 = arith.index_cast %add3A_649 : i32 to index
        %get3A_672 = arith.constant 48 : index
        %get3A_673 = tpu.vector_load %arg16[%get3A_671, %get3A_672] {strides = array<i32>} : memref<128x128xf32, #tpu.memory_space<vmem>>, vector<16xf32>,
        %mul3A_674 = arith.mulf %get3A_673, %broadcast_in_dim3A_645 : vector<16xf32>
        %swap3A_675 = arith.index_cast %add3A_649 : i32 to index
        %swap3A_676 = arith.constant 48 : index
        %swap3A_677 = tpu.vector_load %arg16[%swap3A_675, %swap3A_676] {strides = array<i32>} : memref<128x128xf32, #tpu.memory_space<vmem>>, vector<16xf32>,
        tpu.vector_store %arg16[%swap3A_675, %swap3A_676], %mul3A_674 {strides = array<i32>} : memref<128x128xf32, #tpu.memory_space<vmem>>, vector<16xf32>,
        %get3A_678 = arith.index_cast %add3A_649 : i32 to index
        %get3A_679 = arith.constant 64 : index
        %get3A_680 = tpu.vector_load %arg16[%get3A_678, %get3A_679] {strides = array<i32>} : memref<128x128xf32, #tpu.memory_space<vmem>>, vector<16xf32>,
        %mul3A_681 = arith.mulf %get3A_680, %broadcast_in_dim3A_645 : vector<16xf32>
        %swap3A_682 = arith.index_cast %add3A_649 : i32 to index
        %swap3A_683 = arith.constant 64 : index
        %swap3A_684 = tpu.vector_load %arg16[%swap3A_682, %swap3A_683] {strides = array<i32>} : memref<128x128xf32, #tpu.memory_space<vmem>>, vector<16xf32>,
        tpu.vector_store %arg16[%swap3A_682, %swap3A_683], %mul3A_681 {strides = array<i32>} : memref<128x128xf32, #tpu.memory_space<vmem>>, vector<16xf32>,
        %get3A_685 = arith.index_cast %add3A_649 : i32 to index
        %get3A_686 = arith.constant 80 : index
        %get3A_687 = tpu.vector_load %arg16[%get3A_685, %get3A_686] {strides = array<i32>} : memref<128x128xf32, #tpu.memory_space<vmem>>, vector<16xf32>,
        %mul3A_688 = arith.mulf %get3A_687, %broadcast_in_dim3A_645 : vector<16xf32>
        %swap3A_689 = arith.index_cast %add3A_649 : i32 to index
        %swap3A_690 = arith.constant 80 : index
        %swap3A_691 = tpu.vector_load %arg16[%swap3A_689, %swap3A_690] {strides = array<i32>} : memref<128x128xf32, #tpu.memory_space<vmem>>, vector<16xf32>,
        tpu.vector_store %arg16[%swap3A_689, %swap3A_690], %mul3A_688 {strides = array<i32>} : memref<128x128xf32, #tpu.memory_space<vmem>>, vector<16xf32>,
        %get3A_692 = arith.index_cast %add3A_649 : i32 to index
        %get3A_693 = arith.constant 96 : index
        %get3A_694 = tpu.vector_load %arg16[%get3A_692, %get3A_693] {strides = array<i32>} : memref<128x128xf32, #tpu.memory_space<vmem>>, vector<16xf32>,
        %mul3A_695 = arith.mulf %get3A_694, %broadcast_in_dim3A_645 : vector<16xf32>
        %swap3A_696 = arith.index_cast %add3A_649 : i32 to index
        %swap3A_697 = arith.constant 96 : index
        %swap3A_698 = tpu.vector_load %arg16[%swap3A_696, %swap3A_697] {strides = array<i32>} : memref<128x128xf32, #tpu.memory_space<vmem>>, vector<16xf32>,
        tpu.vector_store %arg16[%swap3A_696, %swap3A_697], %mul3A_695 {strides = array<i32>} : memref<128x128xf32, #tpu.memory_space<vmem>>, vector<16xf32>,
        %get3A_699 = arith.index_cast %add3A_649 : i32 to index
        %get3A_700 = arith.constant 112 : index
        %get3A_701 = tpu.vector_load %arg16[%get3A_699, %get3A_700] {strides = array<i32>} : memref<128x128xf32, #tpu.memory_space<vmem>>, vector<16xf32>,
        %mul3A_702 = arith.mulf %get3A_701, %broadcast_in_dim3A_645 : vector<16xf32>
        %swap3A_703 = arith.index_cast %add3A_649 : i32 to index
        %swap3A_704 = arith.constant 112 : index
        %swap3A_705 = tpu.vector_load %arg16[%swap3A_703, %swap3A_704] {strides = array<i32>} : memref<128x128xf32, #tpu.memory_space<vmem>>, vector<16xf32>,
        tpu.vector_store %arg16[%swap3A_703, %swap3A_704], %mul3A_702 {strides = array<i32>} : memref<128x128xf32, #tpu.memory_space<vmem>>, vector<16xf32>,
        %slice3A_706 = vector.extract_strided_slice %get3A_79 {offsets = [10], sizes = [1], strides = [1]} : vector<16xf32> to vector<1xf32>
        %squeeze3A_707 = vector.extract %slice3A_706[0] : f32 from vector<1xf32>
        %broadcast_in_dim3A_708 = vector.broadcast %squeeze3A_707 : f32 to vector<16xf32>
        %mul3A_709 = arith.constant 16 : i32
        %mul3A_710 = arith.muli %scan3A_75, %mul3A_709 : i32
        %add3A_711 = arith.constant 10 : i32
        %add3A_712 = arith.addi %mul3A_710, %add3A_711 : i32
        %get3A_713 = arith.index_cast %add3A_712 : i32 to index
        %get3A_714 = arith.constant 0 : index
        %get3A_715 = tpu.vector_load %arg16[%get3A_713, %get3A_714] {strides = array<i32>} : memref<128x128xf32, #tpu.memory_space<vmem>>, vector<16xf32>,
        %mul3A_716 = arith.mulf %get3A_715, %broadcast_in_dim3A_708 : vector<16xf32>
        %swap3A_717 = arith.index_cast %add3A_712 : i32 to index
        %swap3A_718 = arith.constant 0 : index
        %swap3A_719 = tpu.vector_load %arg16[%swap3A_717, %swap3A_718] {strides = array<i32>} : memref<128x128xf32, #tpu.memory_space<vmem>>, vector<16xf32>,
        tpu.vector_store %arg16[%swap3A_717, %swap3A_718], %mul3A_716 {strides = array<i32>} : memref<128x128xf32, #tpu.memory_space<vmem>>, vector<16xf32>,
        %get3A_720 = arith.index_cast %add3A_712 : i32 to index
        %get3A_721 = arith.constant 16 : index
        %get3A_722 = tpu.vector_load %arg16[%get3A_720, %get3A_721] {strides = array<i32>} : memref<128x128xf32, #tpu.memory_space<vmem>>, vector<16xf32>,
        %mul3A_723 = arith.mulf %get3A_722, %broadcast_in_dim3A_708 : vector<16xf32>
        %swap3A_724 = arith.index_cast %add3A_712 : i32 to index
        %swap3A_725 = arith.constant 16 : index
        %swap3A_726 = tpu.vector_load %arg16[%swap3A_724, %swap3A_725] {strides = array<i32>} : memref<128x128xf32, #tpu.memory_space<vmem>>, vector<16xf32>,
        tpu.vector_store %arg16[%swap3A_724, %swap3A_725], %mul3A_723 {strides = array<i32>} : memref<128x128xf32, #tpu.memory_space<vmem>>, vector<16xf32>,
        %get3A_727 = arith.index_cast %add3A_712 : i32 to index
        %get3A_728 = arith.constant 32 : index
        %get3A_729 = tpu.vector_load %arg16[%get3A_727, %get3A_728] {strides = array<i32>} : memref<128x128xf32, #tpu.memory_space<vmem>>, vector<16xf32>,
        %mul3A_730 = arith.mulf %get3A_729, %broadcast_in_dim3A_708 : vector<16xf32>
        %swap3A_731 = arith.index_cast %add3A_712 : i32 to index
        %swap3A_732 = arith.constant 32 : index
        %swap3A_733 = tpu.vector_load %arg16[%swap3A_731, %swap3A_732] {strides = array<i32>} : memref<128x128xf32, #tpu.memory_space<vmem>>, vector<16xf32>,
        tpu.vector_store %arg16[%swap3A_731, %swap3A_732], %mul3A_730 {strides = array<i32>} : memref<128x128xf32, #tpu.memory_space<vmem>>, vector<16xf32>,
        %get3A_734 = arith.index_cast %add3A_712 : i32 to index
        %get3A_735 = arith.constant 48 : index
        %get3A_736 = tpu.vector_load %arg16[%get3A_734, %get3A_735] {strides = array<i32>} : memref<128x128xf32, #tpu.memory_space<vmem>>, vector<16xf32>,
        %mul3A_737 = arith.mulf %get3A_736, %broadcast_in_dim3A_708 : vector<16xf32>
        %swap3A_738 = arith.index_cast %add3A_712 : i32 to index
        %swap3A_739 = arith.constant 48 : index
        %swap3A_740 = tpu.vector_load %arg16[%swap3A_738, %swap3A_739] {strides = array<i32>} : memref<128x128xf32, #tpu.memory_space<vmem>>, vector<16xf32>,
        tpu.vector_store %arg16[%swap3A_738, %swap3A_739], %mul3A_737 {strides = array<i32>} : memref<128x128xf32, #tpu.memory_space<vmem>>, vector<16xf32>,
        %get3A_741 = arith.index_cast %add3A_712 : i32 to index
        %get3A_742 = arith.constant 64 : index
        %get3A_743 = tpu.vector_load %arg16[%get3A_741, %get3A_742] {strides = array<i32>} : memref<128x128xf32, #tpu.memory_space<vmem>>, vector<16xf32>,
        %mul3A_744 = arith.mulf %get3A_743, %broadcast_in_dim3A_708 : vector<16xf32>
        %swap3A_745 = arith.index_cast %add3A_712 : i32 to index
        %swap3A_746 = arith.constant 64 : index
        %swap3A_747 = tpu.vector_load %arg16[%swap3A_745, %swap3A_746] {strides = array<i32>} : memref<128x128xf32, #tpu.memory_space<vmem>>, vector<16xf32>,
        tpu.vector_store %arg16[%swap3A_745, %swap3A_746], %mul3A_744 {strides = array<i32>} : memref<128x128xf32, #tpu.memory_space<vmem>>, vector<16xf32>,
        %get3A_748 = arith.index_cast %add3A_712 : i32 to index
        %get3A_749 = arith.constant 80 : index
        %get3A_750 = tpu.vector_load %arg16[%get3A_748, %get3A_749] {strides = array<i32>} : memref<128x128xf32, #tpu.memory_space<vmem>>, vector<16xf32>,
        %mul3A_751 = arith.mulf %get3A_750, %broadcast_in_dim3A_708 : vector<16xf32>
        %swap3A_752 = arith.index_cast %add3A_712 : i32 to index
        %swap3A_753 = arith.constant 80 : index
        %swap3A_754 = tpu.vector_load %arg16[%swap3A_752, %swap3A_753] {strides = array<i32>} : memref<128x128xf32, #tpu.memory_space<vmem>>, vector<16xf32>,
        tpu.vector_store %arg16[%swap3A_752, %swap3A_753], %mul3A_751 {strides = array<i32>} : memref<128x128xf32, #tpu.memory_space<vmem>>, vector<16xf32>,
        %get3A_755 = arith.index_cast %add3A_712 : i32 to index
        %get3A_756 = arith.constant 96 : index
        %get3A_757 = tpu.vector_load %arg16[%get3A_755, %get3A_756] {strides = array<i32>} : memref<128x128xf32, #tpu.memory_space<vmem>>, vector<16xf32>,
        %mul3A_758 = arith.mulf %get3A_757, %broadcast_in_dim3A_708 : vector<16xf32>
        %swap3A_759 = arith.index_cast %add3A_712 : i32 to index
        %swap3A_760 = arith.constant 96 : index
        %swap3A_761 = tpu.vector_load %arg16[%swap3A_759, %swap3A_760] {strides = array<i32>} : memref<128x128xf32, #tpu.memory_space<vmem>>, vector<16xf32>,
        tpu.vector_store %arg16[%swap3A_759, %swap3A_760], %mul3A_758 {strides = array<i32>} : memref<128x128xf32, #tpu.memory_space<vmem>>, vector<16xf32>,
        %get3A_762 = arith.index_cast %add3A_712 : i32 to index
        %get3A_763 = arith.constant 112 : index
        %get3A_764 = tpu.vector_load %arg16[%get3A_762, %get3A_763] {strides = array<i32>} : memref<128x128xf32, #tpu.memory_space<vmem>>, vector<16xf32>,
        %mul3A_765 = arith.mulf %get3A_764, %broadcast_in_dim3A_708 : vector<16xf32>
        %swap3A_766 = arith.index_cast %add3A_712 : i32 to index
        %swap3A_767 = arith.constant 112 : index
        %swap3A_768 = tpu.vector_load %arg16[%swap3A_766, %swap3A_767] {strides = array<i32>} : memref<128x128xf32, #tpu.memory_space<vmem>>, vector<16xf32>,
        tpu.vector_store %arg16[%swap3A_766, %swap3A_767], %mul3A_765 {strides = array<i32>} : memref<128x128xf32, #tpu.memory_space<vmem>>, vector<16xf32>,
        %slice3A_769 = vector.extract_strided_slice %get3A_79 {offsets = [11], sizes = [1], strides = [1]} : vector<16xf32> to vector<1xf32>
        %squeeze3A_770 = vector.extract %slice3A_769[0] : f32 from vector<1xf32>
        %broadcast_in_dim3A_771 = vector.broadcast %squeeze3A_770 : f32 to vector<16xf32>
        %mul3A_772 = arith.constant 16 : i32
        %mul3A_773 = arith.muli %scan3A_75, %mul3A_772 : i32
        %add3A_774 = arith.constant 11 : i32
        %add3A_775 = arith.addi %mul3A_773, %add3A_774 : i32
        %get3A_776 = arith.index_cast %add3A_775 : i32 to index
        %get3A_777 = arith.constant 0 : index
        %get3A_778 = tpu.vector_load %arg16[%get3A_776, %get3A_777] {strides = array<i32>} : memref<128x128xf32, #tpu.memory_space<vmem>>, vector<16xf32>,
        %mul3A_779 = arith.mulf %get3A_778, %broadcast_in_dim3A_771 : vector<16xf32>
        %swap3A_780 = arith.index_cast %add3A_775 : i32 to index
        %swap3A_781 = arith.constant 0 : index
        %swap3A_782 = tpu.vector_load %arg16[%swap3A_780, %swap3A_781] {strides = array<i32>} : memref<128x128xf32, #tpu.memory_space<vmem>>, vector<16xf32>,
        tpu.vector_store %arg16[%swap3A_780, %swap3A_781], %mul3A_779 {strides = array<i32>} : memref<128x128xf32, #tpu.memory_space<vmem>>, vector<16xf32>,
        %get3A_783 = arith.index_cast %add3A_775 : i32 to index
        %get3A_784 = arith.constant 16 : index
        %get3A_785 = tpu.vector_load %arg16[%get3A_783, %get3A_784] {strides = array<i32>} : memref<128x128xf32, #tpu.memory_space<vmem>>, vector<16xf32>,
        %mul3A_786 = arith.mulf %get3A_785, %broadcast_in_dim3A_771 : vector<16xf32>
        %swap3A_787 = arith.index_cast %add3A_775 : i32 to index
        %swap3A_788 = arith.constant 16 : index
        %swap3A_789 = tpu.vector_load %arg16[%swap3A_787, %swap3A_788] {strides = array<i32>} : memref<128x128xf32, #tpu.memory_space<vmem>>, vector<16xf32>,
        tpu.vector_store %arg16[%swap3A_787, %swap3A_788], %mul3A_786 {strides = array<i32>} : memref<128x128xf32, #tpu.memory_space<vmem>>, vector<16xf32>,
        %get3A_790 = arith.index_cast %add3A_775 : i32 to index
        %get3A_791 = arith.constant 32 : index
        %get3A_792 = tpu.vector_load %arg16[%get3A_790, %get3A_791] {strides = array<i32>} : memref<128x128xf32, #tpu.memory_space<vmem>>, vector<16xf32>,
        %mul3A_793 = arith.mulf %get3A_792, %broadcast_in_dim3A_771 : vector<16xf32>
        %swap3A_794 = arith.index_cast %add3A_775 : i32 to index
        %swap3A_795 = arith.constant 32 : index
        %swap3A_796 = tpu.vector_load %arg16[%swap3A_794, %swap3A_795] {strides = array<i32>} : memref<128x128xf32, #tpu.memory_space<vmem>>, vector<16xf32>,
        tpu.vector_store %arg16[%swap3A_794, %swap3A_795], %mul3A_793 {strides = array<i32>} : memref<128x128xf32, #tpu.memory_space<vmem>>, vector<16xf32>,
        %get3A_797 = arith.index_cast %add3A_775 : i32 to index
        %get3A_798 = arith.constant 48 : index
        %get3A_799 = tpu.vector_load %arg16[%get3A_797, %get3A_798] {strides = array<i32>} : memref<128x128xf32, #tpu.memory_space<vmem>>, vector<16xf32>,
        %mul3A_800 = arith.mulf %get3A_799, %broadcast_in_dim3A_771 : vector<16xf32>
        %swap3A_801 = arith.index_cast %add3A_775 : i32 to index
        %swap3A_802 = arith.constant 48 : index
        %swap3A_803 = tpu.vector_load %arg16[%swap3A_801, %swap3A_802] {strides = array<i32>} : memref<128x128xf32, #tpu.memory_space<vmem>>, vector<16xf32>,
        tpu.vector_store %arg16[%swap3A_801, %swap3A_802], %mul3A_800 {strides = array<i32>} : memref<128x128xf32, #tpu.memory_space<vmem>>, vector<16xf32>,
        %get3A_804 = arith.index_cast %add3A_775 : i32 to index
        %get3A_805 = arith.constant 64 : index
        %get3A_806 = tpu.vector_load %arg16[%get3A_804, %get3A_805] {strides = array<i32>} : memref<128x128xf32, #tpu.memory_space<vmem>>, vector<16xf32>,
        %mul3A_807 = arith.mulf %get3A_806, %broadcast_in_dim3A_771 : vector<16xf32>
        %swap3A_808 = arith.index_cast %add3A_775 : i32 to index
        %swap3A_809 = arith.constant 64 : index
        %swap3A_810 = tpu.vector_load %arg16[%swap3A_808, %swap3A_809] {strides = array<i32>} : memref<128x128xf32, #tpu.memory_space<vmem>>, vector<16xf32>,
        tpu.vector_store %arg16[%swap3A_808, %swap3A_809], %mul3A_807 {strides = array<i32>} : memref<128x128xf32, #tpu.memory_space<vmem>>, vector<16xf32>,
        %get3A_811 = arith.index_cast %add3A_775 : i32 to index
        %get3A_812 = arith.constant 80 : index
        %get3A_813 = tpu.vector_load %arg16[%get3A_811, %get3A_812] {strides = array<i32>} : memref<128x128xf32, #tpu.memory_space<vmem>>, vector<16xf32>,
        %mul3A_814 = arith.mulf %get3A_813, %broadcast_in_dim3A_771 : vector<16xf32>
        %swap3A_815 = arith.index_cast %add3A_775 : i32 to index
        %swap3A_816 = arith.constant 80 : index
        %swap3A_817 = tpu.vector_load %arg16[%swap3A_815, %swap3A_816] {strides = array<i32>} : memref<128x128xf32, #tpu.memory_space<vmem>>, vector<16xf32>,
        tpu.vector_store %arg16[%swap3A_815, %swap3A_816], %mul3A_814 {strides = array<i32>} : memref<128x128xf32, #tpu.memory_space<vmem>>, vector<16xf32>,
        %get3A_818 = arith.index_cast %add3A_775 : i32 to index
        %get3A_819 = arith.constant 96 : index
        %get3A_820 = tpu.vector_load %arg16[%get3A_818, %get3A_819] {strides = array<i32>} : memref<128x128xf32, #tpu.memory_space<vmem>>, vector<16xf32>,
        %mul3A_821 = arith.mulf %get3A_820, %broadcast_in_dim3A_771 : vector<16xf32>
        %swap3A_822 = arith.index_cast %add3A_775 : i32 to index
        %swap3A_823 = arith.constant 96 : index
        %swap3A_824 = tpu.vector_load %arg16[%swap3A_822, %swap3A_823] {strides = array<i32>} : memref<128x128xf32, #tpu.memory_space<vmem>>, vector<16xf32>,
        tpu.vector_store %arg16[%swap3A_822, %swap3A_823], %mul3A_821 {strides = array<i32>} : memref<128x128xf32, #tpu.memory_space<vmem>>, vector<16xf32>,
        %get3A_825 = arith.index_cast %add3A_775 : i32 to index
        %get3A_826 = arith.constant 112 : index
        %get3A_827 = tpu.vector_load %arg16[%get3A_825, %get3A_826] {strides = array<i32>} : memref<128x128xf32, #tpu.memory_space<vmem>>, vector<16xf32>,
        %mul3A_828 = arith.mulf %get3A_827, %broadcast_in_dim3A_771 : vector<16xf32>
        %swap3A_829 = arith.index_cast %add3A_775 : i32 to index
        %swap3A_830 = arith.constant 112 : index
        %swap3A_831 = tpu.vector_load %arg16[%swap3A_829, %swap3A_830] {strides = array<i32>} : memref<128x128xf32, #tpu.memory_space<vmem>>, vector<16xf32>,
        tpu.vector_store %arg16[%swap3A_829, %swap3A_830], %mul3A_828 {strides = array<i32>} : memref<128x128xf32, #tpu.memory_space<vmem>>, vector<16xf32>,
        %slice3A_832 = vector.extract_strided_slice %get3A_79 {offsets = [12], sizes = [1], strides = [1]} : vector<16xf32> to vector<1xf32>
        %squeeze3A_833 = vector.extract %slice3A_832[0] : f32 from vector<1xf32>
        %broadcast_in_dim3A_834 = vector.broadcast %squeeze3A_833 : f32 to vector<16xf32>
        %mul3A_835 = arith.constant 16 : i32
        %mul3A_836 = arith.muli %scan3A_75, %mul3A_835 : i32
        %add3A_837 = arith.constant 12 : i32
        %add3A_838 = arith.addi %mul3A_836, %add3A_837 : i32
        %get3A_839 = arith.index_cast %add3A_838 : i32 to index
        %get3A_840 = arith.constant 0 : index
        %get3A_841 = tpu.vector_load %arg16[%get3A_839, %get3A_840] {strides = array<i32>} : memref<128x128xf32, #tpu.memory_space<vmem>>, vector<16xf32>,
        %mul3A_842 = arith.mulf %get3A_841, %broadcast_in_dim3A_834 : vector<16xf32>
        %swap3A_843 = arith.index_cast %add3A_838 : i32 to index
        %swap3A_844 = arith.constant 0 : index
        %swap3A_845 = tpu.vector_load %arg16[%swap3A_843, %swap3A_844] {strides = array<i32>} : memref<128x128xf32, #tpu.memory_space<vmem>>, vector<16xf32>,
        tpu.vector_store %arg16[%swap3A_843, %swap3A_844], %mul3A_842 {strides = array<i32>} : memref<128x128xf32, #tpu.memory_space<vmem>>, vector<16xf32>,
        %get3A_846 = arith.index_cast %add3A_838 : i32 to index
        %get3A_847 = arith.constant 16 : index
        %get3A_848 = tpu.vector_load %arg16[%get3A_846, %get3A_847] {strides = array<i32>} : memref<128x128xf32, #tpu.memory_space<vmem>>, vector<16xf32>,
        %mul3A_849 = arith.mulf %get3A_848, %broadcast_in_dim3A_834 : vector<16xf32>
        %swap3A_850 = arith.index_cast %add3A_838 : i32 to index
        %swap3A_851 = arith.constant 16 : index
        %swap3A_852 = tpu.vector_load %arg16[%swap3A_850, %swap3A_851] {strides = array<i32>} : memref<128x128xf32, #tpu.memory_space<vmem>>, vector<16xf32>,
        tpu.vector_store %arg16[%swap3A_850, %swap3A_851], %mul3A_849 {strides = array<i32>} : memref<128x128xf32, #tpu.memory_space<vmem>>, vector<16xf32>,
        %get3A_853 = arith.index_cast %add3A_838 : i32 to index
        %get3A_854 = arith.constant 32 : index
        %get3A_855 = tpu.vector_load %arg16[%get3A_853, %get3A_854] {strides = array<i32>} : memref<128x128xf32, #tpu.memory_space<vmem>>, vector<16xf32>,
        %mul3A_856 = arith.mulf %get3A_855, %broadcast_in_dim3A_834 : vector<16xf32>
        %swap3A_857 = arith.index_cast %add3A_838 : i32 to index
        %swap3A_858 = arith.constant 32 : index
        %swap3A_859 = tpu.vector_load %arg16[%swap3A_857, %swap3A_858] {strides = array<i32>} : memref<128x128xf32, #tpu.memory_space<vmem>>, vector<16xf32>,
        tpu.vector_store %arg16[%swap3A_857, %swap3A_858], %mul3A_856 {strides = array<i32>} : memref<128x128xf32, #tpu.memory_space<vmem>>, vector<16xf32>,
        %get3A_860 = arith.index_cast %add3A_838 : i32 to index
        %get3A_861 = arith.constant 48 : index
        %get3A_862 = tpu.vector_load %arg16[%get3A_860, %get3A_861] {strides = array<i32>} : memref<128x128xf32, #tpu.memory_space<vmem>>, vector<16xf32>,
        %mul3A_863 = arith.mulf %get3A_862, %broadcast_in_dim3A_834 : vector<16xf32>
        %swap3A_864 = arith.index_cast %add3A_838 : i32 to index
        %swap3A_865 = arith.constant 48 : index
        %swap3A_866 = tpu.vector_load %arg16[%swap3A_864, %swap3A_865] {strides = array<i32>} : memref<128x128xf32, #tpu.memory_space<vmem>>, vector<16xf32>,
        tpu.vector_store %arg16[%swap3A_864, %swap3A_865], %mul3A_863 {strides = array<i32>} : memref<128x128xf32, #tpu.memory_space<vmem>>, vector<16xf32>,
        %get3A_867 = arith.index_cast %add3A_838 : i32 to index
        %get3A_868 = arith.constant 64 : index
        %get3A_869 = tpu.vector_load %arg16[%get3A_867, %get3A_868] {strides = array<i32>} : memref<128x128xf32, #tpu.memory_space<vmem>>, vector<16xf32>,
        %mul3A_870 = arith.mulf %get3A_869, %broadcast_in_dim3A_834 : vector<16xf32>
        %swap3A_871 = arith.index_cast %add3A_838 : i32 to index
        %swap3A_872 = arith.constant 64 : index
        %swap3A_873 = tpu.vector_load %arg16[%swap3A_871, %swap3A_872] {strides = array<i32>} : memref<128x128xf32, #tpu.memory_space<vmem>>, vector<16xf32>,
        tpu.vector_store %arg16[%swap3A_871, %swap3A_872], %mul3A_870 {strides = array<i32>} : memref<128x128xf32, #tpu.memory_space<vmem>>, vector<16xf32>,
        %get3A_874 = arith.index_cast %add3A_838 : i32 to index
        %get3A_875 = arith.constant 80 : index
        %get3A_876 = tpu.vector_load %arg16[%get3A_874, %get3A_875] {strides = array<i32>} : memref<128x128xf32, #tpu.memory_space<vmem>>, vector<16xf32>,
        %mul3A_877 = arith.mulf %get3A_876, %broadcast_in_dim3A_834 : vector<16xf32>
        %swap3A_878 = arith.index_cast %add3A_838 : i32 to index
        %swap3A_879 = arith.constant 80 : index
        %swap3A_880 = tpu.vector_load %arg16[%swap3A_878, %swap3A_879] {strides = array<i32>} : memref<128x128xf32, #tpu.memory_space<vmem>>, vector<16xf32>,
        tpu.vector_store %arg16[%swap3A_878, %swap3A_879], %mul3A_877 {strides = array<i32>} : memref<128x128xf32, #tpu.memory_space<vmem>>, vector<16xf32>,
        %get3A_881 = arith.index_cast %add3A_838 : i32 to index
        %get3A_882 = arith.constant 96 : index
        %get3A_883 = tpu.vector_load %arg16[%get3A_881, %get3A_882] {strides = array<i32>} : memref<128x128xf32, #tpu.memory_space<vmem>>, vector<16xf32>,
        %mul3A_884 = arith.mulf %get3A_883, %broadcast_in_dim3A_834 : vector<16xf32>
        %swap3A_885 = arith.index_cast %add3A_838 : i32 to index
        %swap3A_886 = arith.constant 96 : index
        %swap3A_887 = tpu.vector_load %arg16[%swap3A_885, %swap3A_886] {strides = array<i32>} : memref<128x128xf32, #tpu.memory_space<vmem>>, vector<16xf32>,
        tpu.vector_store %arg16[%swap3A_885, %swap3A_886], %mul3A_884 {strides = array<i32>} : memref<128x128xf32, #tpu.memory_space<vmem>>, vector<16xf32>,
        %get3A_888 = arith.index_cast %add3A_838 : i32 to index
        %get3A_889 = arith.constant 112 : index
        %get3A_890 = tpu.vector_load %arg16[%get3A_888, %get3A_889] {strides = array<i32>} : memref<128x128xf32, #tpu.memory_space<vmem>>, vector<16xf32>,
        %mul3A_891 = arith.mulf %get3A_890, %broadcast_in_dim3A_834 : vector<16xf32>
        %swap3A_892 = arith.index_cast %add3A_838 : i32 to index
        %swap3A_893 = arith.constant 112 : index
        %swap3A_894 = tpu.vector_load %arg16[%swap3A_892, %swap3A_893] {strides = array<i32>} : memref<128x128xf32, #tpu.memory_space<vmem>>, vector<16xf32>,
        tpu.vector_store %arg16[%swap3A_892, %swap3A_893], %mul3A_891 {strides = array<i32>} : memref<128x128xf32, #tpu.memory_space<vmem>>, vector<16xf32>,
        %slice3A_895 = vector.extract_strided_slice %get3A_79 {offsets = [13], sizes = [1], strides = [1]} : vector<16xf32> to vector<1xf32>
        %squeeze3A_896 = vector.extract %slice3A_895[0] : f32 from vector<1xf32>
        %broadcast_in_dim3A_897 = vector.broadcast %squeeze3A_896 : f32 to vector<16xf32>
        %mul3A_898 = arith.constant 16 : i32
        %mul3A_899 = arith.muli %scan3A_75, %mul3A_898 : i32
        %add3A_900 = arith.constant 13 : i32
        %add3A_901 = arith.addi %mul3A_899, %add3A_900 : i32
        %get3A_902 = arith.index_cast %add3A_901 : i32 to index
        %get3A_903 = arith.constant 0 : index
        %get3A_904 = tpu.vector_load %arg16[%get3A_902, %get3A_903] {strides = array<i32>} : memref<128x128xf32, #tpu.memory_space<vmem>>, vector<16xf32>,
        %mul3A_905 = arith.mulf %get3A_904, %broadcast_in_dim3A_897 : vector<16xf32>
        %swap3A_906 = arith.index_cast %add3A_901 : i32 to index
        %swap3A_907 = arith.constant 0 : index
        %swap3A_908 = tpu.vector_load %arg16[%swap3A_906, %swap3A_907] {strides = array<i32>} : memref<128x128xf32, #tpu.memory_space<vmem>>, vector<16xf32>,
        tpu.vector_store %arg16[%swap3A_906, %swap3A_907], %mul3A_905 {strides = array<i32>} : memref<128x128xf32, #tpu.memory_space<vmem>>, vector<16xf32>,
        %get3A_909 = arith.index_cast %add3A_901 : i32 to index
        %get3A_910 = arith.constant 16 : index
        %get3A_911 = tpu.vector_load %arg16[%get3A_909, %get3A_910] {strides = array<i32>} : memref<128x128xf32, #tpu.memory_space<vmem>>, vector<16xf32>,
        %mul3A_912 = arith.mulf %get3A_911, %broadcast_in_dim3A_897 : vector<16xf32>
        %swap3A_913 = arith.index_cast %add3A_901 : i32 to index
        %swap3A_914 = arith.constant 16 : index
        %swap3A_915 = tpu.vector_load %arg16[%swap3A_913, %swap3A_914] {strides = array<i32>} : memref<128x128xf32, #tpu.memory_space<vmem>>, vector<16xf32>,
        tpu.vector_store %arg16[%swap3A_913, %swap3A_914], %mul3A_912 {strides = array<i32>} : memref<128x128xf32, #tpu.memory_space<vmem>>, vector<16xf32>,
        %get3A_916 = arith.index_cast %add3A_901 : i32 to index
        %get3A_917 = arith.constant 32 : index
        %get3A_918 = tpu.vector_load %arg16[%get3A_916, %get3A_917] {strides = array<i32>} : memref<128x128xf32, #tpu.memory_space<vmem>>, vector<16xf32>,
        %mul3A_919 = arith.mulf %get3A_918, %broadcast_in_dim3A_897 : vector<16xf32>
        %swap3A_920 = arith.index_cast %add3A_901 : i32 to index
        %swap3A_921 = arith.constant 32 : index
        %swap3A_922 = tpu.vector_load %arg16[%swap3A_920, %swap3A_921] {strides = array<i32>} : memref<128x128xf32, #tpu.memory_space<vmem>>, vector<16xf32>,
        tpu.vector_store %arg16[%swap3A_920, %swap3A_921], %mul3A_919 {strides = array<i32>} : memref<128x128xf32, #tpu.memory_space<vmem>>, vector<16xf32>,
        %get3A_923 = arith.index_cast %add3A_901 : i32 to index
        %get3A_924 = arith.constant 48 : index
        %get3A_925 = tpu.vector_load %arg16[%get3A_923, %get3A_924] {strides = array<i32>} : memref<128x128xf32, #tpu.memory_space<vmem>>, vector<16xf32>,
        %mul3A_926 = arith.mulf %get3A_925, %broadcast_in_dim3A_897 : vector<16xf32>
        %swap3A_927 = arith.index_cast %add3A_901 : i32 to index
        %swap3A_928 = arith.constant 48 : index
        %swap3A_929 = tpu.vector_load %arg16[%swap3A_927, %swap3A_928] {strides = array<i32>} : memref<128x128xf32, #tpu.memory_space<vmem>>, vector<16xf32>,
        tpu.vector_store %arg16[%swap3A_927, %swap3A_928], %mul3A_926 {strides = array<i32>} : memref<128x128xf32, #tpu.memory_space<vmem>>, vector<16xf32>,
        %get3A_930 = arith.index_cast %add3A_901 : i32 to index
        %get3A_931 = arith.constant 64 : index
        %get3A_932 = tpu.vector_load %arg16[%get3A_930, %get3A_931] {strides = array<i32>} : memref<128x128xf32, #tpu.memory_space<vmem>>, vector<16xf32>,
        %mul3A_933 = arith.mulf %get3A_932, %broadcast_in_dim3A_897 : vector<16xf32>
        %swap3A_934 = arith.index_cast %add3A_901 : i32 to index
        %swap3A_935 = arith.constant 64 : index
        %swap3A_936 = tpu.vector_load %arg16[%swap3A_934, %swap3A_935] {strides = array<i32>} : memref<128x128xf32, #tpu.memory_space<vmem>>, vector<16xf32>,
        tpu.vector_store %arg16[%swap3A_934, %swap3A_935], %mul3A_933 {strides = array<i32>} : memref<128x128xf32, #tpu.memory_space<vmem>>, vector<16xf32>,
        %get3A_937 = arith.index_cast %add3A_901 : i32 to index
        %get3A_938 = arith.constant 80 : index
        %get3A_939 = tpu.vector_load %arg16[%get3A_937, %get3A_938] {strides = array<i32>} : memref<128x128xf32, #tpu.memory_space<vmem>>, vector<16xf32>,
        %mul3A_940 = arith.mulf %get3A_939, %broadcast_in_dim3A_897 : vector<16xf32>
        %swap3A_941 = arith.index_cast %add3A_901 : i32 to index
        %swap3A_942 = arith.constant 80 : index
        %swap3A_943 = tpu.vector_load %arg16[%swap3A_941, %swap3A_942] {strides = array<i32>} : memref<128x128xf32, #tpu.memory_space<vmem>>, vector<16xf32>,
        tpu.vector_store %arg16[%swap3A_941, %swap3A_942], %mul3A_940 {strides = array<i32>} : memref<128x128xf32, #tpu.memory_space<vmem>>, vector<16xf32>,
        %get3A_944 = arith.index_cast %add3A_901 : i32 to index
        %get3A_945 = arith.constant 96 : index
        %get3A_946 = tpu.vector_load %arg16[%get3A_944, %get3A_945] {strides = array<i32>} : memref<128x128xf32, #tpu.memory_space<vmem>>, vector<16xf32>,
        %mul3A_947 = arith.mulf %get3A_946, %broadcast_in_dim3A_897 : vector<16xf32>
        %swap3A_948 = arith.index_cast %add3A_901 : i32 to index
        %swap3A_949 = arith.constant 96 : index
        %swap3A_950 = tpu.vector_load %arg16[%swap3A_948, %swap3A_949] {strides = array<i32>} : memref<128x128xf32, #tpu.memory_space<vmem>>, vector<16xf32>,
        tpu.vector_store %arg16[%swap3A_948, %swap3A_949], %mul3A_947 {strides = array<i32>} : memref<128x128xf32, #tpu.memory_space<vmem>>, vector<16xf32>,
        %get3A_951 = arith.index_cast %add3A_901 : i32 to index
        %get3A_952 = arith.constant 112 : index
        %get3A_953 = tpu.vector_load %arg16[%get3A_951, %get3A_952] {strides = array<i32>} : memref<128x128xf32, #tpu.memory_space<vmem>>, vector<16xf32>,
        %mul3A_954 = arith.mulf %get3A_953, %broadcast_in_dim3A_897 : vector<16xf32>
        %swap3A_955 = arith.index_cast %add3A_901 : i32 to index
        %swap3A_956 = arith.constant 112 : index
        %swap3A_957 = tpu.vector_load %arg16[%swap3A_955, %swap3A_956] {strides = array<i32>} : memref<128x128xf32, #tpu.memory_space<vmem>>, vector<16xf32>,
        tpu.vector_store %arg16[%swap3A_955, %swap3A_956], %mul3A_954 {strides = array<i32>} : memref<128x128xf32, #tpu.memory_space<vmem>>, vector<16xf32>,
        %slice3A_958 = vector.extract_strided_slice %get3A_79 {offsets = [14], sizes = [1], strides = [1]} : vector<16xf32> to vector<1xf32>
        %squeeze3A_959 = vector.extract %slice3A_958[0] : f32 from vector<1xf32>
        %broadcast_in_dim3A_960 = vector.broadcast %squeeze3A_959 : f32 to vector<16xf32>
        %mul3A_961 = arith.constant 16 : i32
        %mul3A_962 = arith.muli %scan3A_75, %mul3A_961 : i32
        %add3A_963 = arith.constant 14 : i32
        %add3A_964 = arith.addi %mul3A_962, %add3A_963 : i32
        %get3A_965 = arith.index_cast %add3A_964 : i32 to index
        %get3A_966 = arith.constant 0 : index
        %get3A_967 = tpu.vector_load %arg16[%get3A_965, %get3A_966] {strides = array<i32>} : memref<128x128xf32, #tpu.memory_space<vmem>>, vector<16xf32>,
        %mul3A_968 = arith.mulf %get3A_967, %broadcast_in_dim3A_960 : vector<16xf32>
        %swap3A_969 = arith.index_cast %add3A_964 : i32 to index
        %swap3A_970 = arith.constant 0 : index
        %swap3A_971 = tpu.vector_load %arg16[%swap3A_969, %swap3A_970] {strides = array<i32>} : memref<128x128xf32, #tpu.memory_space<vmem>>, vector<16xf32>,
        tpu.vector_store %arg16[%swap3A_969, %swap3A_970], %mul3A_968 {strides = array<i32>} : memref<128x128xf32, #tpu.memory_space<vmem>>, vector<16xf32>,
        %get3A_972 = arith.index_cast %add3A_964 : i32 to index
        %get3A_973 = arith.constant 16 : index
        %get3A_974 = tpu.vector_load %arg16[%get3A_972, %get3A_973] {strides = array<i32>} : memref<128x128xf32, #tpu.memory_space<vmem>>, vector<16xf32>,
        %mul3A_975 = arith.mulf %get3A_974, %broadcast_in_dim3A_960 : vector<16xf32>
        %swap3A_976 = arith.index_cast %add3A_964 : i32 to index
        %swap3A_977 = arith.constant 16 : index
        %swap3A_978 = tpu.vector_load %arg16[%swap3A_976, %swap3A_977] {strides = array<i32>} : memref<128x128xf32, #tpu.memory_space<vmem>>, vector<16xf32>,
        tpu.vector_store %arg16[%swap3A_976, %swap3A_977], %mul3A_975 {strides = array<i32>} : memref<128x128xf32, #tpu.memory_space<vmem>>, vector<16xf32>,
        %get3A_979 = arith.index_cast %add3A_964 : i32 to index
        %get3A_980 = arith.constant 32 : index
        %get3A_981 = tpu.vector_load %arg16[%get3A_979, %get3A_980] {strides = array<i32>} : memref<128x128xf32, #tpu.memory_space<vmem>>, vector<16xf32>,
        %mul3A_982 = arith.mulf %get3A_981, %broadcast_in_dim3A_960 : vector<16xf32>
        %swap3A_983 = arith.index_cast %add3A_964 : i32 to index
        %swap3A_984 = arith.constant 32 : index
        %swap3A_985 = tpu.vector_load %arg16[%swap3A_983, %swap3A_984] {strides = array<i32>} : memref<128x128xf32, #tpu.memory_space<vmem>>, vector<16xf32>,
        tpu.vector_store %arg16[%swap3A_983, %swap3A_984], %mul3A_982 {strides = array<i32>} : memref<128x128xf32, #tpu.memory_space<vmem>>, vector<16xf32>,
        %get3A_986 = arith.index_cast %add3A_964 : i32 to index
        %get3A_987 = arith.constant 48 : index
        %get3A_988 = tpu.vector_load %arg16[%get3A_986, %get3A_987] {strides = array<i32>} : memref<128x128xf32, #tpu.memory_space<vmem>>, vector<16xf32>,
        %mul3A_989 = arith.mulf %get3A_988, %broadcast_in_dim3A_960 : vector<16xf32>
        %swap3A_990 = arith.index_cast %add3A_964 : i32 to index
        %swap3A_991 = arith.constant 48 : index
        %swap3A_992 = tpu.vector_load %arg16[%swap3A_990, %swap3A_991] {strides = array<i32>} : memref<128x128xf32, #tpu.memory_space<vmem>>, vector<16xf32>,
        tpu.vector_store %arg16[%swap3A_990, %swap3A_991], %mul3A_989 {strides = array<i32>} : memref<128x128xf32, #tpu.memory_space<vmem>>, vector<16xf32>,
        %get3A_993 = arith.index_cast %add3A_964 : i32 to index
        %get3A_994 = arith.constant 64 : index
        %get3A_995 = tpu.vector_load %arg16[%get3A_993, %get3A_994] {strides = array<i32>} : memref<128x128xf32, #tpu.memory_space<vmem>>, vector<16xf32>,
        %mul3A_996 = arith.mulf %get3A_995, %broadcast_in_dim3A_960 : vector<16xf32>
        %swap3A_997 = arith.index_cast %add3A_964 : i32 to index
        %swap3A_998 = arith.constant 64 : index
        %swap3A_999 = tpu.vector_load %arg16[%swap3A_997, %swap3A_998] {strides = array<i32>} : memref<128x128xf32, #tpu.memory_space<vmem>>, vector<16xf32>,
        tpu.vector_store %arg16[%swap3A_997, %swap3A_998], %mul3A_996 {strides = array<i32>} : memref<128x128xf32, #tpu.memory_space<vmem>>, vector<16xf32>,
        %get3A_1000 = arith.index_cast %add3A_964 : i32 to index
        %get3A_1001 = arith.constant 80 : index
        %get3A_1002 = tpu.vector_load %arg16[%get3A_1000, %get3A_1001] {strides = array<i32>} : memref<128x128xf32, #tpu.memory_space<vmem>>, vector<16xf32>,
        %mul3A_1003 = arith.mulf %get3A_1002, %broadcast_in_dim3A_960 : vector<16xf32>
        %swap3A_1004 = arith.index_cast %add3A_964 : i32 to index
        %swap3A_1005 = arith.constant 80 : index
        %swap3A_1006 = tpu.vector_load %arg16[%swap3A_1004, %swap3A_1005] {strides = array<i32>} : memref<128x128xf32, #tpu.memory_space<vmem>>, vector<16xf32>,
        tpu.vector_store %arg16[%swap3A_1004, %swap3A_1005], %mul3A_1003 {strides = array<i32>} : memref<128x128xf32, #tpu.memory_space<vmem>>, vector<16xf32>,
        %get3A_1007 = arith.index_cast %add3A_964 : i32 to index
        %get3A_1008 = arith.constant 96 : index
        %get3A_1009 = tpu.vector_load %arg16[%get3A_1007, %get3A_1008] {strides = array<i32>} : memref<128x128xf32, #tpu.memory_space<vmem>>, vector<16xf32>,
        %mul3A_1010 = arith.mulf %get3A_1009, %broadcast_in_dim3A_960 : vector<16xf32>
        %swap3A_1011 = arith.index_cast %add3A_964 : i32 to index
        %swap3A_1012 = arith.constant 96 : index
        %swap3A_1013 = tpu.vector_load %arg16[%swap3A_1011, %swap3A_1012] {strides = array<i32>} : memref<128x128xf32, #tpu.memory_space<vmem>>, vector<16xf32>,
        tpu.vector_store %arg16[%swap3A_1011, %swap3A_1012], %mul3A_1010 {strides = array<i32>} : memref<128x128xf32, #tpu.memory_space<vmem>>, vector<16xf32>,
        %get3A_1014 = arith.index_cast %add3A_964 : i32 to index
        %get3A_1015 = arith.constant 112 : index
        %get3A_1016 = tpu.vector_load %arg16[%get3A_1014, %get3A_1015] {strides = array<i32>} : memref<128x128xf32, #tpu.memory_space<vmem>>, vector<16xf32>,
        %mul3A_1017 = arith.mulf %get3A_1016, %broadcast_in_dim3A_960 : vector<16xf32>
        %swap3A_1018 = arith.index_cast %add3A_964 : i32 to index
        %swap3A_1019 = arith.constant 112 : index
        %swap3A_1020 = tpu.vector_load %arg16[%swap3A_1018, %swap3A_1019] {strides = array<i32>} : memref<128x128xf32, #tpu.memory_space<vmem>>, vector<16xf32>,
        tpu.vector_store %arg16[%swap3A_1018, %swap3A_1019], %mul3A_1017 {strides = array<i32>} : memref<128x128xf32, #tpu.memory_space<vmem>>, vector<16xf32>,
        %slice3A_1021 = vector.extract_strided_slice %get3A_79 {offsets = [15], sizes = [1], strides = [1]} : vector<16xf32> to vector<1xf32>
        %squeeze3A_1022 = vector.extract %slice3A_1021[0] : f32 from vector<1xf32>
        %broadcast_in_dim3A_1023 = vector.broadcast %squeeze3A_1022 : f32 to vector<16xf32>
        %mul3A_1024 = arith.constant 16 : i32
        %mul3A_1025 = arith.muli %scan3A_75, %mul3A_1024 : i32
        %add3A_1026 = arith.constant 15 : i32
        %add3A_1027 = arith.addi %mul3A_1025, %add3A_1026 : i32
        %get3A_1028 = arith.index_cast %add3A_1027 : i32 to index
        %get3A_1029 = arith.constant 0 : index
        %get3A_1030 = tpu.vector_load %arg16[%get3A_1028, %get3A_1029] {strides = array<i32>} : memref<128x128xf32, #tpu.memory_space<vmem>>, vector<16xf32>,
        %mul3A_1031 = arith.mulf %get3A_1030, %broadcast_in_dim3A_1023 : vector<16xf32>
        %swap3A_1032 = arith.index_cast %add3A_1027 : i32 to index
        %swap3A_1033 = arith.constant 0 : index
        %swap3A_1034 = tpu.vector_load %arg16[%swap3A_1032, %swap3A_1033] {strides = array<i32>} : memref<128x128xf32, #tpu.memory_space<vmem>>, vector<16xf32>,
        tpu.vector_store %arg16[%swap3A_1032, %swap3A_1033], %mul3A_1031 {strides = array<i32>} : memref<128x128xf32, #tpu.memory_space<vmem>>, vector<16xf32>,
        %get3A_1035 = arith.index_cast %add3A_1027 : i32 to index
        %get3A_1036 = arith.constant 16 : index
        %get3A_1037 = tpu.vector_load %arg16[%get3A_1035, %get3A_1036] {strides = array<i32>} : memref<128x128xf32, #tpu.memory_space<vmem>>, vector<16xf32>,
        %mul3A_1038 = arith.mulf %get3A_1037, %broadcast_in_dim3A_1023 : vector<16xf32>
        %swap3A_1039 = arith.index_cast %add3A_1027 : i32 to index
        %swap3A_1040 = arith.constant 16 : index
        %swap3A_1041 = tpu.vector_load %arg16[%swap3A_1039, %swap3A_1040] {strides = array<i32>} : memref<128x128xf32, #tpu.memory_space<vmem>>, vector<16xf32>,
        tpu.vector_store %arg16[%swap3A_1039, %swap3A_1040], %mul3A_1038 {strides = array<i32>} : memref<128x128xf32, #tpu.memory_space<vmem>>, vector<16xf32>,
        %get3A_1042 = arith.index_cast %add3A_1027 : i32 to index
        %get3A_1043 = arith.constant 32 : index
        %get3A_1044 = tpu.vector_load %arg16[%get3A_1042, %get3A_1043] {strides = array<i32>} : memref<128x128xf32, #tpu.memory_space<vmem>>, vector<16xf32>,
        %mul3A_1045 = arith.mulf %get3A_1044, %broadcast_in_dim3A_1023 : vector<16xf32>
        %swap3A_1046 = arith.index_cast %add3A_1027 : i32 to index
        %swap3A_1047 = arith.constant 32 : index
        %swap3A_1048 = tpu.vector_load %arg16[%swap3A_1046, %swap3A_1047] {strides = array<i32>} : memref<128x128xf32, #tpu.memory_space<vmem>>, vector<16xf32>,
        tpu.vector_store %arg16[%swap3A_1046, %swap3A_1047], %mul3A_1045 {strides = array<i32>} : memref<128x128xf32, #tpu.memory_space<vmem>>, vector<16xf32>,
        %get3A_1049 = arith.index_cast %add3A_1027 : i32 to index
        %get3A_1050 = arith.constant 48 : index
        %get3A_1051 = tpu.vector_load %arg16[%get3A_1049, %get3A_1050] {strides = array<i32>} : memref<128x128xf32, #tpu.memory_space<vmem>>, vector<16xf32>,
        %mul3A_1052 = arith.mulf %get3A_1051, %broadcast_in_dim3A_1023 : vector<16xf32>
        %swap3A_1053 = arith.index_cast %add3A_1027 : i32 to index
        %swap3A_1054 = arith.constant 48 : index
        %swap3A_1055 = tpu.vector_load %arg16[%swap3A_1053, %swap3A_1054] {strides = array<i32>} : memref<128x128xf32, #tpu.memory_space<vmem>>, vector<16xf32>,
        tpu.vector_store %arg16[%swap3A_1053, %swap3A_1054], %mul3A_1052 {strides = array<i32>} : memref<128x128xf32, #tpu.memory_space<vmem>>, vector<16xf32>,
        %get3A_1056 = arith.index_cast %add3A_1027 : i32 to index
        %get3A_1057 = arith.constant 64 : index
        %get3A_1058 = tpu.vector_load %arg16[%get3A_1056, %get3A_1057] {strides = array<i32>} : memref<128x128xf32, #tpu.memory_space<vmem>>, vector<16xf32>,
        %mul3A_1059 = arith.mulf %get3A_1058, %broadcast_in_dim3A_1023 : vector<16xf32>
        %swap3A_1060 = arith.index_cast %add3A_1027 : i32 to index
        %swap3A_1061 = arith.constant 64 : index
        %swap3A_1062 = tpu.vector_load %arg16[%swap3A_1060, %swap3A_1061] {strides = array<i32>} : memref<128x128xf32, #tpu.memory_space<vmem>>, vector<16xf32>,
        tpu.vector_store %arg16[%swap3A_1060, %swap3A_1061], %mul3A_1059 {strides = array<i32>} : memref<128x128xf32, #tpu.memory_space<vmem>>, vector<16xf32>,
        %get3A_1063 = arith.index_cast %add3A_1027 : i32 to index
        %get3A_1064 = arith.constant 80 : index
        %get3A_1065 = tpu.vector_load %arg16[%get3A_1063, %get3A_1064] {strides = array<i32>} : memref<128x128xf32, #tpu.memory_space<vmem>>, vector<16xf32>,
        %mul3A_1066 = arith.mulf %get3A_1065, %broadcast_in_dim3A_1023 : vector<16xf32>
        %swap3A_1067 = arith.index_cast %add3A_1027 : i32 to index
        %swap3A_1068 = arith.constant 80 : index
        %swap3A_1069 = tpu.vector_load %arg16[%swap3A_1067, %swap3A_1068] {strides = array<i32>} : memref<128x128xf32, #tpu.memory_space<vmem>>, vector<16xf32>,
        tpu.vector_store %arg16[%swap3A_1067, %swap3A_1068], %mul3A_1066 {strides = array<i32>} : memref<128x128xf32, #tpu.memory_space<vmem>>, vector<16xf32>,
        %get3A_1070 = arith.index_cast %add3A_1027 : i32 to index
        %get3A_1071 = arith.constant 96 : index
        %get3A_1072 = tpu.vector_load %arg16[%get3A_1070, %get3A_1071] {strides = array<i32>} : memref<128x128xf32, #tpu.memory_space<vmem>>, vector<16xf32>,
        %mul3A_1073 = arith.mulf %get3A_1072, %broadcast_in_dim3A_1023 : vector<16xf32>
        %swap3A_1074 = arith.index_cast %add3A_1027 : i32 to index
        %swap3A_1075 = arith.constant 96 : index
        %swap3A_1076 = tpu.vector_load %arg16[%swap3A_1074, %swap3A_1075] {strides = array<i32>} : memref<128x128xf32, #tpu.memory_space<vmem>>, vector<16xf32>,
        tpu.vector_store %arg16[%swap3A_1074, %swap3A_1075], %mul3A_1073 {strides = array<i32>} : memref<128x128xf32, #tpu.memory_space<vmem>>, vector<16xf32>,
        %get3A_1077 = arith.index_cast %add3A_1027 : i32 to index
        %get3A_1078 = arith.constant 112 : index
        %get3A_1079 = tpu.vector_load %arg16[%get3A_1077, %get3A_1078] {strides = array<i32>} : memref<128x128xf32, #tpu.memory_space<vmem>>, vector<16xf32>,
        %mul3A_1080 = arith.mulf %get3A_1079, %broadcast_in_dim3A_1023 : vector<16xf32>
        %swap3A_1081 = arith.index_cast %add3A_1027 : i32 to index
        %swap3A_1082 = arith.constant 112 : index
        %swap3A_1083 = tpu.vector_load %arg16[%swap3A_1081, %swap3A_1082] {strides = array<i32>} : memref<128x128xf32, #tpu.memory_space<vmem>>, vector<16xf32>,
        tpu.vector_store %arg16[%swap3A_1081, %swap3A_1082], %mul3A_1080 {strides = array<i32>} : memref<128x128xf32, #tpu.memory_space<vmem>>, vector<16xf32>,
      }
      %scan3A_74 = arith.constant 8 : i32
      "tpu.region"() ({
        %run_scoped3A = tpu.sem_alloc : memref<!tpu.dma_semaphore, #tpu.memory_space<semaphore_mem>>
        %dma_start3A_75 = arith.constant 0 : i32
        %dma_start3A_76 = arith.constant 0 : i32
        %dma_start3A_77 = tpu.memref_slice %arg18[%dma_start3A_75, %dma_start3A_76] : memref<10240x128xf32, #tpu.memory_space<vmem_shared>> -> memref<10240x128xf32, #tpu.memory_space<vmem_shared>>
        tpu.enqueue_indirect_dma source(%arg16 : memref<128x128xf32, #tpu.memory_space<vmem>>) target(%dma_start3A_77 : memref<10240x128xf32, #tpu.memory_space<vmem_shared>>) offsets(%arg14 : memref<128xi32, #tpu.memory_space<vmem>>) semaphore(%run_scoped3A : memref<!tpu.dma_semaphore, #tpu.memory_space<semaphore_mem>>) {add = true}
        %dma_wait3A_78 = arith.constant 0 : i32
        %dma_wait3A_79 = arith.constant 0 : i32
        %dma_wait3A_80 = tpu.memref_slice %arg18[%dma_wait3A_78, %dma_wait3A_79] : memref<10240x128xf32, #tpu.memory_space<vmem_shared>> -> memref<10240x128xf32, #tpu.memory_space<vmem_shared>>
        tpu.wait_indirect_dma semaphore(%run_scoped3A : memref<!tpu.dma_semaphore, #tpu.memory_space<semaphore_mem>>) src(%arg16 : memref<128x128xf32, #tpu.memory_space<vmem>>) dst(%dma_wait3A_80 : memref<10240x128xf32, #tpu.memory_space<vmem_shared>>)
        tpu.yield
      }) : () -> ()
    }
    %scan3A_33 = arith.constant 162 : i32
    %mul3A_34 = arith.constant 16 : i32
    %mul3A_35 = arith.muli %arg0, %mul3A_34 : i32
    %add3A_36 = arith.addi %mul3A_35, %arg1 : i32
    %mul3A_37 = arith.constant 10240 : i32
    %mul3A_38 = arith.muli %add3A_36, %mul3A_37 : i32
    "tpu.region"() ({
      %run_scoped3A = tpu.sem_alloc : memref<!tpu.dma_semaphore, #tpu.memory_space<semaphore_mem>>
      %dma_start3A = tpu.memref_slice %arg9[%mul3A_38] : memref<327680xf32, #tpu.memory_space<hbm>> -> memref<10240xf32, #tpu.memory_space<hbm>>
      %dma_start3A_55 = tpu.memref_slice %arg9[%mul3A_38] : memref<327680xf32, #tpu.memory_space<hbm>> -> memref<10240xf32, #tpu.memory_space<hbm>>
      tpu.enqueue_dma source(%arg17 : memref<10240xf32, #tpu.memory_space<vmem>>) target(%dma_start3A_55 : memref<10240xf32, #tpu.memory_space<hbm>>) target_semaphore(%run_scoped3A : memref<!tpu.dma_semaphore, #tpu.memory_space<semaphore_mem>>)
      %dma_wait3A = tpu.memref_slice %arg9[%mul3A_38] : memref<327680xf32, #tpu.memory_space<hbm>> -> memref<10240xf32, #tpu.memory_space<hbm>>
      %dma_wait3A_56 = tpu.memref_slice %arg9[%mul3A_38] : memref<327680xf32, #tpu.memory_space<hbm>> -> memref<10240xf32, #tpu.memory_space<hbm>>
      tpu.wait_dma2 semaphore(%run_scoped3A : memref<!tpu.dma_semaphore, #tpu.memory_space<semaphore_mem>>) src(%arg17 : memref<10240xf32, #tpu.memory_space<vmem>>) dst(%dma_wait3A_56 : memref<10240xf32, #tpu.memory_space<hbm>>)
      tpu.yield
    }) : () -> ()
    %barrier3A_39 = arith.constant 0 : index
    tpu.barrier barrier_id(%barrier3A_39)
    %add3A_40 = arith.constant 0 : i32
    %add3A_41 = arith.addi %mul3A_15, %add3A_40 : i32
    %add3A_42 = arith.addi %mul3A_0, %add3A_41 : i32
    "tpu.region"() ({
      %run_scoped3A = tpu.sem_alloc : memref<!tpu.dma_semaphore, #tpu.memory_space<semaphore_mem>>
      %dma_start3A = arith.constant 0 : i32
      %dma_start3A_55 = tpu.memref_slice %arg8[%add3A_42, %dma_start3A] : memref<20480x128xf32, #tpu.memory_space<hbm>> -> memref<128x128xf32, #tpu.memory_space<hbm>>
      %dma_start3A_56 = arith.constant 0 : i32
      %dma_start3A_57 = tpu.memref_slice %arg18[%add3A_41, %dma_start3A_56] : memref<10240x128xf32, #tpu.memory_space<vmem_shared>> -> memref<128x128xf32, #tpu.memory_space<vmem_shared>>
      tpu.enqueue_dma source(%dma_start3A_57 : memref<128x128xf32, #tpu.memory_space<vmem_shared>>) target(%dma_start3A_55 : memref<128x128xf32, #tpu.memory_space<hbm>>) target_semaphore(%run_scoped3A : memref<!tpu.dma_semaphore, #tpu.memory_space<semaphore_mem>>)
      %dma_wait3A = arith.constant 0 : i32
      %dma_wait3A_58 = tpu.memref_slice %arg8[%add3A_42, %dma_wait3A] : memref<20480x128xf32, #tpu.memory_space<hbm>> -> memref<128x128xf32, #tpu.memory_space<hbm>>
      %dma_wait3A_59 = arith.constant 0 : i32
      %dma_wait3A_60 = tpu.memref_slice %arg18[%add3A_41, %dma_wait3A_59] : memref<10240x128xf32, #tpu.memory_space<vmem_shared>> -> memref<128x128xf32, #tpu.memory_space<vmem_shared>>
      tpu.wait_dma2 semaphore(%run_scoped3A : memref<!tpu.dma_semaphore, #tpu.memory_space<semaphore_mem>>) src(%dma_wait3A_60 : memref<128x128xf32, #tpu.memory_space<vmem_shared>>) dst(%dma_wait3A_58 : memref<128x128xf32, #tpu.memory_space<hbm>>)
      tpu.yield
    }) : () -> ()
    %add3A_43 = arith.constant 128 : i32
    %add3A_44 = arith.addi %mul3A_15, %add3A_43 : i32
    %add3A_45 = arith.addi %mul3A_0, %add3A_44 : i32
    "tpu.region"() ({
      %run_scoped3A = tpu.sem_alloc : memref<!tpu.dma_semaphore, #tpu.memory_space<semaphore_mem>>
      %dma_start3A = arith.constant 0 : i32
      %dma_start3A_55 = tpu.memref_slice %arg8[%add3A_45, %dma_start3A] : memref<20480x128xf32, #tpu.memory_space<hbm>> -> memref<128x128xf32, #tpu.memory_space<hbm>>
      %dma_start3A_56 = arith.constant 0 : i32
      %dma_start3A_57 = tpu.memref_slice %arg18[%add3A_44, %dma_start3A_56] : memref<10240x128xf32, #tpu.memory_space<vmem_shared>> -> memref<128x128xf32, #tpu.memory_space<vmem_shared>>
      tpu.enqueue_dma source(%dma_start3A_57 : memref<128x128xf32, #tpu.memory_space<vmem_shared>>) target(%dma_start3A_55 : memref<128x128xf32, #tpu.memory_space<hbm>>) target_semaphore(%run_scoped3A : memref<!tpu.dma_semaphore, #tpu.memory_space<semaphore_mem>>)
      %dma_wait3A = arith.constant 0 : i32
      %dma_wait3A_58 = tpu.memref_slice %arg8[%add3A_45, %dma_wait3A] : memref<20480x128xf32, #tpu.memory_space<hbm>> -> memref<128x128xf32, #tpu.memory_space<hbm>>
      %dma_wait3A_59 = arith.constant 0 : i32
      %dma_wait3A_60 = tpu.memref_slice %arg18[%add3A_44, %dma_wait3A_59] : memref<10240x128xf32, #tpu.memory_space<vmem_shared>> -> memref<128x128xf32, #tpu.memory_space<vmem_shared>>
      tpu.wait_dma2 semaphore(%run_scoped3A : memref<!tpu.dma_semaphore, #tpu.memory_space<semaphore_mem>>) src(%dma_wait3A_60 : memref<128x128xf32, #tpu.memory_space<vmem_shared>>) dst(%dma_wait3A_58 : memref<128x128xf32, #tpu.memory_space<hbm>>)
      tpu.yield
    }) : () -> ()
    %add3A_46 = arith.constant 256 : i32
    %add3A_47 = arith.addi %mul3A_15, %add3A_46 : i32
    %add3A_48 = arith.addi %mul3A_0, %add3A_47 : i32
    "tpu.region"() ({
      %run_scoped3A = tpu.sem_alloc : memref<!tpu.dma_semaphore, #tpu.memory_space<semaphore_mem>>
      %dma_start3A = arith.constant 0 : i32
      %dma_start3A_55 = tpu.memref_slice %arg8[%add3A_48, %dma_start3A] : memref<20480x128xf32, #tpu.memory_space<hbm>> -> memref<128x128xf32, #tpu.memory_space<hbm>>
      %dma_start3A_56 = arith.constant 0 : i32
      %dma_start3A_57 = tpu.memref_slice %arg18[%add3A_47, %dma_start3A_56] : memref<10240x128xf32, #tpu.memory_space<vmem_shared>> -> memref<128x128xf32, #tpu.memory_space<vmem_shared>>
      tpu.enqueue_dma source(%dma_start3A_57 : memref<128x128xf32, #tpu.memory_space<vmem_shared>>) target(%dma_start3A_55 : memref<128x128xf32, #tpu.memory_space<hbm>>) target_semaphore(%run_scoped3A : memref<!tpu.dma_semaphore, #tpu.memory_space<semaphore_mem>>)
      %dma_wait3A = arith.constant 0 : i32
      %dma_wait3A_58 = tpu.memref_slice %arg8[%add3A_48, %dma_wait3A] : memref<20480x128xf32, #tpu.memory_space<hbm>> -> memref<128x128xf32, #tpu.memory_space<hbm>>
      %dma_wait3A_59 = arith.constant 0 : i32
      %dma_wait3A_60 = tpu.memref_slice %arg18[%add3A_47, %dma_wait3A_59] : memref<10240x128xf32, #tpu.memory_space<vmem_shared>> -> memref<128x128xf32, #tpu.memory_space<vmem_shared>>
      tpu.wait_dma2 semaphore(%run_scoped3A : memref<!tpu.dma_semaphore, #tpu.memory_space<semaphore_mem>>) src(%dma_wait3A_60 : memref<128x128xf32, #tpu.memory_space<vmem_shared>>) dst(%dma_wait3A_58 : memref<128x128xf32, #tpu.memory_space<hbm>>)
      tpu.yield
    }) : () -> ()
    %add3A_49 = arith.constant 384 : i32
    %add3A_50 = arith.addi %mul3A_15, %add3A_49 : i32
    %add3A_51 = arith.addi %mul3A_0, %add3A_50 : i32
    "tpu.region"() ({
      %run_scoped3A = tpu.sem_alloc : memref<!tpu.dma_semaphore, #tpu.memory_space<semaphore_mem>>
      %dma_start3A = arith.constant 0 : i32
      %dma_start3A_55 = tpu.memref_slice %arg8[%add3A_51, %dma_start3A] : memref<20480x128xf32, #tpu.memory_space<hbm>> -> memref<128x128xf32, #tpu.memory_space<hbm>>
      %dma_start3A_56 = arith.constant 0 : i32
      %dma_start3A_57 = tpu.memref_slice %arg18[%add3A_50, %dma_start3A_56] : memref<10240x128xf32, #tpu.memory_space<vmem_shared>> -> memref<128x128xf32, #tpu.memory_space<vmem_shared>>
      tpu.enqueue_dma source(%dma_start3A_57 : memref<128x128xf32, #tpu.memory_space<vmem_shared>>) target(%dma_start3A_55 : memref<128x128xf32, #tpu.memory_space<hbm>>) target_semaphore(%run_scoped3A : memref<!tpu.dma_semaphore, #tpu.memory_space<semaphore_mem>>)
      %dma_wait3A = arith.constant 0 : i32
      %dma_wait3A_58 = tpu.memref_slice %arg8[%add3A_51, %dma_wait3A] : memref<20480x128xf32, #tpu.memory_space<hbm>> -> memref<128x128xf32, #tpu.memory_space<hbm>>
      %dma_wait3A_59 = arith.constant 0 : i32
      %dma_wait3A_60 = tpu.memref_slice %arg18[%add3A_50, %dma_wait3A_59] : memref<10240x128xf32, #tpu.memory_space<vmem_shared>> -> memref<128x128xf32, #tpu.memory_space<vmem_shared>>
      tpu.wait_dma2 semaphore(%run_scoped3A : memref<!tpu.dma_semaphore, #tpu.memory_space<semaphore_mem>>) src(%dma_wait3A_60 : memref<128x128xf32, #tpu.memory_space<vmem_shared>>) dst(%dma_wait3A_58 : memref<128x128xf32, #tpu.memory_space<hbm>>)
      tpu.yield
    }) : () -> ()
    %add3A_52 = arith.constant 512 : i32
    %add3A_53 = arith.addi %mul3A_15, %add3A_52 : i32
    %add3A_54 = arith.addi %mul3A_0, %add3A_53 : i32
    "tpu.region"() ({
      %run_scoped3A = tpu.sem_alloc : memref<!tpu.dma_semaphore, #tpu.memory_space<semaphore_mem>>
      %dma_start3A = arith.constant 0 : i32
      %dma_start3A_55 = tpu.memref_slice %arg8[%add3A_54, %dma_start3A] : memref<20480x128xf32, #tpu.memory_space<hbm>> -> memref<128x128xf32, #tpu.memory_space<hbm>>
      %dma_start3A_56 = arith.constant 0 : i32
      %dma_start3A_57 = tpu.memref_slice %arg18[%add3A_53, %dma_start3A_56] : memref<10240x128xf32, #tpu.memory_space<vmem_shared>> -> memref<128x128xf32, #tpu.memory_space<vmem_shared>>
      tpu.enqueue_dma source(%dma_start3A_57 : memref<128x128xf32, #tpu.memory_space<vmem_shared>>) target(%dma_start3A_55 : memref<128x128xf32, #tpu.memory_space<hbm>>) target_semaphore(%run_scoped3A : memref<!tpu.dma_semaphore, #tpu.memory_space<semaphore_mem>>)
      %dma_wait3A = arith.constant 0 : i32
      %dma_wait3A_58 = tpu.memref_slice %arg8[%add3A_54, %dma_wait3A] : memref<20480x128xf32, #tpu.memory_space<hbm>> -> memref<128x128xf32, #tpu.memory_space<hbm>>
      %dma_wait3A_59 = arith.constant 0 : i32
      %dma_wait3A_60 = tpu.memref_slice %arg18[%add3A_53, %dma_wait3A_59] : memref<10240x128xf32, #tpu.memory_space<vmem_shared>> -> memref<128x128xf32, #tpu.memory_space<vmem_shared>>
      tpu.wait_dma2 semaphore(%run_scoped3A : memref<!tpu.dma_semaphore, #tpu.memory_space<semaphore_mem>>) src(%dma_wait3A_60 : memref<128x128xf32, #tpu.memory_space<vmem_shared>>) dst(%dma_wait3A_58 : memref<128x128xf32, #tpu.memory_space<hbm>>)
      tpu.yield
    }) : () -> ()
    return
  }
}

module attributes {stable_mosaic.version = 14 : i64} {
  func.func @_prep_body(%arg0: memref<10000x128xf32, #tpu.memory_space<vmem>>, %arg1: memref<128x256xf32, #tpu.memory_space<vmem>>, %arg2: memref<2x128xf32, #tpu.memory_space<vmem>>, %arg3: memref<2x128xf32, #tpu.memory_space<vmem>>, %arg4: memref<2x10240x128xf32, #tpu.memory_space<vmem>>, %arg5: memref<2x10240xf32, #tpu.memory_space<vmem>>, %arg6: memref<2x10240xf32, #tpu.memory_space<vmem>>, %arg7: memref<2x16xf32, #tpu.memory_space<vmem>>) attributes {dimension_semantics = [], scalar_prefetch = 0 : i64, scratch_operands = 0 : i64, tpu.core_type = #tpu.core_type<tc>} {
    %get3A = arith.constant 0 : index
    %get3A_0 = arith.constant 0 : index
    %get3A_1 = vector.load %arg0[%get3A, %get3A_0] : memref<10000x128xf32, #tpu.memory_space<vmem>>, vector<10000x128xf32>
    %get3A_2 = arith.constant 0 : index
    %get3A_3 = arith.constant 0 : index
    %get3A_4 = vector.load %arg1[%get3A_2, %get3A_3] : memref<128x256xf32, #tpu.memory_space<vmem>>, vector<128x128xf32>
    %dot_general3A = arith.constant dense<0.000000e+00> : vector<10000x128xf32>
    %dot_general3A_5 = tpu.matmul %get3A_1, %get3A_4, %dot_general3A {dimension_numbers = #tpu.dot_dimension_numbers<[1], [0], [0], [1], [0, 0, 1, 1], [], []>, transpose_lhs_hint = false} : vector<10000x128xf32>, vector<128x128xf32>, vector<10000x128xf32> -> vector<10000x128xf32>
    %get3A_6 = arith.constant 0 : index
    %get3A_7 = arith.constant 0 : index
    %get3A_8 = vector.load %arg2[%get3A_6, %get3A_7] : memref<2x128xf32, #tpu.memory_space<vmem>>, vector<1x128xf32>
    %get3A_9 = vector.shape_cast %get3A_8 : vector<1x128xf32> to vector<128xf32>
    %broadcast_in_dim3A = vector.shape_cast %get3A_9 : vector<128xf32> to vector<1x128xf32>
    %mul3A = vector.broadcast %broadcast_in_dim3A : vector<1x128xf32> to vector<10000x128xf32>
    %mul3A_10 = arith.mulf %dot_general3A_5, %mul3A : vector<10000x128xf32>
    %reduce_sum3A = arith.constant dense<0.000000e+00> : vector<10000xf32>
    %reduce_sum3A_11 = vector.multi_reduction <add>, %mul3A_10, %reduce_sum3A [1] : vector<10000x128xf32> to vector<10000xf32>
    %get3A_12 = arith.constant 0 : index
    %get3A_13 = arith.constant 0 : index
    %get3A_14 = vector.load %arg3[%get3A_12, %get3A_13] : memref<2x128xf32, #tpu.memory_space<vmem>>, vector<1x128xf32>
    %get3A_15 = vector.shape_cast %get3A_14 : vector<1x128xf32> to vector<128xf32>
    %broadcast_in_dim3A_16 = vector.shape_cast %get3A_15 : vector<128xf32> to vector<1x128xf32>
    %mul3A_17 = vector.broadcast %broadcast_in_dim3A_16 : vector<1x128xf32> to vector<10000x128xf32>
    %mul3A_18 = arith.mulf %dot_general3A_5, %mul3A_17 : vector<10000x128xf32>
    %reduce_sum3A_19 = arith.constant dense<0.000000e+00> : vector<10000xf32>
    %reduce_sum3A_20 = vector.multi_reduction <add>, %mul3A_18, %reduce_sum3A_19 [1] : vector<10000x128xf32> to vector<10000xf32>
    %broadcast_in_dim3A_21 = arith.constant 0.000000e+00 : f32
    %broadcast_in_dim3A_22 = vector.broadcast %broadcast_in_dim3A_21 : f32 to vector<240x128xf32>
    %concatenate3A = tpu.concatenate %dot_general3A_5, %broadcast_in_dim3A_22 in 0 : vector<10000x128xf32>, vector<240x128xf32> -> vector<10240x128xf32>
    %swap3A = arith.constant 0 : index
    %swap3A_23 = arith.constant 0 : index
    %swap3A_24 = arith.constant 0 : index
    %swap3A_25 = vector.load %arg4[%swap3A, %swap3A_23, %swap3A_24] : memref<2x10240x128xf32, #tpu.memory_space<vmem>>, vector<1x10240x128xf32>
    %swap3A_26 = vector.shape_cast %swap3A_25 : vector<1x10240x128xf32> to vector<10240x128xf32>
    %swap3A_27 = vector.shape_cast %concatenate3A : vector<10240x128xf32> to vector<1x10240x128xf32>
    tpu.vector_store %arg4[%swap3A, %swap3A_23, %swap3A_24], %swap3A_27 {strides = array<i32>} : memref<2x10240x128xf32, #tpu.memory_space<vmem>>, vector<1x10240x128xf32>,
    %broadcast_in_dim3A_28 = arith.constant 0.000000e+00 : f32
    %broadcast_in_dim3A_29 = vector.broadcast %broadcast_in_dim3A_28 : f32 to vector<240xf32>
    %concatenate3A_30 = tpu.concatenate %reduce_sum3A_11, %broadcast_in_dim3A_29 in 0 : vector<10000xf32>, vector<240xf32> -> vector<10240xf32>
    %swap3A_31 = arith.constant 0 : index
    %swap3A_32 = arith.constant 0 : index
    %swap3A_33 = vector.load %arg5[%swap3A_31, %swap3A_32] : memref<2x10240xf32, #tpu.memory_space<vmem>>, vector<1x10240xf32>
    %swap3A_34 = vector.shape_cast %swap3A_33 : vector<1x10240xf32> to vector<10240xf32>
    %swap3A_35 = vector.shape_cast %concatenate3A_30 : vector<10240xf32> to vector<1x10240xf32>
    tpu.vector_store %arg5[%swap3A_31, %swap3A_32], %swap3A_35 {strides = array<i32>} : memref<2x10240xf32, #tpu.memory_space<vmem>>, vector<1x10240xf32>,
    %broadcast_in_dim3A_36 = arith.constant 0.000000e+00 : f32
    %broadcast_in_dim3A_37 = vector.broadcast %broadcast_in_dim3A_36 : f32 to vector<240xf32>
    %concatenate3A_38 = tpu.concatenate %reduce_sum3A_20, %broadcast_in_dim3A_37 in 0 : vector<10000xf32>, vector<240xf32> -> vector<10240xf32>
    %swap3A_39 = arith.constant 0 : index
    %swap3A_40 = arith.constant 0 : index
    %swap3A_41 = vector.load %arg6[%swap3A_39, %swap3A_40] : memref<2x10240xf32, #tpu.memory_space<vmem>>, vector<1x10240xf32>
    %swap3A_42 = vector.shape_cast %swap3A_41 : vector<1x10240xf32> to vector<10240xf32>
    %swap3A_43 = vector.shape_cast %concatenate3A_38 : vector<10240xf32> to vector<1x10240xf32>
    tpu.vector_store %arg6[%swap3A_39, %swap3A_40], %swap3A_43 {strides = array<i32>} : memref<2x10240xf32, #tpu.memory_space<vmem>>, vector<1x10240xf32>,
    %reduce_max3A = vector.shape_cast %reduce_sum3A_11 : vector<10000xf32> to vector<1x10000xf32>
    %reduce_max3A_44 = arith.constant dense<0xFF800000> : vector<1xf32>
    %reduce_max3A_45 = vector.multi_reduction <maximumf>, %reduce_max3A, %reduce_max3A_44 [1] : vector<1x10000xf32> to vector<1xf32>
    %reduce_max3A_46 = vector.shape_cast %reduce_max3A_45 : vector<1xf32> to vector<1x1xf32>
    %reduce_max3A_47 = vector.extract %reduce_max3A_46[0, 0] : f32 from vector<1x1xf32>
    %reduce_max3A_48 = vector.shape_cast %reduce_sum3A_20 : vector<10000xf32> to vector<1x10000xf32>
    %reduce_max3A_49 = arith.constant dense<0xFF800000> : vector<1xf32>
    %reduce_max3A_50 = vector.multi_reduction <maximumf>, %reduce_max3A_48, %reduce_max3A_49 [1] : vector<1x10000xf32> to vector<1xf32>
    %reduce_max3A_51 = vector.shape_cast %reduce_max3A_50 : vector<1xf32> to vector<1x1xf32>
    %reduce_max3A_52 = vector.extract %reduce_max3A_51[0, 0] : f32 from vector<1x1xf32>
    %add3A = arith.addf %reduce_max3A_47, %reduce_max3A_52 : f32
    %mul3A_53 = arith.constant 2.000000e-01 : f32
    %mul3A_54 = arith.mulf %mul3A_53, %add3A : f32
    %max3A = arith.maximumf %add3A, %mul3A_54 : f32
    %broadcast_in_dim3A_55 = vector.broadcast %max3A : f32 to vector<16xf32>
    %swap3A_56 = arith.constant 0 : index
    %swap3A_57 = arith.constant 0 : index
    %swap3A_58 = vector.load %arg7[%swap3A_56, %swap3A_57] : memref<2x16xf32, #tpu.memory_space<vmem>>, vector<1x16xf32>
    %swap3A_59 = vector.shape_cast %swap3A_58 : vector<1x16xf32> to vector<16xf32>
    %swap3A_60 = vector.shape_cast %broadcast_in_dim3A_55 : vector<16xf32> to vector<1x16xf32>
    tpu.vector_store %arg7[%swap3A_56, %swap3A_57], %swap3A_60 {strides = array<i32>} : memref<2x16xf32, #tpu.memory_space<vmem>>, vector<1x16xf32>,
    %get3A_61 = arith.constant 0 : index
    %get3A_62 = arith.constant 128 : index
    %get3A_63 = vector.load %arg1[%get3A_61, %get3A_62] : memref<128x256xf32, #tpu.memory_space<vmem>>, vector<128x128xf32>
    %dot_general3A_64 = arith.constant dense<0.000000e+00> : vector<10000x128xf32>
    %dot_general3A_65 = tpu.matmul %get3A_1, %get3A_63, %dot_general3A_64 {dimension_numbers = #tpu.dot_dimension_numbers<[1], [0], [0], [1], [0, 0, 1, 1], [], []>, transpose_lhs_hint = false} : vector<10000x128xf32>, vector<128x128xf32>, vector<10000x128xf32> -> vector<10000x128xf32>
    %get3A_66 = arith.constant 1 : index
    %get3A_67 = arith.constant 0 : index
    %get3A_68 = vector.load %arg2[%get3A_66, %get3A_67] : memref<2x128xf32, #tpu.memory_space<vmem>>, vector<1x128xf32>
    %get3A_69 = vector.shape_cast %get3A_68 : vector<1x128xf32> to vector<128xf32>
    %broadcast_in_dim3A_70 = vector.shape_cast %get3A_69 : vector<128xf32> to vector<1x128xf32>
    %mul3A_71 = vector.broadcast %broadcast_in_dim3A_70 : vector<1x128xf32> to vector<10000x128xf32>
    %mul3A_72 = arith.mulf %dot_general3A_65, %mul3A_71 : vector<10000x128xf32>
    %reduce_sum3A_73 = arith.constant dense<0.000000e+00> : vector<10000xf32>
    %reduce_sum3A_74 = vector.multi_reduction <add>, %mul3A_72, %reduce_sum3A_73 [1] : vector<10000x128xf32> to vector<10000xf32>
    %get3A_75 = arith.constant 1 : index
    %get3A_76 = arith.constant 0 : index
    %get3A_77 = vector.load %arg3[%get3A_75, %get3A_76] : memref<2x128xf32, #tpu.memory_space<vmem>>, vector<1x128xf32>
    %get3A_78 = vector.shape_cast %get3A_77 : vector<1x128xf32> to vector<128xf32>
    %broadcast_in_dim3A_79 = vector.shape_cast %get3A_78 : vector<128xf32> to vector<1x128xf32>
    %mul3A_80 = vector.broadcast %broadcast_in_dim3A_79 : vector<1x128xf32> to vector<10000x128xf32>
    %mul3A_81 = arith.mulf %dot_general3A_65, %mul3A_80 : vector<10000x128xf32>
    %reduce_sum3A_82 = arith.constant dense<0.000000e+00> : vector<10000xf32>
    %reduce_sum3A_83 = vector.multi_reduction <add>, %mul3A_81, %reduce_sum3A_82 [1] : vector<10000x128xf32> to vector<10000xf32>
    %broadcast_in_dim3A_84 = arith.constant 0.000000e+00 : f32
    %broadcast_in_dim3A_85 = vector.broadcast %broadcast_in_dim3A_84 : f32 to vector<240x128xf32>
    %concatenate3A_86 = tpu.concatenate %dot_general3A_65, %broadcast_in_dim3A_85 in 0 : vector<10000x128xf32>, vector<240x128xf32> -> vector<10240x128xf32>
    %swap3A_87 = arith.constant 1 : index
    %swap3A_88 = arith.constant 0 : index
    %swap3A_89 = arith.constant 0 : index
    %swap3A_90 = vector.load %arg4[%swap3A_87, %swap3A_88, %swap3A_89] : memref<2x10240x128xf32, #tpu.memory_space<vmem>>, vector<1x10240x128xf32>
    %swap3A_91 = vector.shape_cast %swap3A_90 : vector<1x10240x128xf32> to vector<10240x128xf32>
    %swap3A_92 = vector.shape_cast %concatenate3A_86 : vector<10240x128xf32> to vector<1x10240x128xf32>
    tpu.vector_store %arg4[%swap3A_87, %swap3A_88, %swap3A_89], %swap3A_92 {strides = array<i32>} : memref<2x10240x128xf32, #tpu.memory_space<vmem>>, vector<1x10240x128xf32>,
    %broadcast_in_dim3A_93 = arith.constant 0.000000e+00 : f32
    %broadcast_in_dim3A_94 = vector.broadcast %broadcast_in_dim3A_93 : f32 to vector<240xf32>
    %concatenate3A_95 = tpu.concatenate %reduce_sum3A_74, %broadcast_in_dim3A_94 in 0 : vector<10000xf32>, vector<240xf32> -> vector<10240xf32>
    %swap3A_96 = arith.constant 1 : index
    %swap3A_97 = arith.constant 0 : index
    %swap3A_98 = vector.load %arg5[%swap3A_96, %swap3A_97] : memref<2x10240xf32, #tpu.memory_space<vmem>>, vector<1x10240xf32>
    %swap3A_99 = vector.shape_cast %swap3A_98 : vector<1x10240xf32> to vector<10240xf32>
    %swap3A_100 = vector.shape_cast %concatenate3A_95 : vector<10240xf32> to vector<1x10240xf32>
    tpu.vector_store %arg5[%swap3A_96, %swap3A_97], %swap3A_100 {strides = array<i32>} : memref<2x10240xf32, #tpu.memory_space<vmem>>, vector<1x10240xf32>,
    %broadcast_in_dim3A_101 = arith.constant 0.000000e+00 : f32
    %broadcast_in_dim3A_102 = vector.broadcast %broadcast_in_dim3A_101 : f32 to vector<240xf32>
    %concatenate3A_103 = tpu.concatenate %reduce_sum3A_83, %broadcast_in_dim3A_102 in 0 : vector<10000xf32>, vector<240xf32> -> vector<10240xf32>
    %swap3A_104 = arith.constant 1 : index
    %swap3A_105 = arith.constant 0 : index
    %swap3A_106 = vector.load %arg6[%swap3A_104, %swap3A_105] : memref<2x10240xf32, #tpu.memory_space<vmem>>, vector<1x10240xf32>
    %swap3A_107 = vector.shape_cast %swap3A_106 : vector<1x10240xf32> to vector<10240xf32>
    %swap3A_108 = vector.shape_cast %concatenate3A_103 : vector<10240xf32> to vector<1x10240xf32>
    tpu.vector_store %arg6[%swap3A_104, %swap3A_105], %swap3A_108 {strides = array<i32>} : memref<2x10240xf32, #tpu.memory_space<vmem>>, vector<1x10240xf32>,
    %reduce_max3A_109 = vector.shape_cast %reduce_sum3A_74 : vector<10000xf32> to vector<1x10000xf32>
    %reduce_max3A_110 = arith.constant dense<0xFF800000> : vector<1xf32>
    %reduce_max3A_111 = vector.multi_reduction <maximumf>, %reduce_max3A_109, %reduce_max3A_110 [1] : vector<1x10000xf32> to vector<1xf32>
    %reduce_max3A_112 = vector.shape_cast %reduce_max3A_111 : vector<1xf32> to vector<1x1xf32>
    %reduce_max3A_113 = vector.extract %reduce_max3A_112[0, 0] : f32 from vector<1x1xf32>
    %reduce_max3A_114 = vector.shape_cast %reduce_sum3A_83 : vector<10000xf32> to vector<1x10000xf32>
    %reduce_max3A_115 = arith.constant dense<0xFF800000> : vector<1xf32>
    %reduce_max3A_116 = vector.multi_reduction <maximumf>, %reduce_max3A_114, %reduce_max3A_115 [1] : vector<1x10000xf32> to vector<1xf32>
    %reduce_max3A_117 = vector.shape_cast %reduce_max3A_116 : vector<1xf32> to vector<1x1xf32>
    %reduce_max3A_118 = vector.extract %reduce_max3A_117[0, 0] : f32 from vector<1x1xf32>
    %add3A_119 = arith.addf %reduce_max3A_113, %reduce_max3A_118 : f32
    %mul3A_120 = arith.constant 2.000000e-01 : f32
    %mul3A_121 = arith.mulf %mul3A_120, %add3A_119 : f32
    %max3A_122 = arith.maximumf %add3A_119, %mul3A_121 : f32
    %broadcast_in_dim3A_123 = vector.broadcast %max3A_122 : f32 to vector<16xf32>
    %swap3A_124 = arith.constant 1 : index
    %swap3A_125 = arith.constant 0 : index
    %swap3A_126 = vector.load %arg7[%swap3A_124, %swap3A_125] : memref<2x16xf32, #tpu.memory_space<vmem>>, vector<1x16xf32>
    %swap3A_127 = vector.shape_cast %swap3A_126 : vector<1x16xf32> to vector<16xf32>
    %swap3A_128 = vector.shape_cast %broadcast_in_dim3A_123 : vector<16xf32> to vector<1x16xf32>
    tpu.vector_store %arg7[%swap3A_124, %swap3A_125], %swap3A_128 {strides = array<i32>} : memref<2x16xf32, #tpu.memory_space<vmem>>, vector<1x16xf32>,
    return
  }
}

module attributes {stable_mosaic.version = 14 : i64} {
  func.func @_finish_body(%arg0: memref<2x10240x128xf32, #tpu.memory_space<vmem>>, %arg1: memref<2x16x10240xf32, #tpu.memory_space<vmem>>, %arg2: memref<10000x128xf32, #tpu.memory_space<vmem>>, %arg3: memref<128xf32, #tpu.memory_space<vmem>>, %arg4: memref<128xf32, #tpu.memory_space<vmem>>, %arg5: memref<128xf32, #tpu.memory_space<vmem>>, %arg6: memref<10000x128xf32, #tpu.memory_space<vmem>>) attributes {dimension_semantics = [], scalar_prefetch = 0 : i64, scratch_operands = 0 : i64, tpu.core_type = #tpu.core_type<tc>} {
    %get3A = arith.constant 0 : index
    %get3A_0 = arith.constant 0 : index
    %get3A_1 = arith.constant 0 : index
    %get3A_2 = vector.load %arg1[%get3A, %get3A_0, %get3A_1] : memref<2x16x10240xf32, #tpu.memory_space<vmem>>, vector<1x16x10240xf32>
    %get3A_3 = vector.shape_cast %get3A_2 : vector<1x16x10240xf32> to vector<16x10240xf32>
    %reduce_sum3A = arith.constant dense<0.000000e+00> : vector<10240xf32>
    %reduce_sum3A_4 = vector.multi_reduction <add>, %get3A_3, %reduce_sum3A [0] : vector<16x10240xf32> to vector<10240xf32>
    %slice3A = vector.extract_strided_slice %reduce_sum3A_4 {offsets = [0], sizes = [10000], strides = [1]} : vector<10240xf32> to vector<10000xf32>
    %broadcast_in_dim3A = vector.shape_cast %slice3A : vector<10000xf32> to vector<10000x1xf32>
    %add3A = arith.constant 1.000000e-16 : f32
    %add3A_5 = vector.broadcast %add3A : f32 to vector<10000x1xf32>
    %add3A_6 = arith.addf %broadcast_in_dim3A, %add3A_5 : vector<10000x1xf32>
    %get3A_7 = arith.constant 0 : index
    %get3A_8 = arith.constant 0 : index
    %get3A_9 = arith.constant 0 : index
    %get3A_10 = vector.load %arg0[%get3A_7, %get3A_8, %get3A_9] : memref<2x10240x128xf32, #tpu.memory_space<vmem>>, vector<1x10000x128xf32>
    %get3A_11 = vector.shape_cast %get3A_10 : vector<1x10000x128xf32> to vector<10000x128xf32>
    %div3A = vector.broadcast %add3A_6 : vector<10000x1xf32> to vector<10000x128xf32>
    %div3A_12 = arith.divf %get3A_11, %div3A : vector<10000x128xf32>
    %get3A_13 = arith.constant 1 : index
    %get3A_14 = arith.constant 0 : index
    %get3A_15 = arith.constant 0 : index
    %get3A_16 = vector.load %arg1[%get3A_13, %get3A_14, %get3A_15] : memref<2x16x10240xf32, #tpu.memory_space<vmem>>, vector<1x16x10240xf32>
    %get3A_17 = vector.shape_cast %get3A_16 : vector<1x16x10240xf32> to vector<16x10240xf32>
    %reduce_sum3A_18 = arith.constant dense<0.000000e+00> : vector<10240xf32>
    %reduce_sum3A_19 = vector.multi_reduction <add>, %get3A_17, %reduce_sum3A_18 [0] : vector<16x10240xf32> to vector<10240xf32>
    %slice3A_20 = vector.extract_strided_slice %reduce_sum3A_19 {offsets = [0], sizes = [10000], strides = [1]} : vector<10240xf32> to vector<10000xf32>
    %broadcast_in_dim3A_21 = vector.shape_cast %slice3A_20 : vector<10000xf32> to vector<10000x1xf32>
    %add3A_22 = arith.constant 1.000000e-16 : f32
    %add3A_23 = vector.broadcast %add3A_22 : f32 to vector<10000x1xf32>
    %add3A_24 = arith.addf %broadcast_in_dim3A_21, %add3A_23 : vector<10000x1xf32>
    %get3A_25 = arith.constant 1 : index
    %get3A_26 = arith.constant 0 : index
    %get3A_27 = arith.constant 0 : index
    %get3A_28 = vector.load %arg0[%get3A_25, %get3A_26, %get3A_27] : memref<2x10240x128xf32, #tpu.memory_space<vmem>>, vector<1x10000x128xf32>
    %get3A_29 = vector.shape_cast %get3A_28 : vector<1x10000x128xf32> to vector<10000x128xf32>
    %div3A_30 = vector.broadcast %add3A_24 : vector<10000x1xf32> to vector<10000x128xf32>
    %div3A_31 = arith.divf %get3A_29, %div3A_30 : vector<10000x128xf32>
    %add3A_32 = arith.addf %div3A_12, %div3A_31 : vector<10000x128xf32>
    %mul3A = arith.constant 5.000000e-01 : f32
    %mul3A_33 = vector.broadcast %mul3A : f32 to vector<10000x128xf32>
    %mul3A_34 = arith.mulf %add3A_32, %mul3A_33 : vector<10000x128xf32>
    %get3A_35 = arith.constant 0 : index
    %get3A_36 = vector.load %arg3[%get3A_35] : memref<128xf32, #tpu.memory_space<vmem>>, vector<128xf32>
    %broadcast_in_dim3A_37 = vector.shape_cast %get3A_36 : vector<128xf32> to vector<1x128xf32>
    %add3A_38 = vector.broadcast %broadcast_in_dim3A_37 : vector<1x128xf32> to vector<10000x128xf32>
    %add3A_39 = arith.addf %mul3A_34, %add3A_38 : vector<10000x128xf32>
    %get3A_40 = arith.constant 0 : index
    %get3A_41 = arith.constant 0 : index
    %get3A_42 = vector.load %arg2[%get3A_40, %get3A_41] : memref<10000x128xf32, #tpu.memory_space<vmem>>, vector<10000x128xf32>
    %add3A_43 = arith.addf %add3A_39, %get3A_42 : vector<10000x128xf32>
    %get3A_44 = arith.constant 0 : index
    %get3A_45 = vector.load %arg4[%get3A_44] : memref<128xf32, #tpu.memory_space<vmem>>, vector<128xf32>
    %get3A_46 = arith.constant 0 : index
    %get3A_47 = vector.load %arg5[%get3A_46] : memref<128xf32, #tpu.memory_space<vmem>>, vector<128xf32>
    %reduce_sum3A_48 = arith.constant dense<0.000000e+00> : vector<128xf32>
    %reduce_sum3A_49 = vector.multi_reduction <add>, %add3A_43, %reduce_sum3A_48 [0] : vector<10000x128xf32> to vector<128xf32>
    %broadcast_in_dim3A_50 = vector.shape_cast %reduce_sum3A_49 : vector<128xf32> to vector<1x128xf32>
    %div3A_51 = arith.constant 1.000000e+04 : f32
    %div3A_52 = vector.broadcast %div3A_51 : f32 to vector<1x128xf32>
    %div3A_53 = arith.divf %broadcast_in_dim3A_50, %div3A_52 : vector<1x128xf32>
    %sub3A = vector.broadcast %div3A_53 : vector<1x128xf32> to vector<10000x128xf32>
    %sub3A_54 = arith.subf %add3A_43, %sub3A : vector<10000x128xf32>
    %integer_pow3A = arith.mulf %sub3A_54, %sub3A_54 : vector<10000x128xf32>
    %reduce_sum3A_55 = arith.constant dense<0.000000e+00> : vector<128xf32>
    %reduce_sum3A_56 = vector.multi_reduction <add>, %integer_pow3A, %reduce_sum3A_55 [0] : vector<10000x128xf32> to vector<128xf32>
    %broadcast_in_dim3A_57 = vector.shape_cast %reduce_sum3A_56 : vector<128xf32> to vector<1x128xf32>
    %div3A_58 = arith.constant 1.000000e+04 : f32
    %div3A_59 = vector.broadcast %div3A_58 : f32 to vector<1x128xf32>
    %div3A_60 = arith.divf %broadcast_in_dim3A_57, %div3A_59 : vector<1x128xf32>
    %sub3A_61 = vector.broadcast %div3A_53 : vector<1x128xf32> to vector<10000x128xf32>
    %sub3A_62 = arith.subf %add3A_43, %sub3A_61 : vector<10000x128xf32>
    %add3A_63 = arith.constant 9.99999974E-6 : f32
    %add3A_64 = vector.broadcast %add3A_63 : f32 to vector<1x128xf32>
    %add3A_65 = arith.addf %div3A_60, %add3A_64 : vector<1x128xf32>
    %sqrt3A = math.sqrt %add3A_65 : vector<1x128xf32>
    %div3A_66 = vector.broadcast %sqrt3A : vector<1x128xf32> to vector<10000x128xf32>
    %div3A_67 = arith.divf %sub3A_62, %div3A_66 : vector<10000x128xf32>
    %broadcast_in_dim3A_68 = vector.shape_cast %get3A_45 : vector<128xf32> to vector<1x128xf32>
    %mul3A_69 = vector.broadcast %broadcast_in_dim3A_68 : vector<1x128xf32> to vector<10000x128xf32>
    %mul3A_70 = arith.mulf %div3A_67, %mul3A_69 : vector<10000x128xf32>
    %broadcast_in_dim3A_71 = vector.shape_cast %get3A_47 : vector<128xf32> to vector<1x128xf32>
    %add3A_72 = vector.broadcast %broadcast_in_dim3A_71 : vector<1x128xf32> to vector<10000x128xf32>
    %add3A_73 = arith.addf %mul3A_70, %add3A_72 : vector<10000x128xf32>
    %max3A = arith.constant 0.000000e+00 : f32
    %max3A_74 = vector.broadcast %max3A : f32 to vector<10000x128xf32>
    %max3A_75 = arith.maximumf %add3A_73, %max3A_74 : vector<10000x128xf32>
    %swap3A = arith.constant 0 : index
    %swap3A_76 = arith.constant 0 : index
    %swap3A_77 = vector.load %arg6[%swap3A, %swap3A_76] : memref<10000x128xf32, #tpu.memory_space<vmem>>, vector<10000x128xf32>
    tpu.vector_store %arg6[%swap3A, %swap3A_76], %max3A_75 {strides = array<i32>} : memref<10000x128xf32, #tpu.memory_space<vmem>>, vector<10000x128xf32>,
    return
  }
}

module attributes {stable_mosaic.version = 14 : i64} {
  func.func @_head_body(%arg0: memref<2x10240x128xf32, #tpu.memory_space<vmem>>, %arg1: memref<2x16x10240xf32, #tpu.memory_space<vmem>>, %arg2: memref<10000x128xf32, #tpu.memory_space<vmem>>, %arg3: memref<128xf32, #tpu.memory_space<vmem>>, %arg4: memref<128xf32, #tpu.memory_space<vmem>>, %arg5: memref<128xf32, #tpu.memory_space<vmem>>, %arg6: memref<128x1xf32, #tpu.memory_space<vmem>>, %arg7: memref<1xf32, #tpu.memory_space<vmem>>, %arg8: memref<10000xf32, #tpu.memory_space<vmem>>) attributes {dimension_semantics = [], scalar_prefetch = 0 : i64, scratch_operands = 0 : i64, tpu.core_type = #tpu.core_type<tc>} {
    %get3A = arith.constant 0 : index
    %get3A_0 = arith.constant 0 : index
    %get3A_1 = arith.constant 0 : index
    %get3A_2 = vector.load %arg1[%get3A, %get3A_0, %get3A_1] : memref<2x16x10240xf32, #tpu.memory_space<vmem>>, vector<1x16x10240xf32>
    %get3A_3 = vector.shape_cast %get3A_2 : vector<1x16x10240xf32> to vector<16x10240xf32>
    %reduce_sum3A = arith.constant dense<0.000000e+00> : vector<10240xf32>
    %reduce_sum3A_4 = vector.multi_reduction <add>, %get3A_3, %reduce_sum3A [0] : vector<16x10240xf32> to vector<10240xf32>
    %slice3A = vector.extract_strided_slice %reduce_sum3A_4 {offsets = [0], sizes = [10000], strides = [1]} : vector<10240xf32> to vector<10000xf32>
    %broadcast_in_dim3A = vector.shape_cast %slice3A : vector<10000xf32> to vector<10000x1xf32>
    %add3A = arith.constant 1.000000e-16 : f32
    %add3A_5 = vector.broadcast %add3A : f32 to vector<10000x1xf32>
    %add3A_6 = arith.addf %broadcast_in_dim3A, %add3A_5 : vector<10000x1xf32>
    %get3A_7 = arith.constant 0 : index
    %get3A_8 = arith.constant 0 : index
    %get3A_9 = arith.constant 0 : index
    %get3A_10 = vector.load %arg0[%get3A_7, %get3A_8, %get3A_9] : memref<2x10240x128xf32, #tpu.memory_space<vmem>>, vector<1x10000x128xf32>
    %get3A_11 = vector.shape_cast %get3A_10 : vector<1x10000x128xf32> to vector<10000x128xf32>
    %div3A = vector.broadcast %add3A_6 : vector<10000x1xf32> to vector<10000x128xf32>
    %div3A_12 = arith.divf %get3A_11, %div3A : vector<10000x128xf32>
    %get3A_13 = arith.constant 1 : index
    %get3A_14 = arith.constant 0 : index
    %get3A_15 = arith.constant 0 : index
    %get3A_16 = vector.load %arg1[%get3A_13, %get3A_14, %get3A_15] : memref<2x16x10240xf32, #tpu.memory_space<vmem>>, vector<1x16x10240xf32>
    %get3A_17 = vector.shape_cast %get3A_16 : vector<1x16x10240xf32> to vector<16x10240xf32>
    %reduce_sum3A_18 = arith.constant dense<0.000000e+00> : vector<10240xf32>
    %reduce_sum3A_19 = vector.multi_reduction <add>, %get3A_17, %reduce_sum3A_18 [0] : vector<16x10240xf32> to vector<10240xf32>
    %slice3A_20 = vector.extract_strided_slice %reduce_sum3A_19 {offsets = [0], sizes = [10000], strides = [1]} : vector<10240xf32> to vector<10000xf32>
    %broadcast_in_dim3A_21 = vector.shape_cast %slice3A_20 : vector<10000xf32> to vector<10000x1xf32>
    %add3A_22 = arith.constant 1.000000e-16 : f32
    %add3A_23 = vector.broadcast %add3A_22 : f32 to vector<10000x1xf32>
    %add3A_24 = arith.addf %broadcast_in_dim3A_21, %add3A_23 : vector<10000x1xf32>
    %get3A_25 = arith.constant 1 : index
    %get3A_26 = arith.constant 0 : index
    %get3A_27 = arith.constant 0 : index
    %get3A_28 = vector.load %arg0[%get3A_25, %get3A_26, %get3A_27] : memref<2x10240x128xf32, #tpu.memory_space<vmem>>, vector<1x10000x128xf32>
    %get3A_29 = vector.shape_cast %get3A_28 : vector<1x10000x128xf32> to vector<10000x128xf32>
    %div3A_30 = vector.broadcast %add3A_24 : vector<10000x1xf32> to vector<10000x128xf32>
    %div3A_31 = arith.divf %get3A_29, %div3A_30 : vector<10000x128xf32>
    %add3A_32 = arith.addf %div3A_12, %div3A_31 : vector<10000x128xf32>
    %mul3A = arith.constant 5.000000e-01 : f32
    %mul3A_33 = vector.broadcast %mul3A : f32 to vector<10000x128xf32>
    %mul3A_34 = arith.mulf %add3A_32, %mul3A_33 : vector<10000x128xf32>
    %get3A_35 = arith.constant 0 : index
    %get3A_36 = vector.load %arg3[%get3A_35] : memref<128xf32, #tpu.memory_space<vmem>>, vector<128xf32>
    %broadcast_in_dim3A_37 = vector.shape_cast %get3A_36 : vector<128xf32> to vector<1x128xf32>
    %add3A_38 = vector.broadcast %broadcast_in_dim3A_37 : vector<1x128xf32> to vector<10000x128xf32>
    %add3A_39 = arith.addf %mul3A_34, %add3A_38 : vector<10000x128xf32>
    %get3A_40 = arith.constant 0 : index
    %get3A_41 = arith.constant 0 : index
    %get3A_42 = vector.load %arg2[%get3A_40, %get3A_41] : memref<10000x128xf32, #tpu.memory_space<vmem>>, vector<10000x128xf32>
    %add3A_43 = arith.addf %add3A_39, %get3A_42 : vector<10000x128xf32>
    %get3A_44 = arith.constant 0 : index
    %get3A_45 = vector.load %arg4[%get3A_44] : memref<128xf32, #tpu.memory_space<vmem>>, vector<128xf32>
    %get3A_46 = arith.constant 0 : index
    %get3A_47 = vector.load %arg5[%get3A_46] : memref<128xf32, #tpu.memory_space<vmem>>, vector<128xf32>
    %reduce_sum3A_48 = arith.constant dense<0.000000e+00> : vector<128xf32>
    %reduce_sum3A_49 = vector.multi_reduction <add>, %add3A_43, %reduce_sum3A_48 [0] : vector<10000x128xf32> to vector<128xf32>
    %broadcast_in_dim3A_50 = vector.shape_cast %reduce_sum3A_49 : vector<128xf32> to vector<1x128xf32>
    %div3A_51 = arith.constant 1.000000e+04 : f32
    %div3A_52 = vector.broadcast %div3A_51 : f32 to vector<1x128xf32>
    %div3A_53 = arith.divf %broadcast_in_dim3A_50, %div3A_52 : vector<1x128xf32>
    %sub3A = vector.broadcast %div3A_53 : vector<1x128xf32> to vector<10000x128xf32>
    %sub3A_54 = arith.subf %add3A_43, %sub3A : vector<10000x128xf32>
    %integer_pow3A = arith.mulf %sub3A_54, %sub3A_54 : vector<10000x128xf32>
    %reduce_sum3A_55 = arith.constant dense<0.000000e+00> : vector<128xf32>
    %reduce_sum3A_56 = vector.multi_reduction <add>, %integer_pow3A, %reduce_sum3A_55 [0] : vector<10000x128xf32> to vector<128xf32>
    %broadcast_in_dim3A_57 = vector.shape_cast %reduce_sum3A_56 : vector<128xf32> to vector<1x128xf32>
    %div3A_58 = arith.constant 1.000000e+04 : f32
    %div3A_59 = vector.broadcast %div3A_58 : f32 to vector<1x128xf32>
    %div3A_60 = arith.divf %broadcast_in_dim3A_57, %div3A_59 : vector<1x128xf32>
    %sub3A_61 = vector.broadcast %div3A_53 : vector<1x128xf32> to vector<10000x128xf32>
    %sub3A_62 = arith.subf %add3A_43, %sub3A_61 : vector<10000x128xf32>
    %add3A_63 = arith.constant 9.99999974E-6 : f32
    %add3A_64 = vector.broadcast %add3A_63 : f32 to vector<1x128xf32>
    %add3A_65 = arith.addf %div3A_60, %add3A_64 : vector<1x128xf32>
    %sqrt3A = math.sqrt %add3A_65 : vector<1x128xf32>
    %div3A_66 = vector.broadcast %sqrt3A : vector<1x128xf32> to vector<10000x128xf32>
    %div3A_67 = arith.divf %sub3A_62, %div3A_66 : vector<10000x128xf32>
    %broadcast_in_dim3A_68 = vector.shape_cast %get3A_45 : vector<128xf32> to vector<1x128xf32>
    %mul3A_69 = vector.broadcast %broadcast_in_dim3A_68 : vector<1x128xf32> to vector<10000x128xf32>
    %mul3A_70 = arith.mulf %div3A_67, %mul3A_69 : vector<10000x128xf32>
    %broadcast_in_dim3A_71 = vector.shape_cast %get3A_47 : vector<128xf32> to vector<1x128xf32>
    %add3A_72 = vector.broadcast %broadcast_in_dim3A_71 : vector<1x128xf32> to vector<10000x128xf32>
    %add3A_73 = arith.addf %mul3A_70, %add3A_72 : vector<10000x128xf32>
    %max3A = arith.constant 0.000000e+00 : f32
    %max3A_74 = vector.broadcast %max3A : f32 to vector<10000x128xf32>
    %max3A_75 = arith.maximumf %add3A_73, %max3A_74 : vector<10000x128xf32>
    %get3A_76 = arith.constant 0 : index
    %get3A_77 = arith.constant 0 : index
    %get3A_78 = vector.load %arg6[%get3A_76, %get3A_77] : memref<128x1xf32, #tpu.memory_space<vmem>>, vector<128x1xf32>
    %dot_general3A = arith.constant dense<0.000000e+00> : vector<10000x1xf32>
    %dot_general3A_79 = tpu.matmul %max3A_75, %get3A_78, %dot_general3A {dimension_numbers = #tpu.dot_dimension_numbers<[1], [0], [0], [1], [0, 0, 1, 1], [], []>, transpose_lhs_hint = false} : vector<10000x128xf32>, vector<128x1xf32>, vector<10000x1xf32> -> vector<10000x1xf32>
    %squeeze3A = vector.shape_cast %dot_general3A_79 : vector<10000x1xf32> to vector<10000xf32>
    %get3A_80 = arith.constant 0 : index
    %get3A_81 = vector.load %arg7[%get3A_80] : memref<1xf32, #tpu.memory_space<vmem>>, vector<1xf32>
    %get3A_82 = vector.extract %get3A_81[0] : f32 from vector<1xf32>
    %add3A_83 = vector.broadcast %get3A_82 : f32 to vector<10000xf32>
    %add3A_84 = arith.addf %squeeze3A, %add3A_83 : vector<10000xf32>
    %swap3A = arith.constant 0 : index
    %swap3A_85 = vector.load %arg8[%swap3A] : memref<10000xf32, #tpu.memory_space<vmem>>, vector<10000xf32>
    tpu.vector_store %arg8[%swap3A], %add3A_84 {strides = array<i32>} : memref<10000xf32, #tpu.memory_space<vmem>>, vector<10000xf32>,
    return
  }
}

</mosaic_0001>

<sc_bundles>
// kernel: kernel.11.cloned.1.call-start
scs
__scs_entry_jumppad:
0x0: {  	(pc) =	sbr.rel $0x88, $3  }
0x1: {  	(tag) =	ssettag $0x0;
	lr =	simm.s32 $0x1  }
0x2: {  	[smem:$0x3F91] =	sst lr;
	_ =	strace $0xD0000000  }
0x3: {  	_ = 	snop  }
0x4: {  	_ = 	snop  }
0x5: {  	_ = 	snop  }
0x6: {  	_ = 	snop  }
0x7: {  	_ = 	snop  }
__scs_overlays_trampoline_lowered:
0x8: {  	[smem:$0x3FA0] =	sst s0  }
0x9: {  	[smem:$0x3FA1] =	sst s1  }
0xa: {  	[smem:$0x3FA2] =	sst s2  }
0xb: {  	[smem:$0x3FA3] =	sst s3  }
0xc: {  	[smem:$0x3FA4] =	sst s4  }
0xd: {  	[smem:$0x3FA5] =	sst s5  }
0xe: {  	[smem:$0x3FA6] =	sst s6  }
0xf: {  	[smem:$0x3FA7] =	sst s7  }
0x10: {  	[smem:$0x3FA8] =	sst s8  }
0x11: {  	[smem:$0x3FA9] =	sst s9;
	s0 =	simm.s32 @!p0 $0x0  }
0x12: {  	s1 =	sld [smem:$0x3F8F];
	s0 =	simm.s32 @p0 $0x1  }
0x13: {  	[smem:$0x3FAA] =	sst s0;
	s0 =	simm.s32 @!p1 $0x0  }
0x14: {  	s2 =	sld [smem:$0x3F8E];
	s0 =	simm.s32 @p1 $0x1  }
0x15: {  	[smem:$0x3FAB] =	sst s0;
	s0 =	simm.s32 @!p2 $0x0  }
0x16: {  	s3 =	sld [smem:$0x3FDB];
	s0 =	simm.s32 @p2 $0x1  }
0x17: {  	s4 =	simm.s32 $0x1BF5;
	[smem:$0x3FAD] =	sst s0  }
0x18: {  	s0 =	sld [smem:$0x3F90];
	_ =	swait.ge [sflag:s4], $0x0  }
0x19: {  	s7 =	sld [smem:$0x3F91]  }
0x1a: {  	s8 =	sadd.s32 $0xFFFFE003, lr  }
0x1b: {  	s9 =	sadd.s32 $0xFFFFFEF7, lr;
	s5 =	simm.s32 $0xFFFFFFFF;
	p2 =	slt.u32 s8, $0xFFFFF086  }
0x1c: {  	p1 =	slt.u32 s9, $0xF7A;
	s5 =	simm.s32 @!p2 $0x0  }
0x1d: {  	s5 =	simm.s32 @p1 $0x1;
	p0 =	seq.s32 s7, s2  }
0x1e: {  	s7 =	smul.u32 @!p0 $0xF7A, s2;
	p2 =	seq.s32 @!p0 s5, $0x0  }
0x1f: {  	s9 =	smul.u32 $0xF7A, s1;
	s8 =	simm.s32 @!p0 $0x1BF5;
	p2 =	por !p2, p0  }
0x20: {  	[sflag:s8] =	ssyncset.s32 @!p0 $0xFFFFF086;
	s6 =	sadd.s32 @!p0 s3, s7;
	s7 =	simm.s32 @!p0 $0x108  }
0x21: {  	s3 =	sadd.s32 s3, s9;
	s6 =	sadd.s32 @!p0 $0x88, s6;
	s7 =	simm.s32 @p2 $0x1082  }
0x22: {  	[simem:s7], [sflag:s8] =	dma.local @!p0 [hbm:s6], $0xF7A  }
0x23: {  	s9 =	sor.u32 $0xD0000000, s2;
	s6 =	simm.s32 $0x108;
	_ =	swait.ge @!p0 [sflag:s8], $0x0  }
0x24: {  	s3 =	sadd.s32 $0x88, s3;
	s6 =	simm.s32 @!p1 $0x1082;
	[sflag:s4] =	ssyncset.s32 $0xFFFFF086  }
0x25: {  	[simem:s6], [sflag:s4] =	dma.local [hbm:s3], $0xF7A  }
0x26: {  	[smem:$0x3F91] =	sst s1;
	(tag) =	ssettag s2;
	_ =	strace s9  }
0x27: {  	s1 =	sld [smem:$0x3FA1]  }
0x28: {  	s2 =	sld [smem:$0x3FA2]  }
0x29: {  	s4 =	sld [smem:$0x3FA4]  }
0x2a: {  	p0 =	seq.s32 s5, $0x0;
	s5 =	sld [smem:$0x3FA5]  }
0x2b: {  	s6 =	sld [smem:$0x3FA6]  }
0x2c: {  	s7 =	sld [smem:$0x3FA7]  }
0x2d: {  	s3 =	simm.s32 $0x108;
	s8 =	sld [smem:$0x3FA8]  }
0x2e: {  	s3 =	simm.s32 @!p0 $0x1082;
	s9 =	sld [smem:$0x3FA9]  }
0x2f: {  	lr =	sadd.s32 s0, s3;
	s0 =	sld [smem:$0x3FA0]  }
0x30: {  	s3 =	sld [smem:$0x3FA3]  }
0x31: {  	[smem:$0x3FAC] =	sst s10  }
0x32: {  	s10 =	sld [smem:$0x3FAA];
	_ =	sdelay $0x3  }
0x33: {  	p0 =	seq.s32 s10, $0x1;
	s10 =	sld [smem:$0x3FAC];
	_ =	sdelay $0x3  }
0x34: {  	[smem:$0x3FAC] =	sst s10  }
0x35: {  	s10 =	sld [smem:$0x3FAB];
	_ =	sdelay $0x3  }
0x36: {  	p1 =	seq.s32 s10, $0x1;
	s10 =	sld [smem:$0x3FAC];
	_ =	sdelay $0x3  }
0x37: {  	[smem:$0x3FAC] =	sst s10  }
0x38: {  	s10 =	sld [smem:$0x3FAD]  }
0x39: {  	_ = 	snop;
	(pc) =	sbr.ind lr, $3  }
0x3a: {  	_ = 	snop  }
0x3b: {  	_ = 	snop  }
0x3c: {  	p2 =	seq.s32 s10, $0x1;
	s10 =	sld [smem:$0x3FAC]  }
0x3d: {  	_ =	shalt  }
0x3e: {  	_ =	shalt  }
0x3f: {  	_ =	shalt  }
0x40: {  	_ =	shalt  }
0x41: {  	_ =	shalt  }
0x42: {  	_ =	shalt  }
0x43: {  	_ =	shalt  }
0x44: {  	_ =	shalt  }
0x45: {  	_ =	shalt  }
0x46: {  	_ =	shalt  }
0x47: {  	_ =	shalt  }
0x48: {  	_ =	shalt  }
0x49: {  	_ =	shalt  }
0x4a: {  	_ =	shalt  }
0x4b: {  	_ =	shalt  }
0x4c: {  	_ =	shalt  }
0x4d: {  	_ =	shalt  }
0x4e: {  	_ =	shalt  }
0x4f: {  	_ =	shalt  }
0x50: {  	_ =	shalt  }
0x51: {  	_ =	shalt  }
0x52: {  	_ =	shalt  }
0x53: {  	_ =	shalt  }
0x54: {  	_ =	shalt  }
0x55: {  	_ =	shalt  }
0x56: {  	_ =	shalt  }
0x57: {  	_ =	shalt  }
0x58: {  	_ =	shalt  }
0x59: {  	_ =	shalt  }
0x5a: {  	_ =	shalt  }
0x5b: {  	_ =	shalt  }
0x5c: {  	_ =	shalt  }
0x5d: {  	_ =	shalt  }
0x5e: {  	_ =	shalt  }
0x5f: {  	_ =	shalt  }
0x60: {  	_ =	shalt  }
0x61: {  	_ =	shalt  }
0x62: {  	_ =	shalt  }
0x63: {  	_ =	shalt  }
0x64: {  	_ =	shalt  }
0x65: {  	_ =	shalt  }
0x66: {  	_ =	shalt  }
0x67: {  	_ =	shalt  }
0x68: {  	_ =	shalt  }
0x69: {  	_ =	shalt  }
0x6a: {  	_ =	shalt  }
0x6b: {  	_ =	shalt  }
0x6c: {  	_ =	shalt  }
0x6d: {  	_ =	shalt  }
0x6e: {  	_ =	shalt  }
0x6f: {  	_ =	shalt  }
0x70: {  	_ =	shalt  }
0x71: {  	_ =	shalt  }
0x72: {  	_ =	shalt  }
0x73: {  	_ =	shalt  }
0x74: {  	_ =	shalt  }
0x75: {  	_ =	shalt  }
0x76: {  	_ =	shalt  }
0x77: {  	_ =	shalt  }
0x78: {  	_ =	shalt  }
0x79: {  	_ =	shalt  }
0x7a: {  	_ =	shalt  }
0x7b: {  	_ =	shalt  }
0x7c: {  	_ =	shalt  }
0x7d: {  	_ =	shalt  }
0x7e: {  	_ =	shalt  }
0x7f: {  	_ =	shalt  }
0x80: {  	_ =	shalt  }
0x81: {  	_ =	shalt  }
0x82: {  	_ =	shalt  }
0x83: {  	_ =	shalt  }
0x84: {  	_ =	shalt  }
0x85: {  	_ =	shalt  }
0x86: {  	_ =	shalt  }
0x87: {  	_ =	shalt  }
.Lfunc_end0:
.L_simem_size_0:
called_computation.1_lowered:
.L_overlay_start_0:
0x88: {  	s2 =	sld [smem:$0x3FD9]  }
0x89: {  	s3 =	sld [smem:$0x3FFE];
	_ =	sdelay $0x1  }
0x8a: {  	s1 =	srdreg.scid  }
0x8b: {  	s0 =	sand.u32 $0x1, s1  }
0x8c: {  	s17 =	sshll.u32 s0, $0xA;
	s2 =	sadd.s32 s3, s2  }
0x8d: {  	s2 =	sadd.s32 s2, s17  }
0x8e: {  	[smem:$0x3FB8] =	sst s2  }
0x8f: {  	_ = 	snop  }
0x90: {  	s2 =	sld [smem:$0x3FD0];
	(tm) =	ssettm $0x1  }
0x91: {  	s18 =	sld [smem:$0x3FFB];
	_ =	sdelay $0x3  }
0x92: {  	_ =	strace s18  }
0x93: {  	s3 =	sld [smem:$0x3FFC];
	_ =	sdelay $0x3  }
0x94: {  	_ =	strace s3  }
0x95: {  	s3 =	sld [smem:$0x3FFD];
	_ =	sdelay $0x3  }
0x96: {  	_ =	strace s3  }
0x97: {  	_ =	strace $0x8FFFFFFF  }
0x98: {  	s19 =	sld [smem:$0x3FDB];
	_ =	sdelay $0x1  }
0x99: {  	s4 =	simm.s32 $_scs_section_size  }
0x9a: {  	s5 =	simm.s32 $_size__tile_overlayer_lowered;
	s6 =	simm.s32 $_tile_overlayer_lowered  }
0x9b: {  	s22 =	simm.s32 $0x1BFF;
	s21 =	sshll.u32 s6, $0x1;
	s3 =	sadd.s32 s4, s19  }
0x9c: {  	s7 =	simm.s32 $0x0;
	s20 =	sshll.u32 s5, $0x1;
	s5 =	sadd.s32 s21, s3  }
0x9d: {  	[timem:s7], [sflag:s22] =	dma.local [hbm:s5], s20  }
0x9e: {  	_ =	swait.ge [sflag:s22], s20  }
0x9f: {  	s4 =	ssub.s32 $0x0, s20;
	[sflag:s22] =	ssyncset.done $0x0  }
0xa0: {  	[sflag:s22] =	ssyncadd.s32 s4;
	_ =	sdelay $0x1  }
0xa1: {  	s23 =	simm.s32 $0x1B8B  }
0xa2: {  	_ =	swait.ge [sflag:s23], $0x1  }
0xa3: {  	[sflag:s23] =	ssyncset.done $0x0  }
0xa4: {  	s25 =	simm.s32 $0x1B8E;
	s24 =	sld [smem:$0x3FFE];
	[sflag:s23] =	ssyncadd.s32 $0xFFFFFFFF  }
0xa5: {  	s26 =	simm.s32 $execute0_lowered;
	[smem:$0x3FD2] =	sst s25  }
0xa6: {  	s5 =	sshll.u32 s26, $0x1;
	_ =	strace $0x80000049;
	[dreg:$0x1] =	wrdreg $0xFFFFFFFF  }
0xa7: {  	s28 =	simm.s32 $_size_execute0_lowered;
	s3 =	sadd.s32 s3, s5;
	[dreg:$0x0] =	wrdreg $0x0  }
0xa8: {  	s5 =	sshll.u32 s28, $0x1;
	[dreg:$0x2] =	wrdreg s3  }
0xa9: {  	[dreg:$0x3] =	wrdreg s5  }
0xaa: {  	[dreg:$0x4] =	wrdreg $0xC0  }
0xab: {  	_ =	task [dreg:s7], $0x5FFFF  }
0xac: {  	[dreg:$0x1] =	wrdreg $0xFFFFFFFF  }
0xad: {  	[dreg:$0x0] =	wrdreg $0x60  }
0xae: {  	[dreg:$0x2] =	wrdreg s24  }
0xaf: {  	[dreg:$0x3] =	wrdreg s2  }
0xb0: {  	[dreg:$0x4] =	wrdreg $0xB9900  }
0xb1: {  	[dreg:$0x5] =	wrdreg $0x9  }
0xb2: {  	_ =	task.clear_ibuf [dreg:s7], $0x6FFFF;
	_ =	strace $0x90000049  }
0xb3: {  	s29 =	simm.s32 $0x9;
	_ =	strace $0x8000004B  }
0xb4: {  	_ =	swait.ge [sflag:s29], $0x1  }
0xb5: {  	[sflag:s29] =	ssyncadd.s32 $0xFFFFFFFF  }
0xb6: {  	_ =	strace $0x9000004B  }
0xb7: {  	_ =	sfence  }
0xb8: {  	s30 =	sld [smem:$0x0];
	_ =	sdelay $0x2  }
0xb9: {  	s31 =	sshll.u32 s1, $0xD;
	s1 =	sshrl.u32 s1, $0x2  }
0xba: {  	s3 =	sand.u32 $0x4000, s31;
	s1 =	sadd.s32 s1, s30  }
0xbb: {  	s0 =	sor.u32 s3, s0;
	s1 =	sshll.u32 s1, $0x11  }
0xbc: {  	s0 =	sor.u32 s1, s0  }
0xbd: {  	s0 =	sadd.s32 $0x8F2B, s0  }
0xbe: {  	[sflag:s0] =	ssyncadd.remote.s32 $0x1  }
0xbf: {  	_ =	sfence.sel $0xFFFF  }
0xc0: {  	[dreg:$0x0] =	wrdreg $0xFFFFFFFF;
	(pc) =	sbr.abs _section_cstart, $3  }
0xc1: {  	[dreg:$0x1] =	wrdreg $0xFFFFFFFF  }
0xc2: {  	_ =	task.clear_ibuf [dreg:s7], $0x2FFFF;
	_ =	strace $0x9FFFFFFF  }
0xc3: {  	(tm) =	ssettm $0x7FFFFFFF  }
tec
execute0_lowered:
.L_overlay_start_1:
0x0: {  	(tag) =	ssettag $0x1  }
0x1: {  	s0 =	rddreg [dreg:$0x0]  }
0x2: {  	s3 =	rddreg [dreg:$0x1]  }
0x3: {  	s1 =	rddreg [dreg:$0x2];
	s4 =	srdreg.scid  }
0x4: {  	s2 =	simm.s32 $0x0;
	s17 =	stileid.u32;
	s28 =	simm.s32 $0x5010  }
0x5: {  	s29 =	simm.s32 $0x5090;
	s30 =	simm.s32 $0x9190;
	s31 =	simm.s32 $0x80  }
0x6: {  	s7 =	sand.u32 $0x1, s4;
	[smem:$0x7FF] =	sst s2;
	s15 =	smul.u32 $0x280, s17  }
0x7: {  	s4 =	sadd.s32 $0x17400, s0;
	s21 =	sadd.s32 $0x72800, s0;
	s23 =	smul.u32 $0x50000, s17  }
0x8: {  	s8 =	smul.u32 $0x2800, s7;
	_ =	strace $0x8000004A;
	s5 =	sshll.u32 s7, $0x4  }
0x9: {  	s11 =	ssub.s32 $0x2, s7;
	s7 =	sshll.u32 s7, $0x1;
	s9 =	sor.u32 s17, s5  }
0xa: {  	s5 =	sadd.s32 $0xD200, s0;
	s20 =	sshrl.u32 s11, $0x1;
	s16 =	sadd.s32 $0x80, s15  }
0xb: {  	s3 =	sadd.s32 s3, s7;
	s24 =	sshrl.u32 s23, $0x2;
	s26 =	sadd.s32 $0x100, s15  }
0xc: {  	s19 =	sadd.s32 $0x180, s15;
	s6 =	sshrl.u32 s8, $0x3;
	s9 =	smul.u32 $0x500, s9  }
0xd: {  	[dreg:$0x6] =	wrdreg s3;
	s25 =	sshll.u32 s16, $0x7;
	s12 =	sshll.u32 s26, $0x7  }
0xe: {  	s13 =	sshll.u32 s19, $0x7;
	s18 =	sadd.s32 s15, s8;
	s23 =	sadd.s32 s8, s26  }
0xf: {  	s10 =	sadd.s32 s6, s0;
	s6 =	sadd.s32 $0x3000, s0;
	s12 =	sadd.s32 s12, s1  }
0x10: {  	s13 =	sadd.s32 s13, s1;
	s7 =	sshll.u32 s18, $0x4;
	s18 =	sadd.s32 s8, s16  }
0x11: {  	s0 =	sadd.s32 s9, s0;
	s9 =	ssub.s32 s11, s20;
	s22 =	sadd.s32 $0x67E00, s10  }
0x12: {  	s10 =	sadd.s32 $0x67400, s10;
	s11 =	sadd.s32 s25, s1;
	s20 =	sadd.s32 $0x200, s15  }
0x13: {  	s15 =	smul.u32 $0x5100, s17;
	s17 =	sadd.s32 s21, s7;
	[dreg:$0x4] =	wrdreg s22  }
0x14: {  	[dreg:$0x5] =	wrdreg s10;
	s10 =	sadd.s32 s24, s1;
	s14 =	sshll.u32 s20, $0x7  }
0x15: {  	s16 =	sadd.s32 $0x68800, s0;
	s22 =	sshll.u32 s18, $0x4;
	s24 =	sadd.s32 s8, s19  }
0x16: {  	s0 =	sshll.u32 s23, $0x4;
	s25 =	sadd.s32 s8, s20;
	s23 =	simm.s32 $0x2  }
0x17: {  	s14 =	sadd.s32 s14, s1;
	s18 =	sadd.s32 s21, s22;
	s3 =	sshll.u32 s24, $0x4  }
0x18: {  	s19 =	sadd.s32 s21, s0;
	s26 =	sshll.u32 s25, $0x4;
	s22 =	smax.u32 s9, $0x1  }
0x19: {  	s24 =	simm.s32 $0x2800;
	s0 =	simm.s32 $0x1;
	s25 =	simm.s32 $0x0  }
0x1a: {  	v1 =	vimm.f32 $0.0e+00;
	v0 =	vmov s8;
	s20 =	sadd.s32 s21, s3;
	s21 =	sadd.s32 s21, s26;
	s26 =	simm.s32 $0x5190  }
.LBB2_1:
0x1b: {  	s3 =	rddreg [dreg:$0x4]  }
0x1c: {  	[tilespmem:s2], [sflag:$0x2] =	stream.linear.gather [hbm4b:s3+s2], $0x2800, $0x38;
	[tilespmem:$0x1F990] =	vst v63  }
0x1d: {  	_ =	swait.ge [sflag:s23], $0x2800  }
0x1e: {  	[sflag:s23] =	ssyncset.done $0x0  }
0x1f: {  	s8 =	rddreg [dreg:$0x5];
	[sflag:s23] =	ssyncadd.s32 $0xFFFFD800  }
0x20: {  	[tilespmem:s24], [sflag:$0x2] =	stream.linear.gather [hbm4b:s8+s2], $0x2800, $0x38;
	[tilespmem:$0x1F990] =	vst v63  }
0x21: {  	_ =	swait.ge [sflag:s23], $0x2800  }
0x22: {  	[sflag:s23] =	ssyncset.done $0x0  }
0x23: {  	s7 =	simm.s32 $0x5000;
	s9 =	rddreg [dreg:$0x6];
	[sflag:s23] =	ssyncadd.s32 $0xFFFFD800  }
0x24: {  	[tilespmem:s7], [sflag:$0x2] =	stream.linear.gather [hbm4b:s9+s2], $0x10, $0x38;
	[tilespmem:$0x1F990] =	vst v63  }
0x25: {  	_ =	swait.ge [sflag:s23], $0x10  }
0x26: {  	[sflag:s23] =	ssyncset.done $0x0  }
0x27: {  	s3 =	simm.s32 $0x0;
	[sflag:s23] =	ssyncadd.s32 $0xFFFFFFF0  }
.LBB2_2:
0x28: {  	p0 =	sne.s32 s3, $0x9FC0  }
.Ltmp0:
0x29: {  	_ = 	snop;
	(pc) =	sbr.rel @p0 .LBB2_2-.Ltmp0, $3  }
0x2a: {  	_ =	sdelay $0x1  }
0x2b: {  	s7 =	sshra.s32 s3, $0x2  }
0x2c: {  	s3 =	sadd.s32 $0x40, s3;
	[tilespmem:s7+$0x9190] =	vst v1  }
0x2d: {  	s3 =	simm.s32 $0x0;
	s7 =	simm.s32 $0x200  }
.LBB2_4:
0x2e: {  	p0 =	sne.s32 s7, $0xFE00;
	[tilespmem:s3+$0x5200] =	vst v1  }
0x2f: {  	[tilespmem:s3+$0x5190] =	vst v1  }
0x30: {  	[tilespmem:s3+$0x51A0] =	vst v1  }
.Ltmp1:
0x31: {  	[tilespmem:s3+$0x51B0] =	vst v1;
	(pc) =	sbr.rel @p0 .LBB2_4-.Ltmp1, $4  }
0x32: {  	[tilespmem:s3+$0x51C0] =	vst v1  }
0x33: {  	[tilespmem:s3+$0x51D0] =	vst v1  }
0x34: {  	[tilespmem:s3+$0x51E0] =	vst v1  }
0x35: {  	[tilespmem:s3+$0x51F0] =	vst v1;
	s3 =	sshra.s32 s7, $0x2;
	s7 =	sadd.s32 $0x200, s7  }
0x36: {  	[tilespmem:s3+$0x5200] =	vst v1  }
0x37: {  	[tilespmem:s3+$0x5190] =	vst v1  }
0x38: {  	[tilespmem:s3+$0x51A0] =	vst v1  }
0x39: {  	[tilespmem:s3+$0x51B0] =	vst v1  }
0x3a: {  	[tilespmem:s3+$0x51C0] =	vst v1  }
0x3b: {  	[tilespmem:s3+$0x51D0] =	vst v1  }
0x3c: {  	[tilespmem:s3+$0x51E0] =	vst v1  }
0x3d: {  	[tilespmem:s3+$0x51F0] =	vst v1  }
0x3e: {  	[spmem:s10] =	stream.linear.scatter [tilespmem:s26], [sflag:$0x2], $0x4000, $0x38;
	[tilespmem:$0x1F990] =	vst v63  }
0x3f: {  	_ =	swait.ge [sflag:s23], $0x4000  }
0x40: {  	[sflag:s23] =	ssyncset.done $0x0  }
0x41: {  	[sflag:s23] =	ssyncadd.s32 $0xFFFFC000  }
0x42: {  	[spmem:s11] =	stream.linear.scatter [tilespmem:s26], [sflag:$0x2], $0x4000, $0x38;
	[tilespmem:$0x1F990] =	vst v63  }
0x43: {  	_ =	swait.ge [sflag:s23], $0x4000  }
0x44: {  	[sflag:s23] =	ssyncset.done $0x0  }
0x45: {  	[sflag:s23] =	ssyncadd.s32 $0xFFFFC000  }
0x46: {  	[spmem:s12] =	stream.linear.scatter [tilespmem:s26], [sflag:$0x2], $0x4000, $0x38;
	[tilespmem:$0x1F990] =	vst v63  }
0x47: {  	_ =	swait.ge [sflag:s23], $0x4000  }
0x48: {  	[sflag:s23] =	ssyncset.done $0x0  }
0x49: {  	[sflag:s23] =	ssyncadd.s32 $0xFFFFC000  }
0x4a: {  	[spmem:s13] =	stream.linear.scatter [tilespmem:s26], [sflag:$0x2], $0x4000, $0x38;
	[tilespmem:$0x1F990] =	vst v63  }
0x4b: {  	_ =	swait.ge [sflag:s23], $0x4000  }
0x4c: {  	[sflag:s23] =	ssyncset.done $0x0  }
0x4d: {  	[sflag:s23] =	ssyncadd.s32 $0xFFFFC000  }
0x4e: {  	[spmem:s14] =	stream.linear.scatter [tilespmem:s26], [sflag:$0x2], $0x4000, $0x38;
	[tilespmem:$0x1F990] =	vst v63  }
0x4f: {  	_ =	swait.ge [sflag:s23], $0x4000  }
0x50: {  	[sflag:s23] =	ssyncset.done $0x0  }
0x51: {  	[sflag:s23] =	ssyncadd.s32 $0xFFFFC000  }
0x52: {  	[bflag:$0x0] =	sbarrier.arrive $0xFFFF  }
0x53: {  	s3 =	simm.s32 $0x0;
	s7 =	simm.s32 $0x0;
	v2 =	vld [tilespmem:$0x5000]  }
.LBB2_6:
0x54: {  	s8 =	sshll.u32 s7, $0x7  }
0x55: {  	s8 =	sadd.s32 s15, s8  }
0x56: {  	s8 =	sshrl.u32 s8, $0x3  }
0x57: {  	s9 =	sadd.s32 s5, s8  }
0x58: {  	[tilespmem:s28], [sflag:$0x2] =	stream.linear.gather [hbm4b:s9+s3], $0x80, $0x38;
	[tilespmem:$0x1F990] =	vst v63  }
0x59: {  	_ =	swait.ge [sflag:s23], $0x80  }
0x5a: {  	[sflag:s23] =	ssyncset.done $0x0  }
0x5b: {  	s8 =	sadd.s32 s6, s8;
	[sflag:s23] =	ssyncadd.s32 $0xFFFFFF80  }
0x5c: {  	[tilespmem:s29], [sflag:$0x2] =	stream.linear.gather [hbm4b:s8+s3], $0x80, $0x38;
	[tilespmem:$0x1F990] =	vst v63  }
0x5d: {  	_ =	swait.ge [sflag:s23], $0x80  }
0x5e: {  	[sflag:s23] =	ssyncset.done $0x0  }
0x5f: {  	[sflag:s23] =	ssyncadd.s32 $0xFFFFFF80  }
0x60: {  	v3 =	vld [tilespmem:$0x5010]  }
0x61: {  	v4 =	vld [tilespmem:$0x5090];
	_ =	sdelay $0x6  }
0x62: {  	v5 =	vld.idx.msk [tilespmem:v3+s3+$0x0], $0xffff  }
0x63: {  	v6 =	vld.idx.msk [tilespmem:v4+s24+$0x0], $0xffff;
	_ =	sdelay $0x4  }
0x64: {  	v5 =	vadd.f32 v6, v5;
	_ =	sdelay $0x1  }
0x65: {  	v6 =	vmul.f32 $2.000000030e-01, v5;
	_ =	sdelay $0x1  }
0x66: {  	v5 =	vmax.f32 v5, v6  }
0x67: {  	v5 =	vsub.f32 v5, v2;
	_ =	sdelay $0x1  }
0x68: {  	v5 =	vmul.f32 $1.442695020e+00, v5;
	_ =	sdelay $0x1  }
0x69: {  	(erf) = vpow2.f32 v5;
	_ =	sdelay $0x8  }
0x6a: {  	v5 =	vpop (erf)  }
0x6b: {  	[tilespmem:$0x5110] =	vst v5  }
0x6c: {  	[tilespmem:v4+s30+$0x0] =	vst.idx.add.f32.msk $0xffff, v5  }
0x6d: {  	v4 =	vld [tilespmem:$0x5020]  }
0x6e: {  	v5 =	vld [tilespmem:$0x50A0];
	_ =	sdelay $0x4  }
0x6f: {  	v3 =	vadd.s32 v0, v3  }
0x70: {  	[tilespmem:$0x5010] =	vst v3  }
0x71: {  	v3 =	vld.idx.msk [tilespmem:v4+s3+$0x0], $0xffff  }
0x72: {  	v57 =	vld.idx.msk [tilespmem:v5+s24+$0x0], $0xffff;
	_ =	sdelay $0x4  }
0x73: {  	v3 =	vadd.f32 v57, v3;
	_ =	sdelay $0x1  }
0x74: {  	v6 =	vmul.f32 $2.000000030e-01, v3;
	_ =	sdelay $0x1  }
0x75: {  	v3 =	vmax.f32 v3, v6  }
0x76: {  	v3 =	vsub.f32 v3, v2;
	_ =	sdelay $0x1  }
0x77: {  	v3 =	vmul.f32 $1.442695020e+00, v3;
	_ =	sdelay $0x1  }
0x78: {  	(erf) = vpow2.f32 v3;
	_ =	sdelay $0x8  }
0x79: {  	v3 =	vpop (erf)  }
0x7a: {  	[tilespmem:$0x5120] =	vst v3  }
0x7b: {  	[tilespmem:v5+s30+$0x0] =	vst.idx.add.f32.msk $0xffff, v3  }
0x7c: {  	v3 =	vld [tilespmem:$0x5030]  }
0x7d: {  	v5 =	vld [tilespmem:$0x50B0];
	_ =	sdelay $0x4  }
0x7e: {  	v4 =	vadd.s32 v0, v4  }
0x7f: {  	[tilespmem:$0x5020] =	vst v4  }
0x80: {  	v4 =	vld.idx.msk [tilespmem:v3+s3+$0x0], $0xffff  }
0x81: {  	v58 =	vld.idx.msk [tilespmem:v5+s24+$0x0], $0xffff;
	_ =	sdelay $0x4  }
0x82: {  	v4 =	vadd.f32 v58, v4;
	_ =	sdelay $0x1  }
0x83: {  	v6 =	vmul.f32 $2.000000030e-01, v4;
	_ =	sdelay $0x1  }
0x84: {  	v4 =	vmax.f32 v4, v6  }
0x85: {  	v4 =	vsub.f32 v4, v2;
	_ =	sdelay $0x1  }
0x86: {  	v4 =	vmul.f32 $1.442695020e+00, v4;
	_ =	sdelay $0x1  }
0x87: {  	(erf) = vpow2.f32 v4;
	_ =	sdelay $0x8  }
0x88: {  	v4 =	vpop (erf)  }
0x89: {  	[tilespmem:$0x5130] =	vst v4  }
0x8a: {  	[tilespmem:v5+s30+$0x0] =	vst.idx.add.f32.msk $0xffff, v4  }
0x8b: {  	v4 =	vld [tilespmem:$0x5040]  }
0x8c: {  	v5 =	vld [tilespmem:$0x50C0];
	_ =	sdelay $0x4  }
0x8d: {  	v3 =	vadd.s32 v0, v3  }
0x8e: {  	[tilespmem:$0x5030] =	vst v3  }
0x8f: {  	v3 =	vld.idx.msk [tilespmem:v4+s3+$0x0], $0xffff  }
0x90: {  	v59 =	vld.idx.msk [tilespmem:v5+s24+$0x0], $0xffff;
	_ =	sdelay $0x4  }
0x91: {  	v3 =	vadd.f32 v59, v3;
	_ =	sdelay $0x1  }
0x92: {  	v6 =	vmul.f32 $2.000000030e-01, v3;
	_ =	sdelay $0x1  }
0x93: {  	v3 =	vmax.f32 v3, v6  }
0x94: {  	v3 =	vsub.f32 v3, v2;
	_ =	sdelay $0x1  }
0x95: {  	v3 =	vmul.f32 $1.442695020e+00, v3;
	_ =	sdelay $0x1  }
0x96: {  	(erf) = vpow2.f32 v3;
	_ =	sdelay $0x8  }
0x97: {  	v3 =	vpop (erf)  }
0x98: {  	[tilespmem:$0x5140] =	vst v3  }
0x99: {  	[tilespmem:v5+s30+$0x0] =	vst.idx.add.f32.msk $0xffff, v3  }
0x9a: {  	v3 =	vld [tilespmem:$0x5050]  }
0x9b: {  	v5 =	vld [tilespmem:$0x50D0];
	_ =	sdelay $0x4  }
0x9c: {  	v4 =	vadd.s32 v0, v4  }
0x9d: {  	[tilespmem:$0x5040] =	vst v4  }
0x9e: {  	v4 =	vld.idx.msk [tilespmem:v3+s3+$0x0], $0xffff  }
0x9f: {  	v60 =	vld.idx.msk [tilespmem:v5+s24+$0x0], $0xffff;
	_ =	sdelay $0x4  }
0xa0: {  	v4 =	vadd.f32 v60, v4;
	_ =	sdelay $0x1  }
0xa1: {  	v6 =	vmul.f32 $2.000000030e-01, v4;
	_ =	sdelay $0x1  }
0xa2: {  	v4 =	vmax.f32 v4, v6  }
0xa3: {  	v4 =	vsub.f32 v4, v2;
	_ =	sdelay $0x1  }
0xa4: {  	v4 =	vmul.f32 $1.442695020e+00, v4;
	_ =	sdelay $0x1  }
0xa5: {  	(erf) = vpow2.f32 v4;
	_ =	sdelay $0x8  }
0xa6: {  	v4 =	vpop (erf)  }
0xa7: {  	[tilespmem:$0x5150] =	vst v4  }
0xa8: {  	[tilespmem:v5+s30+$0x0] =	vst.idx.add.f32.msk $0xffff, v4  }
0xa9: {  	v4 =	vld [tilespmem:$0x5060]  }
0xaa: {  	v5 =	vld [tilespmem:$0x50E0];
	_ =	sdelay $0x4  }
0xab: {  	v3 =	vadd.s32 v0, v3  }
0xac: {  	[tilespmem:$0x5050] =	vst v3  }
0xad: {  	v3 =	vld.idx.msk [tilespmem:v4+s3+$0x0], $0xffff  }
0xae: {  	v61 =	vld.idx.msk [tilespmem:v5+s24+$0x0], $0xffff;
	_ =	sdelay $0x4  }
0xaf: {  	v3 =	vadd.f32 v61, v3;
	_ =	sdelay $0x1  }
0xb0: {  	v6 =	vmul.f32 $2.000000030e-01, v3;
	_ =	sdelay $0x1  }
0xb1: {  	v3 =	vmax.f32 v3, v6  }
0xb2: {  	v3 =	vsub.f32 v3, v2;
	_ =	sdelay $0x1  }
0xb3: {  	v3 =	vmul.f32 $1.442695020e+00, v3;
	_ =	sdelay $0x1  }
0xb4: {  	(erf) = vpow2.f32 v3;
	_ =	sdelay $0x8  }
0xb5: {  	v3 =	vpop (erf)  }
0xb6: {  	[tilespmem:$0x5160] =	vst v3  }
0xb7: {  	[tilespmem:v5+s30+$0x0] =	vst.idx.add.f32.msk $0xffff, v3  }
0xb8: {  	v3 =	vld [tilespmem:$0x5070]  }
0xb9: {  	v5 =	vld [tilespmem:$0x50F0];
	_ =	sdelay $0x4  }
0xba: {  	v4 =	vadd.s32 v0, v4  }
0xbb: {  	[tilespmem:$0x5060] =	vst v4  }
0xbc: {  	v4 =	vld.idx.msk [tilespmem:v3+s3+$0x0], $0xffff  }
0xbd: {  	v62 =	vld.idx.msk [tilespmem:v5+s24+$0x0], $0xffff;
	_ =	sdelay $0x4  }
0xbe: {  	v4 =	vadd.f32 v62, v4;
	_ =	sdelay $0x1  }
0xbf: {  	v6 =	vmul.f32 $2.000000030e-01, v4;
	_ =	sdelay $0x1  }
0xc0: {  	v4 =	vmax.f32 v4, v6  }
0xc1: {  	v4 =	vsub.f32 v4, v2;
	_ =	sdelay $0x1  }
0xc2: {  	v4 =	vmul.f32 $1.442695020e+00, v4;
	_ =	sdelay $0x1  }
0xc3: {  	(erf) = vpow2.f32 v4;
	_ =	sdelay $0x8  }
0xc4: {  	v4 =	vpop (erf)  }
0xc5: {  	[tilespmem:$0x5170] =	vst v4  }
0xc6: {  	[tilespmem:v5+s30+$0x0] =	vst.idx.add.f32.msk $0xffff, v4  }
0xc7: {  	v4 =	vld [tilespmem:$0x5080]  }
0xc8: {  	v5 =	vld [tilespmem:$0x5100];
	_ =	sdelay $0x4  }
0xc9: {  	v3 =	vadd.s32 v0, v3  }
0xca: {  	[tilespmem:$0x5070] =	vst v3  }
0xcb: {  	v3 =	vld.idx.msk [tilespmem:v4+s3+$0x0], $0xffff  }
0xcc: {  	v63 =	vld.idx.msk [tilespmem:v5+s24+$0x0], $0xffff;
	_ =	sdelay $0x4  }
0xcd: {  	v3 =	vadd.f32 v63, v3;
	_ =	sdelay $0x1  }
0xce: {  	v6 =	vmul.f32 $2.000000030e-01, v3;
	_ =	sdelay $0x1  }
0xcf: {  	v3 =	vmax.f32 v3, v6  }
0xd0: {  	v3 =	vsub.f32 v3, v2;
	_ =	sdelay $0x1  }
0xd1: {  	v3 =	vmul.f32 $1.442695020e+00, v3;
	_ =	sdelay $0x1  }
0xd2: {  	(erf) = vpow2.f32 v3;
	_ =	sdelay $0x8  }
0xd3: {  	v3 =	vpop (erf)  }
0xd4: {  	[tilespmem:$0x5180] =	vst v3  }
0xd5: {  	[tilespmem:v5+s30+$0x0] =	vst.idx.add.f32.msk $0xffff, v3;
	v3 =	vadd.s32 v0, v4  }
0xd6: {  	[tilespmem:$0x5080] =	vst v3  }
0xd7: {  	[tilespmem:s26], [sflag:$0x1] =	stream.indirect.gather [hbm4b:s4+s31], $0x80, s28, s31, $0xb8;
	[tilespmem:$0x1F990] =	vst v63  }
0xd8: {  	_ =	swait.ge [sflag:s0], $0x4000  }
0xd9: {  	[sflag:s0] =	ssyncset.done $0x0  }
0xda: {  	s8 =	simm.s32 $0x0;
	[sflag:s0] =	ssyncadd.s32 $0xFFFFC000  }
.LBB2_7:
0xdb: {  	s9 =	sshll.u32 s8, $0x4  }
0xdc: {  	s9 =	sand.u32 $0x3FFFFFF0, s9  }
0xdd: {  	v3 =	vld [tilespmem:s9+$0x5110];
	s9 =	sshll.u32 s8, $0xB  }
0xde: {  	s9 =	sand.u32 $0x3FFFF800, s9  }
0xdf: {  	v4 =	vld [tilespmem:s9+$0x5190]  }
0xe0: {  	v5 =	vld [tilespmem:s9+$0x51A0]  }
0xe1: {  	v6 =	vld [tilespmem:s9+$0x51B0]  }
0xe2: {  	v8 =	vld [tilespmem:s9+$0x51C0];
	v7 =	vbroadcast v3, $0x0  }
0xe3: {  	v9 =	vld [tilespmem:s9+$0x51D0]  }
0xe4: {  	v10 =	vld [tilespmem:s9+$0x51E0];
	v4 =	vmul.f32 v7, v4  }
0xe5: {  	v11 =	vld [tilespmem:s9+$0x51F0];
	v5 =	vmul.f32 v5, v7  }
0xe6: {  	v55 =	vld [tilespmem:s9+$0x5200];
	v54 =	vmul.f32 v6, v7;
	[tilespmem:s9+$0x5190] =	vst v4  }
0xe7: {  	v57 =	vld [tilespmem:s9+$0x5210];
	v56 =	vmul.f32 v8, v7;
	[tilespmem:s9+$0x51A0] =	vst v5  }
0xe8: {  	v59 =	vld [tilespmem:s9+$0x5220];
	v58 =	vmul.f32 v9, v7;
	[tilespmem:s9+$0x51B0] =	vst v54  }
0xe9: {  	v61 =	vld [tilespmem:s9+$0x5230];
	v60 =	vmul.f32 v10, v7;
	[tilespmem:s9+$0x51C0] =	vst v56  }
0xea: {  	v12 =	vld [tilespmem:s9+$0x5240];
	v63 =	vbroadcast v3, $0x1;
	v62 =	vmul.f32 v11, v7;
	[tilespmem:s9+$0x51D0] =	vst v58  }
0xeb: {  	v14 =	vld [tilespmem:s9+$0x5250];
	v13 =	vmul.f32 v55, v7;
	[tilespmem:s9+$0x51E0] =	vst v60  }
0xec: {  	v16 =	vld [tilespmem:s9+$0x5260];
	v15 =	vmul.f32 v57, v63;
	[tilespmem:s9+$0x51F0] =	vst v62  }
0xed: {  	v18 =	vld [tilespmem:s9+$0x5270];
	v17 =	vmul.f32 v59, v63;
	[tilespmem:s9+$0x5200] =	vst v13  }
0xee: {  	v20 =	vld [tilespmem:s9+$0x5280];
	v19 =	vmul.f32 v61, v63;
	[tilespmem:s9+$0x5210] =	vst v15  }
0xef: {  	v22 =	vld [tilespmem:s9+$0x5290];
	v21 =	vmul.f32 v12, v63;
	[tilespmem:s9+$0x5220] =	vst v17  }
0xf0: {  	v24 =	vld [tilespmem:s9+$0x52A0];
	v23 =	vmul.f32 v14, v63;
	[tilespmem:s9+$0x5230] =	vst v19  }
0xf1: {  	v26 =	vld [tilespmem:s9+$0x52B0];
	v25 =	vmul.f32 v16, v63;
	[tilespmem:s9+$0x5240] =	vst v21  }
0xf2: {  	v29 =	vld [tilespmem:s9+$0x52C0];
	v28 =	vbroadcast v3, $0x2;
	v27 =	vmul.f32 v18, v63;
	[tilespmem:s9+$0x5250] =	vst v23  }
0xf3: {  	v31 =	vld [tilespmem:s9+$0x52D0];
	v30 =	vmul.f32 v20, v63;
	[tilespmem:s9+$0x5260] =	vst v25  }
0xf4: {  	v33 =	vld [tilespmem:s9+$0x52E0];
	v32 =	vmul.f32 v22, v28;
	[tilespmem:s9+$0x5270] =	vst v27  }
0xf5: {  	v35 =	vld [tilespmem:s9+$0x52F0];
	v34 =	vmul.f32 v24, v28;
	[tilespmem:s9+$0x5280] =	vst v30  }
0xf6: {  	v37 =	vld [tilespmem:s9+$0x5300];
	v36 =	vmul.f32 v26, v28;
	[tilespmem:s9+$0x5290] =	vst v32  }
0xf7: {  	v39 =	vld [tilespmem:s9+$0x5310];
	v38 =	vmul.f32 v29, v28;
	[tilespmem:s9+$0x52A0] =	vst v34  }
0xf8: {  	v41 =	vld [tilespmem:s9+$0x5320];
	v40 =	vmul.f32 v31, v28;
	[tilespmem:s9+$0x52B0] =	vst v36  }
0xf9: {  	v43 =	vld [tilespmem:s9+$0x5330];
	v42 =	vmul.f32 v33, v28;
	[tilespmem:s9+$0x52C0] =	vst v38  }
0xfa: {  	v46 =	vld [tilespmem:s9+$0x5340];
	v45 =	vbroadcast v3, $0x3;
	v44 =	vmul.f32 v35, v28;
	[tilespmem:s9+$0x52D0] =	vst v40  }
0xfb: {  	v48 =	vld [tilespmem:s9+$0x5350];
	v47 =	vmul.f32 v37, v28;
	[tilespmem:s9+$0x52E0] =	vst v42  }
0xfc: {  	v50 =	vld [tilespmem:s9+$0x5360];
	v49 =	vmul.f32 v39, v45;
	[tilespmem:s9+$0x52F0] =	vst v44  }
0xfd: {  	v52 =	vld [tilespmem:s9+$0x5370];
	v51 =	vmul.f32 v41, v45;
	[tilespmem:s9+$0x5300] =	vst v47  }
0xfe: {  	v53 =	vmul.f32 v43, v45;
	v63 =	vld [tilespmem:s9+$0x53C0];
	[tilespmem:s9+$0x5310] =	vst v49  }
0xff: {  	v55 =	vmul.f32 v46, v45;
	v14 =	vld [tilespmem:s9+$0x53D0];
	[tilespmem:s9+$0x5320] =	vst v51  }
0x100: {  	v57 =	vmul.f32 v48, v45;
	v16 =	vld [tilespmem:s9+$0x53E0];
	[tilespmem:s9+$0x5330] =	vst v53  }
0x101: {  	v59 =	vmul.f32 v50, v45;
	v18 =	vld [tilespmem:s9+$0x53F0];
	[tilespmem:s9+$0x5340] =	vst v55;
	v62 =	vbroadcast v3, $0x4  }
0x102: {  	v61 =	vmul.f32 v52, v45;
	v20 =	vld [tilespmem:s9+$0x5400];
	[tilespmem:s9+$0x5350] =	vst v57  }
0x103: {  	v22 =	vld [tilespmem:s9+$0x5410];
	[tilespmem:s9+$0x5360] =	vst v59;
	v21 =	vmul.f32 v63, v62  }
0x104: {  	v24 =	vld [tilespmem:s9+$0x5420];
	[tilespmem:s9+$0x5370] =	vst v61;
	v23 =	vmul.f32 v14, v62  }
0x105: {  	v26 =	vld [tilespmem:s9+$0x5430];
	v25 =	vmul.f32 v16, v62;
	[tilespmem:s9+$0x53C0] =	vst v21  }
0x106: {  	v28 =	vbroadcast v3, $0x5;
	v29 =	vld [tilespmem:s9+$0x5440];
	v27 =	vmul.f32 v18, v62;
	[tilespmem:s9+$0x53D0] =	vst v23  }
0x107: {  	v31 =	vld [tilespmem:s9+$0x5450];
	v30 =	vmul.f32 v20, v62;
	[tilespmem:s9+$0x53E0] =	vst v25  }
0x108: {  	v33 =	vld [tilespmem:s9+$0x5460];
	v32 =	vmul.f32 v22, v28;
	[tilespmem:s9+$0x53F0] =	vst v27  }
0x109: {  	v35 =	vld [tilespmem:s9+$0x5470];
	v34 =	vmul.f32 v24, v28;
	[tilespmem:s9+$0x5400] =	vst v30  }
0x10a: {  	v37 =	vld [tilespmem:s9+$0x5480];
	v36 =	vmul.f32 v26, v28;
	[tilespmem:s9+$0x5410] =	vst v32  }
0x10b: {  	v54 =	vld [tilespmem:s9+$0x5380];
	v38 =	vmul.f32 v29, v28;
	[tilespmem:s9+$0x5420] =	vst v34  }
0x10c: {  	v56 =	vld [tilespmem:s9+$0x5390];
	v40 =	vmul.f32 v31, v28;
	[tilespmem:s9+$0x5430] =	vst v36  }
0x10d: {  	v58 =	vld [tilespmem:s9+$0x53A0];
	v42 =	vmul.f32 v33, v28;
	[tilespmem:s9+$0x5440] =	vst v38  }
0x10e: {  	v60 =	vld [tilespmem:s9+$0x53B0];
	v44 =	vmul.f32 v35, v28;
	[tilespmem:s9+$0x5450] =	vst v40  }
0x10f: {  	v39 =	vld [tilespmem:s9+$0x5490];
	v47 =	vmul.f32 v37, v28;
	[tilespmem:s9+$0x5460] =	vst v42  }
0x110: {  	v41 =	vld [tilespmem:s9+$0x54A0];
	v13 =	vmul.f32 v54, v45;
	[tilespmem:s9+$0x5470] =	vst v44  }
0x111: {  	v43 =	vld [tilespmem:s9+$0x54B0];
	v15 =	vmul.f32 v56, v62;
	[tilespmem:s9+$0x5480] =	vst v47  }
0x112: {  	v46 =	vld [tilespmem:s9+$0x54C0];
	v17 =	vmul.f32 v58, v62;
	v45 =	vbroadcast v3, $0x6;
	[tilespmem:s9+$0x5380] =	vst v13  }
0x113: {  	v48 =	vld [tilespmem:s9+$0x54D0];
	v19 =	vmul.f32 v60, v62;
	[tilespmem:s9+$0x5390] =	vst v15  }
0x114: {  	v50 =	vld [tilespmem:s9+$0x54E0];
	[tilespmem:s9+$0x53A0] =	vst v17;
	v49 =	vmul.f32 v39, v45  }
0x115: {  	v52 =	vld [tilespmem:s9+$0x54F0];
	[tilespmem:s9+$0x53B0] =	vst v19;
	v51 =	vmul.f32 v41, v45  }
0x116: {  	v63 =	vld [tilespmem:s9+$0x5540];
	v53 =	vmul.f32 v43, v45;
	[tilespmem:s9+$0x5490] =	vst v49  }
0x117: {  	v14 =	vld [tilespmem:s9+$0x5550];
	v55 =	vmul.f32 v46, v45;
	[tilespmem:s9+$0x54A0] =	vst v51  }
0x118: {  	v16 =	vld [tilespmem:s9+$0x5560];
	v57 =	vmul.f32 v48, v45;
	[tilespmem:s9+$0x54B0] =	vst v53  }
0x119: {  	v18 =	vld [tilespmem:s9+$0x5570];
	v62 =	vbroadcast v3, $0x7;
	v59 =	vmul.f32 v50, v45;
	[tilespmem:s9+$0x54C0] =	vst v55  }
0x11a: {  	v20 =	vld [tilespmem:s9+$0x5580];
	v61 =	vmul.f32 v52, v45;
	[tilespmem:s9+$0x54D0] =	vst v57  }
0x11b: {  	v22 =	vld [tilespmem:s9+$0x5590];
	v21 =	vmul.f32 v63, v62;
	[tilespmem:s9+$0x54E0] =	vst v59  }
0x11c: {  	v24 =	vld [tilespmem:s9+$0x55A0];
	v23 =	vmul.f32 v14, v62;
	[tilespmem:s9+$0x54F0] =	vst v61  }
0x11d: {  	v26 =	vld [tilespmem:s9+$0x55B0];
	v25 =	vmul.f32 v16, v62;
	[tilespmem:s9+$0x5540] =	vst v21  }
0x11e: {  	v28 =	vbroadcast v3, $0x8;
	v29 =	vld [tilespmem:s9+$0x55C0];
	v27 =	vmul.f32 v18, v62;
	[tilespmem:s9+$0x5550] =	vst v23  }
0x11f: {  	v31 =	vld [tilespmem:s9+$0x55D0];
	v30 =	vmul.f32 v20, v62;
	[tilespmem:s9+$0x5560] =	vst v25  }
0x120: {  	v33 =	vld [tilespmem:s9+$0x55E0];
	v32 =	vmul.f32 v22, v28;
	[tilespmem:s9+$0x5570] =	vst v27  }
0x121: {  	v35 =	vld [tilespmem:s9+$0x55F0];
	v34 =	vmul.f32 v24, v28;
	[tilespmem:s9+$0x5580] =	vst v30  }
0x122: {  	v37 =	vld [tilespmem:s9+$0x5600];
	v36 =	vmul.f32 v26, v28;
	[tilespmem:s9+$0x5590] =	vst v32  }
0x123: {  	v54 =	vld [tilespmem:s9+$0x5500];
	v38 =	vmul.f32 v29, v28;
	[tilespmem:s9+$0x55A0] =	vst v34  }
0x124: {  	v56 =	vld [tilespmem:s9+$0x5510];
	v40 =	vmul.f32 v31, v28;
	[tilespmem:s9+$0x55B0] =	vst v36  }
0x125: {  	v58 =	vld [tilespmem:s9+$0x5520];
	v42 =	vmul.f32 v33, v28;
	[tilespmem:s9+$0x55C0] =	vst v38  }
0x126: {  	v60 =	vld [tilespmem:s9+$0x5530];
	v44 =	vmul.f32 v35, v28;
	[tilespmem:s9+$0x55D0] =	vst v40  }
0x127: {  	v39 =	vld [tilespmem:s9+$0x5610];
	v47 =	vmul.f32 v37, v28;
	[tilespmem:s9+$0x55E0] =	vst v42  }
0x128: {  	v41 =	vld [tilespmem:s9+$0x5620];
	v13 =	vmul.f32 v54, v45;
	[tilespmem:s9+$0x55F0] =	vst v44  }
0x129: {  	v43 =	vld [tilespmem:s9+$0x5630];
	v15 =	vmul.f32 v56, v62;
	[tilespmem:s9+$0x5600] =	vst v47  }
0x12a: {  	v46 =	vld [tilespmem:s9+$0x5640];
	v17 =	vmul.f32 v58, v62;
	v45 =	vbroadcast v3, $0x9;
	[tilespmem:s9+$0x5500] =	vst v13  }
0x12b: {  	v48 =	vld [tilespmem:s9+$0x5650];
	v19 =	vmul.f32 v60, v62;
	[tilespmem:s9+$0x5510] =	vst v15  }
0x12c: {  	v50 =	vld [tilespmem:s9+$0x5660];
	[tilespmem:s9+$0x5520] =	vst v17;
	v49 =	vmul.f32 v39, v45  }
0x12d: {  	v52 =	vld [tilespmem:s9+$0x5670];
	[tilespmem:s9+$0x5530] =	vst v19;
	v51 =	vmul.f32 v41, v45  }
0x12e: {  	v63 =	vld [tilespmem:s9+$0x56C0];
	v53 =	vmul.f32 v43, v45;
	[tilespmem:s9+$0x5610] =	vst v49  }
0x12f: {  	v29 =	vld [tilespmem:s9+$0x5730];
	v55 =	vmul.f32 v46, v45;
	[tilespmem:s9+$0x5620] =	vst v51  }
0x130: {  	v54 =	vld [tilespmem:s9+$0x5680];
	v57 =	vmul.f32 v48, v45;
	[tilespmem:s9+$0x5630] =	vst v53  }
0x131: {  	v56 =	vld [tilespmem:s9+$0x5690];
	v62 =	vbroadcast v3, $0xA;
	v59 =	vmul.f32 v50, v45;
	[tilespmem:s9+$0x5640] =	vst v55  }
0x132: {  	v31 =	vbroadcast v3, $0xB;
	v58 =	vld [tilespmem:s9+$0x56A0];
	v61 =	vmul.f32 v52, v45;
	[tilespmem:s9+$0x5650] =	vst v57  }
0x133: {  	v60 =	vld [tilespmem:s9+$0x56B0];
	v24 =	vmul.f32 v63, v62;
	[tilespmem:s9+$0x5660] =	vst v59  }
0x134: {  	v21 =	vld [tilespmem:s9+$0x56F0];
	v39 =	vmul.f32 v29, v31;
	[tilespmem:s9+$0x5670] =	vst v61  }
0x135: {  	v23 =	vld [tilespmem:s9+$0x5700];
	v16 =	vmul.f32 v54, v45;
	[tilespmem:s9+$0x56C0] =	vst v24  }
0x136: {  	v25 =	vld [tilespmem:s9+$0x5710];
	v18 =	vmul.f32 v56, v62;
	[tilespmem:s9+$0x5730] =	vst v39  }
0x137: {  	v27 =	vld [tilespmem:s9+$0x5720];
	v20 =	vmul.f32 v58, v62;
	[tilespmem:s9+$0x5680] =	vst v16  }
0x138: {  	v32 =	vld [tilespmem:s9+$0x5740];
	v22 =	vmul.f32 v60, v62;
	[tilespmem:s9+$0x5690] =	vst v18  }
0x139: {  	v34 =	vld [tilespmem:s9+$0x5750];
	v30 =	vmul.f32 v21, v62;
	[tilespmem:s9+$0x56A0] =	vst v20  }
0x13a: {  	v36 =	vld [tilespmem:s9+$0x5760];
	v33 =	vmul.f32 v23, v62;
	[tilespmem:s9+$0x56B0] =	vst v22  }
0x13b: {  	v38 =	vld [tilespmem:s9+$0x5770];
	v35 =	vmul.f32 v25, v31;
	[tilespmem:s9+$0x56F0] =	vst v30  }
0x13c: {  	v40 =	vld [tilespmem:s9+$0x5780];
	v37 =	vmul.f32 v27, v31;
	[tilespmem:s9+$0x5700] =	vst v33  }
0x13d: {  	v42 =	vld [tilespmem:s9+$0x5790];
	v41 =	vmul.f32 v32, v31;
	[tilespmem:s9+$0x5710] =	vst v35  }
0x13e: {  	v44 =	vld [tilespmem:s9+$0x57A0];
	v43 =	vmul.f32 v34, v31;
	[tilespmem:s9+$0x5720] =	vst v37  }
0x13f: {  	v17 =	vld [tilespmem:s9+$0x56D0];
	v45 =	vmul.f32 v36, v31;
	[tilespmem:s9+$0x5740] =	vst v41  }
0x140: {  	v19 =	vld [tilespmem:s9+$0x56E0];
	v48 =	vbroadcast v3, $0xC;
	v47 =	vmul.f32 v38, v31;
	[tilespmem:s9+$0x5750] =	vst v43  }
0x141: {  	v46 =	vld [tilespmem:s9+$0x57B0];
	v50 =	vmul.f32 v40, v31;
	[tilespmem:s9+$0x5760] =	vst v45  }
0x142: {  	v49 =	vld [tilespmem:s9+$0x57C0];
	v52 =	vmul.f32 v42, v48;
	[tilespmem:s9+$0x5770] =	vst v47  }
0x143: {  	v51 =	vld [tilespmem:s9+$0x57D0];
	v54 =	vmul.f32 v44, v48;
	[tilespmem:s9+$0x5780] =	vst v50  }
0x144: {  	v53 =	vld [tilespmem:s9+$0x57E0];
	v26 =	vmul.f32 v17, v62;
	[tilespmem:s9+$0x5790] =	vst v52  }
0x145: {  	v55 =	vld [tilespmem:s9+$0x57F0];
	v28 =	vmul.f32 v19, v62;
	[tilespmem:s9+$0x57A0] =	vst v54  }
0x146: {  	v57 =	vld [tilespmem:s9+$0x5800];
	v56 =	vmul.f32 v46, v48;
	[tilespmem:s9+$0x56D0] =	vst v26  }
0x147: {  	v59 =	vld [tilespmem:s9+$0x5810];
	[tilespmem:s9+$0x56E0] =	vst v28;
	v58 =	vmul.f32 v49, v48  }
0x148: {  	v61 =	vld [tilespmem:s9+$0x5820];
	[tilespmem:s9+$0x57B0] =	vst v56;
	v60 =	vmul.f32 v51, v48  }
0x149: {  	v63 =	vld [tilespmem:s9+$0x5830];
	v62 =	vmul.f32 v53, v48;
	[tilespmem:s9+$0x57C0] =	vst v58  }
0x14a: {  	v24 =	vld [tilespmem:s9+$0x5870];
	v17 =	vbroadcast v3, $0xD;
	v16 =	vmul.f32 v55, v48;
	[tilespmem:s9+$0x57D0] =	vst v60  }
0x14b: {  	v32 =	vld [tilespmem:s9+$0x58B0];
	v19 =	vmul.f32 v57, v48;
	[tilespmem:s9+$0x57E0] =	vst v62  }
0x14c: {  	v39 =	vld [tilespmem:s9+$0x58E0];
	v21 =	vmul.f32 v59, v17;
	[tilespmem:s9+$0x57F0] =	vst v16  }
0x14d: {  	v18 =	vld [tilespmem:s9+$0x5840];
	v23 =	vmul.f32 v61, v17;
	[tilespmem:s9+$0x5800] =	vst v19  }
0x14e: {  	v34 =	vbroadcast v3, $0xE;
	v20 =	vld [tilespmem:s9+$0x5850];
	v25 =	vmul.f32 v63, v17;
	[tilespmem:s9+$0x5810] =	vst v21  }
0x14f: {  	v22 =	vld [tilespmem:s9+$0x5860];
	v33 =	vmul.f32 v24, v17;
	[tilespmem:s9+$0x5820] =	vst v23  }
0x150: {  	v30 =	vld [tilespmem:s9+$0x58A0];
	v42 =	vmul.f32 v32, v34;
	[tilespmem:s9+$0x5830] =	vst v25  }
0x151: {  	v35 =	vld [tilespmem:s9+$0x58C0];
	v48 =	vmul.f32 v39, v34;
	[tilespmem:s9+$0x5870] =	vst v33  }
0x152: {  	v37 =	vld [tilespmem:s9+$0x58D0];
	v27 =	vmul.f32 v18, v17;
	[tilespmem:s9+$0x58B0] =	vst v42  }
0x153: {  	v41 =	vld [tilespmem:s9+$0x58F0];
	v29 =	vmul.f32 v20, v17;
	[tilespmem:s9+$0x58E0] =	vst v48  }
0x154: {  	v43 =	vld [tilespmem:s9+$0x5900];
	v31 =	vmul.f32 v22, v17;
	[tilespmem:s9+$0x5840] =	vst v27  }
0x155: {  	v45 =	vld [tilespmem:s9+$0x5910];
	v40 =	vmul.f32 v30, v34;
	[tilespmem:s9+$0x5850] =	vst v29  }
0x156: {  	v47 =	vld [tilespmem:s9+$0x5920];
	v44 =	vmul.f32 v35, v34;
	[tilespmem:s9+$0x5860] =	vst v31  }
0x157: {  	v26 =	vld [tilespmem:s9+$0x5880];
	v46 =	vmul.f32 v37, v34;
	[tilespmem:s9+$0x58A0] =	vst v40  }
0x158: {  	v3 =	vbroadcast v3, $0xF;
	v28 =	vld [tilespmem:s9+$0x5890];
	v50 =	vmul.f32 v41, v34;
	[tilespmem:s9+$0x58C0] =	vst v44  }
0x159: {  	v49 =	vld [tilespmem:s9+$0x5930];
	v52 =	vmul.f32 v43, v34;
	[tilespmem:s9+$0x58D0] =	vst v46  }
0x15a: {  	v51 =	vld [tilespmem:s9+$0x5940];
	v54 =	vmul.f32 v45, v3;
	[tilespmem:s9+$0x58F0] =	vst v50  }
0x15b: {  	v53 =	vld [tilespmem:s9+$0x5950];
	v56 =	vmul.f32 v47, v3;
	[tilespmem:s9+$0x5900] =	vst v52  }
0x15c: {  	v55 =	vld [tilespmem:s9+$0x5960];
	v36 =	vmul.f32 v26, v17;
	[tilespmem:s9+$0x5910] =	vst v54  }
0x15d: {  	v57 =	vld [tilespmem:s9+$0x5970];
	v38 =	vmul.f32 v28, v34;
	[tilespmem:s9+$0x5920] =	vst v56  }
0x15e: {  	v59 =	vld [tilespmem:s9+$0x5980];
	v58 =	vmul.f32 v49, v3;
	[tilespmem:s9+$0x5880] =	vst v36  }
0x15f: {  	v60 =	vmul.f32 v51, v3;
	[tilespmem:s9+$0x5890] =	vst v38  }
0x160: {  	p0 =	sne.s32 s8, $0x7;
	v61 =	vmul.f32 v53, v3;
	[tilespmem:s9+$0x5930] =	vst v58  }
.Ltmp2:
0x161: {  	v62 =	vmul.f32 v55, v3;
	[tilespmem:s9+$0x5940] =	vst v60;
	(pc) =	sbr.rel @p0 .LBB2_7-.Ltmp2, $4  }
0x162: {  	v63 =	vmul.f32 v57, v3;
	[tilespmem:s9+$0x5950] =	vst v61  }
0x163: {  	v3 =	vmul.f32 v59, v3;
	[tilespmem:s9+$0x5960] =	vst v62  }
0x164: {  	[tilespmem:s9+$0x5970] =	vst v63  }
0x165: {  	s8 =	sadd.s32 $0x1, s8;
	[tilespmem:s9+$0x5980] =	vst v3  }
0x166: {  	s7 =	sadd.s32 $0x1, s7  }
0x167: {  	p0 =	sne.s32 s7, $0xA2  }
.Ltmp3:
0x168: {  	_ = 	snop;
	(pc) =	sbr.rel @p0 .LBB2_6-.Ltmp3, $4  }
0x169: {  	[spmem:s1] =	stream.indirect.scatter.add.f32 [tilespmem:s26], [sflag:$0x2], $0x80, s29, s31, $0xb8;
	[tilespmem:$0x1F990] =	vst v63  }
0x16a: {  	_ =	swait.ge [sflag:s23], $0x4000  }
0x16b: {  	[sflag:s23] =	ssyncset.done $0x0  }
0x16c: {  	[sflag:s23] =	ssyncadd.s32 $0xFFFFC000  }
0x16d: {  	[hbm4b:s16+s2] =	stream.linear.scatter [tilespmem:s30], [sflag:$0x2], $0x2800, $0x38;
	[tilespmem:$0x1F990] =	vst v63  }
0x16e: {  	_ =	swait.ge [sflag:s23], $0x2800  }
0x16f: {  	s3 =	stileid.u32;
	[sflag:s23] =	ssyncset.done $0x0  }
0x170: {  	s3 =	sshll.u32 s3, $0x6;
	[sflag:s23] =	ssyncadd.s32 $0xFFFFD800  }
0x171: {  	s7 =	sshrl.u32 s10, $0x3;
	s3 =	sor.u32 $0x1C02, s3;
	[bflag:$0x0] =	sbarrier.arrive $0xFFFF  }
0x172: {  	[hbm:s17], [sflag:s3] =	dma.local [spmem:s7], $0x800  }
0x173: {  	_ =	swait.ge [sflag:s23], $0x800  }
0x174: {  	[sflag:s23] =	ssyncset.done $0x0  }
0x175: {  	s8 =	sshrl.u32 s11, $0x3;
	[sflag:s23] =	ssyncadd.s32 $0xFFFFF800  }
0x176: {  	[hbm:s18], [sflag:s3] =	dma.local [spmem:s8], $0x800  }
0x177: {  	_ =	swait.ge [sflag:s23], $0x800  }
0x178: {  	[sflag:s23] =	ssyncset.done $0x0  }
0x179: {  	s9 =	sshrl.u32 s12, $0x3;
	[sflag:s23] =	ssyncadd.s32 $0xFFFFF800  }
0x17a: {  	[hbm:s19], [sflag:s3] =	dma.local [spmem:s9], $0x800  }
0x17b: {  	_ =	swait.ge [sflag:s23], $0x800  }
0x17c: {  	[sflag:s23] =	ssyncset.done $0x0  }
0x17d: {  	s8 =	sshrl.u32 s13, $0x3;
	[sflag:s23] =	ssyncadd.s32 $0xFFFFF800  }
0x17e: {  	[hbm:s20], [sflag:s3] =	dma.local [spmem:s8], $0x800  }
0x17f: {  	s25 =	sadd.s32 $0x1, s25;
	_ =	swait.ge [sflag:s23], $0x800  }
0x180: {  	p0 =	sne.s32 s25, s22;
	[sflag:s23] =	ssyncset.done $0x0  }
.Ltmp4:
0x181: {  	s9 =	sshrl.u32 s14, $0x3;
	[sflag:s23] =	ssyncadd.s32 $0xFFFFF800;
	(pc) =	sbr.rel @p0 .LBB2_1-.Ltmp4, $4  }
0x182: {  	[hbm:s21], [sflag:s3] =	dma.local [spmem:s9], $0x800  }
0x183: {  	_ =	swait.ge [sflag:s23], $0x800  }
0x184: {  	[sflag:s23] =	ssyncset.done $0x0  }
0x185: {  	[sflag:s23] =	ssyncadd.s32 $0xFFFFF800  }
0x186: {  	_ =	sfence.sel $0x180000  }
0x187: {  	[bflag:$0x0] =	sbarrier.arrive $0xFFFF  }
0x188: {  	_ =	strace $0x9000004A  }
0x189: {  	s0 =	stileid.u32;
	[bflag:$0x2] =	sbarrier.arrive $0xFFFF  }
0x18a: {  	p0 =	sne.s32 s0, $0x0;
	s0 =	rddreg [dreg:$0x3]  }
0x18b: {  	s0 =	sadd.s32 @!p0 $0x100000, s0  }
0x18c: {  	[sflag:s0] =	ssyncadd.tile.s32 @!p0 $0x1;
	_ =	shalt  }
.Lfunc_end2:
_tile_overlayer_lowered:
.L_overlay_start_2:
0x18d: {  	(tag) =	ssettag $0x2  }
0x18e: {  	s0 =	rddreg [dreg:$0x0];
	s2 =	stileid.u32  }
0x18f: {  	s1 =	rddreg [dreg:$0x1];
	p0 =	sne.s32 s2, $0x0  }
0x190: {  	s3 =	rddreg [dreg:$0x2];
	[bflag:$0x3] =	sbarrier.arrive $0xFFFF;
	s2 =	simm.s32 @!p0 $0x1C02  }
0x191: {  	[timem:s3], [sflag:s2] =	dma.local @!p0 [hbm:s0], s1  }
0x192: {  	s0 =	simm.s32 @!p0 $0x2  }
0x193: {  	_ =	swait.ge @!p0 [sflag:s0], s1  }
0x194: {  	s1 =	ssub.s32 @!p0 $0x0, s1;
	[sflag:s0] =	ssyncset.done @!p0 $0x0  }
0x195: {  	[sflag:s0] =	ssyncadd.s32 @!p0 s1  }
0x196: {  	[bflag:$0x3] =	sbarrier.arrive $0xFFFF  }
0x197: {  	_ =	shalt  }

// kernel: kernel.8.cloned.1.call-start
scs
__scs_entry_jumppad:
0x0: {  	(pc) =	sbr.rel $0x88, $3  }
0x1: {  	(tag) =	ssettag $0x0;
	lr =	simm.s32 $0x1  }
0x2: {  	[smem:$0x3F91] =	sst lr;
	_ =	strace $0xD0000000  }
0x3: {  	_ = 	snop  }
0x4: {  	_ = 	snop  }
0x5: {  	_ = 	snop  }
0x6: {  	_ = 	snop  }
0x7: {  	_ = 	snop  }
__scs_overlays_trampoline_lowered:
0x8: {  	[smem:$0x3FA0] =	sst s0  }
0x9: {  	[smem:$0x3FA1] =	sst s1  }
0xa: {  	[smem:$0x3FA2] =	sst s2  }
0xb: {  	[smem:$0x3FA3] =	sst s3  }
0xc: {  	[smem:$0x3FA4] =	sst s4  }
0xd: {  	[smem:$0x3FA5] =	sst s5  }
0xe: {  	[smem:$0x3FA6] =	sst s6  }
0xf: {  	[smem:$0x3FA7] =	sst s7  }
0x10: {  	[smem:$0x3FA8] =	sst s8  }
0x11: {  	[smem:$0x3FA9] =	sst s9;
	s0 =	simm.s32 @!p0 $0x0  }
0x12: {  	s1 =	sld [smem:$0x3F8F];
	s0 =	simm.s32 @p0 $0x1  }
0x13: {  	[smem:$0x3FAA] =	sst s0;
	s0 =	simm.s32 @!p1 $0x0  }
0x14: {  	s2 =	sld [smem:$0x3F8E];
	s0 =	simm.s32 @p1 $0x1  }
0x15: {  	[smem:$0x3FAB] =	sst s0;
	s0 =	simm.s32 @!p2 $0x0  }
0x16: {  	s3 =	sld [smem:$0x3FDB];
	s0 =	simm.s32 @p2 $0x1  }
0x17: {  	s4 =	simm.s32 $0x1BF5;
	[smem:$0x3FAD] =	sst s0  }
0x18: {  	s0 =	sld [smem:$0x3F90];
	_ =	swait.ge [sflag:s4], $0x0  }
0x19: {  	s7 =	sld [smem:$0x3F91]  }
0x1a: {  	s8 =	sadd.s32 $0xFFFFE003, lr  }
0x1b: {  	s9 =	sadd.s32 $0xFFFFFEF7, lr;
	s5 =	simm.s32 $0xFFFFFFFF;
	p2 =	slt.u32 s8, $0xFFFFF086  }
0x1c: {  	p1 =	slt.u32 s9, $0xF7A;
	s5 =	simm.s32 @!p2 $0x0  }
0x1d: {  	s5 =	simm.s32 @p1 $0x1;
	p0 =	seq.s32 s7, s2  }
0x1e: {  	s7 =	smul.u32 @!p0 $0xF7A, s2;
	p2 =	seq.s32 @!p0 s5, $0x0  }
0x1f: {  	s9 =	smul.u32 $0xF7A, s1;
	s8 =	simm.s32 @!p0 $0x1BF5;
	p2 =	por !p2, p0  }
0x20: {  	[sflag:s8] =	ssyncset.s32 @!p0 $0xFFFFF086;
	s6 =	sadd.s32 @!p0 s3, s7;
	s7 =	simm.s32 @!p0 $0x108  }
0x21: {  	s3 =	sadd.s32 s3, s9;
	s6 =	sadd.s32 @!p0 $0x88, s6;
	s7 =	simm.s32 @p2 $0x1082  }
0x22: {  	[simem:s7], [sflag:s8] =	dma.local @!p0 [hbm:s6], $0xF7A  }
0x23: {  	s9 =	sor.u32 $0xD0000000, s2;
	s6 =	simm.s32 $0x108;
	_ =	swait.ge @!p0 [sflag:s8], $0x0  }
0x24: {  	s3 =	sadd.s32 $0x88, s3;
	s6 =	simm.s32 @!p1 $0x1082;
	[sflag:s4] =	ssyncset.s32 $0xFFFFF086  }
0x25: {  	[simem:s6], [sflag:s4] =	dma.local [hbm:s3], $0xF7A  }
0x26: {  	[smem:$0x3F91] =	sst s1;
	(tag) =	ssettag s2;
	_ =	strace s9  }
0x27: {  	s1 =	sld [smem:$0x3FA1]  }
0x28: {  	s2 =	sld [smem:$0x3FA2]  }
0x29: {  	s4 =	sld [smem:$0x3FA4]  }
0x2a: {  	p0 =	seq.s32 s5, $0x0;
	s5 =	sld [smem:$0x3FA5]  }
0x2b: {  	s6 =	sld [smem:$0x3FA6]  }
0x2c: {  	s7 =	sld [smem:$0x3FA7]  }
0x2d: {  	s3 =	simm.s32 $0x108;
	s8 =	sld [smem:$0x3FA8]  }
0x2e: {  	s3 =	simm.s32 @!p0 $0x1082;
	s9 =	sld [smem:$0x3FA9]  }
0x2f: {  	lr =	sadd.s32 s0, s3;
	s0 =	sld [smem:$0x3FA0]  }
0x30: {  	s3 =	sld [smem:$0x3FA3]  }
0x31: {  	[smem:$0x3FAC] =	sst s10  }
0x32: {  	s10 =	sld [smem:$0x3FAA];
	_ =	sdelay $0x3  }
0x33: {  	p0 =	seq.s32 s10, $0x1;
	s10 =	sld [smem:$0x3FAC];
	_ =	sdelay $0x3  }
0x34: {  	[smem:$0x3FAC] =	sst s10  }
0x35: {  	s10 =	sld [smem:$0x3FAB];
	_ =	sdelay $0x3  }
0x36: {  	p1 =	seq.s32 s10, $0x1;
	s10 =	sld [smem:$0x3FAC];
	_ =	sdelay $0x3  }
0x37: {  	[smem:$0x3FAC] =	sst s10  }
0x38: {  	s10 =	sld [smem:$0x3FAD]  }
0x39: {  	_ = 	snop;
	(pc) =	sbr.ind lr, $3  }
0x3a: {  	_ = 	snop  }
0x3b: {  	_ = 	snop  }
0x3c: {  	p2 =	seq.s32 s10, $0x1;
	s10 =	sld [smem:$0x3FAC]  }
0x3d: {  	_ =	shalt  }
0x3e: {  	_ =	shalt  }
0x3f: {  	_ =	shalt  }
0x40: {  	_ =	shalt  }
0x41: {  	_ =	shalt  }
0x42: {  	_ =	shalt  }
0x43: {  	_ =	shalt  }
0x44: {  	_ =	shalt  }
0x45: {  	_ =	shalt  }
0x46: {  	_ =	shalt  }
0x47: {  	_ =	shalt  }
0x48: {  	_ =	shalt  }
0x49: {  	_ =	shalt  }
0x4a: {  	_ =	shalt  }
0x4b: {  	_ =	shalt  }
0x4c: {  	_ =	shalt  }
0x4d: {  	_ =	shalt  }
0x4e: {  	_ =	shalt  }
0x4f: {  	_ =	shalt  }
0x50: {  	_ =	shalt  }
0x51: {  	_ =	shalt  }
0x52: {  	_ =	shalt  }
0x53: {  	_ =	shalt  }
0x54: {  	_ =	shalt  }
0x55: {  	_ =	shalt  }
0x56: {  	_ =	shalt  }
0x57: {  	_ =	shalt  }
0x58: {  	_ =	shalt  }
0x59: {  	_ =	shalt  }
0x5a: {  	_ =	shalt  }
0x5b: {  	_ =	shalt  }
0x5c: {  	_ =	shalt  }
0x5d: {  	_ =	shalt  }
0x5e: {  	_ =	shalt  }
0x5f: {  	_ =	shalt  }
0x60: {  	_ =	shalt  }
0x61: {  	_ =	shalt  }
0x62: {  	_ =	shalt  }
0x63: {  	_ =	shalt  }
0x64: {  	_ =	shalt  }
0x65: {  	_ =	shalt  }
0x66: {  	_ =	shalt  }
0x67: {  	_ =	shalt  }
0x68: {  	_ =	shalt  }
0x69: {  	_ =	shalt  }
0x6a: {  	_ =	shalt  }
0x6b: {  	_ =	shalt  }
0x6c: {  	_ =	shalt  }
0x6d: {  	_ =	shalt  }
0x6e: {  	_ =	shalt  }
0x6f: {  	_ =	shalt  }
0x70: {  	_ =	shalt  }
0x71: {  	_ =	shalt  }
0x72: {  	_ =	shalt  }
0x73: {  	_ =	shalt  }
0x74: {  	_ =	shalt  }
0x75: {  	_ =	shalt  }
0x76: {  	_ =	shalt  }
0x77: {  	_ =	shalt  }
0x78: {  	_ =	shalt  }
0x79: {  	_ =	shalt  }
0x7a: {  	_ =	shalt  }
0x7b: {  	_ =	shalt  }
0x7c: {  	_ =	shalt  }
0x7d: {  	_ =	shalt  }
0x7e: {  	_ =	shalt  }
0x7f: {  	_ =	shalt  }
0x80: {  	_ =	shalt  }
0x81: {  	_ =	shalt  }
0x82: {  	_ =	shalt  }
0x83: {  	_ =	shalt  }
0x84: {  	_ =	shalt  }
0x85: {  	_ =	shalt  }
0x86: {  	_ =	shalt  }
0x87: {  	_ =	shalt  }
.Lfunc_end0:
.L_simem_size_0:
called_computation_lowered:
.L_overlay_start_0:
0x88: {  	s2 =	sld [smem:$0x3FD9]  }
0x89: {  	s3 =	sld [smem:$0x3FFE];
	_ =	sdelay $0x1  }
0x8a: {  	s1 =	srdreg.scid  }
0x8b: {  	s0 =	sand.u32 $0x1, s1  }
0x8c: {  	s17 =	sshll.u32 s0, $0xA;
	s2 =	sadd.s32 s3, s2  }
0x8d: {  	s2 =	sadd.s32 s2, s17  }
0x8e: {  	[smem:$0x3FB8] =	sst s2  }
0x8f: {  	_ = 	snop  }
0x90: {  	s2 =	sld [smem:$0x3FD0];
	(tm) =	ssettm $0x1  }
0x91: {  	s18 =	sld [smem:$0x3FFB];
	_ =	sdelay $0x3  }
0x92: {  	_ =	strace s18  }
0x93: {  	s3 =	sld [smem:$0x3FFC];
	_ =	sdelay $0x3  }
0x94: {  	_ =	strace s3  }
0x95: {  	s3 =	sld [smem:$0x3FFD];
	_ =	sdelay $0x3  }
0x96: {  	_ =	strace s3  }
0x97: {  	_ =	strace $0x8FFFFFFF  }
0x98: {  	s19 =	sld [smem:$0x3FDB];
	_ =	sdelay $0x1  }
0x99: {  	s4 =	simm.s32 $_scs_section_size  }
0x9a: {  	s5 =	simm.s32 $_size__tile_overlayer_lowered;
	s6 =	simm.s32 $_tile_overlayer_lowered  }
0x9b: {  	s22 =	simm.s32 $0x1BFF;
	s21 =	sshll.u32 s6, $0x1;
	s3 =	sadd.s32 s4, s19  }
0x9c: {  	s7 =	simm.s32 $0x0;
	s20 =	sshll.u32 s5, $0x1;
	s5 =	sadd.s32 s21, s3  }
0x9d: {  	[timem:s7], [sflag:s22] =	dma.local [hbm:s5], s20  }
0x9e: {  	_ =	swait.ge [sflag:s22], s20  }
0x9f: {  	s4 =	ssub.s32 $0x0, s20;
	[sflag:s22] =	ssyncset.done $0x0  }
0xa0: {  	[sflag:s22] =	ssyncadd.s32 s4;
	_ =	sdelay $0x1  }
0xa1: {  	s23 =	simm.s32 $0x1B8B  }
0xa2: {  	_ =	swait.ge [sflag:s23], $0x1  }
0xa3: {  	[sflag:s23] =	ssyncset.done $0x0  }
0xa4: {  	s25 =	simm.s32 $0x1B8E;
	s24 =	sld [smem:$0x3FFE];
	[sflag:s23] =	ssyncadd.s32 $0xFFFFFFFF  }
0xa5: {  	s26 =	simm.s32 $execute0_lowered;
	[smem:$0x3FD2] =	sst s25  }
0xa6: {  	s5 =	sshll.u32 s26, $0x1;
	_ =	strace $0x80000046;
	[dreg:$0x1] =	wrdreg $0xFFFFFFFF  }
0xa7: {  	s28 =	simm.s32 $_size_execute0_lowered;
	s3 =	sadd.s32 s3, s5;
	[dreg:$0x0] =	wrdreg $0x0  }
0xa8: {  	s5 =	sshll.u32 s28, $0x1;
	[dreg:$0x2] =	wrdreg s3  }
0xa9: {  	[dreg:$0x3] =	wrdreg s5  }
0xaa: {  	[dreg:$0x4] =	wrdreg $0xC0  }
0xab: {  	_ =	task [dreg:s7], $0x5FFFF  }
0xac: {  	[dreg:$0x1] =	wrdreg $0xFFFFFFFF  }
0xad: {  	[dreg:$0x0] =	wrdreg $0x60  }
0xae: {  	[dreg:$0x2] =	wrdreg s24  }
0xaf: {  	[dreg:$0x3] =	wrdreg s2  }
0xb0: {  	[dreg:$0x4] =	wrdreg $0xB9900  }
0xb1: {  	[dreg:$0x5] =	wrdreg $0x9  }
0xb2: {  	_ =	task.clear_ibuf [dreg:s7], $0x6FFFF;
	_ =	strace $0x90000046  }
0xb3: {  	s29 =	simm.s32 $0x9;
	_ =	strace $0x80000048  }
0xb4: {  	_ =	swait.ge [sflag:s29], $0x1  }
0xb5: {  	[sflag:s29] =	ssyncadd.s32 $0xFFFFFFFF  }
0xb6: {  	_ =	strace $0x90000048  }
0xb7: {  	_ =	sfence  }
0xb8: {  	s30 =	sld [smem:$0x0];
	_ =	sdelay $0x2  }
0xb9: {  	s31 =	sshll.u32 s1, $0xD;
	s1 =	sshrl.u32 s1, $0x2  }
0xba: {  	s3 =	sand.u32 $0x4000, s31;
	s1 =	sadd.s32 s1, s30  }
0xbb: {  	s0 =	sor.u32 s3, s0;
	s1 =	sshll.u32 s1, $0x11  }
0xbc: {  	s0 =	sor.u32 s1, s0  }
0xbd: {  	s0 =	sadd.s32 $0x8F2B, s0  }
0xbe: {  	[sflag:s0] =	ssyncadd.remote.s32 $0x1  }
0xbf: {  	_ =	sfence.sel $0xFFFF  }
0xc0: {  	[dreg:$0x0] =	wrdreg $0xFFFFFFFF;
	(pc) =	sbr.abs _section_cstart, $3  }
0xc1: {  	[dreg:$0x1] =	wrdreg $0xFFFFFFFF  }
0xc2: {  	_ =	task.clear_ibuf [dreg:s7], $0x2FFFF;
	_ =	strace $0x9FFFFFFF  }
0xc3: {  	(tm) =	ssettm $0x7FFFFFFF  }
tec
execute0_lowered:
.L_overlay_start_1:
0x0: {  	(tag) =	ssettag $0x1  }
0x1: {  	s0 =	rddreg [dreg:$0x0]  }
0x2: {  	s3 =	rddreg [dreg:$0x1]  }
0x3: {  	s1 =	rddreg [dreg:$0x2];
	s4 =	srdreg.scid  }
0x4: {  	s2 =	simm.s32 $0x0;
	s17 =	stileid.u32;
	s28 =	simm.s32 $0x5010  }
0x5: {  	s29 =	simm.s32 $0x5090;
	s30 =	simm.s32 $0x9190;
	s31 =	simm.s32 $0x80  }
0x6: {  	s7 =	sand.u32 $0x1, s4;
	[smem:$0x7FF] =	sst s2;
	s15 =	smul.u32 $0x280, s17  }
0x7: {  	s4 =	sadd.s32 $0x17400, s0;
	s21 =	sadd.s32 $0x72800, s0;
	s23 =	smul.u32 $0x50000, s17  }
0x8: {  	s8 =	smul.u32 $0x2800, s7;
	_ =	strace $0x80000047;
	s5 =	sshll.u32 s7, $0x4  }
0x9: {  	s11 =	ssub.s32 $0x2, s7;
	s7 =	sshll.u32 s7, $0x1;
	s9 =	sor.u32 s17, s5  }
0xa: {  	s5 =	sadd.s32 $0xD200, s0;
	s20 =	sshrl.u32 s11, $0x1;
	s16 =	sadd.s32 $0x80, s15  }
0xb: {  	s3 =	sadd.s32 s3, s7;
	s24 =	sshrl.u32 s23, $0x2;
	s26 =	sadd.s32 $0x100, s15  }
0xc: {  	s19 =	sadd.s32 $0x180, s15;
	s6 =	sshrl.u32 s8, $0x3;
	s9 =	smul.u32 $0x500, s9  }
0xd: {  	[dreg:$0x6] =	wrdreg s3;
	s25 =	sshll.u32 s16, $0x7;
	s12 =	sshll.u32 s26, $0x7  }
0xe: {  	s13 =	sshll.u32 s19, $0x7;
	s18 =	sadd.s32 s15, s8;
	s23 =	sadd.s32 s8, s26  }
0xf: {  	s10 =	sadd.s32 s6, s0;
	s6 =	sadd.s32 $0x3000, s0;
	s12 =	sadd.s32 s12, s1  }
0x10: {  	s13 =	sadd.s32 s13, s1;
	s7 =	sshll.u32 s18, $0x4;
	s18 =	sadd.s32 s8, s16  }
0x11: {  	s0 =	sadd.s32 s9, s0;
	s9 =	ssub.s32 s11, s20;
	s22 =	sadd.s32 $0x67E00, s10  }
0x12: {  	s10 =	sadd.s32 $0x67400, s10;
	s11 =	sadd.s32 s25, s1;
	s20 =	sadd.s32 $0x200, s15  }
0x13: {  	s15 =	smul.u32 $0x5100, s17;
	s17 =	sadd.s32 s21, s7;
	[dreg:$0x4] =	wrdreg s22  }
0x14: {  	[dreg:$0x5] =	wrdreg s10;
	s10 =	sadd.s32 s24, s1;
	s14 =	sshll.u32 s20, $0x7  }
0x15: {  	s16 =	sadd.s32 $0x68800, s0;
	s22 =	sshll.u32 s18, $0x4;
	s24 =	sadd.s32 s8, s19  }
0x16: {  	s0 =	sshll.u32 s23, $0x4;
	s25 =	sadd.s32 s8, s20;
	s23 =	simm.s32 $0x2  }
0x17: {  	s14 =	sadd.s32 s14, s1;
	s18 =	sadd.s32 s21, s22;
	s3 =	sshll.u32 s24, $0x4  }
0x18: {  	s19 =	sadd.s32 s21, s0;
	s26 =	sshll.u32 s25, $0x4;
	s22 =	smax.u32 s9, $0x1  }
0x19: {  	s24 =	simm.s32 $0x2800;
	s0 =	simm.s32 $0x1;
	s25 =	simm.s32 $0x0  }
0x1a: {  	v1 =	vimm.f32 $0.0e+00;
	v0 =	vmov s8;
	s20 =	sadd.s32 s21, s3;
	s21 =	sadd.s32 s21, s26;
	s26 =	simm.s32 $0x5190  }
.LBB2_1:
0x1b: {  	s3 =	rddreg [dreg:$0x4]  }
0x1c: {  	[tilespmem:s2], [sflag:$0x2] =	stream.linear.gather [hbm4b:s3+s2], $0x2800, $0x38;
	[tilespmem:$0x1F990] =	vst v63  }
0x1d: {  	_ =	swait.ge [sflag:s23], $0x2800  }
0x1e: {  	[sflag:s23] =	ssyncset.done $0x0  }
0x1f: {  	s8 =	rddreg [dreg:$0x5];
	[sflag:s23] =	ssyncadd.s32 $0xFFFFD800  }
0x20: {  	[tilespmem:s24], [sflag:$0x2] =	stream.linear.gather [hbm4b:s8+s2], $0x2800, $0x38;
	[tilespmem:$0x1F990] =	vst v63  }
0x21: {  	_ =	swait.ge [sflag:s23], $0x2800  }
0x22: {  	[sflag:s23] =	ssyncset.done $0x0  }
0x23: {  	s7 =	simm.s32 $0x5000;
	s9 =	rddreg [dreg:$0x6];
	[sflag:s23] =	ssyncadd.s32 $0xFFFFD800  }
0x24: {  	[tilespmem:s7], [sflag:$0x2] =	stream.linear.gather [hbm4b:s9+s2], $0x10, $0x38;
	[tilespmem:$0x1F990] =	vst v63  }
0x25: {  	_ =	swait.ge [sflag:s23], $0x10  }
0x26: {  	[sflag:s23] =	ssyncset.done $0x0  }
0x27: {  	s3 =	simm.s32 $0x0;
	[sflag:s23] =	ssyncadd.s32 $0xFFFFFFF0  }
.LBB2_2:
0x28: {  	p0 =	sne.s32 s3, $0x9FC0  }
.Ltmp0:
0x29: {  	_ = 	snop;
	(pc) =	sbr.rel @p0 .LBB2_2-.Ltmp0, $3  }
0x2a: {  	_ =	sdelay $0x1  }
0x2b: {  	s7 =	sshra.s32 s3, $0x2  }
0x2c: {  	s3 =	sadd.s32 $0x40, s3;
	[tilespmem:s7+$0x9190] =	vst v1  }
0x2d: {  	s3 =	simm.s32 $0x0;
	s7 =	simm.s32 $0x200  }
.LBB2_4:
0x2e: {  	p0 =	sne.s32 s7, $0xFE00;
	[tilespmem:s3+$0x5200] =	vst v1  }
0x2f: {  	[tilespmem:s3+$0x5190] =	vst v1  }
0x30: {  	[tilespmem:s3+$0x51A0] =	vst v1  }
.Ltmp1:
0x31: {  	[tilespmem:s3+$0x51B0] =	vst v1;
	(pc) =	sbr.rel @p0 .LBB2_4-.Ltmp1, $4  }
0x32: {  	[tilespmem:s3+$0x51C0] =	vst v1  }
0x33: {  	[tilespmem:s3+$0x51D0] =	vst v1  }
0x34: {  	[tilespmem:s3+$0x51E0] =	vst v1  }
0x35: {  	[tilespmem:s3+$0x51F0] =	vst v1;
	s3 =	sshra.s32 s7, $0x2;
	s7 =	sadd.s32 $0x200, s7  }
0x36: {  	[tilespmem:s3+$0x5200] =	vst v1  }
0x37: {  	[tilespmem:s3+$0x5190] =	vst v1  }
0x38: {  	[tilespmem:s3+$0x51A0] =	vst v1  }
0x39: {  	[tilespmem:s3+$0x51B0] =	vst v1  }
0x3a: {  	[tilespmem:s3+$0x51C0] =	vst v1  }
0x3b: {  	[tilespmem:s3+$0x51D0] =	vst v1  }
0x3c: {  	[tilespmem:s3+$0x51E0] =	vst v1  }
0x3d: {  	[tilespmem:s3+$0x51F0] =	vst v1  }
0x3e: {  	[spmem:s10] =	stream.linear.scatter [tilespmem:s26], [sflag:$0x2], $0x4000, $0x38;
	[tilespmem:$0x1F990] =	vst v63  }
0x3f: {  	_ =	swait.ge [sflag:s23], $0x4000  }
0x40: {  	[sflag:s23] =	ssyncset.done $0x0  }
0x41: {  	[sflag:s23] =	ssyncadd.s32 $0xFFFFC000  }
0x42: {  	[spmem:s11] =	stream.linear.scatter [tilespmem:s26], [sflag:$0x2], $0x4000, $0x38;
	[tilespmem:$0x1F990] =	vst v63  }
0x43: {  	_ =	swait.ge [sflag:s23], $0x4000  }
0x44: {  	[sflag:s23] =	ssyncset.done $0x0  }
0x45: {  	[sflag:s23] =	ssyncadd.s32 $0xFFFFC000  }
0x46: {  	[spmem:s12] =	stream.linear.scatter [tilespmem:s26], [sflag:$0x2], $0x4000, $0x38;
	[tilespmem:$0x1F990] =	vst v63  }
0x47: {  	_ =	swait.ge [sflag:s23], $0x4000  }
0x48: {  	[sflag:s23] =	ssyncset.done $0x0  }
0x49: {  	[sflag:s23] =	ssyncadd.s32 $0xFFFFC000  }
0x4a: {  	[spmem:s13] =	stream.linear.scatter [tilespmem:s26], [sflag:$0x2], $0x4000, $0x38;
	[tilespmem:$0x1F990] =	vst v63  }
0x4b: {  	_ =	swait.ge [sflag:s23], $0x4000  }
0x4c: {  	[sflag:s23] =	ssyncset.done $0x0  }
0x4d: {  	[sflag:s23] =	ssyncadd.s32 $0xFFFFC000  }
0x4e: {  	[spmem:s14] =	stream.linear.scatter [tilespmem:s26], [sflag:$0x2], $0x4000, $0x38;
	[tilespmem:$0x1F990] =	vst v63  }
0x4f: {  	_ =	swait.ge [sflag:s23], $0x4000  }
0x50: {  	[sflag:s23] =	ssyncset.done $0x0  }
0x51: {  	[sflag:s23] =	ssyncadd.s32 $0xFFFFC000  }
0x52: {  	[bflag:$0x0] =	sbarrier.arrive $0xFFFF  }
0x53: {  	s3 =	simm.s32 $0x0;
	s7 =	simm.s32 $0x0;
	v2 =	vld [tilespmem:$0x5000]  }
.LBB2_6:
0x54: {  	s8 =	sshll.u32 s7, $0x7  }
0x55: {  	s8 =	sadd.s32 s15, s8  }
0x56: {  	s8 =	sshrl.u32 s8, $0x3  }
0x57: {  	s9 =	sadd.s32 s5, s8  }
0x58: {  	[tilespmem:s28], [sflag:$0x2] =	stream.linear.gather [hbm4b:s9+s3], $0x80, $0x38;
	[tilespmem:$0x1F990] =	vst v63  }
0x59: {  	_ =	swait.ge [sflag:s23], $0x80  }
0x5a: {  	[sflag:s23] =	ssyncset.done $0x0  }
0x5b: {  	s8 =	sadd.s32 s6, s8;
	[sflag:s23] =	ssyncadd.s32 $0xFFFFFF80  }
0x5c: {  	[tilespmem:s29], [sflag:$0x2] =	stream.linear.gather [hbm4b:s8+s3], $0x80, $0x38;
	[tilespmem:$0x1F990] =	vst v63  }
0x5d: {  	_ =	swait.ge [sflag:s23], $0x80  }
0x5e: {  	[sflag:s23] =	ssyncset.done $0x0  }
0x5f: {  	[sflag:s23] =	ssyncadd.s32 $0xFFFFFF80  }
0x60: {  	v3 =	vld [tilespmem:$0x5010]  }
0x61: {  	v4 =	vld [tilespmem:$0x5090];
	_ =	sdelay $0x6  }
0x62: {  	v5 =	vld.idx.msk [tilespmem:v3+s3+$0x0], $0xffff  }
0x63: {  	v6 =	vld.idx.msk [tilespmem:v4+s24+$0x0], $0xffff;
	_ =	sdelay $0x4  }
0x64: {  	v5 =	vadd.f32 v6, v5;
	_ =	sdelay $0x1  }
0x65: {  	v6 =	vmul.f32 $2.000000030e-01, v5;
	_ =	sdelay $0x1  }
0x66: {  	v5 =	vmax.f32 v5, v6  }
0x67: {  	v5 =	vsub.f32 v5, v2;
	_ =	sdelay $0x1  }
0x68: {  	v5 =	vmul.f32 $1.442695020e+00, v5;
	_ =	sdelay $0x1  }
0x69: {  	(erf) = vpow2.f32 v5;
	_ =	sdelay $0x8  }
0x6a: {  	v5 =	vpop (erf)  }
0x6b: {  	[tilespmem:$0x5110] =	vst v5  }
0x6c: {  	[tilespmem:v4+s30+$0x0] =	vst.idx.add.f32.msk $0xffff, v5  }
0x6d: {  	v4 =	vld [tilespmem:$0x5020]  }
0x6e: {  	v5 =	vld [tilespmem:$0x50A0];
	_ =	sdelay $0x4  }
0x6f: {  	v3 =	vadd.s32 v0, v3  }
0x70: {  	[tilespmem:$0x5010] =	vst v3  }
0x71: {  	v3 =	vld.idx.msk [tilespmem:v4+s3+$0x0], $0xffff  }
0x72: {  	v57 =	vld.idx.msk [tilespmem:v5+s24+$0x0], $0xffff;
	_ =	sdelay $0x4  }
0x73: {  	v3 =	vadd.f32 v57, v3;
	_ =	sdelay $0x1  }
0x74: {  	v6 =	vmul.f32 $2.000000030e-01, v3;
	_ =	sdelay $0x1  }
0x75: {  	v3 =	vmax.f32 v3, v6  }
0x76: {  	v3 =	vsub.f32 v3, v2;
	_ =	sdelay $0x1  }
0x77: {  	v3 =	vmul.f32 $1.442695020e+00, v3;
	_ =	sdelay $0x1  }
0x78: {  	(erf) = vpow2.f32 v3;
	_ =	sdelay $0x8  }
0x79: {  	v3 =	vpop (erf)  }
0x7a: {  	[tilespmem:$0x5120] =	vst v3  }
0x7b: {  	[tilespmem:v5+s30+$0x0] =	vst.idx.add.f32.msk $0xffff, v3  }
0x7c: {  	v3 =	vld [tilespmem:$0x5030]  }
0x7d: {  	v5 =	vld [tilespmem:$0x50B0];
	_ =	sdelay $0x4  }
0x7e: {  	v4 =	vadd.s32 v0, v4  }
0x7f: {  	[tilespmem:$0x5020] =	vst v4  }
0x80: {  	v4 =	vld.idx.msk [tilespmem:v3+s3+$0x0], $0xffff  }
0x81: {  	v58 =	vld.idx.msk [tilespmem:v5+s24+$0x0], $0xffff;
	_ =	sdelay $0x4  }
0x82: {  	v4 =	vadd.f32 v58, v4;
	_ =	sdelay $0x1  }
0x83: {  	v6 =	vmul.f32 $2.000000030e-01, v4;
	_ =	sdelay $0x1  }
0x84: {  	v4 =	vmax.f32 v4, v6  }
0x85: {  	v4 =	vsub.f32 v4, v2;
	_ =	sdelay $0x1  }
0x86: {  	v4 =	vmul.f32 $1.442695020e+00, v4;
	_ =	sdelay $0x1  }
0x87: {  	(erf) = vpow2.f32 v4;
	_ =	sdelay $0x8  }
0x88: {  	v4 =	vpop (erf)  }
0x89: {  	[tilespmem:$0x5130] =	vst v4  }
0x8a: {  	[tilespmem:v5+s30+$0x0] =	vst.idx.add.f32.msk $0xffff, v4  }
0x8b: {  	v4 =	vld [tilespmem:$0x5040]  }
0x8c: {  	v5 =	vld [tilespmem:$0x50C0];
	_ =	sdelay $0x4  }
0x8d: {  	v3 =	vadd.s32 v0, v3  }
0x8e: {  	[tilespmem:$0x5030] =	vst v3  }
0x8f: {  	v3 =	vld.idx.msk [tilespmem:v4+s3+$0x0], $0xffff  }
0x90: {  	v59 =	vld.idx.msk [tilespmem:v5+s24+$0x0], $0xffff;
	_ =	sdelay $0x4  }
0x91: {  	v3 =	vadd.f32 v59, v3;
	_ =	sdelay $0x1  }
0x92: {  	v6 =	vmul.f32 $2.000000030e-01, v3;
	_ =	sdelay $0x1  }
0x93: {  	v3 =	vmax.f32 v3, v6  }
0x94: {  	v3 =	vsub.f32 v3, v2;
	_ =	sdelay $0x1  }
0x95: {  	v3 =	vmul.f32 $1.442695020e+00, v3;
	_ =	sdelay $0x1  }
0x96: {  	(erf) = vpow2.f32 v3;
	_ =	sdelay $0x8  }
0x97: {  	v3 =	vpop (erf)  }
0x98: {  	[tilespmem:$0x5140] =	vst v3  }
0x99: {  	[tilespmem:v5+s30+$0x0] =	vst.idx.add.f32.msk $0xffff, v3  }
0x9a: {  	v3 =	vld [tilespmem:$0x5050]  }
0x9b: {  	v5 =	vld [tilespmem:$0x50D0];
	_ =	sdelay $0x4  }
0x9c: {  	v4 =	vadd.s32 v0, v4  }
0x9d: {  	[tilespmem:$0x5040] =	vst v4  }
0x9e: {  	v4 =	vld.idx.msk [tilespmem:v3+s3+$0x0], $0xffff  }
0x9f: {  	v60 =	vld.idx.msk [tilespmem:v5+s24+$0x0], $0xffff;
	_ =	sdelay $0x4  }
0xa0: {  	v4 =	vadd.f32 v60, v4;
	_ =	sdelay $0x1  }
0xa1: {  	v6 =	vmul.f32 $2.000000030e-01, v4;
	_ =	sdelay $0x1  }
0xa2: {  	v4 =	vmax.f32 v4, v6  }
0xa3: {  	v4 =	vsub.f32 v4, v2;
	_ =	sdelay $0x1  }
0xa4: {  	v4 =	vmul.f32 $1.442695020e+00, v4;
	_ =	sdelay $0x1  }
0xa5: {  	(erf) = vpow2.f32 v4;
	_ =	sdelay $0x8  }
0xa6: {  	v4 =	vpop (erf)  }
0xa7: {  	[tilespmem:$0x5150] =	vst v4  }
0xa8: {  	[tilespmem:v5+s30+$0x0] =	vst.idx.add.f32.msk $0xffff, v4  }
0xa9: {  	v4 =	vld [tilespmem:$0x5060]  }
0xaa: {  	v5 =	vld [tilespmem:$0x50E0];
	_ =	sdelay $0x4  }
0xab: {  	v3 =	vadd.s32 v0, v3  }
0xac: {  	[tilespmem:$0x5050] =	vst v3  }
0xad: {  	v3 =	vld.idx.msk [tilespmem:v4+s3+$0x0], $0xffff  }
0xae: {  	v61 =	vld.idx.msk [tilespmem:v5+s24+$0x0], $0xffff;
	_ =	sdelay $0x4  }
0xaf: {  	v3 =	vadd.f32 v61, v3;
	_ =	sdelay $0x1  }
0xb0: {  	v6 =	vmul.f32 $2.000000030e-01, v3;
	_ =	sdelay $0x1  }
0xb1: {  	v3 =	vmax.f32 v3, v6  }
0xb2: {  	v3 =	vsub.f32 v3, v2;
	_ =	sdelay $0x1  }
0xb3: {  	v3 =	vmul.f32 $1.442695020e+00, v3;
	_ =	sdelay $0x1  }
0xb4: {  	(erf) = vpow2.f32 v3;
	_ =	sdelay $0x8  }
0xb5: {  	v3 =	vpop (erf)  }
0xb6: {  	[tilespmem:$0x5160] =	vst v3  }
0xb7: {  	[tilespmem:v5+s30+$0x0] =	vst.idx.add.f32.msk $0xffff, v3  }
0xb8: {  	v3 =	vld [tilespmem:$0x5070]  }
0xb9: {  	v5 =	vld [tilespmem:$0x50F0];
	_ =	sdelay $0x4  }
0xba: {  	v4 =	vadd.s32 v0, v4  }
0xbb: {  	[tilespmem:$0x5060] =	vst v4  }
0xbc: {  	v4 =	vld.idx.msk [tilespmem:v3+s3+$0x0], $0xffff  }
0xbd: {  	v62 =	vld.idx.msk [tilespmem:v5+s24+$0x0], $0xffff;
	_ =	sdelay $0x4  }
0xbe: {  	v4 =	vadd.f32 v62, v4;
	_ =	sdelay $0x1  }
0xbf: {  	v6 =	vmul.f32 $2.000000030e-01, v4;
	_ =	sdelay $0x1  }
0xc0: {  	v4 =	vmax.f32 v4, v6  }
0xc1: {  	v4 =	vsub.f32 v4, v2;
	_ =	sdelay $0x1  }
0xc2: {  	v4 =	vmul.f32 $1.442695020e+00, v4;
	_ =	sdelay $0x1  }
0xc3: {  	(erf) = vpow2.f32 v4;
	_ =	sdelay $0x8  }
0xc4: {  	v4 =	vpop (erf)  }
0xc5: {  	[tilespmem:$0x5170] =	vst v4  }
0xc6: {  	[tilespmem:v5+s30+$0x0] =	vst.idx.add.f32.msk $0xffff, v4  }
0xc7: {  	v4 =	vld [tilespmem:$0x5080]  }
0xc8: {  	v5 =	vld [tilespmem:$0x5100];
	_ =	sdelay $0x4  }
0xc9: {  	v3 =	vadd.s32 v0, v3  }
0xca: {  	[tilespmem:$0x5070] =	vst v3  }
0xcb: {  	v3 =	vld.idx.msk [tilespmem:v4+s3+$0x0], $0xffff  }
0xcc: {  	v63 =	vld.idx.msk [tilespmem:v5+s24+$0x0], $0xffff;
	_ =	sdelay $0x4  }
0xcd: {  	v3 =	vadd.f32 v63, v3;
	_ =	sdelay $0x1  }
0xce: {  	v6 =	vmul.f32 $2.000000030e-01, v3;
	_ =	sdelay $0x1  }
0xcf: {  	v3 =	vmax.f32 v3, v6  }
0xd0: {  	v3 =	vsub.f32 v3, v2;
	_ =	sdelay $0x1  }
0xd1: {  	v3 =	vmul.f32 $1.442695020e+00, v3;
	_ =	sdelay $0x1  }
0xd2: {  	(erf) = vpow2.f32 v3;
	_ =	sdelay $0x8  }
0xd3: {  	v3 =	vpop (erf)  }
0xd4: {  	[tilespmem:$0x5180] =	vst v3  }
0xd5: {  	[tilespmem:v5+s30+$0x0] =	vst.idx.add.f32.msk $0xffff, v3;
	v3 =	vadd.s32 v0, v4  }
0xd6: {  	[tilespmem:$0x5080] =	vst v3  }
0xd7: {  	[tilespmem:s26], [sflag:$0x1] =	stream.indirect.gather [hbm4b:s4+s31], $0x80, s28, s31, $0xb8;
	[tilespmem:$0x1F990] =	vst v63  }
0xd8: {  	_ =	swait.ge [sflag:s0], $0x4000  }
0xd9: {  	[sflag:s0] =	ssyncset.done $0x0  }
0xda: {  	s8 =	simm.s32 $0x0;
	[sflag:s0] =	ssyncadd.s32 $0xFFFFC000  }
.LBB2_7:
0xdb: {  	s9 =	sshll.u32 s8, $0x4  }
0xdc: {  	s9 =	sand.u32 $0x3FFFFFF0, s9  }
0xdd: {  	v3 =	vld [tilespmem:s9+$0x5110];
	s9 =	sshll.u32 s8, $0xB  }
0xde: {  	s9 =	sand.u32 $0x3FFFF800, s9  }
0xdf: {  	v4 =	vld [tilespmem:s9+$0x5190]  }
0xe0: {  	v5 =	vld [tilespmem:s9+$0x51A0]  }
0xe1: {  	v6 =	vld [tilespmem:s9+$0x51B0]  }
0xe2: {  	v8 =	vld [tilespmem:s9+$0x51C0];
	v7 =	vbroadcast v3, $0x0  }
0xe3: {  	v9 =	vld [tilespmem:s9+$0x51D0]  }
0xe4: {  	v10 =	vld [tilespmem:s9+$0x51E0];
	v4 =	vmul.f32 v7, v4  }
0xe5: {  	v11 =	vld [tilespmem:s9+$0x51F0];
	v5 =	vmul.f32 v5, v7  }
0xe6: {  	v55 =	vld [tilespmem:s9+$0x5200];
	v54 =	vmul.f32 v6, v7;
	[tilespmem:s9+$0x5190] =	vst v4  }
0xe7: {  	v57 =	vld [tilespmem:s9+$0x5210];
	v56 =	vmul.f32 v8, v7;
	[tilespmem:s9+$0x51A0] =	vst v5  }
0xe8: {  	v59 =	vld [tilespmem:s9+$0x5220];
	v58 =	vmul.f32 v9, v7;
	[tilespmem:s9+$0x51B0] =	vst v54  }
0xe9: {  	v61 =	vld [tilespmem:s9+$0x5230];
	v60 =	vmul.f32 v10, v7;
	[tilespmem:s9+$0x51C0] =	vst v56  }
0xea: {  	v12 =	vld [tilespmem:s9+$0x5240];
	v63 =	vbroadcast v3, $0x1;
	v62 =	vmul.f32 v11, v7;
	[tilespmem:s9+$0x51D0] =	vst v58  }
0xeb: {  	v14 =	vld [tilespmem:s9+$0x5250];
	v13 =	vmul.f32 v55, v7;
	[tilespmem:s9+$0x51E0] =	vst v60  }
0xec: {  	v16 =	vld [tilespmem:s9+$0x5260];
	v15 =	vmul.f32 v57, v63;
	[tilespmem:s9+$0x51F0] =	vst v62  }
0xed: {  	v18 =	vld [tilespmem:s9+$0x5270];
	v17 =	vmul.f32 v59, v63;
	[tilespmem:s9+$0x5200] =	vst v13  }
0xee: {  	v20 =	vld [tilespmem:s9+$0x5280];
	v19 =	vmul.f32 v61, v63;
	[tilespmem:s9+$0x5210] =	vst v15  }
0xef: {  	v22 =	vld [tilespmem:s9+$0x5290];
	v21 =	vmul.f32 v12, v63;
	[tilespmem:s9+$0x5220] =	vst v17  }
0xf0: {  	v24 =	vld [tilespmem:s9+$0x52A0];
	v23 =	vmul.f32 v14, v63;
	[tilespmem:s9+$0x5230] =	vst v19  }
0xf1: {  	v26 =	vld [tilespmem:s9+$0x52B0];
	v25 =	vmul.f32 v16, v63;
	[tilespmem:s9+$0x5240] =	vst v21  }
0xf2: {  	v29 =	vld [tilespmem:s9+$0x52C0];
	v28 =	vbroadcast v3, $0x2;
	v27 =	vmul.f32 v18, v63;
	[tilespmem:s9+$0x5250] =	vst v23  }
0xf3: {  	v31 =	vld [tilespmem:s9+$0x52D0];
	v30 =	vmul.f32 v20, v63;
	[tilespmem:s9+$0x5260] =	vst v25  }
0xf4: {  	v33 =	vld [tilespmem:s9+$0x52E0];
	v32 =	vmul.f32 v22, v28;
	[tilespmem:s9+$0x5270] =	vst v27  }
0xf5: {  	v35 =	vld [tilespmem:s9+$0x52F0];
	v34 =	vmul.f32 v24, v28;
	[tilespmem:s9+$0x5280] =	vst v30  }
0xf6: {  	v37 =	vld [tilespmem:s9+$0x5300];
	v36 =	vmul.f32 v26, v28;
	[tilespmem:s9+$0x5290] =	vst v32  }
0xf7: {  	v39 =	vld [tilespmem:s9+$0x5310];
	v38 =	vmul.f32 v29, v28;
	[tilespmem:s9+$0x52A0] =	vst v34  }
0xf8: {  	v41 =	vld [tilespmem:s9+$0x5320];
	v40 =	vmul.f32 v31, v28;
	[tilespmem:s9+$0x52B0] =	vst v36  }
0xf9: {  	v43 =	vld [tilespmem:s9+$0x5330];
	v42 =	vmul.f32 v33, v28;
	[tilespmem:s9+$0x52C0] =	vst v38  }
0xfa: {  	v46 =	vld [tilespmem:s9+$0x5340];
	v45 =	vbroadcast v3, $0x3;
	v44 =	vmul.f32 v35, v28;
	[tilespmem:s9+$0x52D0] =	vst v40  }
0xfb: {  	v48 =	vld [tilespmem:s9+$0x5350];
	v47 =	vmul.f32 v37, v28;
	[tilespmem:s9+$0x52E0] =	vst v42  }
0xfc: {  	v50 =	vld [tilespmem:s9+$0x5360];
	v49 =	vmul.f32 v39, v45;
	[tilespmem:s9+$0x52F0] =	vst v44  }
0xfd: {  	v52 =	vld [tilespmem:s9+$0x5370];
	v51 =	vmul.f32 v41, v45;
	[tilespmem:s9+$0x5300] =	vst v47  }
0xfe: {  	v53 =	vmul.f32 v43, v45;
	v63 =	vld [tilespmem:s9+$0x53C0];
	[tilespmem:s9+$0x5310] =	vst v49  }
0xff: {  	v55 =	vmul.f32 v46, v45;
	v14 =	vld [tilespmem:s9+$0x53D0];
	[tilespmem:s9+$0x5320] =	vst v51  }
0x100: {  	v57 =	vmul.f32 v48, v45;
	v16 =	vld [tilespmem:s9+$0x53E0];
	[tilespmem:s9+$0x5330] =	vst v53  }
0x101: {  	v59 =	vmul.f32 v50, v45;
	v18 =	vld [tilespmem:s9+$0x53F0];
	[tilespmem:s9+$0x5340] =	vst v55;
	v62 =	vbroadcast v3, $0x4  }
0x102: {  	v61 =	vmul.f32 v52, v45;
	v20 =	vld [tilespmem:s9+$0x5400];
	[tilespmem:s9+$0x5350] =	vst v57  }
0x103: {  	v22 =	vld [tilespmem:s9+$0x5410];
	[tilespmem:s9+$0x5360] =	vst v59;
	v21 =	vmul.f32 v63, v62  }
0x104: {  	v24 =	vld [tilespmem:s9+$0x5420];
	[tilespmem:s9+$0x5370] =	vst v61;
	v23 =	vmul.f32 v14, v62  }
0x105: {  	v26 =	vld [tilespmem:s9+$0x5430];
	v25 =	vmul.f32 v16, v62;
	[tilespmem:s9+$0x53C0] =	vst v21  }
0x106: {  	v28 =	vbroadcast v3, $0x5;
	v29 =	vld [tilespmem:s9+$0x5440];
	v27 =	vmul.f32 v18, v62;
	[tilespmem:s9+$0x53D0] =	vst v23  }
0x107: {  	v31 =	vld [tilespmem:s9+$0x5450];
	v30 =	vmul.f32 v20, v62;
	[tilespmem:s9+$0x53E0] =	vst v25  }
0x108: {  	v33 =	vld [tilespmem:s9+$0x5460];
	v32 =	vmul.f32 v22, v28;
	[tilespmem:s9+$0x53F0] =	vst v27  }
0x109: {  	v35 =	vld [tilespmem:s9+$0x5470];
	v34 =	vmul.f32 v24, v28;
	[tilespmem:s9+$0x5400] =	vst v30  }
0x10a: {  	v37 =	vld [tilespmem:s9+$0x5480];
	v36 =	vmul.f32 v26, v28;
	[tilespmem:s9+$0x5410] =	vst v32  }
0x10b: {  	v54 =	vld [tilespmem:s9+$0x5380];
	v38 =	vmul.f32 v29, v28;
	[tilespmem:s9+$0x5420] =	vst v34  }
0x10c: {  	v56 =	vld [tilespmem:s9+$0x5390];
	v40 =	vmul.f32 v31, v28;
	[tilespmem:s9+$0x5430] =	vst v36  }
0x10d: {  	v58 =	vld [tilespmem:s9+$0x53A0];
	v42 =	vmul.f32 v33, v28;
	[tilespmem:s9+$0x5440] =	vst v38  }
0x10e: {  	v60 =	vld [tilespmem:s9+$0x53B0];
	v44 =	vmul.f32 v35, v28;
	[tilespmem:s9+$0x5450] =	vst v40  }
0x10f: {  	v39 =	vld [tilespmem:s9+$0x5490];
	v47 =	vmul.f32 v37, v28;
	[tilespmem:s9+$0x5460] =	vst v42  }
0x110: {  	v41 =	vld [tilespmem:s9+$0x54A0];
	v13 =	vmul.f32 v54, v45;
	[tilespmem:s9+$0x5470] =	vst v44  }
0x111: {  	v43 =	vld [tilespmem:s9+$0x54B0];
	v15 =	vmul.f32 v56, v62;
	[tilespmem:s9+$0x5480] =	vst v47  }
0x112: {  	v46 =	vld [tilespmem:s9+$0x54C0];
	v17 =	vmul.f32 v58, v62;
	v45 =	vbroadcast v3, $0x6;
	[tilespmem:s9+$0x5380] =	vst v13  }
0x113: {  	v48 =	vld [tilespmem:s9+$0x54D0];
	v19 =	vmul.f32 v60, v62;
	[tilespmem:s9+$0x5390] =	vst v15  }
0x114: {  	v50 =	vld [tilespmem:s9+$0x54E0];
	[tilespmem:s9+$0x53A0] =	vst v17;
	v49 =	vmul.f32 v39, v45  }
0x115: {  	v52 =	vld [tilespmem:s9+$0x54F0];
	[tilespmem:s9+$0x53B0] =	vst v19;
	v51 =	vmul.f32 v41, v45  }
0x116: {  	v63 =	vld [tilespmem:s9+$0x5540];
	v53 =	vmul.f32 v43, v45;
	[tilespmem:s9+$0x5490] =	vst v49  }
0x117: {  	v14 =	vld [tilespmem:s9+$0x5550];
	v55 =	vmul.f32 v46, v45;
	[tilespmem:s9+$0x54A0] =	vst v51  }
0x118: {  	v16 =	vld [tilespmem:s9+$0x5560];
	v57 =	vmul.f32 v48, v45;
	[tilespmem:s9+$0x54B0] =	vst v53  }
0x119: {  	v18 =	vld [tilespmem:s9+$0x5570];
	v62 =	vbroadcast v3, $0x7;
	v59 =	vmul.f32 v50, v45;
	[tilespmem:s9+$0x54C0] =	vst v55  }
0x11a: {  	v20 =	vld [tilespmem:s9+$0x5580];
	v61 =	vmul.f32 v52, v45;
	[tilespmem:s9+$0x54D0] =	vst v57  }
0x11b: {  	v22 =	vld [tilespmem:s9+$0x5590];
	v21 =	vmul.f32 v63, v62;
	[tilespmem:s9+$0x54E0] =	vst v59  }
0x11c: {  	v24 =	vld [tilespmem:s9+$0x55A0];
	v23 =	vmul.f32 v14, v62;
	[tilespmem:s9+$0x54F0] =	vst v61  }
0x11d: {  	v26 =	vld [tilespmem:s9+$0x55B0];
	v25 =	vmul.f32 v16, v62;
	[tilespmem:s9+$0x5540] =	vst v21  }
0x11e: {  	v28 =	vbroadcast v3, $0x8;
	v29 =	vld [tilespmem:s9+$0x55C0];
	v27 =	vmul.f32 v18, v62;
	[tilespmem:s9+$0x5550] =	vst v23  }
0x11f: {  	v31 =	vld [tilespmem:s9+$0x55D0];
	v30 =	vmul.f32 v20, v62;
	[tilespmem:s9+$0x5560] =	vst v25  }
0x120: {  	v33 =	vld [tilespmem:s9+$0x55E0];
	v32 =	vmul.f32 v22, v28;
	[tilespmem:s9+$0x5570] =	vst v27  }
0x121: {  	v35 =	vld [tilespmem:s9+$0x55F0];
	v34 =	vmul.f32 v24, v28;
	[tilespmem:s9+$0x5580] =	vst v30  }
0x122: {  	v37 =	vld [tilespmem:s9+$0x5600];
	v36 =	vmul.f32 v26, v28;
	[tilespmem:s9+$0x5590] =	vst v32  }
0x123: {  	v54 =	vld [tilespmem:s9+$0x5500];
	v38 =	vmul.f32 v29, v28;
	[tilespmem:s9+$0x55A0] =	vst v34  }
0x124: {  	v56 =	vld [tilespmem:s9+$0x5510];
	v40 =	vmul.f32 v31, v28;
	[tilespmem:s9+$0x55B0] =	vst v36  }
0x125: {  	v58 =	vld [tilespmem:s9+$0x5520];
	v42 =	vmul.f32 v33, v28;
	[tilespmem:s9+$0x55C0] =	vst v38  }
0x126: {  	v60 =	vld [tilespmem:s9+$0x5530];
	v44 =	vmul.f32 v35, v28;
	[tilespmem:s9+$0x55D0] =	vst v40  }
0x127: {  	v39 =	vld [tilespmem:s9+$0x5610];
	v47 =	vmul.f32 v37, v28;
	[tilespmem:s9+$0x55E0] =	vst v42  }
0x128: {  	v41 =	vld [tilespmem:s9+$0x5620];
	v13 =	vmul.f32 v54, v45;
	[tilespmem:s9+$0x55F0] =	vst v44  }
0x129: {  	v43 =	vld [tilespmem:s9+$0x5630];
	v15 =	vmul.f32 v56, v62;
	[tilespmem:s9+$0x5600] =	vst v47  }
0x12a: {  	v46 =	vld [tilespmem:s9+$0x5640];
	v17 =	vmul.f32 v58, v62;
	v45 =	vbroadcast v3, $0x9;
	[tilespmem:s9+$0x5500] =	vst v13  }
0x12b: {  	v48 =	vld [tilespmem:s9+$0x5650];
	v19 =	vmul.f32 v60, v62;
	[tilespmem:s9+$0x5510] =	vst v15  }
0x12c: {  	v50 =	vld [tilespmem:s9+$0x5660];
	[tilespmem:s9+$0x5520] =	vst v17;
	v49 =	vmul.f32 v39, v45  }
0x12d: {  	v52 =	vld [tilespmem:s9+$0x5670];
	[tilespmem:s9+$0x5530] =	vst v19;
	v51 =	vmul.f32 v41, v45  }
0x12e: {  	v63 =	vld [tilespmem:s9+$0x56C0];
	v53 =	vmul.f32 v43, v45;
	[tilespmem:s9+$0x5610] =	vst v49  }
0x12f: {  	v29 =	vld [tilespmem:s9+$0x5730];
	v55 =	vmul.f32 v46, v45;
	[tilespmem:s9+$0x5620] =	vst v51  }
0x130: {  	v54 =	vld [tilespmem:s9+$0x5680];
	v57 =	vmul.f32 v48, v45;
	[tilespmem:s9+$0x5630] =	vst v53  }
0x131: {  	v56 =	vld [tilespmem:s9+$0x5690];
	v62 =	vbroadcast v3, $0xA;
	v59 =	vmul.f32 v50, v45;
	[tilespmem:s9+$0x5640] =	vst v55  }
0x132: {  	v31 =	vbroadcast v3, $0xB;
	v58 =	vld [tilespmem:s9+$0x56A0];
	v61 =	vmul.f32 v52, v45;
	[tilespmem:s9+$0x5650] =	vst v57  }
0x133: {  	v60 =	vld [tilespmem:s9+$0x56B0];
	v24 =	vmul.f32 v63, v62;
	[tilespmem:s9+$0x5660] =	vst v59  }
0x134: {  	v21 =	vld [tilespmem:s9+$0x56F0];
	v39 =	vmul.f32 v29, v31;
	[tilespmem:s9+$0x5670] =	vst v61  }
0x135: {  	v23 =	vld [tilespmem:s9+$0x5700];
	v16 =	vmul.f32 v54, v45;
	[tilespmem:s9+$0x56C0] =	vst v24  }
0x136: {  	v25 =	vld [tilespmem:s9+$0x5710];
	v18 =	vmul.f32 v56, v62;
	[tilespmem:s9+$0x5730] =	vst v39  }
0x137: {  	v27 =	vld [tilespmem:s9+$0x5720];
	v20 =	vmul.f32 v58, v62;
	[tilespmem:s9+$0x5680] =	vst v16  }
0x138: {  	v32 =	vld [tilespmem:s9+$0x5740];
	v22 =	vmul.f32 v60, v62;
	[tilespmem:s9+$0x5690] =	vst v18  }
0x139: {  	v34 =	vld [tilespmem:s9+$0x5750];
	v30 =	vmul.f32 v21, v62;
	[tilespmem:s9+$0x56A0] =	vst v20  }
0x13a: {  	v36 =	vld [tilespmem:s9+$0x5760];
	v33 =	vmul.f32 v23, v62;
	[tilespmem:s9+$0x56B0] =	vst v22  }
0x13b: {  	v38 =	vld [tilespmem:s9+$0x5770];
	v35 =	vmul.f32 v25, v31;
	[tilespmem:s9+$0x56F0] =	vst v30  }
0x13c: {  	v40 =	vld [tilespmem:s9+$0x5780];
	v37 =	vmul.f32 v27, v31;
	[tilespmem:s9+$0x5700] =	vst v33  }
0x13d: {  	v42 =	vld [tilespmem:s9+$0x5790];
	v41 =	vmul.f32 v32, v31;
	[tilespmem:s9+$0x5710] =	vst v35  }
0x13e: {  	v44 =	vld [tilespmem:s9+$0x57A0];
	v43 =	vmul.f32 v34, v31;
	[tilespmem:s9+$0x5720] =	vst v37  }
0x13f: {  	v17 =	vld [tilespmem:s9+$0x56D0];
	v45 =	vmul.f32 v36, v31;
	[tilespmem:s9+$0x5740] =	vst v41  }
0x140: {  	v19 =	vld [tilespmem:s9+$0x56E0];
	v48 =	vbroadcast v3, $0xC;
	v47 =	vmul.f32 v38, v31;
	[tilespmem:s9+$0x5750] =	vst v43  }
0x141: {  	v46 =	vld [tilespmem:s9+$0x57B0];
	v50 =	vmul.f32 v40, v31;
	[tilespmem:s9+$0x5760] =	vst v45  }
0x142: {  	v49 =	vld [tilespmem:s9+$0x57C0];
	v52 =	vmul.f32 v42, v48;
	[tilespmem:s9+$0x5770] =	vst v47  }
0x143: {  	v51 =	vld [tilespmem:s9+$0x57D0];
	v54 =	vmul.f32 v44, v48;
	[tilespmem:s9+$0x5780] =	vst v50  }
0x144: {  	v53 =	vld [tilespmem:s9+$0x57E0];
	v26 =	vmul.f32 v17, v62;
	[tilespmem:s9+$0x5790] =	vst v52  }
0x145: {  	v55 =	vld [tilespmem:s9+$0x57F0];
	v28 =	vmul.f32 v19, v62;
	[tilespmem:s9+$0x57A0] =	vst v54  }
0x146: {  	v57 =	vld [tilespmem:s9+$0x5800];
	v56 =	vmul.f32 v46, v48;
	[tilespmem:s9+$0x56D0] =	vst v26  }
0x147: {  	v59 =	vld [tilespmem:s9+$0x5810];
	[tilespmem:s9+$0x56E0] =	vst v28;
	v58 =	vmul.f32 v49, v48  }
0x148: {  	v61 =	vld [tilespmem:s9+$0x5820];
	[tilespmem:s9+$0x57B0] =	vst v56;
	v60 =	vmul.f32 v51, v48  }
0x149: {  	v63 =	vld [tilespmem:s9+$0x5830];
	v62 =	vmul.f32 v53, v48;
	[tilespmem:s9+$0x57C0] =	vst v58  }
0x14a: {  	v24 =	vld [tilespmem:s9+$0x5870];
	v17 =	vbroadcast v3, $0xD;
	v16 =	vmul.f32 v55, v48;
	[tilespmem:s9+$0x57D0] =	vst v60  }
0x14b: {  	v32 =	vld [tilespmem:s9+$0x58B0];
	v19 =	vmul.f32 v57, v48;
	[tilespmem:s9+$0x57E0] =	vst v62  }
0x14c: {  	v39 =	vld [tilespmem:s9+$0x58E0];
	v21 =	vmul.f32 v59, v17;
	[tilespmem:s9+$0x57F0] =	vst v16  }
0x14d: {  	v18 =	vld [tilespmem:s9+$0x5840];
	v23 =	vmul.f32 v61, v17;
	[tilespmem:s9+$0x5800] =	vst v19  }
0x14e: {  	v34 =	vbroadcast v3, $0xE;
	v20 =	vld [tilespmem:s9+$0x5850];
	v25 =	vmul.f32 v63, v17;
	[tilespmem:s9+$0x5810] =	vst v21  }
0x14f: {  	v22 =	vld [tilespmem:s9+$0x5860];
	v33 =	vmul.f32 v24, v17;
	[tilespmem:s9+$0x5820] =	vst v23  }
0x150: {  	v30 =	vld [tilespmem:s9+$0x58A0];
	v42 =	vmul.f32 v32, v34;
	[tilespmem:s9+$0x5830] =	vst v25  }
0x151: {  	v35 =	vld [tilespmem:s9+$0x58C0];
	v48 =	vmul.f32 v39, v34;
	[tilespmem:s9+$0x5870] =	vst v33  }
0x152: {  	v37 =	vld [tilespmem:s9+$0x58D0];
	v27 =	vmul.f32 v18, v17;
	[tilespmem:s9+$0x58B0] =	vst v42  }
0x153: {  	v41 =	vld [tilespmem:s9+$0x58F0];
	v29 =	vmul.f32 v20, v17;
	[tilespmem:s9+$0x58E0] =	vst v48  }
0x154: {  	v43 =	vld [tilespmem:s9+$0x5900];
	v31 =	vmul.f32 v22, v17;
	[tilespmem:s9+$0x5840] =	vst v27  }
0x155: {  	v45 =	vld [tilespmem:s9+$0x5910];
	v40 =	vmul.f32 v30, v34;
	[tilespmem:s9+$0x5850] =	vst v29  }
0x156: {  	v47 =	vld [tilespmem:s9+$0x5920];
	v44 =	vmul.f32 v35, v34;
	[tilespmem:s9+$0x5860] =	vst v31  }
0x157: {  	v26 =	vld [tilespmem:s9+$0x5880];
	v46 =	vmul.f32 v37, v34;
	[tilespmem:s9+$0x58A0] =	vst v40  }
0x158: {  	v3 =	vbroadcast v3, $0xF;
	v28 =	vld [tilespmem:s9+$0x5890];
	v50 =	vmul.f32 v41, v34;
	[tilespmem:s9+$0x58C0] =	vst v44  }
0x159: {  	v49 =	vld [tilespmem:s9+$0x5930];
	v52 =	vmul.f32 v43, v34;
	[tilespmem:s9+$0x58D0] =	vst v46  }
0x15a: {  	v51 =	vld [tilespmem:s9+$0x5940];
	v54 =	vmul.f32 v45, v3;
	[tilespmem:s9+$0x58F0] =	vst v50  }
0x15b: {  	v53 =	vld [tilespmem:s9+$0x5950];
	v56 =	vmul.f32 v47, v3;
	[tilespmem:s9+$0x5900] =	vst v52  }
0x15c: {  	v55 =	vld [tilespmem:s9+$0x5960];
	v36 =	vmul.f32 v26, v17;
	[tilespmem:s9+$0x5910] =	vst v54  }
0x15d: {  	v57 =	vld [tilespmem:s9+$0x5970];
	v38 =	vmul.f32 v28, v34;
	[tilespmem:s9+$0x5920] =	vst v56  }
0x15e: {  	v59 =	vld [tilespmem:s9+$0x5980];
	v58 =	vmul.f32 v49, v3;
	[tilespmem:s9+$0x5880] =	vst v36  }
0x15f: {  	v60 =	vmul.f32 v51, v3;
	[tilespmem:s9+$0x5890] =	vst v38  }
0x160: {  	p0 =	sne.s32 s8, $0x7;
	v61 =	vmul.f32 v53, v3;
	[tilespmem:s9+$0x5930] =	vst v58  }
.Ltmp2:
0x161: {  	v62 =	vmul.f32 v55, v3;
	[tilespmem:s9+$0x5940] =	vst v60;
	(pc) =	sbr.rel @p0 .LBB2_7-.Ltmp2, $4  }
0x162: {  	v63 =	vmul.f32 v57, v3;
	[tilespmem:s9+$0x5950] =	vst v61  }
0x163: {  	v3 =	vmul.f32 v59, v3;
	[tilespmem:s9+$0x5960] =	vst v62  }
0x164: {  	[tilespmem:s9+$0x5970] =	vst v63  }
0x165: {  	s8 =	sadd.s32 $0x1, s8;
	[tilespmem:s9+$0x5980] =	vst v3  }
0x166: {  	s7 =	sadd.s32 $0x1, s7  }
0x167: {  	p0 =	sne.s32 s7, $0xA2  }
.Ltmp3:
0x168: {  	_ = 	snop;
	(pc) =	sbr.rel @p0 .LBB2_6-.Ltmp3, $4  }
0x169: {  	[spmem:s1] =	stream.indirect.scatter.add.f32 [tilespmem:s26], [sflag:$0x2], $0x80, s29, s31, $0xb8;
	[tilespmem:$0x1F990] =	vst v63  }
0x16a: {  	_ =	swait.ge [sflag:s23], $0x4000  }
0x16b: {  	[sflag:s23] =	ssyncset.done $0x0  }
0x16c: {  	[sflag:s23] =	ssyncadd.s32 $0xFFFFC000  }
0x16d: {  	[hbm4b:s16+s2] =	stream.linear.scatter [tilespmem:s30], [sflag:$0x2], $0x2800, $0x38;
	[tilespmem:$0x1F990] =	vst v63  }
0x16e: {  	_ =	swait.ge [sflag:s23], $0x2800  }
0x16f: {  	s3 =	stileid.u32;
	[sflag:s23] =	ssyncset.done $0x0  }
0x170: {  	s3 =	sshll.u32 s3, $0x6;
	[sflag:s23] =	ssyncadd.s32 $0xFFFFD800  }
0x171: {  	s7 =	sshrl.u32 s10, $0x3;
	s3 =	sor.u32 $0x1C02, s3;
	[bflag:$0x0] =	sbarrier.arrive $0xFFFF  }
0x172: {  	[hbm:s17], [sflag:s3] =	dma.local [spmem:s7], $0x800  }
0x173: {  	_ =	swait.ge [sflag:s23], $0x800  }
0x174: {  	[sflag:s23] =	ssyncset.done $0x0  }
0x175: {  	s8 =	sshrl.u32 s11, $0x3;
	[sflag:s23] =	ssyncadd.s32 $0xFFFFF800  }
0x176: {  	[hbm:s18], [sflag:s3] =	dma.local [spmem:s8], $0x800  }
0x177: {  	_ =	swait.ge [sflag:s23], $0x800  }
0x178: {  	[sflag:s23] =	ssyncset.done $0x0  }
0x179: {  	s9 =	sshrl.u32 s12, $0x3;
	[sflag:s23] =	ssyncadd.s32 $0xFFFFF800  }
0x17a: {  	[hbm:s19], [sflag:s3] =	dma.local [spmem:s9], $0x800  }
0x17b: {  	_ =	swait.ge [sflag:s23], $0x800  }
0x17c: {  	[sflag:s23] =	ssyncset.done $0x0  }
0x17d: {  	s8 =	sshrl.u32 s13, $0x3;
	[sflag:s23] =	ssyncadd.s32 $0xFFFFF800  }
0x17e: {  	[hbm:s20], [sflag:s3] =	dma.local [spmem:s8], $0x800  }
0x17f: {  	s25 =	sadd.s32 $0x1, s25;
	_ =	swait.ge [sflag:s23], $0x800  }
0x180: {  	p0 =	sne.s32 s25, s22;
	[sflag:s23] =	ssyncset.done $0x0  }
.Ltmp4:
0x181: {  	s9 =	sshrl.u32 s14, $0x3;
	[sflag:s23] =	ssyncadd.s32 $0xFFFFF800;
	(pc) =	sbr.rel @p0 .LBB2_1-.Ltmp4, $4  }
0x182: {  	[hbm:s21], [sflag:s3] =	dma.local [spmem:s9], $0x800  }
0x183: {  	_ =	swait.ge [sflag:s23], $0x800  }
0x184: {  	[sflag:s23] =	ssyncset.done $0x0  }
0x185: {  	[sflag:s23] =	ssyncadd.s32 $0xFFFFF800  }
0x186: {  	_ =	sfence.sel $0x180000  }
0x187: {  	[bflag:$0x0] =	sbarrier.arrive $0xFFFF  }
0x188: {  	_ =	strace $0x90000047  }
0x189: {  	s0 =	stileid.u32;
	[bflag:$0x2] =	sbarrier.arrive $0xFFFF  }
0x18a: {  	p0 =	sne.s32 s0, $0x0;
	s0 =	rddreg [dreg:$0x3]  }
0x18b: {  	s0 =	sadd.s32 @!p0 $0x100000, s0  }
0x18c: {  	[sflag:s0] =	ssyncadd.tile.s32 @!p0 $0x1;
	_ =	shalt  }
.Lfunc_end2:
_tile_overlayer_lowered:
.L_overlay_start_2:
0x18d: {  	(tag) =	ssettag $0x2  }
0x18e: {  	s0 =	rddreg [dreg:$0x0];
	s2 =	stileid.u32  }
0x18f: {  	s1 =	rddreg [dreg:$0x1];
	p0 =	sne.s32 s2, $0x0  }
0x190: {  	s3 =	rddreg [dreg:$0x2];
	[bflag:$0x3] =	sbarrier.arrive $0xFFFF;
	s2 =	simm.s32 @!p0 $0x1C02  }
0x191: {  	[timem:s3], [sflag:s2] =	dma.local @!p0 [hbm:s0], s1  }
0x192: {  	s0 =	simm.s32 @!p0 $0x2  }
0x193: {  	_ =	swait.ge @!p0 [sflag:s0], s1  }
0x194: {  	s1 =	ssub.s32 @!p0 $0x0, s1;
	[sflag:s0] =	ssyncset.done @!p0 $0x0  }
0x195: {  	[sflag:s0] =	ssyncadd.s32 @!p0 s1  }
0x196: {  	[bflag:$0x3] =	sbarrier.arrive $0xFFFF  }
0x197: {  	_ =	shalt  }

</sc_bundles>
